<compile_context>
chip_gen: v7x
topology: tpu7x:2x2x1
jax: 0.10.2.dev20260603
libtpu: 0.0.44.dev20260713+nightly
codegen_flags: <defaults>
</compile_context>

<pallas_src>
import functools

import jax
import jax.numpy as jnp
from jax import lax
from jax.experimental import pallas as pl
from jax.experimental.pallas import tpu as pltpu
from jax.experimental.pallas import tpu_sc as plsc

F32 = jnp.float32
I32 = jnp.int32
MAX_ACT = 5.0
NC = 2
NS = 16
CH = 80


def _dot(a, b):
    return jnp.dot(a, b, preferred_element_type=F32)


def _dot_hp(a, b):
    return jnp.dot(a, b, preferred_element_type=F32,
                   precision=lax.Precision.HIGHEST)


def _bf16r(x):
    return x.astype(jnp.bfloat16).astype(F32)


def _exp_poly(a):
    t = a * 1.4426950408889634
    rn = (t + 12582912.0) - 12582912.0
    r = t - rn
    p = 0.0013260921
    p = p * r + 0.009670176
    p = p * r + 0.0555071218
    p = p * r + 0.2402222428
    p = p * r + 0.6931470027
    p = p * r + 1.0000000492
    ei = rn.astype(I32)
    scale = lax.bitcast_convert_type(
        lax.shift_left(ei + 127, jnp.int32(23)), F32)
    return scale * p




def _tc_node1(nodes, W_n, b_n, A1):
    N = nodes.shape[0]
    Nb = 2000

    def body(nd_ref, wn_ref, bn_ref, a_ref, n_ref, ha_ref):
        nv = jnp.maximum(_dot(nd_ref[...], wn_ref[...]) + bn_ref[...], 0.0)
        n_ref[...] = nv
        ha_ref[0] = _dot(nv, a_ref[0])
        ha_ref[1] = _dot(nv, a_ref[1])

    return pl.pallas_call(
        body,
        grid=(N // Nb,),
        in_specs=[
            pl.BlockSpec((Nb, 4), lambda i: (i, 0)),
            pl.BlockSpec((4, 64), lambda i: (0, 0)),
            pl.BlockSpec((1, 64), lambda i: (0, 0)),
            pl.BlockSpec((2, 64, 64), lambda i: (0, 0, 0)),
        ],
        out_specs=[
            pl.BlockSpec((Nb, 64), lambda i: (i, 0)),
            pl.BlockSpec((2, Nb, 64), lambda i: (0, i, 0)),
        ],
        out_shape=[
            jax.ShapeDtypeStruct((N, 64), F32),
            jax.ShapeDtypeStruct((2, N, 64), F32),
        ],
    )(nodes, W_n, b_n.reshape(1, 64), A1)


def _tc_edge_feats(edges, We48, be48, Wge, att_e):
    E = edges.shape[0]
    Eb = 8000

    def body(ed_ref, we_ref, be_ref, wg_ref, ae_ref, eext_ref, aeo_ref):
        eext = jnp.maximum(_dot(ed_ref[...], we_ref[...]) + be_ref[...], 0.0)
        eext_ref[...] = _bf16r(eext)
        eW = _dot(eext[:, :32], wg_ref[...])
        aeo_ref[...] = jnp.sum(eW * ae_ref[...], axis=1, keepdims=True)

    return pl.pallas_call(
        body,
        grid=(E // Eb,),
        in_specs=[
            pl.BlockSpec((Eb, 2), lambda i: (i, 0)),
            pl.BlockSpec((2, 48), lambda i: (0, 0)),
            pl.BlockSpec((1, 48), lambda i: (0, 0)),
            pl.BlockSpec((32, 64), lambda i: (0, 0)),
            pl.BlockSpec((1, 64), lambda i: (0, 0)),
        ],
        out_specs=[
            pl.BlockSpec((Eb, 48), lambda i: (i, 0)),
            pl.BlockSpec((Eb, 1), lambda i: (i, 0)),
        ],
        out_shape=[
            jax.ShapeDtypeStruct((E, 48), F32),
            jax.ShapeDtypeStruct((E, 1), F32),
        ],
    )(edges, We48, be48, Wge, att_e.reshape(1, 64))


def _tc_indices(src2, dst2, et2, N):
    R = src2.shape[0]
    Rb = R // 5

    def body(s_ref, d_ref, t_ref, s2t_ref, seg_ref):
        toff = t_ref[...] * N
        s2t_ref[...] = s_ref[...] + toff
        seg_ref[...] = d_ref[...] + toff

    return pl.pallas_call(
        body,
        grid=(5,),
        in_specs=[pl.BlockSpec((Rb, 128), lambda i: (i, 0))] * 3,
        out_specs=[pl.BlockSpec((Rb, 128), lambda i: (i, 0))] * 2,
        out_shape=[
            jax.ShapeDtypeStruct((R, 128), I32),
            jax.ShapeDtypeStruct((R, 128), I32),
        ],
    )(src2, dst2, et2)


def _tc_inv(Separt, TWON):
    Mb = 2000

    def body(se_ref, inv_ref, en_ref):
        se = se_ref[0] + se_ref[1]
        iv = 1.0 / jnp.maximum(se[:, 32:33], 1.0)
        inv_ref[...] = iv
        en_ref[...] = se[:, 0:32] * iv

    return pl.pallas_call(
        body,
        grid=(TWON // Mb,),
        in_specs=[pl.BlockSpec((2, Mb, 48), lambda i: (0, i, 0))],
        out_specs=[
            pl.BlockSpec((Mb, 1), lambda i: (i, 0)),
            pl.BlockSpec((Mb, 32), lambda i: (i, 0)),
        ],
        out_shape=[
            jax.ShapeDtypeStruct((TWON, 1), F32),
            jax.ShapeDtypeStruct((TWON, 32), F32),
        ],
    )(Separt)


def _tc_node2(n, hacc1, enorm, inv, B1, Wroot1, b_r1, Wgat, att_s, att_d):
    N = n.shape[0]
    Nb = 2000

    def body(n_ref, ha_ref, en_ref, iv_ref, b1_ref, wr_ref, br_ref, wg_ref,
             as_ref, ad_ref, h1_ref, g_ref, ss_ref, sd_ref):
        agg = ((ha_ref[0, 0] + ha_ref[1, 0]) * iv_ref[0]
               + (ha_ref[0, 1] + ha_ref[1, 1]) * iv_ref[1]
               + _dot_hp(en_ref[0], b1_ref[0]) + _dot_hp(en_ref[1], b1_ref[1]))
        h1 = jnp.maximum(_dot(n_ref[...], wr_ref[...]) + agg + br_ref[...], 0.0)
        h1_ref[...] = h1
        hw = _dot(h1, wg_ref[...])
        g_ref[:, 0:64] = hw
        g_ref[:, 64:80] = jnp.zeros_like(g_ref[:, 64:80])
        ss_ref[...] = jnp.sum(hw * as_ref[...], axis=1, keepdims=True)
        sd_ref[...] = jnp.sum(hw * ad_ref[...], axis=1, keepdims=True)

    return pl.pallas_call(
        body,
        grid=(N // Nb,),
        in_specs=[
            pl.BlockSpec((Nb, 64), lambda i: (i, 0)),
            pl.BlockSpec((2, 2, Nb, 64), lambda i: (0, 0, i, 0)),
            pl.BlockSpec((2, Nb, 32), lambda i: (0, i, 0)),
            pl.BlockSpec((2, Nb, 1), lambda i: (0, i, 0)),
            pl.BlockSpec((2, 32, 64), lambda i: (0, 0, 0)),
            pl.BlockSpec((64, 64), lambda i: (0, 0)),
            pl.BlockSpec((1, 64), lambda i: (0, 0)),
            pl.BlockSpec((64, 64), lambda i: (0, 0)),
            pl.BlockSpec((1, 64), lambda i: (0, 0)),
            pl.BlockSpec((1, 64), lambda i: (0, 0)),
        ],
        out_specs=[
            pl.BlockSpec((Nb, 64), lambda i: (i, 0)),
            pl.BlockSpec((Nb, 80), lambda i: (i, 0)),
            pl.BlockSpec((Nb, 1), lambda i: (i, 0)),
            pl.BlockSpec((Nb, 1), lambda i: (i, 0)),
        ],
        out_shape=[
            jax.ShapeDtypeStruct((N, 64), F32),
            jax.ShapeDtypeStruct((N, 80), F32),
            jax.ShapeDtypeStruct((N, 1), F32),
            jax.ShapeDtypeStruct((N, 1), F32),
        ],
    )(n, hacc1, enorm, inv, B1, Wroot1, b_r1.reshape(1, 64), Wgat,
      att_s.reshape(1, 64), att_d.reshape(1, 64))


def _tc_node3(gacc, h1, A2, b_gat):
    N = h1.shape[0]
    Nb = 2000

    def body(g_ref, h1_ref, a_ref, bg_ref, h2_ref, ha_ref):
        g = g_ref[0] + g_ref[1]
        h2 = jnp.maximum(g[:, 0:64] / (g[:, 64:65] + 1e-16) + bg_ref[...], 0.0)
        h2_ref[...] = h2
        ha_ref[0] = _dot(h2, a_ref[0])
        ha_ref[1] = _dot(h2, a_ref[1])

    return pl.pallas_call(
        body,
        grid=(N // Nb,),
        in_specs=[
            pl.BlockSpec((2, Nb, 80), lambda i: (0, i, 0)),
            pl.BlockSpec((Nb, 64), lambda i: (i, 0)),
            pl.BlockSpec((2, 64, 64), lambda i: (0, 0, 0)),
            pl.BlockSpec((1, 64), lambda i: (0, 0)),
        ],
        out_specs=[
            pl.BlockSpec((Nb, 64), lambda i: (i, 0)),
            pl.BlockSpec((2, Nb, 64), lambda i: (0, i, 0)),
        ],
        out_shape=[
            jax.ShapeDtypeStruct((N, 64), F32),
            jax.ShapeDtypeStruct((2, N, 64), F32),
        ],
    )(gacc, h1, A2, b_gat.reshape(1, 64))


def _tc_node4(h2, hacc2, enorm, inv, B2, Wroot2, b_r2, W_dec, b_dec):
    N = h2.shape[0]
    Nb = 2000

    def body(h2_ref, ha_ref, en_ref, iv_ref, b2_ref, wr_ref, br_ref,
             wd_ref, bd_ref, o_ref):
        agg = ((ha_ref[0, 0] + ha_ref[1, 0]) * iv_ref[0]
               + (ha_ref[0, 1] + ha_ref[1, 1]) * iv_ref[1]
               + _dot_hp(en_ref[0], b2_ref[0]) + _dot_hp(en_ref[1], b2_ref[1]))
        h3 = jnp.maximum(_dot(h2_ref[...], wr_ref[...]) + agg + br_ref[...], 0.0)
        o_ref[...] = MAX_ACT * jnp.tanh(_dot(h3, wd_ref[...]) + bd_ref[...])

    return pl.pallas_call(
        body,
        grid=(N // Nb,),
        in_specs=[
            pl.BlockSpec((Nb, 64), lambda i: (i, 0)),
            pl.BlockSpec((2, 2, Nb, 64), lambda i: (0, 0, i, 0)),
            pl.BlockSpec((2, Nb, 32), lambda i: (0, i, 0)),
            pl.BlockSpec((2, Nb, 1), lambda i: (0, i, 0)),
            pl.BlockSpec((2, 32, 64), lambda i: (0, 0, 0)),
            pl.BlockSpec((64, 64), lambda i: (0, 0)),
            pl.BlockSpec((1, 64), lambda i: (0, 0)),
            pl.BlockSpec((64, 1), lambda i: (0, 0)),
            pl.BlockSpec((1, 1), lambda i: (0, 0)),
        ],
        out_specs=[pl.BlockSpec((Nb, 1), lambda i: (i, 0))],
        out_shape=[jax.ShapeDtypeStruct((N, 1), F32)],
    )(h2, hacc2, enorm, inv, B2, Wroot2, b_r2.reshape(1, 64),
      W_dec, b_dec.reshape(1, 1))[0]




def _mesh():
    return plsc.VectorSubcoreMesh(core_axis_name="c", subcore_axis_name="s",
                                  num_cores=NC, num_subcores=NS)


def _pad128(n):
    return (n + 127) // 128 * 128


def _sc_seg_scatter(e_ext, seg2d, zeros, nrows, width):
    E = e_ext.shape[0]
    EPW = E // (NC * NS)
    NCHK = EPW // CH
    RPT = nrows // NS

    @functools.partial(
        pl.kernel,
        out_type=jax.ShapeDtypeStruct((NC, nrows, width), F32),
        mesh=_mesh(),
        compiler_params=pltpu.CompilerParams(use_tc_tiling_on_sc=False, needs_layout_passes=False),
        scratch_types=[
            pltpu.VMEM((NCHK, CH), I32),
            pltpu.VMEM((CH, width), F32),
            pltpu.VMEM((CH, width), F32),
            pltpu.VMEM_SHARED((nrows, width), F32),
            pltpu.SemaphoreType.DMA,
            pltpu.SemaphoreType.DMA,
        ],
    )
    def kern(eext_hbm, seg_hbm, z_hbm, out_hbm, segv, rows0, rows1, acc,
             sem0, sem1):
        c = lax.axis_index("c")
        s = lax.axis_index("s")
        pltpu.sync_copy(z_hbm, acc.at[pl.ds(s * RPT, RPT)])
        pltpu.sync_copy(seg_hbm.at[c, s], segv)
        plsc.subcore_barrier()
        base = (c * NS + s) * EPW
        pltpu.async_copy(eext_hbm.at[pl.ds(base, CH)], rows0, sem0)

        def body(i, carry):
            c0 = 2 * i
            c1 = 2 * i + 1
            pltpu.async_copy(eext_hbm.at[pl.ds(base + c1 * CH, CH)], rows1,
                             sem1)
            pltpu.make_async_copy(eext_hbm.at[pl.ds(base + c0 * CH, CH)],
                                  rows0, sem0).wait()
            pltpu.sync_copy(rows0, acc.at[segv.at[c0]], add=True)

            @pl.when(c1 + 1 < NCHK)
            def _():
                pltpu.async_copy(eext_hbm.at[pl.ds(base + (c1 + 1) * CH, CH)],
                                 rows0, sem0)

            pltpu.make_async_copy(eext_hbm.at[pl.ds(base + c1 * CH, CH)],
                                  rows1, sem1).wait()
            pltpu.sync_copy(rows1, acc.at[segv.at[c1]], add=True)
            return carry

        lax.fori_loop(0, NCHK // 2, body, 0)
        plsc.subcore_barrier()
        pltpu.sync_copy(acc.at[pl.ds(s * RPT, RPT)],
                        out_hbm.at[c, pl.ds(s * RPT, RPT)])

    return kern(e_ext, seg2d, zeros)


def _sc_rgcn(tab, src2d, seg2d, zeros, nrows):
    E = src2d.size
    EPW = E // (NC * NS)
    NCHK = EPW // CH
    RPT = nrows // NS

    @functools.partial(
        pl.kernel,
        out_type=jax.ShapeDtypeStruct((NC, nrows, 64), F32),
        mesh=_mesh(),
        compiler_params=pltpu.CompilerParams(use_tc_tiling_on_sc=False, needs_layout_passes=False),
        scratch_types=[
            pltpu.VMEM((NCHK, CH), I32),
            pltpu.VMEM((NCHK, CH), I32),
            pltpu.VMEM((CH, 64), F32),
            pltpu.VMEM((CH, 64), F32),
            pltpu.VMEM_SHARED((nrows, 64), F32),
            pltpu.SemaphoreType.DMA,
            pltpu.SemaphoreType.DMA,
        ],
    )
    def kern(tab_hbm, src_hbm, seg_hbm, z_hbm, out_hbm,
             srcv, segv, rows0, rows1, acc, sem0, sem1):
        c = lax.axis_index("c")
        s = lax.axis_index("s")
        pltpu.sync_copy(z_hbm, acc.at[pl.ds(s * RPT, RPT)])
        pltpu.sync_copy(src_hbm.at[c, s], srcv)
        pltpu.sync_copy(seg_hbm.at[c, s], segv)
        plsc.subcore_barrier()
        pltpu.async_copy(tab_hbm.at[srcv.at[0]], rows0, sem0)

        def body(i, carry):
            c0 = 2 * i
            c1 = 2 * i + 1
            pltpu.async_copy(tab_hbm.at[srcv.at[c1]], rows1, sem1)
            pltpu.make_async_copy(tab_hbm.at[srcv.at[c0]], rows0, sem0).wait()
            pltpu.sync_copy(rows0, acc.at[segv.at[c0]], add=True)

            @pl.when(c1 + 1 < NCHK)
            def _():
                pltpu.async_copy(tab_hbm.at[srcv.at[c1 + 1]], rows0, sem0)

            pltpu.make_async_copy(tab_hbm.at[srcv.at[c1]], rows1, sem1).wait()
            pltpu.sync_copy(rows1, acc.at[segv.at[c1]], add=True)
            return carry

        lax.fori_loop(0, NCHK // 2, body, 0)
        plsc.subcore_barrier()
        pltpu.sync_copy(acc.at[pl.ds(s * RPT, RPT)],
                        out_hbm.at[c, pl.ds(s * RPT, RPT)])

    return kern(tab, src2d, seg2d, zeros)


def _sc_gat(Gtab, src2d, dst2d, ae2d, ssrc, sdst, zeros, nrows):
    N = Gtab.shape[0]
    E = src2d.size
    EPW = E // (NC * NS)
    NCHK = EPW // CH
    RPT = nrows // NS

    @functools.partial(
        pl.kernel,
        out_type=jax.ShapeDtypeStruct((NC, nrows, 80), F32),
        mesh=_mesh(),
        compiler_params=pltpu.CompilerParams(use_tc_tiling_on_sc=False, needs_layout_passes=False),
        scratch_types=[
            pltpu.VMEM((NCHK, CH), I32),
            pltpu.VMEM((NCHK, CH), I32),
            pltpu.VMEM((CH,), F32),
            pltpu.VMEM((CH,), F32),
            pltpu.VMEM((N,), F32),
            pltpu.VMEM((N,), F32),
            pltpu.VMEM((CH,), F32),
            pltpu.VMEM((CH, 80), F32),
            pltpu.VMEM((CH, 80), F32),
            pltpu.VMEM_SHARED((nrows, 80), F32),
            pltpu.SemaphoreType.DMA,
            pltpu.SemaphoreType.DMA,
            pltpu.SemaphoreType.DMA,
            pltpu.SemaphoreType.DMA,
        ],
    )
    def kern(g_hbm, src_hbm, dst_hbm, ae_hbm, ss_hbm, sd_hbm, z_hbm, out_hbm,
             srcv, dstv, ae0, ae1, sst, sdt, exb, rows0, rows1, acc,
             sem0, sem1, semA0, semA1):
        c = lax.axis_index("c")
        s = lax.axis_index("s")
        pltpu.sync_copy(z_hbm, acc.at[pl.ds(s * RPT, RPT)])
        pltpu.sync_copy(src_hbm.at[c, s], srcv)
        pltpu.sync_copy(dst_hbm.at[c, s], dstv)
        pltpu.sync_copy(ss_hbm, sst)
        pltpu.sync_copy(sd_hbm, sdt)
        plsc.subcore_barrier()
        onehot = jnp.where(lax.iota(I32, 16) == 0, 1.0, 0.0)

        def compute(ci, rows, aeb):
            for j in range(CH // 16):
                srcj = srcv[ci, pl.ds(j * 16, 16)]
                dstj = dstv[ci, pl.ds(j * 16, 16)]
                aej = aeb[pl.ds(j * 16, 16)]
                a = (plsc.load_gather(sst, [srcj])
                     + plsc.load_gather(sdt, [dstj]) + aej)
                a = jnp.where(a >= 0.0, a, 0.2 * a)
                exb[pl.ds(j * 16, 16)] = _exp_poly(a)

            def scale(i, carry):
                ex = plsc.load_gather(exb, [jnp.full((16,), i, I32)])
                for q in range(4):
                    rows[i, pl.ds(q * 16, 16)] = rows[i, pl.ds(q * 16, 16)] * ex
                rows[i, pl.ds(64, 16)] = onehot * ex
                return carry

            lax.fori_loop(0, CH, scale, 0, unroll=8)

        pltpu.async_copy(g_hbm.at[srcv.at[0]], rows0, sem0)
        pltpu.async_copy(ae_hbm.at[c, s, pl.ds(0, CH)], ae0, semA0)

        def body(i, carry):
            c0 = 2 * i
            c1 = 2 * i + 1
            pltpu.async_copy(g_hbm.at[srcv.at[c1]], rows1, sem1)
            pltpu.async_copy(ae_hbm.at[c, s, pl.ds(c1 * CH, CH)], ae1, semA1)
            pltpu.make_async_copy(g_hbm.at[srcv.at[c0]], rows0, sem0).wait()
            pltpu.make_async_copy(ae_hbm.at[c, s, pl.ds(c0 * CH, CH)], ae0, semA0).wait()
            compute(c0, rows0, ae0)
            pltpu.sync_copy(rows0, acc.at[dstv.at[c0]], add=True)

            @pl.when(c1 + 1 < NCHK)
            def _():
                pltpu.async_copy(g_hbm.at[srcv.at[c1 + 1]], rows0, sem0)
                pltpu.async_copy(ae_hbm.at[c, s, pl.ds((c1 + 1) * CH, CH)], ae0, semA0)

            pltpu.make_async_copy(g_hbm.at[srcv.at[c1]], rows1, sem1).wait()
            pltpu.make_async_copy(ae_hbm.at[c, s, pl.ds(c1 * CH, CH)], ae1, semA1).wait()
            compute(c1, rows1, ae1)
            pltpu.sync_copy(rows1, acc.at[dstv.at[c1]], add=True)
            return carry

        lax.fori_loop(0, NCHK // 2, body, 0)
        plsc.subcore_barrier()
        pltpu.sync_copy(acc.at[pl.ds(s * RPT, RPT)],
                        out_hbm.at[c, pl.ds(s * RPT, RPT)])

    return kern(Gtab, src2d, dst2d, ae2d, ssrc, sdst, zeros)




def kernel(nodes, edges, edge_index, edges_type, W_n_enc, b_n_enc, W_e_enc,
           b_e_enc, W_r1, W_root1, b_r1, W_gat, W_gat_e, att_src, att_dst,
           att_edge, b_gat, W_r2, W_root2, b_r2, W_dec, b_dec):
    N = nodes.shape[0]
    E = edges.shape[0]
    EPW = E // (NC * NS)
    NCHK = EPW // CH
    assert E == NC * NS * NCHK * CH and EPW % CH == 0
    assert N % NS == 0 and (2 * N) % NS == 0 and N % 2000 == 0

    A1, B1 = W_r1[:, :64, :], W_r1[:, 64:, :]
    A2, B2 = W_r2[:, :64, :], W_r2[:, 64:, :]
    B1 = B1.astype(jnp.bfloat16).astype(F32)
    B2 = B2.astype(jnp.bfloat16).astype(F32)
    We48 = jnp.concatenate([W_e_enc, jnp.zeros((2, 16), F32)], axis=1)
    be48 = jnp.concatenate(
        [b_e_enc, jnp.ones((1,), F32), jnp.zeros((15,), F32)]).reshape(1, 48)

    n, hA1 = _tc_node1(nodes, W_n_enc, b_n_enc, A1)
    e_ext, ae = _tc_edge_feats(edges, We48, be48, W_gat_e, att_edge)
    src2t, seg = _tc_indices(edge_index[0].reshape(E // 128, 128),
                             edge_index[1].reshape(E // 128, 128),
                             edges_type.reshape(E // 128, 128), N)

    shp = (NC, NS, NCHK, CH)
    seg2d = seg.reshape(shp)
    s2t2d = src2t.reshape(shp)
    src2d = edge_index[0].reshape(shp)
    dst2d = edge_index[1].reshape(shp)
    ae2d = ae.reshape(NC, NS, NCHK * CH)
    P2N = _pad128(2 * N)
    PN = _pad128(N)
    z48 = jnp.zeros((P2N // NS, 48), F32)
    z64 = jnp.zeros((P2N // NS, 64), F32)
    z80 = jnp.zeros((PN // NS, 80), F32)

    Separt = _sc_seg_scatter(e_ext, seg2d, z48, P2N, 48)
    inv, enorm = _tc_inv(Separt[:, :2 * N], 2 * N)
    inv2 = inv.reshape(2, N, 1)
    enorm2 = enorm.reshape(2, N, 32)
    hacc1 = _sc_rgcn(hA1.reshape(2 * N, 64), s2t2d, seg2d, z64, P2N)
    h1, Gtab, ssrc, sdst = _tc_node2(
        n, hacc1[:, :2 * N].reshape(NC, 2, N, 64), enorm2, inv2,
        B1, W_root1, b_r1, W_gat, att_src, att_dst)
    gacc = _sc_gat(Gtab, src2d, dst2d, ae2d, ssrc.reshape(N),
                   sdst.reshape(N), z80, PN)
    h2, hA2 = _tc_node3(gacc[:, :N], h1, A2, b_gat)
    hacc2 = _sc_rgcn(hA2.reshape(2 * N, 64), s2t2d, seg2d, z64, P2N)
    out = _tc_node4(h2, hacc2[:, :2 * N].reshape(NC, 2, N, 64), enorm2, inv2,
                    B2, W_root2, b_r2, W_dec, b_dec)
    return out

# --- scband reference (transcript-rebuilt; emitter-appended) ---
"""Pipeline reference for scband-actor-46368466928084 (READ-ONLY COPY).

The authoritative reference and input builder live on the scoring server;
editing this copy changes nothing except your own understanding.
"""

import jax, jax.numpy as jnp
import numpy as np

N = 10000
E = 640000
MAX_ACTION = 5.0


def _forward(node_feats, edge_feats, W_n_enc, b_n_enc, W_e_enc, b_e_enc, W_r1, W_root1, b_r1, W_gat, W_gat_e, att_src, att_dst, att_edge, b_gat, W_r2, W_root2, b_r2, W_dec, b_dec, edge_index, edges_type):
    src = edge_index[0]
    dst = edge_index[1]
    n_nodes = node_feats.shape[0]
    n = jax.nn.relu(node_feats @ W_n_enc + b_n_enc)
    e = jax.nn.relu(edge_feats @ W_e_enc + b_e_enc)

    def rgcn(h, W_rel, W_root, b):
        msg_in = jnp.concatenate([h[src], e], axis=-1)
        m0 = msg_in @ W_rel[0]
        m1 = msg_in @ W_rel[1]
        msg = jnp.where((edges_type == 0)[:, None], m0, m1)
        seg = dst * 2 + edges_type
        cnt = jax.ops.segment_sum(jnp.ones(msg.shape[0], dtype=h.dtype), seg, num_segments=2 * n_nodes)
        norm = 1.0 / jnp.maximum(cnt[seg], 1.0)
        agg = jax.ops.segment_sum(msg * norm[:, None], dst, num_segments=n_nodes)
        return h @ W_root + agg + b

    h = jax.nn.relu(rgcn(n, W_r1, W_root1, b_r1))
    hW = h @ W_gat
    eW = e @ W_gat_e
    a = (hW[src] * att_src).sum(-1) + (hW[dst] * att_dst).sum(-1) + (eW * att_edge).sum(-1)
    a = jax.nn.leaky_relu(a, 0.2)
    amax = jax.lax.stop_gradient(jax.ops.segment_max(a, dst, num_segments=n_nodes))
    amax = jnp.where(jnp.isfinite(amax), amax, 0.0)
    ex = jnp.exp(a - amax[dst])
    denom = jax.ops.segment_sum(ex, dst, num_segments=n_nodes)
    alpha = ex / (denom[dst] + 1e-16)
    h = jax.ops.segment_sum(alpha[:, None] * hW[src], dst, num_segments=n_nodes) + b_gat
    h = jax.nn.relu(h)
    h = jax.nn.relu(rgcn(h, W_r2, W_root2, b_r2))
    out = h @ W_dec + b_dec
    return MAX_ACTION * jnp.tanh(out)


def setup_inputs(seed: int = 0):
    key = jax.random.key(seed)
    ks = jax.random.split(key, 24)
    p = lambda k, shape, s=0.1: (s * jax.random.normal(k, shape)).astype(jnp.float32)
    inp = {}
    inp['nodes'] = jax.random.normal(ks[0], (N, 4), dtype=jnp.float32)
    inp['edges'] = jax.random.normal(ks[1], (E, 2), dtype=jnp.float32)
    inp['edge_index'] = jax.random.randint(ks[2], (2, E), 0, N, dtype=jnp.int32)
    inp['edges_type'] = jax.random.randint(ks[3], (E,), 0, 2, dtype=jnp.int32)
    inp['W_n_enc'] = p(ks[4], (4, 64))
    inp['b_n_enc'] = jnp.zeros((64,), jnp.float32)
    inp['W_e_enc'] = p(ks[5], (2, 32))
    inp['b_e_enc'] = jnp.zeros((32,), jnp.float32)
    inp['W_r1'] = p(ks[6], (2, 96, 64))
    inp['W_root1'] = p(ks[7], (64, 64))
    inp['b_r1'] = jnp.zeros((64,), jnp.float32)
    inp['W_gat'] = p(ks[8], (64, 64))
    inp['W_gat_e'] = p(ks[9], (32, 64))
    inp['att_src'] = p(ks[10], (64,))
    inp['att_dst'] = p(ks[11], (64,))
    inp['att_edge'] = p(ks[12], (64,))
    inp['b_gat'] = jnp.zeros((64,), jnp.float32)
    inp['W_r2'] = p(ks[13], (2, 96, 64))
    inp['W_root2'] = p(ks[14], (64, 64))
    inp['b_r2'] = jnp.zeros((64,), jnp.float32)
    inp['W_dec'] = p(ks[15], (64, 1))
    inp['b_dec'] = jnp.zeros((1,), jnp.float32)
    return inp


def reference(nodes, edges, edge_index, edges_type, W_n_enc, b_n_enc, W_e_enc, b_e_enc, W_r1, W_root1, b_r1, W_gat, W_gat_e, att_src, att_dst, att_edge, b_gat, W_r2, W_root2, b_r2, W_dec, b_dec):
    return _forward(nodes, edges, W_n_enc, b_n_enc, W_e_enc, b_e_enc, W_r1, W_root1, b_r1, W_gat, W_gat_e, att_src, att_dst, att_edge, b_gat, W_r2, W_root2, b_r2, W_dec, b_dec, edge_index, edges_type)

if __name__ == "__main__":
    import jax
    _d = setup_inputs()
    print(jax.jit(kernel)(*tuple(_d.values())))

</pallas_src>

<mosaic_0001>
#map = affine_map<(d0, d1) -> (0, 0)>
#map1 = affine_map<(d0, d1) -> (0, 0, 0, 0)>
#map2 = affine_map<(d0, d1) -> (0, 0, 0)>
module attributes {stable_mosaic.version = 14 : i64} {
  func.func @kern(%arg0: i32, %arg1: i32, %arg2: memref<20000x64xf32, #tpu.memory_space<hbm>>, %arg3: memref<2x16x250x80xi32, #tpu.memory_space<hbm>>, %arg4: memref<2x16x250x80xi32, #tpu.memory_space<hbm>>, %arg5: memref<1256x64xf32, #tpu.memory_space<hbm>>, %arg6: memref<2x20096x64xf32, #tpu.memory_space<hbm>>, %arg7: memref<250x80xi32, #tpu.memory_space<vmem>>, %arg8: memref<250x80xi32, #tpu.memory_space<vmem>>, %arg9: memref<80x64xf32, #tpu.memory_space<vmem>>, %arg10: memref<80x64xf32, #tpu.memory_space<vmem>>, %arg11: memref<20096x64xf32, #tpu.memory_space<vmem_shared>>, %arg12: memref<!tpu.dma_semaphore, #tpu.memory_space<semaphore_mem>>, %arg13: memref<!tpu.dma_semaphore, #tpu.memory_space<semaphore_mem>>) attributes {dimension_semantics = [#tpu.dimension_semantics<core_parallel>, #tpu.dimension_semantics<subcore_parallel>], iteration_bounds = array<i64: 2, 16>, scalar_prefetch = 0 : i64, scratch_operands = 7 : i64, tpu.core_type = #tpu.core_type<sc_vector_subcore>, window_params = [{transform_indices = #map}, {transform_indices = #map1}, {transform_indices = #map1}, {transform_indices = #map}, {transform_indices = #map2}]} {
    %mul3A = arith.constant 1256 : i32
    %mul3A_0 = arith.muli %arg1, %mul3A : i32
    "tpu.region"() ({
      %run_scoped3A = tpu.sem_alloc : memref<!tpu.dma_semaphore, #tpu.memory_space<semaphore_mem>>
      %dma_start3A_17 = arith.constant 0 : i32
      %dma_start3A_18 = tpu.memref_slice %arg11[%mul3A_0, %dma_start3A_17] : memref<20096x64xf32, #tpu.memory_space<vmem_shared>> -> memref<1256x64xf32, #tpu.memory_space<vmem_shared>>
      tpu.enqueue_dma source(%arg5 : memref<1256x64xf32, #tpu.memory_space<hbm>>) target(%dma_start3A_18 : memref<1256x64xf32, #tpu.memory_space<vmem_shared>>) target_semaphore(%run_scoped3A : memref<!tpu.dma_semaphore, #tpu.memory_space<semaphore_mem>>)
      %dma_wait3A = arith.constant 0 : i32
      %dma_wait3A_19 = tpu.memref_slice %arg11[%mul3A_0, %dma_wait3A] : memref<20096x64xf32, #tpu.memory_space<vmem_shared>> -> memref<1256x64xf32, #tpu.memory_space<vmem_shared>>
      tpu.wait_dma2 semaphore(%run_scoped3A : memref<!tpu.dma_semaphore, #tpu.memory_space<semaphore_mem>>) src(%arg5 : memref<1256x64xf32, #tpu.memory_space<hbm>>) dst(%dma_wait3A_19 : memref<1256x64xf32, #tpu.memory_space<vmem_shared>>)
      tpu.yield
    }) : () -> ()
    "tpu.region"() ({
      %run_scoped3A = tpu.sem_alloc : memref<!tpu.dma_semaphore, #tpu.memory_space<semaphore_mem>>
      %dma_start3A_17 = arith.constant 0 : i32
      %dma_start3A_18 = arith.constant 0 : i32
      %dma_start3A_19 = tpu.memref_slice %arg3[%arg0, %arg1, %dma_start3A_17, %dma_start3A_18] : memref<2x16x250x80xi32, #tpu.memory_space<hbm>> -> memref<1x1x250x80xi32, #tpu.memory_space<hbm>>
      %dma_start3A_20 = tpu.memref_squeeze %dma_start3A_19 : memref<1x1x250x80xi32, #tpu.memory_space<hbm>> -> memref<250x80xi32, #tpu.memory_space<hbm>>
      %dma_start3A_21 = arith.constant 0 : i32
      %dma_start3A_22 = arith.constant 0 : i32
      %dma_start3A_23 = tpu.memref_slice %arg3[%arg0, %arg1, %dma_start3A_21, %dma_start3A_22] : memref<2x16x250x80xi32, #tpu.memory_space<hbm>> -> memref<1x1x250x80xi32, #tpu.memory_space<hbm>>
      %dma_start3A_24 = tpu.memref_squeeze %dma_start3A_23 : memref<1x1x250x80xi32, #tpu.memory_space<hbm>> -> memref<250x80xi32, #tpu.memory_space<hbm>>
      tpu.enqueue_dma source(%dma_start3A_24 : memref<250x80xi32, #tpu.memory_space<hbm>>) target(%arg7 : memref<250x80xi32, #tpu.memory_space<vmem>>) target_semaphore(%run_scoped3A : memref<!tpu.dma_semaphore, #tpu.memory_space<semaphore_mem>>)
      %dma_wait3A = arith.constant 0 : i32
      %dma_wait3A_25 = arith.constant 0 : i32
      %dma_wait3A_26 = tpu.memref_slice %arg3[%arg0, %arg1, %dma_wait3A, %dma_wait3A_25] : memref<2x16x250x80xi32, #tpu.memory_space<hbm>> -> memref<1x1x250x80xi32, #tpu.memory_space<hbm>>
      %dma_wait3A_27 = tpu.memref_squeeze %dma_wait3A_26 : memref<1x1x250x80xi32, #tpu.memory_space<hbm>> -> memref<250x80xi32, #tpu.memory_space<hbm>>
      %dma_wait3A_28 = arith.constant 0 : i32
      %dma_wait3A_29 = arith.constant 0 : i32
      %dma_wait3A_30 = tpu.memref_slice %arg3[%arg0, %arg1, %dma_wait3A_28, %dma_wait3A_29] : memref<2x16x250x80xi32, #tpu.memory_space<hbm>> -> memref<1x1x250x80xi32, #tpu.memory_space<hbm>>
      %dma_wait3A_31 = tpu.memref_squeeze %dma_wait3A_30 : memref<1x1x250x80xi32, #tpu.memory_space<hbm>> -> memref<250x80xi32, #tpu.memory_space<hbm>>
      tpu.wait_dma2 semaphore(%run_scoped3A : memref<!tpu.dma_semaphore, #tpu.memory_space<semaphore_mem>>) src(%dma_wait3A_31 : memref<250x80xi32, #tpu.memory_space<hbm>>) dst(%arg7 : memref<250x80xi32, #tpu.memory_space<vmem>>)
      tpu.yield
    }) : () -> ()
    "tpu.region"() ({
      %run_scoped3A = tpu.sem_alloc : memref<!tpu.dma_semaphore, #tpu.memory_space<semaphore_mem>>
      %dma_start3A_17 = arith.constant 0 : i32
      %dma_start3A_18 = arith.constant 0 : i32
      %dma_start3A_19 = tpu.memref_slice %arg4[%arg0, %arg1, %dma_start3A_17, %dma_start3A_18] : memref<2x16x250x80xi32, #tpu.memory_space<hbm>> -> memref<1x1x250x80xi32, #tpu.memory_space<hbm>>
      %dma_start3A_20 = tpu.memref_squeeze %dma_start3A_19 : memref<1x1x250x80xi32, #tpu.memory_space<hbm>> -> memref<250x80xi32, #tpu.memory_space<hbm>>
      %dma_start3A_21 = arith.constant 0 : i32
      %dma_start3A_22 = arith.constant 0 : i32
      %dma_start3A_23 = tpu.memref_slice %arg4[%arg0, %arg1, %dma_start3A_21, %dma_start3A_22] : memref<2x16x250x80xi32, #tpu.memory_space<hbm>> -> memref<1x1x250x80xi32, #tpu.memory_space<hbm>>
      %dma_start3A_24 = tpu.memref_squeeze %dma_start3A_23 : memref<1x1x250x80xi32, #tpu.memory_space<hbm>> -> memref<250x80xi32, #tpu.memory_space<hbm>>
      tpu.enqueue_dma source(%dma_start3A_24 : memref<250x80xi32, #tpu.memory_space<hbm>>) target(%arg8 : memref<250x80xi32, #tpu.memory_space<vmem>>) target_semaphore(%run_scoped3A : memref<!tpu.dma_semaphore, #tpu.memory_space<semaphore_mem>>)
      %dma_wait3A = arith.constant 0 : i32
      %dma_wait3A_25 = arith.constant 0 : i32
      %dma_wait3A_26 = tpu.memref_slice %arg4[%arg0, %arg1, %dma_wait3A, %dma_wait3A_25] : memref<2x16x250x80xi32, #tpu.memory_space<hbm>> -> memref<1x1x250x80xi32, #tpu.memory_space<hbm>>
      %dma_wait3A_27 = tpu.memref_squeeze %dma_wait3A_26 : memref<1x1x250x80xi32, #tpu.memory_space<hbm>> -> memref<250x80xi32, #tpu.memory_space<hbm>>
      %dma_wait3A_28 = arith.constant 0 : i32
      %dma_wait3A_29 = arith.constant 0 : i32
      %dma_wait3A_30 = tpu.memref_slice %arg4[%arg0, %arg1, %dma_wait3A_28, %dma_wait3A_29] : memref<2x16x250x80xi32, #tpu.memory_space<hbm>> -> memref<1x1x250x80xi32, #tpu.memory_space<hbm>>
      %dma_wait3A_31 = tpu.memref_squeeze %dma_wait3A_30 : memref<1x1x250x80xi32, #tpu.memory_space<hbm>> -> memref<250x80xi32, #tpu.memory_space<hbm>>
      tpu.wait_dma2 semaphore(%run_scoped3A : memref<!tpu.dma_semaphore, #tpu.memory_space<semaphore_mem>>) src(%dma_wait3A_31 : memref<250x80xi32, #tpu.memory_space<hbm>>) dst(%arg8 : memref<250x80xi32, #tpu.memory_space<vmem>>)
      tpu.yield
    }) : () -> ()
    %barrier3A = arith.constant 0 : index
    tpu.barrier barrier_id(%barrier3A)
    %dma_start3A = arith.constant 0 : i32
    %dma_start3A_1 = arith.constant 0 : i32
    %dma_start3A_2 = tpu.memref_slice %arg7[%dma_start3A, %dma_start3A_1] : memref<250x80xi32, #tpu.memory_space<vmem>> -> memref<1x80xi32, #tpu.memory_space<vmem>>
    %dma_start3A_3 = tpu.memref_squeeze %dma_start3A_2 : memref<1x80xi32, #tpu.memory_space<vmem>> -> memref<80xi32, #tpu.memory_space<vmem>>
    %dma_start3A_4 = arith.constant 0 : i32
    %dma_start3A_5 = arith.constant 0 : i32
    %dma_start3A_6 = tpu.memref_slice %arg2[%dma_start3A_4, %dma_start3A_5] : memref<20000x64xf32, #tpu.memory_space<hbm>> -> memref<20000x64xf32, #tpu.memory_space<hbm>>
    tpu.enqueue_indirect_dma source(%dma_start3A_6 : memref<20000x64xf32, #tpu.memory_space<hbm>>) target(%arg9 : memref<80x64xf32, #tpu.memory_space<vmem>>) offsets(%dma_start3A_3 : memref<80xi32, #tpu.memory_space<vmem>>) semaphore(%arg12 : memref<!tpu.dma_semaphore, #tpu.memory_space<semaphore_mem>>)
    %scan3A = arith.constant 0 : i32
    %scan3A_7 = arith.constant 0 : i32
    %scan3A_8 = arith.constant 125 : i32
    %scan3A_9 = arith.addi %scan3A_7, %scan3A_8 : i32
    %scan3A_10 = arith.constant 1 : i32
    scf.for %scan3A_17 = %scan3A_7 to %scan3A_9 step %scan3A_10  : i32 {
      %mul3A_18 = arith.constant 2 : i32
      %mul3A_19 = arith.muli %mul3A_18, %scan3A_17 : i32
      %mul3A_20 = arith.constant 2 : i32
      %mul3A_21 = arith.muli %mul3A_20, %scan3A_17 : i32
      %add3A = arith.constant 1 : i32
      %add3A_22 = arith.addi %mul3A_21, %add3A : i32
      %dma_start3A_23 = arith.constant 0 : i32
      %dma_start3A_24 = tpu.memref_slice %arg7[%add3A_22, %dma_start3A_23] : memref<250x80xi32, #tpu.memory_space<vmem>> -> memref<1x80xi32, #tpu.memory_space<vmem>>
      %dma_start3A_25 = tpu.memref_squeeze %dma_start3A_24 : memref<1x80xi32, #tpu.memory_space<vmem>> -> memref<80xi32, #tpu.memory_space<vmem>>
      %dma_start3A_26 = arith.constant 0 : i32
      %dma_start3A_27 = arith.constant 0 : i32
      %dma_start3A_28 = tpu.memref_slice %arg2[%dma_start3A_26, %dma_start3A_27] : memref<20000x64xf32, #tpu.memory_space<hbm>> -> memref<20000x64xf32, #tpu.memory_space<hbm>>
      tpu.enqueue_indirect_dma source(%dma_start3A_28 : memref<20000x64xf32, #tpu.memory_space<hbm>>) target(%arg10 : memref<80x64xf32, #tpu.memory_space<vmem>>) offsets(%dma_start3A_25 : memref<80xi32, #tpu.memory_space<vmem>>) semaphore(%arg13 : memref<!tpu.dma_semaphore, #tpu.memory_space<semaphore_mem>>)
      %dma_wait3A = arith.constant 0 : i32
      %dma_wait3A_29 = tpu.memref_slice %arg7[%mul3A_19, %dma_wait3A] : memref<250x80xi32, #tpu.memory_space<vmem>> -> memref<1x80xi32, #tpu.memory_space<vmem>>
      %dma_wait3A_30 = tpu.memref_squeeze %dma_wait3A_29 : memref<1x80xi32, #tpu.memory_space<vmem>> -> memref<80xi32, #tpu.memory_space<vmem>>
      %dma_wait3A_31 = arith.constant 0 : i32
      %dma_wait3A_32 = arith.constant 0 : i32
      %dma_wait3A_33 = tpu.memref_slice %arg2[%dma_wait3A_31, %dma_wait3A_32] : memref<20000x64xf32, #tpu.memory_space<hbm>> -> memref<20000x64xf32, #tpu.memory_space<hbm>>
      tpu.wait_indirect_dma semaphore(%arg12 : memref<!tpu.dma_semaphore, #tpu.memory_space<semaphore_mem>>) src(%dma_wait3A_33 : memref<20000x64xf32, #tpu.memory_space<hbm>>) dst(%arg9 : memref<80x64xf32, #tpu.memory_space<vmem>>)
      "tpu.region"() ({
        %run_scoped3A = tpu.sem_alloc : memref<!tpu.dma_semaphore, #tpu.memory_space<semaphore_mem>>
        %dma_start3A_44 = arith.constant 0 : i32
        %dma_start3A_45 = tpu.memref_slice %arg8[%mul3A_19, %dma_start3A_44] : memref<250x80xi32, #tpu.memory_space<vmem>> -> memref<1x80xi32, #tpu.memory_space<vmem>>
        %dma_start3A_46 = tpu.memref_squeeze %dma_start3A_45 : memref<1x80xi32, #tpu.memory_space<vmem>> -> memref<80xi32, #tpu.memory_space<vmem>>
        %dma_start3A_47 = arith.constant 0 : i32
        %dma_start3A_48 = arith.constant 0 : i32
        %dma_start3A_49 = tpu.memref_slice %arg11[%dma_start3A_47, %dma_start3A_48] : memref<20096x64xf32, #tpu.memory_space<vmem_shared>> -> memref<20096x64xf32, #tpu.memory_space<vmem_shared>>
        tpu.enqueue_indirect_dma source(%arg9 : memref<80x64xf32, #tpu.memory_space<vmem>>) target(%dma_start3A_49 : memref<20096x64xf32, #tpu.memory_space<vmem_shared>>) offsets(%dma_start3A_46 : memref<80xi32, #tpu.memory_space<vmem>>) semaphore(%run_scoped3A : memref<!tpu.dma_semaphore, #tpu.memory_space<semaphore_mem>>) {add = true}
        %dma_wait3A_50 = arith.constant 0 : i32
        %dma_wait3A_51 = tpu.memref_slice %arg8[%mul3A_19, %dma_wait3A_50] : memref<250x80xi32, #tpu.memory_space<vmem>> -> memref<1x80xi32, #tpu.memory_space<vmem>>
        %dma_wait3A_52 = tpu.memref_squeeze %dma_wait3A_51 : memref<1x80xi32, #tpu.memory_space<vmem>> -> memref<80xi32, #tpu.memory_space<vmem>>
        %dma_wait3A_53 = arith.constant 0 : i32
        %dma_wait3A_54 = arith.constant 0 : i32
        %dma_wait3A_55 = tpu.memref_slice %arg11[%dma_wait3A_53, %dma_wait3A_54] : memref<20096x64xf32, #tpu.memory_space<vmem_shared>> -> memref<20096x64xf32, #tpu.memory_space<vmem_shared>>
        tpu.wait_indirect_dma semaphore(%run_scoped3A : memref<!tpu.dma_semaphore, #tpu.memory_space<semaphore_mem>>) src(%arg9 : memref<80x64xf32, #tpu.memory_space<vmem>>) dst(%dma_wait3A_55 : memref<20096x64xf32, #tpu.memory_space<vmem_shared>>)
        tpu.yield
      }) : () -> ()
      %add3A_34 = arith.constant 1 : i32
      %add3A_35 = arith.addi %add3A_22, %add3A_34 : i32
      %lt3A = arith.constant 250 : i32
      %lt3A_36 = arith.cmpi slt, %add3A_35, %lt3A : i32
      %convert_element_type3A = arith.extui %lt3A_36 : i1 to i32
      %cond3A = arith.constant 0 : i32
      %cond3A_37 = arith.cmpi ne, %convert_element_type3A, %cond3A : i32
      scf.if %cond3A_37 {
        %add3A_44 = arith.constant 1 : i32
        %add3A_45 = arith.addi %add3A_22, %add3A_44 : i32
        %dma_start3A_46 = arith.constant 0 : i32
        %dma_start3A_47 = tpu.memref_slice %arg7[%add3A_45, %dma_start3A_46] : memref<250x80xi32, #tpu.memory_space<vmem>> -> memref<1x80xi32, #tpu.memory_space<vmem>>
        %dma_start3A_48 = tpu.memref_squeeze %dma_start3A_47 : memref<1x80xi32, #tpu.memory_space<vmem>> -> memref<80xi32, #tpu.memory_space<vmem>>
        %dma_start3A_49 = arith.constant 0 : i32
        %dma_start3A_50 = arith.constant 0 : i32
        %dma_start3A_51 = tpu.memref_slice %arg2[%dma_start3A_49, %dma_start3A_50] : memref<20000x64xf32, #tpu.memory_space<hbm>> -> memref<20000x64xf32, #tpu.memory_space<hbm>>
        tpu.enqueue_indirect_dma source(%dma_start3A_51 : memref<20000x64xf32, #tpu.memory_space<hbm>>) target(%arg9 : memref<80x64xf32, #tpu.memory_space<vmem>>) offsets(%dma_start3A_48 : memref<80xi32, #tpu.memory_space<vmem>>) semaphore(%arg12 : memref<!tpu.dma_semaphore, #tpu.memory_space<semaphore_mem>>)
      } else {
      }
      %dma_wait3A_38 = arith.constant 0 : i32
      %dma_wait3A_39 = tpu.memref_slice %arg7[%add3A_22, %dma_wait3A_38] : memref<250x80xi32, #tpu.memory_space<vmem>> -> memref<1x80xi32, #tpu.memory_space<vmem>>
      %dma_wait3A_40 = tpu.memref_squeeze %dma_wait3A_39 : memref<1x80xi32, #tpu.memory_space<vmem>> -> memref<80xi32, #tpu.memory_space<vmem>>
      %dma_wait3A_41 = arith.constant 0 : i32
      %dma_wait3A_42 = arith.constant 0 : i32
      %dma_wait3A_43 = tpu.memref_slice %arg2[%dma_wait3A_41, %dma_wait3A_42] : memref<20000x64xf32, #tpu.memory_space<hbm>> -> memref<20000x64xf32, #tpu.memory_space<hbm>>
      tpu.wait_indirect_dma semaphore(%arg13 : memref<!tpu.dma_semaphore, #tpu.memory_space<semaphore_mem>>) src(%dma_wait3A_43 : memref<20000x64xf32, #tpu.memory_space<hbm>>) dst(%arg10 : memref<80x64xf32, #tpu.memory_space<vmem>>)
      "tpu.region"() ({
        %run_scoped3A = tpu.sem_alloc : memref<!tpu.dma_semaphore, #tpu.memory_space<semaphore_mem>>
        %dma_start3A_44 = arith.constant 0 : i32
        %dma_start3A_45 = tpu.memref_slice %arg8[%add3A_22, %dma_start3A_44] : memref<250x80xi32, #tpu.memory_space<vmem>> -> memref<1x80xi32, #tpu.memory_space<vmem>>
        %dma_start3A_46 = tpu.memref_squeeze %dma_start3A_45 : memref<1x80xi32, #tpu.memory_space<vmem>> -> memref<80xi32, #tpu.memory_space<vmem>>
        %dma_start3A_47 = arith.constant 0 : i32
        %dma_start3A_48 = arith.constant 0 : i32
        %dma_start3A_49 = tpu.memref_slice %arg11[%dma_start3A_47, %dma_start3A_48] : memref<20096x64xf32, #tpu.memory_space<vmem_shared>> -> memref<20096x64xf32, #tpu.memory_space<vmem_shared>>
        tpu.enqueue_indirect_dma source(%arg10 : memref<80x64xf32, #tpu.memory_space<vmem>>) target(%dma_start3A_49 : memref<20096x64xf32, #tpu.memory_space<vmem_shared>>) offsets(%dma_start3A_46 : memref<80xi32, #tpu.memory_space<vmem>>) semaphore(%run_scoped3A : memref<!tpu.dma_semaphore, #tpu.memory_space<semaphore_mem>>) {add = true}
        %dma_wait3A_50 = arith.constant 0 : i32
        %dma_wait3A_51 = tpu.memref_slice %arg8[%add3A_22, %dma_wait3A_50] : memref<250x80xi32, #tpu.memory_space<vmem>> -> memref<1x80xi32, #tpu.memory_space<vmem>>
        %dma_wait3A_52 = tpu.memref_squeeze %dma_wait3A_51 : memref<1x80xi32, #tpu.memory_space<vmem>> -> memref<80xi32, #tpu.memory_space<vmem>>
        %dma_wait3A_53 = arith.constant 0 : i32
        %dma_wait3A_54 = arith.constant 0 : i32
        %dma_wait3A_55 = tpu.memref_slice %arg11[%dma_wait3A_53, %dma_wait3A_54] : memref<20096x64xf32, #tpu.memory_space<vmem_shared>> -> memref<20096x64xf32, #tpu.memory_space<vmem_shared>>
        tpu.wait_indirect_dma semaphore(%run_scoped3A : memref<!tpu.dma_semaphore, #tpu.memory_space<semaphore_mem>>) src(%arg10 : memref<80x64xf32, #tpu.memory_space<vmem>>) dst(%dma_wait3A_55 : memref<20096x64xf32, #tpu.memory_space<vmem_shared>>)
        tpu.yield
      }) : () -> ()
    }
    %scan3A_11 = arith.constant 125 : i32
    %barrier3A_12 = arith.constant 0 : index
    tpu.barrier barrier_id(%barrier3A_12)
    %mul3A_13 = arith.constant 1256 : i32
    %mul3A_14 = arith.muli %arg1, %mul3A_13 : i32
    %mul3A_15 = arith.constant 1256 : i32
    %mul3A_16 = arith.muli %arg1, %mul3A_15 : i32
    "tpu.region"() ({
      %run_scoped3A = tpu.sem_alloc : memref<!tpu.dma_semaphore, #tpu.memory_space<semaphore_mem>>
      %dma_start3A_17 = arith.constant 0 : i32
      %dma_start3A_18 = tpu.memref_slice %arg6[%arg0, %mul3A_16, %dma_start3A_17] : memref<2x20096x64xf32, #tpu.memory_space<hbm>> -> memref<1x1256x64xf32, #tpu.memory_space<hbm>>
      %dma_start3A_19 = tpu.memref_squeeze %dma_start3A_18 : memref<1x1256x64xf32, #tpu.memory_space<hbm>> -> memref<1256x64xf32, #tpu.memory_space<hbm>>
      %dma_start3A_20 = arith.constant 0 : i32
      %dma_start3A_21 = tpu.memref_slice %arg11[%mul3A_14, %dma_start3A_20] : memref<20096x64xf32, #tpu.memory_space<vmem_shared>> -> memref<1256x64xf32, #tpu.memory_space<vmem_shared>>
      tpu.enqueue_dma source(%dma_start3A_21 : memref<1256x64xf32, #tpu.memory_space<vmem_shared>>) target(%dma_start3A_19 : memref<1256x64xf32, #tpu.memory_space<hbm>>) target_semaphore(%run_scoped3A : memref<!tpu.dma_semaphore, #tpu.memory_space<semaphore_mem>>)
      %dma_wait3A = arith.constant 0 : i32
      %dma_wait3A_22 = tpu.memref_slice %arg6[%arg0, %mul3A_16, %dma_wait3A] : memref<2x20096x64xf32, #tpu.memory_space<hbm>> -> memref<1x1256x64xf32, #tpu.memory_space<hbm>>
      %dma_wait3A_23 = tpu.memref_squeeze %dma_wait3A_22 : memref<1x1256x64xf32, #tpu.memory_space<hbm>> -> memref<1256x64xf32, #tpu.memory_space<hbm>>
      %dma_wait3A_24 = arith.constant 0 : i32
      %dma_wait3A_25 = tpu.memref_slice %arg11[%mul3A_14, %dma_wait3A_24] : memref<20096x64xf32, #tpu.memory_space<vmem_shared>> -> memref<1256x64xf32, #tpu.memory_space<vmem_shared>>
      tpu.wait_dma2 semaphore(%run_scoped3A : memref<!tpu.dma_semaphore, #tpu.memory_space<semaphore_mem>>) src(%dma_wait3A_25 : memref<1256x64xf32, #tpu.memory_space<vmem_shared>>) dst(%dma_wait3A_23 : memref<1256x64xf32, #tpu.memory_space<hbm>>)
      tpu.yield
    }) : () -> ()
    return
  }
}

#map = affine_map<(d0, d1) -> (0, 0)>
#map1 = affine_map<(d0, d1) -> (0, 0, 0, 0)>
#map2 = affine_map<(d0, d1) -> (0, 0, 0)>
module attributes {stable_mosaic.version = 14 : i64} {
  func.func @kern(%arg0: i32, %arg1: i32, %arg2: memref<640000x48xf32, #tpu.memory_space<hbm>>, %arg3: memref<2x16x250x80xi32, #tpu.memory_space<hbm>>, %arg4: memref<1256x48xf32, #tpu.memory_space<hbm>>, %arg5: memref<2x20096x48xf32, #tpu.memory_space<hbm>>, %arg6: memref<250x80xi32, #tpu.memory_space<vmem>>, %arg7: memref<80x48xf32, #tpu.memory_space<vmem>>, %arg8: memref<80x48xf32, #tpu.memory_space<vmem>>, %arg9: memref<20096x48xf32, #tpu.memory_space<vmem_shared>>, %arg10: memref<!tpu.dma_semaphore, #tpu.memory_space<semaphore_mem>>, %arg11: memref<!tpu.dma_semaphore, #tpu.memory_space<semaphore_mem>>) attributes {dimension_semantics = [#tpu.dimension_semantics<core_parallel>, #tpu.dimension_semantics<subcore_parallel>], iteration_bounds = array<i64: 2, 16>, scalar_prefetch = 0 : i64, scratch_operands = 6 : i64, tpu.core_type = #tpu.core_type<sc_vector_subcore>, window_params = [{transform_indices = #map}, {transform_indices = #map1}, {transform_indices = #map}, {transform_indices = #map2}]} {
    %mul3A = arith.constant 1256 : i32
    %mul3A_0 = arith.muli %arg1, %mul3A : i32
    "tpu.region"() ({
      %run_scoped3A = tpu.sem_alloc : memref<!tpu.dma_semaphore, #tpu.memory_space<semaphore_mem>>
      %dma_start3A_18 = arith.constant 0 : i32
      %dma_start3A_19 = tpu.memref_slice %arg9[%mul3A_0, %dma_start3A_18] : memref<20096x48xf32, #tpu.memory_space<vmem_shared>> -> memref<1256x48xf32, #tpu.memory_space<vmem_shared>>
      tpu.enqueue_dma source(%arg4 : memref<1256x48xf32, #tpu.memory_space<hbm>>) target(%dma_start3A_19 : memref<1256x48xf32, #tpu.memory_space<vmem_shared>>) target_semaphore(%run_scoped3A : memref<!tpu.dma_semaphore, #tpu.memory_space<semaphore_mem>>)
      %dma_wait3A = arith.constant 0 : i32
      %dma_wait3A_20 = tpu.memref_slice %arg9[%mul3A_0, %dma_wait3A] : memref<20096x48xf32, #tpu.memory_space<vmem_shared>> -> memref<1256x48xf32, #tpu.memory_space<vmem_shared>>
      tpu.wait_dma2 semaphore(%run_scoped3A : memref<!tpu.dma_semaphore, #tpu.memory_space<semaphore_mem>>) src(%arg4 : memref<1256x48xf32, #tpu.memory_space<hbm>>) dst(%dma_wait3A_20 : memref<1256x48xf32, #tpu.memory_space<vmem_shared>>)
      tpu.yield
    }) : () -> ()
    "tpu.region"() ({
      %run_scoped3A = tpu.sem_alloc : memref<!tpu.dma_semaphore, #tpu.memory_space<semaphore_mem>>
      %dma_start3A_18 = arith.constant 0 : i32
      %dma_start3A_19 = arith.constant 0 : i32
      %dma_start3A_20 = tpu.memref_slice %arg3[%arg0, %arg1, %dma_start3A_18, %dma_start3A_19] : memref<2x16x250x80xi32, #tpu.memory_space<hbm>> -> memref<1x1x250x80xi32, #tpu.memory_space<hbm>>
      %dma_start3A_21 = tpu.memref_squeeze %dma_start3A_20 : memref<1x1x250x80xi32, #tpu.memory_space<hbm>> -> memref<250x80xi32, #tpu.memory_space<hbm>>
      %dma_start3A_22 = arith.constant 0 : i32
      %dma_start3A_23 = arith.constant 0 : i32
      %dma_start3A_24 = tpu.memref_slice %arg3[%arg0, %arg1, %dma_start3A_22, %dma_start3A_23] : memref<2x16x250x80xi32, #tpu.memory_space<hbm>> -> memref<1x1x250x80xi32, #tpu.memory_space<hbm>>
      %dma_start3A_25 = tpu.memref_squeeze %dma_start3A_24 : memref<1x1x250x80xi32, #tpu.memory_space<hbm>> -> memref<250x80xi32, #tpu.memory_space<hbm>>
      tpu.enqueue_dma source(%dma_start3A_25 : memref<250x80xi32, #tpu.memory_space<hbm>>) target(%arg6 : memref<250x80xi32, #tpu.memory_space<vmem>>) target_semaphore(%run_scoped3A : memref<!tpu.dma_semaphore, #tpu.memory_space<semaphore_mem>>)
      %dma_wait3A = arith.constant 0 : i32
      %dma_wait3A_26 = arith.constant 0 : i32
      %dma_wait3A_27 = tpu.memref_slice %arg3[%arg0, %arg1, %dma_wait3A, %dma_wait3A_26] : memref<2x16x250x80xi32, #tpu.memory_space<hbm>> -> memref<1x1x250x80xi32, #tpu.memory_space<hbm>>
      %dma_wait3A_28 = tpu.memref_squeeze %dma_wait3A_27 : memref<1x1x250x80xi32, #tpu.memory_space<hbm>> -> memref<250x80xi32, #tpu.memory_space<hbm>>
      %dma_wait3A_29 = arith.constant 0 : i32
      %dma_wait3A_30 = arith.constant 0 : i32
      %dma_wait3A_31 = tpu.memref_slice %arg3[%arg0, %arg1, %dma_wait3A_29, %dma_wait3A_30] : memref<2x16x250x80xi32, #tpu.memory_space<hbm>> -> memref<1x1x250x80xi32, #tpu.memory_space<hbm>>
      %dma_wait3A_32 = tpu.memref_squeeze %dma_wait3A_31 : memref<1x1x250x80xi32, #tpu.memory_space<hbm>> -> memref<250x80xi32, #tpu.memory_space<hbm>>
      tpu.wait_dma2 semaphore(%run_scoped3A : memref<!tpu.dma_semaphore, #tpu.memory_space<semaphore_mem>>) src(%dma_wait3A_32 : memref<250x80xi32, #tpu.memory_space<hbm>>) dst(%arg6 : memref<250x80xi32, #tpu.memory_space<vmem>>)
      tpu.yield
    }) : () -> ()
    %barrier3A = arith.constant 0 : index
    tpu.barrier barrier_id(%barrier3A)
    %mul3A_1 = arith.constant 16 : i32
    %mul3A_2 = arith.muli %arg0, %mul3A_1 : i32
    %add3A = arith.addi %mul3A_2, %arg1 : i32
    %mul3A_3 = arith.constant 20000 : i32
    %mul3A_4 = arith.muli %add3A, %mul3A_3 : i32
    %dma_start3A = arith.constant 0 : i32
    %dma_start3A_5 = tpu.memref_slice %arg2[%mul3A_4, %dma_start3A] : memref<640000x48xf32, #tpu.memory_space<hbm>> -> memref<80x48xf32, #tpu.memory_space<hbm>>
    %dma_start3A_6 = arith.constant 0 : i32
    %dma_start3A_7 = tpu.memref_slice %arg2[%mul3A_4, %dma_start3A_6] : memref<640000x48xf32, #tpu.memory_space<hbm>> -> memref<80x48xf32, #tpu.memory_space<hbm>>
    tpu.enqueue_dma source(%dma_start3A_7 : memref<80x48xf32, #tpu.memory_space<hbm>>) target(%arg7 : memref<80x48xf32, #tpu.memory_space<vmem>>) target_semaphore(%arg10 : memref<!tpu.dma_semaphore, #tpu.memory_space<semaphore_mem>>)
    %scan3A = arith.constant 0 : i32
    %scan3A_8 = arith.constant 0 : i32
    %scan3A_9 = arith.constant 125 : i32
    %scan3A_10 = arith.addi %scan3A_8, %scan3A_9 : i32
    %scan3A_11 = arith.constant 1 : i32
    scf.for %scan3A_18 = %scan3A_8 to %scan3A_10 step %scan3A_11  : i32 {
      %mul3A_19 = arith.constant 2 : i32
      %mul3A_20 = arith.muli %mul3A_19, %scan3A_18 : i32
      %mul3A_21 = arith.constant 2 : i32
      %mul3A_22 = arith.muli %mul3A_21, %scan3A_18 : i32
      %add3A_23 = arith.constant 1 : i32
      %add3A_24 = arith.addi %mul3A_22, %add3A_23 : i32
      %mul3A_25 = arith.constant 80 : i32
      %mul3A_26 = arith.muli %add3A_24, %mul3A_25 : i32
      %add3A_27 = arith.addi %mul3A_4, %mul3A_26 : i32
      %dma_start3A_28 = arith.constant 0 : i32
      %dma_start3A_29 = tpu.memref_slice %arg2[%add3A_27, %dma_start3A_28] : memref<640000x48xf32, #tpu.memory_space<hbm>> -> memref<80x48xf32, #tpu.memory_space<hbm>>
      %dma_start3A_30 = arith.constant 0 : i32
      %dma_start3A_31 = tpu.memref_slice %arg2[%add3A_27, %dma_start3A_30] : memref<640000x48xf32, #tpu.memory_space<hbm>> -> memref<80x48xf32, #tpu.memory_space<hbm>>
      tpu.enqueue_dma source(%dma_start3A_31 : memref<80x48xf32, #tpu.memory_space<hbm>>) target(%arg8 : memref<80x48xf32, #tpu.memory_space<vmem>>) target_semaphore(%arg11 : memref<!tpu.dma_semaphore, #tpu.memory_space<semaphore_mem>>)
      %mul3A_32 = arith.constant 80 : i32
      %mul3A_33 = arith.muli %mul3A_20, %mul3A_32 : i32
      %add3A_34 = arith.addi %mul3A_4, %mul3A_33 : i32
      %dma_wait3A = arith.constant 0 : i32
      %dma_wait3A_35 = tpu.memref_slice %arg2[%add3A_34, %dma_wait3A] : memref<640000x48xf32, #tpu.memory_space<hbm>> -> memref<80x48xf32, #tpu.memory_space<hbm>>
      %dma_wait3A_36 = arith.constant 0 : i32
      %dma_wait3A_37 = tpu.memref_slice %arg2[%add3A_34, %dma_wait3A_36] : memref<640000x48xf32, #tpu.memory_space<hbm>> -> memref<80x48xf32, #tpu.memory_space<hbm>>
      tpu.wait_dma2 semaphore(%arg10 : memref<!tpu.dma_semaphore, #tpu.memory_space<semaphore_mem>>) src(%dma_wait3A_37 : memref<80x48xf32, #tpu.memory_space<hbm>>) dst(%arg7 : memref<80x48xf32, #tpu.memory_space<vmem>>)
      "tpu.region"() ({
        %run_scoped3A = tpu.sem_alloc : memref<!tpu.dma_semaphore, #tpu.memory_space<semaphore_mem>>
        %dma_start3A_49 = arith.constant 0 : i32
        %dma_start3A_50 = tpu.memref_slice %arg6[%mul3A_20, %dma_start3A_49] : memref<250x80xi32, #tpu.memory_space<vmem>> -> memref<1x80xi32, #tpu.memory_space<vmem>>
        %dma_start3A_51 = tpu.memref_squeeze %dma_start3A_50 : memref<1x80xi32, #tpu.memory_space<vmem>> -> memref<80xi32, #tpu.memory_space<vmem>>
        %dma_start3A_52 = arith.constant 0 : i32
        %dma_start3A_53 = arith.constant 0 : i32
        %dma_start3A_54 = tpu.memref_slice %arg9[%dma_start3A_52, %dma_start3A_53] : memref<20096x48xf32, #tpu.memory_space<vmem_shared>> -> memref<20096x48xf32, #tpu.memory_space<vmem_shared>>
        tpu.enqueue_indirect_dma source(%arg7 : memref<80x48xf32, #tpu.memory_space<vmem>>) target(%dma_start3A_54 : memref<20096x48xf32, #tpu.memory_space<vmem_shared>>) offsets(%dma_start3A_51 : memref<80xi32, #tpu.memory_space<vmem>>) semaphore(%run_scoped3A : memref<!tpu.dma_semaphore, #tpu.memory_space<semaphore_mem>>) {add = true}
        %dma_wait3A_55 = arith.constant 0 : i32
        %dma_wait3A_56 = tpu.memref_slice %arg6[%mul3A_20, %dma_wait3A_55] : memref<250x80xi32, #tpu.memory_space<vmem>> -> memref<1x80xi32, #tpu.memory_space<vmem>>
        %dma_wait3A_57 = tpu.memref_squeeze %dma_wait3A_56 : memref<1x80xi32, #tpu.memory_space<vmem>> -> memref<80xi32, #tpu.memory_space<vmem>>
        %dma_wait3A_58 = arith.constant 0 : i32
        %dma_wait3A_59 = arith.constant 0 : i32
        %dma_wait3A_60 = tpu.memref_slice %arg9[%dma_wait3A_58, %dma_wait3A_59] : memref<20096x48xf32, #tpu.memory_space<vmem_shared>> -> memref<20096x48xf32, #tpu.memory_space<vmem_shared>>
        tpu.wait_indirect_dma semaphore(%run_scoped3A : memref<!tpu.dma_semaphore, #tpu.memory_space<semaphore_mem>>) src(%arg7 : memref<80x48xf32, #tpu.memory_space<vmem>>) dst(%dma_wait3A_60 : memref<20096x48xf32, #tpu.memory_space<vmem_shared>>)
        tpu.yield
      }) : () -> ()
      %add3A_38 = arith.constant 1 : i32
      %add3A_39 = arith.addi %add3A_24, %add3A_38 : i32
      %lt3A = arith.constant 250 : i32
      %lt3A_40 = arith.cmpi slt, %add3A_39, %lt3A : i32
      %convert_element_type3A = arith.extui %lt3A_40 : i1 to i32
      %cond3A = arith.constant 0 : i32
      %cond3A_41 = arith.cmpi ne, %convert_element_type3A, %cond3A : i32
      scf.if %cond3A_41 {
        %add3A_49 = arith.constant 1 : i32
        %add3A_50 = arith.addi %add3A_24, %add3A_49 : i32
        %mul3A_51 = arith.constant 80 : i32
        %mul3A_52 = arith.muli %add3A_50, %mul3A_51 : i32
        %add3A_53 = arith.addi %mul3A_4, %mul3A_52 : i32
        %dma_start3A_54 = arith.constant 0 : i32
        %dma_start3A_55 = tpu.memref_slice %arg2[%add3A_53, %dma_start3A_54] : memref<640000x48xf32, #tpu.memory_space<hbm>> -> memref<80x48xf32, #tpu.memory_space<hbm>>
        %dma_start3A_56 = arith.constant 0 : i32
        %dma_start3A_57 = tpu.memref_slice %arg2[%add3A_53, %dma_start3A_56] : memref<640000x48xf32, #tpu.memory_space<hbm>> -> memref<80x48xf32, #tpu.memory_space<hbm>>
        tpu.enqueue_dma source(%dma_start3A_57 : memref<80x48xf32, #tpu.memory_space<hbm>>) target(%arg7 : memref<80x48xf32, #tpu.memory_space<vmem>>) target_semaphore(%arg10 : memref<!tpu.dma_semaphore, #tpu.memory_space<semaphore_mem>>)
      } else {
      }
      %mul3A_42 = arith.constant 80 : i32
      %mul3A_43 = arith.muli %add3A_24, %mul3A_42 : i32
      %add3A_44 = arith.addi %mul3A_4, %mul3A_43 : i32
      %dma_wait3A_45 = arith.constant 0 : i32
      %dma_wait3A_46 = tpu.memref_slice %arg2[%add3A_44, %dma_wait3A_45] : memref<640000x48xf32, #tpu.memory_space<hbm>> -> memref<80x48xf32, #tpu.memory_space<hbm>>
      %dma_wait3A_47 = arith.constant 0 : i32
      %dma_wait3A_48 = tpu.memref_slice %arg2[%add3A_44, %dma_wait3A_47] : memref<640000x48xf32, #tpu.memory_space<hbm>> -> memref<80x48xf32, #tpu.memory_space<hbm>>
      tpu.wait_dma2 semaphore(%arg11 : memref<!tpu.dma_semaphore, #tpu.memory_space<semaphore_mem>>) src(%dma_wait3A_48 : memref<80x48xf32, #tpu.memory_space<hbm>>) dst(%arg8 : memref<80x48xf32, #tpu.memory_space<vmem>>)
      "tpu.region"() ({
        %run_scoped3A = tpu.sem_alloc : memref<!tpu.dma_semaphore, #tpu.memory_space<semaphore_mem>>
        %dma_start3A_49 = arith.constant 0 : i32
        %dma_start3A_50 = tpu.memref_slice %arg6[%add3A_24, %dma_start3A_49] : memref<250x80xi32, #tpu.memory_space<vmem>> -> memref<1x80xi32, #tpu.memory_space<vmem>>
        %dma_start3A_51 = tpu.memref_squeeze %dma_start3A_50 : memref<1x80xi32, #tpu.memory_space<vmem>> -> memref<80xi32, #tpu.memory_space<vmem>>
        %dma_start3A_52 = arith.constant 0 : i32
        %dma_start3A_53 = arith.constant 0 : i32
        %dma_start3A_54 = tpu.memref_slice %arg9[%dma_start3A_52, %dma_start3A_53] : memref<20096x48xf32, #tpu.memory_space<vmem_shared>> -> memref<20096x48xf32, #tpu.memory_space<vmem_shared>>
        tpu.enqueue_indirect_dma source(%arg8 : memref<80x48xf32, #tpu.memory_space<vmem>>) target(%dma_start3A_54 : memref<20096x48xf32, #tpu.memory_space<vmem_shared>>) offsets(%dma_start3A_51 : memref<80xi32, #tpu.memory_space<vmem>>) semaphore(%run_scoped3A : memref<!tpu.dma_semaphore, #tpu.memory_space<semaphore_mem>>) {add = true}
        %dma_wait3A_55 = arith.constant 0 : i32
        %dma_wait3A_56 = tpu.memref_slice %arg6[%add3A_24, %dma_wait3A_55] : memref<250x80xi32, #tpu.memory_space<vmem>> -> memref<1x80xi32, #tpu.memory_space<vmem>>
        %dma_wait3A_57 = tpu.memref_squeeze %dma_wait3A_56 : memref<1x80xi32, #tpu.memory_space<vmem>> -> memref<80xi32, #tpu.memory_space<vmem>>
        %dma_wait3A_58 = arith.constant 0 : i32
        %dma_wait3A_59 = arith.constant 0 : i32
        %dma_wait3A_60 = tpu.memref_slice %arg9[%dma_wait3A_58, %dma_wait3A_59] : memref<20096x48xf32, #tpu.memory_space<vmem_shared>> -> memref<20096x48xf32, #tpu.memory_space<vmem_shared>>
        tpu.wait_indirect_dma semaphore(%run_scoped3A : memref<!tpu.dma_semaphore, #tpu.memory_space<semaphore_mem>>) src(%arg8 : memref<80x48xf32, #tpu.memory_space<vmem>>) dst(%dma_wait3A_60 : memref<20096x48xf32, #tpu.memory_space<vmem_shared>>)
        tpu.yield
      }) : () -> ()
    }
    %scan3A_12 = arith.constant 125 : i32
    %barrier3A_13 = arith.constant 0 : index
    tpu.barrier barrier_id(%barrier3A_13)
    %mul3A_14 = arith.constant 1256 : i32
    %mul3A_15 = arith.muli %arg1, %mul3A_14 : i32
    %mul3A_16 = arith.constant 1256 : i32
    %mul3A_17 = arith.muli %arg1, %mul3A_16 : i32
    "tpu.region"() ({
      %run_scoped3A = tpu.sem_alloc : memref<!tpu.dma_semaphore, #tpu.memory_space<semaphore_mem>>
      %dma_start3A_18 = arith.constant 0 : i32
      %dma_start3A_19 = tpu.memref_slice %arg5[%arg0, %mul3A_17, %dma_start3A_18] : memref<2x20096x48xf32, #tpu.memory_space<hbm>> -> memref<1x1256x48xf32, #tpu.memory_space<hbm>>
      %dma_start3A_20 = tpu.memref_squeeze %dma_start3A_19 : memref<1x1256x48xf32, #tpu.memory_space<hbm>> -> memref<1256x48xf32, #tpu.memory_space<hbm>>
      %dma_start3A_21 = arith.constant 0 : i32
      %dma_start3A_22 = tpu.memref_slice %arg9[%mul3A_15, %dma_start3A_21] : memref<20096x48xf32, #tpu.memory_space<vmem_shared>> -> memref<1256x48xf32, #tpu.memory_space<vmem_shared>>
      tpu.enqueue_dma source(%dma_start3A_22 : memref<1256x48xf32, #tpu.memory_space<vmem_shared>>) target(%dma_start3A_20 : memref<1256x48xf32, #tpu.memory_space<hbm>>) target_semaphore(%run_scoped3A : memref<!tpu.dma_semaphore, #tpu.memory_space<semaphore_mem>>)
      %dma_wait3A = arith.constant 0 : i32
      %dma_wait3A_23 = tpu.memref_slice %arg5[%arg0, %mul3A_17, %dma_wait3A] : memref<2x20096x48xf32, #tpu.memory_space<hbm>> -> memref<1x1256x48xf32, #tpu.memory_space<hbm>>
      %dma_wait3A_24 = tpu.memref_squeeze %dma_wait3A_23 : memref<1x1256x48xf32, #tpu.memory_space<hbm>> -> memref<1256x48xf32, #tpu.memory_space<hbm>>
      %dma_wait3A_25 = arith.constant 0 : i32
      %dma_wait3A_26 = tpu.memref_slice %arg9[%mul3A_15, %dma_wait3A_25] : memref<20096x48xf32, #tpu.memory_space<vmem_shared>> -> memref<1256x48xf32, #tpu.memory_space<vmem_shared>>
      tpu.wait_dma2 semaphore(%run_scoped3A : memref<!tpu.dma_semaphore, #tpu.memory_space<semaphore_mem>>) src(%dma_wait3A_26 : memref<1256x48xf32, #tpu.memory_space<vmem_shared>>) dst(%dma_wait3A_24 : memref<1256x48xf32, #tpu.memory_space<hbm>>)
      tpu.yield
    }) : () -> ()
    return
  }
}

#map = affine_map<(d0, d1) -> (0, 0)>
#map1 = affine_map<(d0, d1) -> (0, 0, 0, 0)>
#map2 = affine_map<(d0, d1) -> (0, 0, 0)>
#map3 = affine_map<(d0, d1) -> (0)>
module attributes {stable_mosaic.version = 14 : i64} {
  func.func @kern(%arg0: i32, %arg1: i32, %arg2: memref<10000x80xf32, #tpu.memory_space<hbm>>, %arg3: memref<2x16x250x80xi32, #tpu.memory_space<hbm>>, %arg4: memref<2x16x250x80xi32, #tpu.memory_space<hbm>>, %arg5: memref<2x16x20000xf32, #tpu.memory_space<hbm>>, %arg6: memref<10000xf32, #tpu.memory_space<hbm>>, %arg7: memref<10000xf32, #tpu.memory_space<hbm>>, %arg8: memref<632x80xf32, #tpu.memory_space<hbm>>, %arg9: memref<2x10112x80xf32, #tpu.memory_space<hbm>>, %arg10: memref<250x80xi32, #tpu.memory_space<vmem>>, %arg11: memref<250x80xi32, #tpu.memory_space<vmem>>, %arg12: memref<80xf32, #tpu.memory_space<vmem>>, %arg13: memref<80xf32, #tpu.memory_space<vmem>>, %arg14: memref<10000xf32, #tpu.memory_space<vmem>>, %arg15: memref<10000xf32, #tpu.memory_space<vmem>>, %arg16: memref<80xf32, #tpu.memory_space<vmem>>, %arg17: memref<80x80xf32, #tpu.memory_space<vmem>>, %arg18: memref<80x80xf32, #tpu.memory_space<vmem>>, %arg19: memref<10112x80xf32, #tpu.memory_space<vmem_shared>>, %arg20: memref<!tpu.dma_semaphore, #tpu.memory_space<semaphore_mem>>, %arg21: memref<!tpu.dma_semaphore, #tpu.memory_space<semaphore_mem>>, %arg22: memref<!tpu.dma_semaphore, #tpu.memory_space<semaphore_mem>>, %arg23: memref<!tpu.dma_semaphore, #tpu.memory_space<semaphore_mem>>) attributes {dimension_semantics = [#tpu.dimension_semantics<core_parallel>, #tpu.dimension_semantics<subcore_parallel>], iteration_bounds = array<i64: 2, 16>, scalar_prefetch = 0 : i64, scratch_operands = 14 : i64, tpu.core_type = #tpu.core_type<sc_vector_subcore>, window_params = [{transform_indices = #map}, {transform_indices = #map1}, {transform_indices = #map1}, {transform_indices = #map2}, {transform_indices = #map3}, {transform_indices = #map3}, {transform_indices = #map}, {transform_indices = #map2}]} {
    %mul3A = arith.constant 632 : i32
    %mul3A_0 = arith.muli %arg1, %mul3A : i32
    "tpu.region"() ({
      %run_scoped3A = tpu.sem_alloc : memref<!tpu.dma_semaphore, #tpu.memory_space<semaphore_mem>>
      %dma_start3A_27 = arith.constant 0 : i32
      %dma_start3A_28 = tpu.memref_slice %arg19[%mul3A_0, %dma_start3A_27] : memref<10112x80xf32, #tpu.memory_space<vmem_shared>> -> memref<632x80xf32, #tpu.memory_space<vmem_shared>>
      tpu.enqueue_dma source(%arg8 : memref<632x80xf32, #tpu.memory_space<hbm>>) target(%dma_start3A_28 : memref<632x80xf32, #tpu.memory_space<vmem_shared>>) target_semaphore(%run_scoped3A : memref<!tpu.dma_semaphore, #tpu.memory_space<semaphore_mem>>)
      %dma_wait3A = arith.constant 0 : i32
      %dma_wait3A_29 = tpu.memref_slice %arg19[%mul3A_0, %dma_wait3A] : memref<10112x80xf32, #tpu.memory_space<vmem_shared>> -> memref<632x80xf32, #tpu.memory_space<vmem_shared>>
      tpu.wait_dma2 semaphore(%run_scoped3A : memref<!tpu.dma_semaphore, #tpu.memory_space<semaphore_mem>>) src(%arg8 : memref<632x80xf32, #tpu.memory_space<hbm>>) dst(%dma_wait3A_29 : memref<632x80xf32, #tpu.memory_space<vmem_shared>>)
      tpu.yield
    }) : () -> ()
    "tpu.region"() ({
      %run_scoped3A = tpu.sem_alloc : memref<!tpu.dma_semaphore, #tpu.memory_space<semaphore_mem>>
      %dma_start3A_27 = arith.constant 0 : i32
      %dma_start3A_28 = arith.constant 0 : i32
      %dma_start3A_29 = tpu.memref_slice %arg3[%arg0, %arg1, %dma_start3A_27, %dma_start3A_28] : memref<2x16x250x80xi32, #tpu.memory_space<hbm>> -> memref<1x1x250x80xi32, #tpu.memory_space<hbm>>
      %dma_start3A_30 = tpu.memref_squeeze %dma_start3A_29 : memref<1x1x250x80xi32, #tpu.memory_space<hbm>> -> memref<250x80xi32, #tpu.memory_space<hbm>>
      %dma_start3A_31 = arith.constant 0 : i32
      %dma_start3A_32 = arith.constant 0 : i32
      %dma_start3A_33 = tpu.memref_slice %arg3[%arg0, %arg1, %dma_start3A_31, %dma_start3A_32] : memref<2x16x250x80xi32, #tpu.memory_space<hbm>> -> memref<1x1x250x80xi32, #tpu.memory_space<hbm>>
      %dma_start3A_34 = tpu.memref_squeeze %dma_start3A_33 : memref<1x1x250x80xi32, #tpu.memory_space<hbm>> -> memref<250x80xi32, #tpu.memory_space<hbm>>
      tpu.enqueue_dma source(%dma_start3A_34 : memref<250x80xi32, #tpu.memory_space<hbm>>) target(%arg10 : memref<250x80xi32, #tpu.memory_space<vmem>>) target_semaphore(%run_scoped3A : memref<!tpu.dma_semaphore, #tpu.memory_space<semaphore_mem>>)
      %dma_wait3A = arith.constant 0 : i32
      %dma_wait3A_35 = arith.constant 0 : i32
      %dma_wait3A_36 = tpu.memref_slice %arg3[%arg0, %arg1, %dma_wait3A, %dma_wait3A_35] : memref<2x16x250x80xi32, #tpu.memory_space<hbm>> -> memref<1x1x250x80xi32, #tpu.memory_space<hbm>>
      %dma_wait3A_37 = tpu.memref_squeeze %dma_wait3A_36 : memref<1x1x250x80xi32, #tpu.memory_space<hbm>> -> memref<250x80xi32, #tpu.memory_space<hbm>>
      %dma_wait3A_38 = arith.constant 0 : i32
      %dma_wait3A_39 = arith.constant 0 : i32
      %dma_wait3A_40 = tpu.memref_slice %arg3[%arg0, %arg1, %dma_wait3A_38, %dma_wait3A_39] : memref<2x16x250x80xi32, #tpu.memory_space<hbm>> -> memref<1x1x250x80xi32, #tpu.memory_space<hbm>>
      %dma_wait3A_41 = tpu.memref_squeeze %dma_wait3A_40 : memref<1x1x250x80xi32, #tpu.memory_space<hbm>> -> memref<250x80xi32, #tpu.memory_space<hbm>>
      tpu.wait_dma2 semaphore(%run_scoped3A : memref<!tpu.dma_semaphore, #tpu.memory_space<semaphore_mem>>) src(%dma_wait3A_41 : memref<250x80xi32, #tpu.memory_space<hbm>>) dst(%arg10 : memref<250x80xi32, #tpu.memory_space<vmem>>)
      tpu.yield
    }) : () -> ()
    "tpu.region"() ({
      %run_scoped3A = tpu.sem_alloc : memref<!tpu.dma_semaphore, #tpu.memory_space<semaphore_mem>>
      %dma_start3A_27 = arith.constant 0 : i32
      %dma_start3A_28 = arith.constant 0 : i32
      %dma_start3A_29 = tpu.memref_slice %arg4[%arg0, %arg1, %dma_start3A_27, %dma_start3A_28] : memref<2x16x250x80xi32, #tpu.memory_space<hbm>> -> memref<1x1x250x80xi32, #tpu.memory_space<hbm>>
      %dma_start3A_30 = tpu.memref_squeeze %dma_start3A_29 : memref<1x1x250x80xi32, #tpu.memory_space<hbm>> -> memref<250x80xi32, #tpu.memory_space<hbm>>
      %dma_start3A_31 = arith.constant 0 : i32
      %dma_start3A_32 = arith.constant 0 : i32
      %dma_start3A_33 = tpu.memref_slice %arg4[%arg0, %arg1, %dma_start3A_31, %dma_start3A_32] : memref<2x16x250x80xi32, #tpu.memory_space<hbm>> -> memref<1x1x250x80xi32, #tpu.memory_space<hbm>>
      %dma_start3A_34 = tpu.memref_squeeze %dma_start3A_33 : memref<1x1x250x80xi32, #tpu.memory_space<hbm>> -> memref<250x80xi32, #tpu.memory_space<hbm>>
      tpu.enqueue_dma source(%dma_start3A_34 : memref<250x80xi32, #tpu.memory_space<hbm>>) target(%arg11 : memref<250x80xi32, #tpu.memory_space<vmem>>) target_semaphore(%run_scoped3A : memref<!tpu.dma_semaphore, #tpu.memory_space<semaphore_mem>>)
      %dma_wait3A = arith.constant 0 : i32
      %dma_wait3A_35 = arith.constant 0 : i32
      %dma_wait3A_36 = tpu.memref_slice %arg4[%arg0, %arg1, %dma_wait3A, %dma_wait3A_35] : memref<2x16x250x80xi32, #tpu.memory_space<hbm>> -> memref<1x1x250x80xi32, #tpu.memory_space<hbm>>
      %dma_wait3A_37 = tpu.memref_squeeze %dma_wait3A_36 : memref<1x1x250x80xi32, #tpu.memory_space<hbm>> -> memref<250x80xi32, #tpu.memory_space<hbm>>
      %dma_wait3A_38 = arith.constant 0 : i32
      %dma_wait3A_39 = arith.constant 0 : i32
      %dma_wait3A_40 = tpu.memref_slice %arg4[%arg0, %arg1, %dma_wait3A_38, %dma_wait3A_39] : memref<2x16x250x80xi32, #tpu.memory_space<hbm>> -> memref<1x1x250x80xi32, #tpu.memory_space<hbm>>
      %dma_wait3A_41 = tpu.memref_squeeze %dma_wait3A_40 : memref<1x1x250x80xi32, #tpu.memory_space<hbm>> -> memref<250x80xi32, #tpu.memory_space<hbm>>
      tpu.wait_dma2 semaphore(%run_scoped3A : memref<!tpu.dma_semaphore, #tpu.memory_space<semaphore_mem>>) src(%dma_wait3A_41 : memref<250x80xi32, #tpu.memory_space<hbm>>) dst(%arg11 : memref<250x80xi32, #tpu.memory_space<vmem>>)
      tpu.yield
    }) : () -> ()
    "tpu.region"() ({
      %run_scoped3A = tpu.sem_alloc : memref<!tpu.dma_semaphore, #tpu.memory_space<semaphore_mem>>
      tpu.enqueue_dma source(%arg6 : memref<10000xf32, #tpu.memory_space<hbm>>) target(%arg14 : memref<10000xf32, #tpu.memory_space<vmem>>) target_semaphore(%run_scoped3A : memref<!tpu.dma_semaphore, #tpu.memory_space<semaphore_mem>>)
      tpu.wait_dma2 semaphore(%run_scoped3A : memref<!tpu.dma_semaphore, #tpu.memory_space<semaphore_mem>>) src(%arg6 : memref<10000xf32, #tpu.memory_space<hbm>>) dst(%arg14 : memref<10000xf32, #tpu.memory_space<vmem>>)
      tpu.yield
    }) : () -> ()
    "tpu.region"() ({
      %run_scoped3A = tpu.sem_alloc : memref<!tpu.dma_semaphore, #tpu.memory_space<semaphore_mem>>
      tpu.enqueue_dma source(%arg7 : memref<10000xf32, #tpu.memory_space<hbm>>) target(%arg15 : memref<10000xf32, #tpu.memory_space<vmem>>) target_semaphore(%run_scoped3A : memref<!tpu.dma_semaphore, #tpu.memory_space<semaphore_mem>>)
      tpu.wait_dma2 semaphore(%run_scoped3A : memref<!tpu.dma_semaphore, #tpu.memory_space<semaphore_mem>>) src(%arg7 : memref<10000xf32, #tpu.memory_space<hbm>>) dst(%arg15 : memref<10000xf32, #tpu.memory_space<vmem>>)
      tpu.yield
    }) : () -> ()
    %barrier3A = arith.constant 0 : index
    tpu.barrier barrier_id(%barrier3A)
    %iota3A = tpu.iota {dimensions = array<i32: 0>} : vector<16xi32>
    %eq3A = arith.constant 0 : i32
    %eq3A_1 = vector.broadcast %eq3A : i32 to vector<16xi32>
    %eq3A_2 = arith.cmpi eq, %iota3A, %eq3A_1 : vector<16xi32>
    %jit3A = arith.constant 1.000000e+00 : f32
    %jit3A_3 = arith.constant 0.000000e+00 : f32
    %broadcast_in_dim3A = vector.broadcast %jit3A : f32 to vector<16xf32>
    %broadcast_in_dim3A_4 = vector.broadcast %jit3A_3 : f32 to vector<16xf32>
    %select_n3A = arith.select %eq3A_2, %broadcast_in_dim3A, %broadcast_in_dim3A_4 : vector<16xi1>, vector<16xf32>
    %dma_start3A = arith.constant 0 : i32
    %dma_start3A_5 = arith.constant 0 : i32
    %dma_start3A_6 = tpu.memref_slice %arg10[%dma_start3A, %dma_start3A_5] : memref<250x80xi32, #tpu.memory_space<vmem>> -> memref<1x80xi32, #tpu.memory_space<vmem>>
    %dma_start3A_7 = tpu.memref_squeeze %dma_start3A_6 : memref<1x80xi32, #tpu.memory_space<vmem>> -> memref<80xi32, #tpu.memory_space<vmem>>
    %dma_start3A_8 = arith.constant 0 : i32
    %dma_start3A_9 = arith.constant 0 : i32
    %dma_start3A_10 = tpu.memref_slice %arg2[%dma_start3A_8, %dma_start3A_9] : memref<10000x80xf32, #tpu.memory_space<hbm>> -> memref<10000x80xf32, #tpu.memory_space<hbm>>
    tpu.enqueue_indirect_dma source(%dma_start3A_10 : memref<10000x80xf32, #tpu.memory_space<hbm>>) target(%arg17 : memref<80x80xf32, #tpu.memory_space<vmem>>) offsets(%dma_start3A_7 : memref<80xi32, #tpu.memory_space<vmem>>) semaphore(%arg20 : memref<!tpu.dma_semaphore, #tpu.memory_space<semaphore_mem>>)
    %dma_start3A_11 = arith.constant 0 : i32
    %dma_start3A_12 = tpu.memref_slice %arg5[%arg0, %arg1, %dma_start3A_11] : memref<2x16x20000xf32, #tpu.memory_space<hbm>> -> memref<1x1x80xf32, #tpu.memory_space<hbm>>
    %dma_start3A_13 = tpu.memref_squeeze %dma_start3A_12 : memref<1x1x80xf32, #tpu.memory_space<hbm>> -> memref<80xf32, #tpu.memory_space<hbm>>
    %dma_start3A_14 = arith.constant 0 : i32
    %dma_start3A_15 = tpu.memref_slice %arg5[%arg0, %arg1, %dma_start3A_14] : memref<2x16x20000xf32, #tpu.memory_space<hbm>> -> memref<1x1x80xf32, #tpu.memory_space<hbm>>
    %dma_start3A_16 = tpu.memref_squeeze %dma_start3A_15 : memref<1x1x80xf32, #tpu.memory_space<hbm>> -> memref<80xf32, #tpu.memory_space<hbm>>
    tpu.enqueue_dma source(%dma_start3A_16 : memref<80xf32, #tpu.memory_space<hbm>>) target(%arg12 : memref<80xf32, #tpu.memory_space<vmem>>) target_semaphore(%arg22 : memref<!tpu.dma_semaphore, #tpu.memory_space<semaphore_mem>>)
    %scan3A = arith.constant 0 : i32
    %scan3A_17 = arith.constant 0 : i32
    %scan3A_18 = arith.constant 125 : i32
    %scan3A_19 = arith.addi %scan3A_17, %scan3A_18 : i32
    %scan3A_20 = arith.constant 1 : i32
    scf.for %scan3A_27 = %scan3A_17 to %scan3A_19 step %scan3A_20  : i32 {
      %mul3A_28 = arith.constant 2 : i32
      %mul3A_29 = arith.muli %mul3A_28, %scan3A_27 : i32
      %mul3A_30 = arith.constant 2 : i32
      %mul3A_31 = arith.muli %mul3A_30, %scan3A_27 : i32
      %add3A = arith.constant 1 : i32
      %add3A_32 = arith.addi %mul3A_31, %add3A : i32
      %dma_start3A_33 = arith.constant 0 : i32
      %dma_start3A_34 = tpu.memref_slice %arg10[%add3A_32, %dma_start3A_33] : memref<250x80xi32, #tpu.memory_space<vmem>> -> memref<1x80xi32, #tpu.memory_space<vmem>>
      %dma_start3A_35 = tpu.memref_squeeze %dma_start3A_34 : memref<1x80xi32, #tpu.memory_space<vmem>> -> memref<80xi32, #tpu.memory_space<vmem>>
      %dma_start3A_36 = arith.constant 0 : i32
      %dma_start3A_37 = arith.constant 0 : i32
      %dma_start3A_38 = tpu.memref_slice %arg2[%dma_start3A_36, %dma_start3A_37] : memref<10000x80xf32, #tpu.memory_space<hbm>> -> memref<10000x80xf32, #tpu.memory_space<hbm>>
      tpu.enqueue_indirect_dma source(%dma_start3A_38 : memref<10000x80xf32, #tpu.memory_space<hbm>>) target(%arg18 : memref<80x80xf32, #tpu.memory_space<vmem>>) offsets(%dma_start3A_35 : memref<80xi32, #tpu.memory_space<vmem>>) semaphore(%arg21 : memref<!tpu.dma_semaphore, #tpu.memory_space<semaphore_mem>>)
      %mul3A_39 = arith.constant 80 : i32
      %mul3A_40 = arith.muli %add3A_32, %mul3A_39 : i32
      %dma_start3A_41 = tpu.memref_slice %arg5[%arg0, %arg1, %mul3A_40] : memref<2x16x20000xf32, #tpu.memory_space<hbm>> -> memref<1x1x80xf32, #tpu.memory_space<hbm>>
      %dma_start3A_42 = tpu.memref_squeeze %dma_start3A_41 : memref<1x1x80xf32, #tpu.memory_space<hbm>> -> memref<80xf32, #tpu.memory_space<hbm>>
      %dma_start3A_43 = tpu.memref_slice %arg5[%arg0, %arg1, %mul3A_40] : memref<2x16x20000xf32, #tpu.memory_space<hbm>> -> memref<1x1x80xf32, #tpu.memory_space<hbm>>
      %dma_start3A_44 = tpu.memref_squeeze %dma_start3A_43 : memref<1x1x80xf32, #tpu.memory_space<hbm>> -> memref<80xf32, #tpu.memory_space<hbm>>
      tpu.enqueue_dma source(%dma_start3A_44 : memref<80xf32, #tpu.memory_space<hbm>>) target(%arg13 : memref<80xf32, #tpu.memory_space<vmem>>) target_semaphore(%arg23 : memref<!tpu.dma_semaphore, #tpu.memory_space<semaphore_mem>>)
      %dma_wait3A = arith.constant 0 : i32
      %dma_wait3A_45 = tpu.memref_slice %arg10[%mul3A_29, %dma_wait3A] : memref<250x80xi32, #tpu.memory_space<vmem>> -> memref<1x80xi32, #tpu.memory_space<vmem>>
      %dma_wait3A_46 = tpu.memref_squeeze %dma_wait3A_45 : memref<1x80xi32, #tpu.memory_space<vmem>> -> memref<80xi32, #tpu.memory_space<vmem>>
      %dma_wait3A_47 = arith.constant 0 : i32
      %dma_wait3A_48 = arith.constant 0 : i32
      %dma_wait3A_49 = tpu.memref_slice %arg2[%dma_wait3A_47, %dma_wait3A_48] : memref<10000x80xf32, #tpu.memory_space<hbm>> -> memref<10000x80xf32, #tpu.memory_space<hbm>>
      tpu.wait_indirect_dma semaphore(%arg20 : memref<!tpu.dma_semaphore, #tpu.memory_space<semaphore_mem>>) src(%dma_wait3A_49 : memref<10000x80xf32, #tpu.memory_space<hbm>>) dst(%arg17 : memref<80x80xf32, #tpu.memory_space<vmem>>)
      %mul3A_50 = arith.constant 80 : i32
      %mul3A_51 = arith.muli %mul3A_29, %mul3A_50 : i32
      %dma_wait3A_52 = tpu.memref_slice %arg5[%arg0, %arg1, %mul3A_51] : memref<2x16x20000xf32, #tpu.memory_space<hbm>> -> memref<1x1x80xf32, #tpu.memory_space<hbm>>
      %dma_wait3A_53 = tpu.memref_squeeze %dma_wait3A_52 : memref<1x1x80xf32, #tpu.memory_space<hbm>> -> memref<80xf32, #tpu.memory_space<hbm>>
      %dma_wait3A_54 = tpu.memref_slice %arg5[%arg0, %arg1, %mul3A_51] : memref<2x16x20000xf32, #tpu.memory_space<hbm>> -> memref<1x1x80xf32, #tpu.memory_space<hbm>>
      %dma_wait3A_55 = tpu.memref_squeeze %dma_wait3A_54 : memref<1x1x80xf32, #tpu.memory_space<hbm>> -> memref<80xf32, #tpu.memory_space<hbm>>
      tpu.wait_dma2 semaphore(%arg22 : memref<!tpu.dma_semaphore, #tpu.memory_space<semaphore_mem>>) src(%dma_wait3A_55 : memref<80xf32, #tpu.memory_space<hbm>>) dst(%arg12 : memref<80xf32, #tpu.memory_space<vmem>>)
      %get3A = arith.index_cast %mul3A_29 : i32 to index
      %get3A_56 = arith.constant 0 : index
      %get3A_57 = tpu.vector_load %arg10[%get3A, %get3A_56] {strides = array<i32>} : memref<250x80xi32, #tpu.memory_space<vmem>>, vector<16xi32>,
      %get3A_58 = arith.index_cast %mul3A_29 : i32 to index
      %get3A_59 = arith.constant 0 : index
      %get3A_60 = tpu.vector_load %arg11[%get3A_58, %get3A_59] {strides = array<i32>} : memref<250x80xi32, #tpu.memory_space<vmem>>, vector<16xi32>,
      %get3A_61 = arith.constant 0 : index
      %get3A_62 = tpu.vector_load %arg12[%get3A_61] {strides = array<i32>} : memref<80xf32, #tpu.memory_space<vmem>>, vector<16xf32>,
      %gather3A = tpu.vector_load_idx %arg14[%get3A_57] : memref<10000xf32, #tpu.memory_space<vmem>>[vector<16xi32>], vector<16xf32>,
      %gather3A_63 = tpu.vector_load_idx %arg15[%get3A_60] : memref<10000xf32, #tpu.memory_space<vmem>>[vector<16xi32>], vector<16xf32>,
      %add3A_64 = arith.addf %gather3A, %gather3A_63 : vector<16xf32>
      %add3A_65 = arith.addf %add3A_64, %get3A_62 : vector<16xf32>
      %ge3A = arith.constant 0.000000e+00 : f32
      %ge3A_66 = vector.broadcast %ge3A : f32 to vector<16xf32>
      %ge3A_67 = arith.cmpf oge, %add3A_65, %ge3A_66 : vector<16xf32>
      %mul3A_68 = arith.constant 2.000000e-01 : f32
      %mul3A_69 = vector.broadcast %mul3A_68 : f32 to vector<16xf32>
      %mul3A_70 = arith.mulf %mul3A_69, %add3A_65 : vector<16xf32>
      %select_n3A_71 = arith.select %ge3A_67, %add3A_65, %mul3A_70 : vector<16xi1>, vector<16xf32>
      %mul3A_72 = arith.constant 1.44269502 : f32
      %mul3A_73 = vector.broadcast %mul3A_72 : f32 to vector<16xf32>
      %mul3A_74 = arith.mulf %select_n3A_71, %mul3A_73 : vector<16xf32>
      %add3A_75 = arith.constant 0x4B400000 : f32
      %add3A_76 = vector.broadcast %add3A_75 : f32 to vector<16xf32>
      %add3A_77 = arith.addf %mul3A_74, %add3A_76 : vector<16xf32>
      %sub3A = arith.constant 0x4B400000 : f32
      %sub3A_78 = vector.broadcast %sub3A : f32 to vector<16xf32>
      %sub3A_79 = arith.subf %add3A_77, %sub3A_78 : vector<16xf32>
      %sub3A_80 = arith.subf %mul3A_74, %sub3A_79 : vector<16xf32>
      %mul3A_81 = arith.constant 0.00132609205 : f32
      %mul3A_82 = vector.broadcast %mul3A_81 : f32 to vector<16xf32>
      %mul3A_83 = arith.mulf %mul3A_82, %sub3A_80 : vector<16xf32>
      %add3A_84 = arith.constant 0.00967017561 : f32
      %add3A_85 = vector.broadcast %add3A_84 : f32 to vector<16xf32>
      %add3A_86 = arith.addf %mul3A_83, %add3A_85 : vector<16xf32>
      %mul3A_87 = arith.mulf %add3A_86, %sub3A_80 : vector<16xf32>
      %add3A_88 = arith.constant 0.0555071235 : f32
      %add3A_89 = vector.broadcast %add3A_88 : f32 to vector<16xf32>
      %add3A_90 = arith.addf %mul3A_87, %add3A_89 : vector<16xf32>
      %mul3A_91 = arith.mulf %add3A_90, %sub3A_80 : vector<16xf32>
      %add3A_92 = arith.constant 0.240222245 : f32
      %add3A_93 = vector.broadcast %add3A_92 : f32 to vector<16xf32>
      %add3A_94 = arith.addf %mul3A_91, %add3A_93 : vector<16xf32>
      %mul3A_95 = arith.mulf %add3A_94, %sub3A_80 : vector<16xf32>
      %add3A_96 = arith.constant 6.931470e-01 : f32
      %add3A_97 = vector.broadcast %add3A_96 : f32 to vector<16xf32>
      %add3A_98 = arith.addf %mul3A_95, %add3A_97 : vector<16xf32>
      %mul3A_99 = arith.mulf %add3A_98, %sub3A_80 : vector<16xf32>
      %add3A_100 = arith.constant 1.000000e+00 : f32
      %add3A_101 = vector.broadcast %add3A_100 : f32 to vector<16xf32>
      %add3A_102 = arith.addf %mul3A_99, %add3A_101 : vector<16xf32>
      %convert_element_type3A = arith.fptosi %sub3A_79 : vector<16xf32> to vector<16xi32>
      %add3A_103 = arith.constant 127 : i32
      %add3A_104 = vector.broadcast %add3A_103 : i32 to vector<16xi32>
      %add3A_105 = arith.addi %convert_element_type3A, %add3A_104 : vector<16xi32>
      %shift_left3A = arith.constant 23 : i32
      %shift_left3A_106 = vector.broadcast %shift_left3A : i32 to vector<16xi32>
      %shift_left3A_107 = arith.shli %add3A_105, %shift_left3A_106 : vector<16xi32>
      %bitcast_convert_type3A = tpu.bitcast %shift_left3A_107 : vector<16xi32> -> vector<16xf32>
      %mul3A_108 = arith.mulf %bitcast_convert_type3A, %add3A_102 : vector<16xf32>
      %swap3A = arith.constant 0 : index
      %swap3A_109 = tpu.vector_load %arg16[%swap3A] {strides = array<i32>} : memref<80xf32, #tpu.memory_space<vmem>>, vector<16xf32>,
      tpu.vector_store %arg16[%swap3A], %mul3A_108 {strides = array<i32>} : memref<80xf32, #tpu.memory_space<vmem>>, vector<16xf32>,
      %get3A_110 = arith.index_cast %mul3A_29 : i32 to index
      %get3A_111 = arith.constant 16 : index
      %get3A_112 = tpu.vector_load %arg10[%get3A_110, %get3A_111] {strides = array<i32>} : memref<250x80xi32, #tpu.memory_space<vmem>>, vector<16xi32>,
      %get3A_113 = arith.index_cast %mul3A_29 : i32 to index
      %get3A_114 = arith.constant 16 : index
      %get3A_115 = tpu.vector_load %arg11[%get3A_113, %get3A_114] {strides = array<i32>} : memref<250x80xi32, #tpu.memory_space<vmem>>, vector<16xi32>,
      %get3A_116 = arith.constant 16 : index
      %get3A_117 = tpu.vector_load %arg12[%get3A_116] {strides = array<i32>} : memref<80xf32, #tpu.memory_space<vmem>>, vector<16xf32>,
      %gather3A_118 = tpu.vector_load_idx %arg14[%get3A_112] : memref<10000xf32, #tpu.memory_space<vmem>>[vector<16xi32>], vector<16xf32>,
      %gather3A_119 = tpu.vector_load_idx %arg15[%get3A_115] : memref<10000xf32, #tpu.memory_space<vmem>>[vector<16xi32>], vector<16xf32>,
      %add3A_120 = arith.addf %gather3A_118, %gather3A_119 : vector<16xf32>
      %add3A_121 = arith.addf %add3A_120, %get3A_117 : vector<16xf32>
      %ge3A_122 = arith.constant 0.000000e+00 : f32
      %ge3A_123 = vector.broadcast %ge3A_122 : f32 to vector<16xf32>
      %ge3A_124 = arith.cmpf oge, %add3A_121, %ge3A_123 : vector<16xf32>
      %mul3A_125 = arith.constant 2.000000e-01 : f32
      %mul3A_126 = vector.broadcast %mul3A_125 : f32 to vector<16xf32>
      %mul3A_127 = arith.mulf %mul3A_126, %add3A_121 : vector<16xf32>
      %select_n3A_128 = arith.select %ge3A_124, %add3A_121, %mul3A_127 : vector<16xi1>, vector<16xf32>
      %mul3A_129 = arith.constant 1.44269502 : f32
      %mul3A_130 = vector.broadcast %mul3A_129 : f32 to vector<16xf32>
      %mul3A_131 = arith.mulf %select_n3A_128, %mul3A_130 : vector<16xf32>
      %add3A_132 = arith.constant 0x4B400000 : f32
      %add3A_133 = vector.broadcast %add3A_132 : f32 to vector<16xf32>
      %add3A_134 = arith.addf %mul3A_131, %add3A_133 : vector<16xf32>
      %sub3A_135 = arith.constant 0x4B400000 : f32
      %sub3A_136 = vector.broadcast %sub3A_135 : f32 to vector<16xf32>
      %sub3A_137 = arith.subf %add3A_134, %sub3A_136 : vector<16xf32>
      %sub3A_138 = arith.subf %mul3A_131, %sub3A_137 : vector<16xf32>
      %mul3A_139 = arith.constant 0.00132609205 : f32
      %mul3A_140 = vector.broadcast %mul3A_139 : f32 to vector<16xf32>
      %mul3A_141 = arith.mulf %mul3A_140, %sub3A_138 : vector<16xf32>
      %add3A_142 = arith.constant 0.00967017561 : f32
      %add3A_143 = vector.broadcast %add3A_142 : f32 to vector<16xf32>
      %add3A_144 = arith.addf %mul3A_141, %add3A_143 : vector<16xf32>
      %mul3A_145 = arith.mulf %add3A_144, %sub3A_138 : vector<16xf32>
      %add3A_146 = arith.constant 0.0555071235 : f32
      %add3A_147 = vector.broadcast %add3A_146 : f32 to vector<16xf32>
      %add3A_148 = arith.addf %mul3A_145, %add3A_147 : vector<16xf32>
      %mul3A_149 = arith.mulf %add3A_148, %sub3A_138 : vector<16xf32>
      %add3A_150 = arith.constant 0.240222245 : f32
      %add3A_151 = vector.broadcast %add3A_150 : f32 to vector<16xf32>
      %add3A_152 = arith.addf %mul3A_149, %add3A_151 : vector<16xf32>
      %mul3A_153 = arith.mulf %add3A_152, %sub3A_138 : vector<16xf32>
      %add3A_154 = arith.constant 6.931470e-01 : f32
      %add3A_155 = vector.broadcast %add3A_154 : f32 to vector<16xf32>
      %add3A_156 = arith.addf %mul3A_153, %add3A_155 : vector<16xf32>
      %mul3A_157 = arith.mulf %add3A_156, %sub3A_138 : vector<16xf32>
      %add3A_158 = arith.constant 1.000000e+00 : f32
      %add3A_159 = vector.broadcast %add3A_158 : f32 to vector<16xf32>
      %add3A_160 = arith.addf %mul3A_157, %add3A_159 : vector<16xf32>
      %convert_element_type3A_161 = arith.fptosi %sub3A_137 : vector<16xf32> to vector<16xi32>
      %add3A_162 = arith.constant 127 : i32
      %add3A_163 = vector.broadcast %add3A_162 : i32 to vector<16xi32>
      %add3A_164 = arith.addi %convert_element_type3A_161, %add3A_163 : vector<16xi32>
      %shift_left3A_165 = arith.constant 23 : i32
      %shift_left3A_166 = vector.broadcast %shift_left3A_165 : i32 to vector<16xi32>
      %shift_left3A_167 = arith.shli %add3A_164, %shift_left3A_166 : vector<16xi32>
      %bitcast_convert_type3A_168 = tpu.bitcast %shift_left3A_167 : vector<16xi32> -> vector<16xf32>
      %mul3A_169 = arith.mulf %bitcast_convert_type3A_168, %add3A_160 : vector<16xf32>
      %swap3A_170 = arith.constant 16 : index
      %swap3A_171 = tpu.vector_load %arg16[%swap3A_170] {strides = array<i32>} : memref<80xf32, #tpu.memory_space<vmem>>, vector<16xf32>,
      tpu.vector_store %arg16[%swap3A_170], %mul3A_169 {strides = array<i32>} : memref<80xf32, #tpu.memory_space<vmem>>, vector<16xf32>,
      %get3A_172 = arith.index_cast %mul3A_29 : i32 to index
      %get3A_173 = arith.constant 32 : index
      %get3A_174 = tpu.vector_load %arg10[%get3A_172, %get3A_173] {strides = array<i32>} : memref<250x80xi32, #tpu.memory_space<vmem>>, vector<16xi32>,
      %get3A_175 = arith.index_cast %mul3A_29 : i32 to index
      %get3A_176 = arith.constant 32 : index
      %get3A_177 = tpu.vector_load %arg11[%get3A_175, %get3A_176] {strides = array<i32>} : memref<250x80xi32, #tpu.memory_space<vmem>>, vector<16xi32>,
      %get3A_178 = arith.constant 32 : index
      %get3A_179 = tpu.vector_load %arg12[%get3A_178] {strides = array<i32>} : memref<80xf32, #tpu.memory_space<vmem>>, vector<16xf32>,
      %gather3A_180 = tpu.vector_load_idx %arg14[%get3A_174] : memref<10000xf32, #tpu.memory_space<vmem>>[vector<16xi32>], vector<16xf32>,
      %gather3A_181 = tpu.vector_load_idx %arg15[%get3A_177] : memref<10000xf32, #tpu.memory_space<vmem>>[vector<16xi32>], vector<16xf32>,
      %add3A_182 = arith.addf %gather3A_180, %gather3A_181 : vector<16xf32>
      %add3A_183 = arith.addf %add3A_182, %get3A_179 : vector<16xf32>
      %ge3A_184 = arith.constant 0.000000e+00 : f32
      %ge3A_185 = vector.broadcast %ge3A_184 : f32 to vector<16xf32>
      %ge3A_186 = arith.cmpf oge, %add3A_183, %ge3A_185 : vector<16xf32>
      %mul3A_187 = arith.constant 2.000000e-01 : f32
      %mul3A_188 = vector.broadcast %mul3A_187 : f32 to vector<16xf32>
      %mul3A_189 = arith.mulf %mul3A_188, %add3A_183 : vector<16xf32>
      %select_n3A_190 = arith.select %ge3A_186, %add3A_183, %mul3A_189 : vector<16xi1>, vector<16xf32>
      %mul3A_191 = arith.constant 1.44269502 : f32
      %mul3A_192 = vector.broadcast %mul3A_191 : f32 to vector<16xf32>
      %mul3A_193 = arith.mulf %select_n3A_190, %mul3A_192 : vector<16xf32>
      %add3A_194 = arith.constant 0x4B400000 : f32
      %add3A_195 = vector.broadcast %add3A_194 : f32 to vector<16xf32>
      %add3A_196 = arith.addf %mul3A_193, %add3A_195 : vector<16xf32>
      %sub3A_197 = arith.constant 0x4B400000 : f32
      %sub3A_198 = vector.broadcast %sub3A_197 : f32 to vector<16xf32>
      %sub3A_199 = arith.subf %add3A_196, %sub3A_198 : vector<16xf32>
      %sub3A_200 = arith.subf %mul3A_193, %sub3A_199 : vector<16xf32>
      %mul3A_201 = arith.constant 0.00132609205 : f32
      %mul3A_202 = vector.broadcast %mul3A_201 : f32 to vector<16xf32>
      %mul3A_203 = arith.mulf %mul3A_202, %sub3A_200 : vector<16xf32>
      %add3A_204 = arith.constant 0.00967017561 : f32
      %add3A_205 = vector.broadcast %add3A_204 : f32 to vector<16xf32>
      %add3A_206 = arith.addf %mul3A_203, %add3A_205 : vector<16xf32>
      %mul3A_207 = arith.mulf %add3A_206, %sub3A_200 : vector<16xf32>
      %add3A_208 = arith.constant 0.0555071235 : f32
      %add3A_209 = vector.broadcast %add3A_208 : f32 to vector<16xf32>
      %add3A_210 = arith.addf %mul3A_207, %add3A_209 : vector<16xf32>
      %mul3A_211 = arith.mulf %add3A_210, %sub3A_200 : vector<16xf32>
      %add3A_212 = arith.constant 0.240222245 : f32
      %add3A_213 = vector.broadcast %add3A_212 : f32 to vector<16xf32>
      %add3A_214 = arith.addf %mul3A_211, %add3A_213 : vector<16xf32>
      %mul3A_215 = arith.mulf %add3A_214, %sub3A_200 : vector<16xf32>
      %add3A_216 = arith.constant 6.931470e-01 : f32
      %add3A_217 = vector.broadcast %add3A_216 : f32 to vector<16xf32>
      %add3A_218 = arith.addf %mul3A_215, %add3A_217 : vector<16xf32>
      %mul3A_219 = arith.mulf %add3A_218, %sub3A_200 : vector<16xf32>
      %add3A_220 = arith.constant 1.000000e+00 : f32
      %add3A_221 = vector.broadcast %add3A_220 : f32 to vector<16xf32>
      %add3A_222 = arith.addf %mul3A_219, %add3A_221 : vector<16xf32>
      %convert_element_type3A_223 = arith.fptosi %sub3A_199 : vector<16xf32> to vector<16xi32>
      %add3A_224 = arith.constant 127 : i32
      %add3A_225 = vector.broadcast %add3A_224 : i32 to vector<16xi32>
      %add3A_226 = arith.addi %convert_element_type3A_223, %add3A_225 : vector<16xi32>
      %shift_left3A_227 = arith.constant 23 : i32
      %shift_left3A_228 = vector.broadcast %shift_left3A_227 : i32 to vector<16xi32>
      %shift_left3A_229 = arith.shli %add3A_226, %shift_left3A_228 : vector<16xi32>
      %bitcast_convert_type3A_230 = tpu.bitcast %shift_left3A_229 : vector<16xi32> -> vector<16xf32>
      %mul3A_231 = arith.mulf %bitcast_convert_type3A_230, %add3A_222 : vector<16xf32>
      %swap3A_232 = arith.constant 32 : index
      %swap3A_233 = tpu.vector_load %arg16[%swap3A_232] {strides = array<i32>} : memref<80xf32, #tpu.memory_space<vmem>>, vector<16xf32>,
      tpu.vector_store %arg16[%swap3A_232], %mul3A_231 {strides = array<i32>} : memref<80xf32, #tpu.memory_space<vmem>>, vector<16xf32>,
      %get3A_234 = arith.index_cast %mul3A_29 : i32 to index
      %get3A_235 = arith.constant 48 : index
      %get3A_236 = tpu.vector_load %arg10[%get3A_234, %get3A_235] {strides = array<i32>} : memref<250x80xi32, #tpu.memory_space<vmem>>, vector<16xi32>,
      %get3A_237 = arith.index_cast %mul3A_29 : i32 to index
      %get3A_238 = arith.constant 48 : index
      %get3A_239 = tpu.vector_load %arg11[%get3A_237, %get3A_238] {strides = array<i32>} : memref<250x80xi32, #tpu.memory_space<vmem>>, vector<16xi32>,
      %get3A_240 = arith.constant 48 : index
      %get3A_241 = tpu.vector_load %arg12[%get3A_240] {strides = array<i32>} : memref<80xf32, #tpu.memory_space<vmem>>, vector<16xf32>,
      %gather3A_242 = tpu.vector_load_idx %arg14[%get3A_236] : memref<10000xf32, #tpu.memory_space<vmem>>[vector<16xi32>], vector<16xf32>,
      %gather3A_243 = tpu.vector_load_idx %arg15[%get3A_239] : memref<10000xf32, #tpu.memory_space<vmem>>[vector<16xi32>], vector<16xf32>,
      %add3A_244 = arith.addf %gather3A_242, %gather3A_243 : vector<16xf32>
      %add3A_245 = arith.addf %add3A_244, %get3A_241 : vector<16xf32>
      %ge3A_246 = arith.constant 0.000000e+00 : f32
      %ge3A_247 = vector.broadcast %ge3A_246 : f32 to vector<16xf32>
      %ge3A_248 = arith.cmpf oge, %add3A_245, %ge3A_247 : vector<16xf32>
      %mul3A_249 = arith.constant 2.000000e-01 : f32
      %mul3A_250 = vector.broadcast %mul3A_249 : f32 to vector<16xf32>
      %mul3A_251 = arith.mulf %mul3A_250, %add3A_245 : vector<16xf32>
      %select_n3A_252 = arith.select %ge3A_248, %add3A_245, %mul3A_251 : vector<16xi1>, vector<16xf32>
      %mul3A_253 = arith.constant 1.44269502 : f32
      %mul3A_254 = vector.broadcast %mul3A_253 : f32 to vector<16xf32>
      %mul3A_255 = arith.mulf %select_n3A_252, %mul3A_254 : vector<16xf32>
      %add3A_256 = arith.constant 0x4B400000 : f32
      %add3A_257 = vector.broadcast %add3A_256 : f32 to vector<16xf32>
      %add3A_258 = arith.addf %mul3A_255, %add3A_257 : vector<16xf32>
      %sub3A_259 = arith.constant 0x4B400000 : f32
      %sub3A_260 = vector.broadcast %sub3A_259 : f32 to vector<16xf32>
      %sub3A_261 = arith.subf %add3A_258, %sub3A_260 : vector<16xf32>
      %sub3A_262 = arith.subf %mul3A_255, %sub3A_261 : vector<16xf32>
      %mul3A_263 = arith.constant 0.00132609205 : f32
      %mul3A_264 = vector.broadcast %mul3A_263 : f32 to vector<16xf32>
      %mul3A_265 = arith.mulf %mul3A_264, %sub3A_262 : vector<16xf32>
      %add3A_266 = arith.constant 0.00967017561 : f32
      %add3A_267 = vector.broadcast %add3A_266 : f32 to vector<16xf32>
      %add3A_268 = arith.addf %mul3A_265, %add3A_267 : vector<16xf32>
      %mul3A_269 = arith.mulf %add3A_268, %sub3A_262 : vector<16xf32>
      %add3A_270 = arith.constant 0.0555071235 : f32
      %add3A_271 = vector.broadcast %add3A_270 : f32 to vector<16xf32>
      %add3A_272 = arith.addf %mul3A_269, %add3A_271 : vector<16xf32>
      %mul3A_273 = arith.mulf %add3A_272, %sub3A_262 : vector<16xf32>
      %add3A_274 = arith.constant 0.240222245 : f32
      %add3A_275 = vector.broadcast %add3A_274 : f32 to vector<16xf32>
      %add3A_276 = arith.addf %mul3A_273, %add3A_275 : vector<16xf32>
      %mul3A_277 = arith.mulf %add3A_276, %sub3A_262 : vector<16xf32>
      %add3A_278 = arith.constant 6.931470e-01 : f32
      %add3A_279 = vector.broadcast %add3A_278 : f32 to vector<16xf32>
      %add3A_280 = arith.addf %mul3A_277, %add3A_279 : vector<16xf32>
      %mul3A_281 = arith.mulf %add3A_280, %sub3A_262 : vector<16xf32>
      %add3A_282 = arith.constant 1.000000e+00 : f32
      %add3A_283 = vector.broadcast %add3A_282 : f32 to vector<16xf32>
      %add3A_284 = arith.addf %mul3A_281, %add3A_283 : vector<16xf32>
      %convert_element_type3A_285 = arith.fptosi %sub3A_261 : vector<16xf32> to vector<16xi32>
      %add3A_286 = arith.constant 127 : i32
      %add3A_287 = vector.broadcast %add3A_286 : i32 to vector<16xi32>
      %add3A_288 = arith.addi %convert_element_type3A_285, %add3A_287 : vector<16xi32>
      %shift_left3A_289 = arith.constant 23 : i32
      %shift_left3A_290 = vector.broadcast %shift_left3A_289 : i32 to vector<16xi32>
      %shift_left3A_291 = arith.shli %add3A_288, %shift_left3A_290 : vector<16xi32>
      %bitcast_convert_type3A_292 = tpu.bitcast %shift_left3A_291 : vector<16xi32> -> vector<16xf32>
      %mul3A_293 = arith.mulf %bitcast_convert_type3A_292, %add3A_284 : vector<16xf32>
      %swap3A_294 = arith.constant 48 : index
      %swap3A_295 = tpu.vector_load %arg16[%swap3A_294] {strides = array<i32>} : memref<80xf32, #tpu.memory_space<vmem>>, vector<16xf32>,
      tpu.vector_store %arg16[%swap3A_294], %mul3A_293 {strides = array<i32>} : memref<80xf32, #tpu.memory_space<vmem>>, vector<16xf32>,
      %get3A_296 = arith.index_cast %mul3A_29 : i32 to index
      %get3A_297 = arith.constant 64 : index
      %get3A_298 = tpu.vector_load %arg10[%get3A_296, %get3A_297] {strides = array<i32>} : memref<250x80xi32, #tpu.memory_space<vmem>>, vector<16xi32>,
      %get3A_299 = arith.index_cast %mul3A_29 : i32 to index
      %get3A_300 = arith.constant 64 : index
      %get3A_301 = tpu.vector_load %arg11[%get3A_299, %get3A_300] {strides = array<i32>} : memref<250x80xi32, #tpu.memory_space<vmem>>, vector<16xi32>,
      %get3A_302 = arith.constant 64 : index
      %get3A_303 = tpu.vector_load %arg12[%get3A_302] {strides = array<i32>} : memref<80xf32, #tpu.memory_space<vmem>>, vector<16xf32>,
      %gather3A_304 = tpu.vector_load_idx %arg14[%get3A_298] : memref<10000xf32, #tpu.memory_space<vmem>>[vector<16xi32>], vector<16xf32>,
      %gather3A_305 = tpu.vector_load_idx %arg15[%get3A_301] : memref<10000xf32, #tpu.memory_space<vmem>>[vector<16xi32>], vector<16xf32>,
      %add3A_306 = arith.addf %gather3A_304, %gather3A_305 : vector<16xf32>
      %add3A_307 = arith.addf %add3A_306, %get3A_303 : vector<16xf32>
      %ge3A_308 = arith.constant 0.000000e+00 : f32
      %ge3A_309 = vector.broadcast %ge3A_308 : f32 to vector<16xf32>
      %ge3A_310 = arith.cmpf oge, %add3A_307, %ge3A_309 : vector<16xf32>
      %mul3A_311 = arith.constant 2.000000e-01 : f32
      %mul3A_312 = vector.broadcast %mul3A_311 : f32 to vector<16xf32>
      %mul3A_313 = arith.mulf %mul3A_312, %add3A_307 : vector<16xf32>
      %select_n3A_314 = arith.select %ge3A_310, %add3A_307, %mul3A_313 : vector<16xi1>, vector<16xf32>
      %mul3A_315 = arith.constant 1.44269502 : f32
      %mul3A_316 = vector.broadcast %mul3A_315 : f32 to vector<16xf32>
      %mul3A_317 = arith.mulf %select_n3A_314, %mul3A_316 : vector<16xf32>
      %add3A_318 = arith.constant 0x4B400000 : f32
      %add3A_319 = vector.broadcast %add3A_318 : f32 to vector<16xf32>
      %add3A_320 = arith.addf %mul3A_317, %add3A_319 : vector<16xf32>
      %sub3A_321 = arith.constant 0x4B400000 : f32
      %sub3A_322 = vector.broadcast %sub3A_321 : f32 to vector<16xf32>
      %sub3A_323 = arith.subf %add3A_320, %sub3A_322 : vector<16xf32>
      %sub3A_324 = arith.subf %mul3A_317, %sub3A_323 : vector<16xf32>
      %mul3A_325 = arith.constant 0.00132609205 : f32
      %mul3A_326 = vector.broadcast %mul3A_325 : f32 to vector<16xf32>
      %mul3A_327 = arith.mulf %mul3A_326, %sub3A_324 : vector<16xf32>
      %add3A_328 = arith.constant 0.00967017561 : f32
      %add3A_329 = vector.broadcast %add3A_328 : f32 to vector<16xf32>
      %add3A_330 = arith.addf %mul3A_327, %add3A_329 : vector<16xf32>
      %mul3A_331 = arith.mulf %add3A_330, %sub3A_324 : vector<16xf32>
      %add3A_332 = arith.constant 0.0555071235 : f32
      %add3A_333 = vector.broadcast %add3A_332 : f32 to vector<16xf32>
      %add3A_334 = arith.addf %mul3A_331, %add3A_333 : vector<16xf32>
      %mul3A_335 = arith.mulf %add3A_334, %sub3A_324 : vector<16xf32>
      %add3A_336 = arith.constant 0.240222245 : f32
      %add3A_337 = vector.broadcast %add3A_336 : f32 to vector<16xf32>
      %add3A_338 = arith.addf %mul3A_335, %add3A_337 : vector<16xf32>
      %mul3A_339 = arith.mulf %add3A_338, %sub3A_324 : vector<16xf32>
      %add3A_340 = arith.constant 6.931470e-01 : f32
      %add3A_341 = vector.broadcast %add3A_340 : f32 to vector<16xf32>
      %add3A_342 = arith.addf %mul3A_339, %add3A_341 : vector<16xf32>
      %mul3A_343 = arith.mulf %add3A_342, %sub3A_324 : vector<16xf32>
      %add3A_344 = arith.constant 1.000000e+00 : f32
      %add3A_345 = vector.broadcast %add3A_344 : f32 to vector<16xf32>
      %add3A_346 = arith.addf %mul3A_343, %add3A_345 : vector<16xf32>
      %convert_element_type3A_347 = arith.fptosi %sub3A_323 : vector<16xf32> to vector<16xi32>
      %add3A_348 = arith.constant 127 : i32
      %add3A_349 = vector.broadcast %add3A_348 : i32 to vector<16xi32>
      %add3A_350 = arith.addi %convert_element_type3A_347, %add3A_349 : vector<16xi32>
      %shift_left3A_351 = arith.constant 23 : i32
      %shift_left3A_352 = vector.broadcast %shift_left3A_351 : i32 to vector<16xi32>
      %shift_left3A_353 = arith.shli %add3A_350, %shift_left3A_352 : vector<16xi32>
      %bitcast_convert_type3A_354 = tpu.bitcast %shift_left3A_353 : vector<16xi32> -> vector<16xf32>
      %mul3A_355 = arith.mulf %bitcast_convert_type3A_354, %add3A_346 : vector<16xf32>
      %swap3A_356 = arith.constant 64 : index
      %swap3A_357 = tpu.vector_load %arg16[%swap3A_356] {strides = array<i32>} : memref<80xf32, #tpu.memory_space<vmem>>, vector<16xf32>,
      tpu.vector_store %arg16[%swap3A_356], %mul3A_355 {strides = array<i32>} : memref<80xf32, #tpu.memory_space<vmem>>, vector<16xf32>,
      %scan3A_358 = arith.constant 0 : i32
      %scan3A_359 = arith.constant 0 : i32
      %scan3A_360 = arith.constant 80 : i32
      %scan3A_361 = arith.addi %scan3A_359, %scan3A_360 : i32
      %scan3A_362 = arith.constant 8 : i32
      scf.for %scan3A_697 = %scan3A_359 to %scan3A_361 step %scan3A_362  : i32 {
        %broadcast_in_dim3A_698 = vector.broadcast %scan3A_697 : i32 to vector<16xi32>
        %gather3A_699 = tpu.vector_load_idx %arg16[%broadcast_in_dim3A_698] : memref<80xf32, #tpu.memory_space<vmem>>[vector<16xi32>], vector<16xf32>,
        %get3A_700 = arith.index_cast %scan3A_697 : i32 to index
        %get3A_701 = arith.constant 0 : index
        %get3A_702 = tpu.vector_load %arg17[%get3A_700, %get3A_701] {strides = array<i32>} : memref<80x80xf32, #tpu.memory_space<vmem>>, vector<16xf32>,
        %mul3A_703 = arith.mulf %get3A_702, %gather3A_699 : vector<16xf32>
        %swap3A_704 = arith.index_cast %scan3A_697 : i32 to index
        %swap3A_705 = arith.constant 0 : index
        %swap3A_706 = tpu.vector_load %arg17[%swap3A_704, %swap3A_705] {strides = array<i32>} : memref<80x80xf32, #tpu.memory_space<vmem>>, vector<16xf32>,
        tpu.vector_store %arg17[%swap3A_704, %swap3A_705], %mul3A_703 {strides = array<i32>} : memref<80x80xf32, #tpu.memory_space<vmem>>, vector<16xf32>,
        %get3A_707 = arith.index_cast %scan3A_697 : i32 to index
        %get3A_708 = arith.constant 16 : index
        %get3A_709 = tpu.vector_load %arg17[%get3A_707, %get3A_708] {strides = array<i32>} : memref<80x80xf32, #tpu.memory_space<vmem>>, vector<16xf32>,
        %mul3A_710 = arith.mulf %get3A_709, %gather3A_699 : vector<16xf32>
        %swap3A_711 = arith.index_cast %scan3A_697 : i32 to index
        %swap3A_712 = arith.constant 16 : index
        %swap3A_713 = tpu.vector_load %arg17[%swap3A_711, %swap3A_712] {strides = array<i32>} : memref<80x80xf32, #tpu.memory_space<vmem>>, vector<16xf32>,
        tpu.vector_store %arg17[%swap3A_711, %swap3A_712], %mul3A_710 {strides = array<i32>} : memref<80x80xf32, #tpu.memory_space<vmem>>, vector<16xf32>,
        %get3A_714 = arith.index_cast %scan3A_697 : i32 to index
        %get3A_715 = arith.constant 32 : index
        %get3A_716 = tpu.vector_load %arg17[%get3A_714, %get3A_715] {strides = array<i32>} : memref<80x80xf32, #tpu.memory_space<vmem>>, vector<16xf32>,
        %mul3A_717 = arith.mulf %get3A_716, %gather3A_699 : vector<16xf32>
        %swap3A_718 = arith.index_cast %scan3A_697 : i32 to index
        %swap3A_719 = arith.constant 32 : index
        %swap3A_720 = tpu.vector_load %arg17[%swap3A_718, %swap3A_719] {strides = array<i32>} : memref<80x80xf32, #tpu.memory_space<vmem>>, vector<16xf32>,
        tpu.vector_store %arg17[%swap3A_718, %swap3A_719], %mul3A_717 {strides = array<i32>} : memref<80x80xf32, #tpu.memory_space<vmem>>, vector<16xf32>,
        %get3A_721 = arith.index_cast %scan3A_697 : i32 to index
        %get3A_722 = arith.constant 48 : index
        %get3A_723 = tpu.vector_load %arg17[%get3A_721, %get3A_722] {strides = array<i32>} : memref<80x80xf32, #tpu.memory_space<vmem>>, vector<16xf32>,
        %mul3A_724 = arith.mulf %get3A_723, %gather3A_699 : vector<16xf32>
        %swap3A_725 = arith.index_cast %scan3A_697 : i32 to index
        %swap3A_726 = arith.constant 48 : index
        %swap3A_727 = tpu.vector_load %arg17[%swap3A_725, %swap3A_726] {strides = array<i32>} : memref<80x80xf32, #tpu.memory_space<vmem>>, vector<16xf32>,
        tpu.vector_store %arg17[%swap3A_725, %swap3A_726], %mul3A_724 {strides = array<i32>} : memref<80x80xf32, #tpu.memory_space<vmem>>, vector<16xf32>,
        %mul3A_728 = arith.mulf %select_n3A, %gather3A_699 : vector<16xf32>
        %swap3A_729 = arith.index_cast %scan3A_697 : i32 to index
        %swap3A_730 = arith.constant 64 : index
        %swap3A_731 = tpu.vector_load %arg17[%swap3A_729, %swap3A_730] {strides = array<i32>} : memref<80x80xf32, #tpu.memory_space<vmem>>, vector<16xf32>,
        tpu.vector_store %arg17[%swap3A_729, %swap3A_730], %mul3A_728 {strides = array<i32>} : memref<80x80xf32, #tpu.memory_space<vmem>>, vector<16xf32>,
        %scan3A_732 = arith.constant 1 : i32
        %scan3A_733 = arith.addi %scan3A_697, %scan3A_732 : i32
        %broadcast_in_dim3A_734 = vector.broadcast %scan3A_733 : i32 to vector<16xi32>
        %gather3A_735 = tpu.vector_load_idx %arg16[%broadcast_in_dim3A_734] : memref<80xf32, #tpu.memory_space<vmem>>[vector<16xi32>], vector<16xf32>,
        %get3A_736 = arith.index_cast %scan3A_733 : i32 to index
        %get3A_737 = arith.constant 0 : index
        %get3A_738 = tpu.vector_load %arg17[%get3A_736, %get3A_737] {strides = array<i32>} : memref<80x80xf32, #tpu.memory_space<vmem>>, vector<16xf32>,
        %mul3A_739 = arith.mulf %get3A_738, %gather3A_735 : vector<16xf32>
        %swap3A_740 = arith.index_cast %scan3A_733 : i32 to index
        %swap3A_741 = arith.constant 0 : index
        %swap3A_742 = tpu.vector_load %arg17[%swap3A_740, %swap3A_741] {strides = array<i32>} : memref<80x80xf32, #tpu.memory_space<vmem>>, vector<16xf32>,
        tpu.vector_store %arg17[%swap3A_740, %swap3A_741], %mul3A_739 {strides = array<i32>} : memref<80x80xf32, #tpu.memory_space<vmem>>, vector<16xf32>,
        %get3A_743 = arith.index_cast %scan3A_733 : i32 to index
        %get3A_744 = arith.constant 16 : index
        %get3A_745 = tpu.vector_load %arg17[%get3A_743, %get3A_744] {strides = array<i32>} : memref<80x80xf32, #tpu.memory_space<vmem>>, vector<16xf32>,
        %mul3A_746 = arith.mulf %get3A_745, %gather3A_735 : vector<16xf32>
        %swap3A_747 = arith.index_cast %scan3A_733 : i32 to index
        %swap3A_748 = arith.constant 16 : index
        %swap3A_749 = tpu.vector_load %arg17[%swap3A_747, %swap3A_748] {strides = array<i32>} : memref<80x80xf32, #tpu.memory_space<vmem>>, vector<16xf32>,
        tpu.vector_store %arg17[%swap3A_747, %swap3A_748], %mul3A_746 {strides = array<i32>} : memref<80x80xf32, #tpu.memory_space<vmem>>, vector<16xf32>,
        %get3A_750 = arith.index_cast %scan3A_733 : i32 to index
        %get3A_751 = arith.constant 32 : index
        %get3A_752 = tpu.vector_load %arg17[%get3A_750, %get3A_751] {strides = array<i32>} : memref<80x80xf32, #tpu.memory_space<vmem>>, vector<16xf32>,
        %mul3A_753 = arith.mulf %get3A_752, %gather3A_735 : vector<16xf32>
        %swap3A_754 = arith.index_cast %scan3A_733 : i32 to index
        %swap3A_755 = arith.constant 32 : index
        %swap3A_756 = tpu.vector_load %arg17[%swap3A_754, %swap3A_755] {strides = array<i32>} : memref<80x80xf32, #tpu.memory_space<vmem>>, vector<16xf32>,
        tpu.vector_store %arg17[%swap3A_754, %swap3A_755], %mul3A_753 {strides = array<i32>} : memref<80x80xf32, #tpu.memory_space<vmem>>, vector<16xf32>,
        %get3A_757 = arith.index_cast %scan3A_733 : i32 to index
        %get3A_758 = arith.constant 48 : index
        %get3A_759 = tpu.vector_load %arg17[%get3A_757, %get3A_758] {strides = array<i32>} : memref<80x80xf32, #tpu.memory_space<vmem>>, vector<16xf32>,
        %mul3A_760 = arith.mulf %get3A_759, %gather3A_735 : vector<16xf32>
        %swap3A_761 = arith.index_cast %scan3A_733 : i32 to index
        %swap3A_762 = arith.constant 48 : index
        %swap3A_763 = tpu.vector_load %arg17[%swap3A_761, %swap3A_762] {strides = array<i32>} : memref<80x80xf32, #tpu.memory_space<vmem>>, vector<16xf32>,
        tpu.vector_store %arg17[%swap3A_761, %swap3A_762], %mul3A_760 {strides = array<i32>} : memref<80x80xf32, #tpu.memory_space<vmem>>, vector<16xf32>,
        %mul3A_764 = arith.mulf %select_n3A, %gather3A_735 : vector<16xf32>
        %swap3A_765 = arith.index_cast %scan3A_733 : i32 to index
        %swap3A_766 = arith.constant 64 : index
        %swap3A_767 = tpu.vector_load %arg17[%swap3A_765, %swap3A_766] {strides = array<i32>} : memref<80x80xf32, #tpu.memory_space<vmem>>, vector<16xf32>,
        tpu.vector_store %arg17[%swap3A_765, %swap3A_766], %mul3A_764 {strides = array<i32>} : memref<80x80xf32, #tpu.memory_space<vmem>>, vector<16xf32>,
        %scan3A_768 = arith.constant 2 : i32
        %scan3A_769 = arith.addi %scan3A_697, %scan3A_768 : i32
        %broadcast_in_dim3A_770 = vector.broadcast %scan3A_769 : i32 to vector<16xi32>
        %gather3A_771 = tpu.vector_load_idx %arg16[%broadcast_in_dim3A_770] : memref<80xf32, #tpu.memory_space<vmem>>[vector<16xi32>], vector<16xf32>,
        %get3A_772 = arith.index_cast %scan3A_769 : i32 to index
        %get3A_773 = arith.constant 0 : index
        %get3A_774 = tpu.vector_load %arg17[%get3A_772, %get3A_773] {strides = array<i32>} : memref<80x80xf32, #tpu.memory_space<vmem>>, vector<16xf32>,
        %mul3A_775 = arith.mulf %get3A_774, %gather3A_771 : vector<16xf32>
        %swap3A_776 = arith.index_cast %scan3A_769 : i32 to index
        %swap3A_777 = arith.constant 0 : index
        %swap3A_778 = tpu.vector_load %arg17[%swap3A_776, %swap3A_777] {strides = array<i32>} : memref<80x80xf32, #tpu.memory_space<vmem>>, vector<16xf32>,
        tpu.vector_store %arg17[%swap3A_776, %swap3A_777], %mul3A_775 {strides = array<i32>} : memref<80x80xf32, #tpu.memory_space<vmem>>, vector<16xf32>,
        %get3A_779 = arith.index_cast %scan3A_769 : i32 to index
        %get3A_780 = arith.constant 16 : index
        %get3A_781 = tpu.vector_load %arg17[%get3A_779, %get3A_780] {strides = array<i32>} : memref<80x80xf32, #tpu.memory_space<vmem>>, vector<16xf32>,
        %mul3A_782 = arith.mulf %get3A_781, %gather3A_771 : vector<16xf32>
        %swap3A_783 = arith.index_cast %scan3A_769 : i32 to index
        %swap3A_784 = arith.constant 16 : index
        %swap3A_785 = tpu.vector_load %arg17[%swap3A_783, %swap3A_784] {strides = array<i32>} : memref<80x80xf32, #tpu.memory_space<vmem>>, vector<16xf32>,
        tpu.vector_store %arg17[%swap3A_783, %swap3A_784], %mul3A_782 {strides = array<i32>} : memref<80x80xf32, #tpu.memory_space<vmem>>, vector<16xf32>,
        %get3A_786 = arith.index_cast %scan3A_769 : i32 to index
        %get3A_787 = arith.constant 32 : index
        %get3A_788 = tpu.vector_load %arg17[%get3A_786, %get3A_787] {strides = array<i32>} : memref<80x80xf32, #tpu.memory_space<vmem>>, vector<16xf32>,
        %mul3A_789 = arith.mulf %get3A_788, %gather3A_771 : vector<16xf32>
        %swap3A_790 = arith.index_cast %scan3A_769 : i32 to index
        %swap3A_791 = arith.constant 32 : index
        %swap3A_792 = tpu.vector_load %arg17[%swap3A_790, %swap3A_791] {strides = array<i32>} : memref<80x80xf32, #tpu.memory_space<vmem>>, vector<16xf32>,
        tpu.vector_store %arg17[%swap3A_790, %swap3A_791], %mul3A_789 {strides = array<i32>} : memref<80x80xf32, #tpu.memory_space<vmem>>, vector<16xf32>,
        %get3A_793 = arith.index_cast %scan3A_769 : i32 to index
        %get3A_794 = arith.constant 48 : index
        %get3A_795 = tpu.vector_load %arg17[%get3A_793, %get3A_794] {strides = array<i32>} : memref<80x80xf32, #tpu.memory_space<vmem>>, vector<16xf32>,
        %mul3A_796 = arith.mulf %get3A_795, %gather3A_771 : vector<16xf32>
        %swap3A_797 = arith.index_cast %scan3A_769 : i32 to index
        %swap3A_798 = arith.constant 48 : index
        %swap3A_799 = tpu.vector_load %arg17[%swap3A_797, %swap3A_798] {strides = array<i32>} : memref<80x80xf32, #tpu.memory_space<vmem>>, vector<16xf32>,
        tpu.vector_store %arg17[%swap3A_797, %swap3A_798], %mul3A_796 {strides = array<i32>} : memref<80x80xf32, #tpu.memory_space<vmem>>, vector<16xf32>,
        %mul3A_800 = arith.mulf %select_n3A, %gather3A_771 : vector<16xf32>
        %swap3A_801 = arith.index_cast %scan3A_769 : i32 to index
        %swap3A_802 = arith.constant 64 : index
        %swap3A_803 = tpu.vector_load %arg17[%swap3A_801, %swap3A_802] {strides = array<i32>} : memref<80x80xf32, #tpu.memory_space<vmem>>, vector<16xf32>,
        tpu.vector_store %arg17[%swap3A_801, %swap3A_802], %mul3A_800 {strides = array<i32>} : memref<80x80xf32, #tpu.memory_space<vmem>>, vector<16xf32>,
        %scan3A_804 = arith.constant 3 : i32
        %scan3A_805 = arith.addi %scan3A_697, %scan3A_804 : i32
        %broadcast_in_dim3A_806 = vector.broadcast %scan3A_805 : i32 to vector<16xi32>
        %gather3A_807 = tpu.vector_load_idx %arg16[%broadcast_in_dim3A_806] : memref<80xf32, #tpu.memory_space<vmem>>[vector<16xi32>], vector<16xf32>,
        %get3A_808 = arith.index_cast %scan3A_805 : i32 to index
        %get3A_809 = arith.constant 0 : index
        %get3A_810 = tpu.vector_load %arg17[%get3A_808, %get3A_809] {strides = array<i32>} : memref<80x80xf32, #tpu.memory_space<vmem>>, vector<16xf32>,
        %mul3A_811 = arith.mulf %get3A_810, %gather3A_807 : vector<16xf32>
        %swap3A_812 = arith.index_cast %scan3A_805 : i32 to index
        %swap3A_813 = arith.constant 0 : index
        %swap3A_814 = tpu.vector_load %arg17[%swap3A_812, %swap3A_813] {strides = array<i32>} : memref<80x80xf32, #tpu.memory_space<vmem>>, vector<16xf32>,
        tpu.vector_store %arg17[%swap3A_812, %swap3A_813], %mul3A_811 {strides = array<i32>} : memref<80x80xf32, #tpu.memory_space<vmem>>, vector<16xf32>,
        %get3A_815 = arith.index_cast %scan3A_805 : i32 to index
        %get3A_816 = arith.constant 16 : index
        %get3A_817 = tpu.vector_load %arg17[%get3A_815, %get3A_816] {strides = array<i32>} : memref<80x80xf32, #tpu.memory_space<vmem>>, vector<16xf32>,
        %mul3A_818 = arith.mulf %get3A_817, %gather3A_807 : vector<16xf32>
        %swap3A_819 = arith.index_cast %scan3A_805 : i32 to index
        %swap3A_820 = arith.constant 16 : index
        %swap3A_821 = tpu.vector_load %arg17[%swap3A_819, %swap3A_820] {strides = array<i32>} : memref<80x80xf32, #tpu.memory_space<vmem>>, vector<16xf32>,
        tpu.vector_store %arg17[%swap3A_819, %swap3A_820], %mul3A_818 {strides = array<i32>} : memref<80x80xf32, #tpu.memory_space<vmem>>, vector<16xf32>,
        %get3A_822 = arith.index_cast %scan3A_805 : i32 to index
        %get3A_823 = arith.constant 32 : index
        %get3A_824 = tpu.vector_load %arg17[%get3A_822, %get3A_823] {strides = array<i32>} : memref<80x80xf32, #tpu.memory_space<vmem>>, vector<16xf32>,
        %mul3A_825 = arith.mulf %get3A_824, %gather3A_807 : vector<16xf32>
        %swap3A_826 = arith.index_cast %scan3A_805 : i32 to index
        %swap3A_827 = arith.constant 32 : index
        %swap3A_828 = tpu.vector_load %arg17[%swap3A_826, %swap3A_827] {strides = array<i32>} : memref<80x80xf32, #tpu.memory_space<vmem>>, vector<16xf32>,
        tpu.vector_store %arg17[%swap3A_826, %swap3A_827], %mul3A_825 {strides = array<i32>} : memref<80x80xf32, #tpu.memory_space<vmem>>, vector<16xf32>,
        %get3A_829 = arith.index_cast %scan3A_805 : i32 to index
        %get3A_830 = arith.constant 48 : index
        %get3A_831 = tpu.vector_load %arg17[%get3A_829, %get3A_830] {strides = array<i32>} : memref<80x80xf32, #tpu.memory_space<vmem>>, vector<16xf32>,
        %mul3A_832 = arith.mulf %get3A_831, %gather3A_807 : vector<16xf32>
        %swap3A_833 = arith.index_cast %scan3A_805 : i32 to index
        %swap3A_834 = arith.constant 48 : index
        %swap3A_835 = tpu.vector_load %arg17[%swap3A_833, %swap3A_834] {strides = array<i32>} : memref<80x80xf32, #tpu.memory_space<vmem>>, vector<16xf32>,
        tpu.vector_store %arg17[%swap3A_833, %swap3A_834], %mul3A_832 {strides = array<i32>} : memref<80x80xf32, #tpu.memory_space<vmem>>, vector<16xf32>,
        %mul3A_836 = arith.mulf %select_n3A, %gather3A_807 : vector<16xf32>
        %swap3A_837 = arith.index_cast %scan3A_805 : i32 to index
        %swap3A_838 = arith.constant 64 : index
        %swap3A_839 = tpu.vector_load %arg17[%swap3A_837, %swap3A_838] {strides = array<i32>} : memref<80x80xf32, #tpu.memory_space<vmem>>, vector<16xf32>,
        tpu.vector_store %arg17[%swap3A_837, %swap3A_838], %mul3A_836 {strides = array<i32>} : memref<80x80xf32, #tpu.memory_space<vmem>>, vector<16xf32>,
        %scan3A_840 = arith.constant 4 : i32
        %scan3A_841 = arith.addi %scan3A_697, %scan3A_840 : i32
        %broadcast_in_dim3A_842 = vector.broadcast %scan3A_841 : i32 to vector<16xi32>
        %gather3A_843 = tpu.vector_load_idx %arg16[%broadcast_in_dim3A_842] : memref<80xf32, #tpu.memory_space<vmem>>[vector<16xi32>], vector<16xf32>,
        %get3A_844 = arith.index_cast %scan3A_841 : i32 to index
        %get3A_845 = arith.constant 0 : index
        %get3A_846 = tpu.vector_load %arg17[%get3A_844, %get3A_845] {strides = array<i32>} : memref<80x80xf32, #tpu.memory_space<vmem>>, vector<16xf32>,
        %mul3A_847 = arith.mulf %get3A_846, %gather3A_843 : vector<16xf32>
        %swap3A_848 = arith.index_cast %scan3A_841 : i32 to index
        %swap3A_849 = arith.constant 0 : index
        %swap3A_850 = tpu.vector_load %arg17[%swap3A_848, %swap3A_849] {strides = array<i32>} : memref<80x80xf32, #tpu.memory_space<vmem>>, vector<16xf32>,
        tpu.vector_store %arg17[%swap3A_848, %swap3A_849], %mul3A_847 {strides = array<i32>} : memref<80x80xf32, #tpu.memory_space<vmem>>, vector<16xf32>,
        %get3A_851 = arith.index_cast %scan3A_841 : i32 to index
        %get3A_852 = arith.constant 16 : index
        %get3A_853 = tpu.vector_load %arg17[%get3A_851, %get3A_852] {strides = array<i32>} : memref<80x80xf32, #tpu.memory_space<vmem>>, vector<16xf32>,
        %mul3A_854 = arith.mulf %get3A_853, %gather3A_843 : vector<16xf32>
        %swap3A_855 = arith.index_cast %scan3A_841 : i32 to index
        %swap3A_856 = arith.constant 16 : index
        %swap3A_857 = tpu.vector_load %arg17[%swap3A_855, %swap3A_856] {strides = array<i32>} : memref<80x80xf32, #tpu.memory_space<vmem>>, vector<16xf32>,
        tpu.vector_store %arg17[%swap3A_855, %swap3A_856], %mul3A_854 {strides = array<i32>} : memref<80x80xf32, #tpu.memory_space<vmem>>, vector<16xf32>,
        %get3A_858 = arith.index_cast %scan3A_841 : i32 to index
        %get3A_859 = arith.constant 32 : index
        %get3A_860 = tpu.vector_load %arg17[%get3A_858, %get3A_859] {strides = array<i32>} : memref<80x80xf32, #tpu.memory_space<vmem>>, vector<16xf32>,
        %mul3A_861 = arith.mulf %get3A_860, %gather3A_843 : vector<16xf32>
        %swap3A_862 = arith.index_cast %scan3A_841 : i32 to index
        %swap3A_863 = arith.constant 32 : index
        %swap3A_864 = tpu.vector_load %arg17[%swap3A_862, %swap3A_863] {strides = array<i32>} : memref<80x80xf32, #tpu.memory_space<vmem>>, vector<16xf32>,
        tpu.vector_store %arg17[%swap3A_862, %swap3A_863], %mul3A_861 {strides = array<i32>} : memref<80x80xf32, #tpu.memory_space<vmem>>, vector<16xf32>,
        %get3A_865 = arith.index_cast %scan3A_841 : i32 to index
        %get3A_866 = arith.constant 48 : index
        %get3A_867 = tpu.vector_load %arg17[%get3A_865, %get3A_866] {strides = array<i32>} : memref<80x80xf32, #tpu.memory_space<vmem>>, vector<16xf32>,
        %mul3A_868 = arith.mulf %get3A_867, %gather3A_843 : vector<16xf32>
        %swap3A_869 = arith.index_cast %scan3A_841 : i32 to index
        %swap3A_870 = arith.constant 48 : index
        %swap3A_871 = tpu.vector_load %arg17[%swap3A_869, %swap3A_870] {strides = array<i32>} : memref<80x80xf32, #tpu.memory_space<vmem>>, vector<16xf32>,
        tpu.vector_store %arg17[%swap3A_869, %swap3A_870], %mul3A_868 {strides = array<i32>} : memref<80x80xf32, #tpu.memory_space<vmem>>, vector<16xf32>,
        %mul3A_872 = arith.mulf %select_n3A, %gather3A_843 : vector<16xf32>
        %swap3A_873 = arith.index_cast %scan3A_841 : i32 to index
        %swap3A_874 = arith.constant 64 : index
        %swap3A_875 = tpu.vector_load %arg17[%swap3A_873, %swap3A_874] {strides = array<i32>} : memref<80x80xf32, #tpu.memory_space<vmem>>, vector<16xf32>,
        tpu.vector_store %arg17[%swap3A_873, %swap3A_874], %mul3A_872 {strides = array<i32>} : memref<80x80xf32, #tpu.memory_space<vmem>>, vector<16xf32>,
        %scan3A_876 = arith.constant 5 : i32
        %scan3A_877 = arith.addi %scan3A_697, %scan3A_876 : i32
        %broadcast_in_dim3A_878 = vector.broadcast %scan3A_877 : i32 to vector<16xi32>
        %gather3A_879 = tpu.vector_load_idx %arg16[%broadcast_in_dim3A_878] : memref<80xf32, #tpu.memory_space<vmem>>[vector<16xi32>], vector<16xf32>,
        %get3A_880 = arith.index_cast %scan3A_877 : i32 to index
        %get3A_881 = arith.constant 0 : index
        %get3A_882 = tpu.vector_load %arg17[%get3A_880, %get3A_881] {strides = array<i32>} : memref<80x80xf32, #tpu.memory_space<vmem>>, vector<16xf32>,
        %mul3A_883 = arith.mulf %get3A_882, %gather3A_879 : vector<16xf32>
        %swap3A_884 = arith.index_cast %scan3A_877 : i32 to index
        %swap3A_885 = arith.constant 0 : index
        %swap3A_886 = tpu.vector_load %arg17[%swap3A_884, %swap3A_885] {strides = array<i32>} : memref<80x80xf32, #tpu.memory_space<vmem>>, vector<16xf32>,
        tpu.vector_store %arg17[%swap3A_884, %swap3A_885], %mul3A_883 {strides = array<i32>} : memref<80x80xf32, #tpu.memory_space<vmem>>, vector<16xf32>,
        %get3A_887 = arith.index_cast %scan3A_877 : i32 to index
        %get3A_888 = arith.constant 16 : index
        %get3A_889 = tpu.vector_load %arg17[%get3A_887, %get3A_888] {strides = array<i32>} : memref<80x80xf32, #tpu.memory_space<vmem>>, vector<16xf32>,
        %mul3A_890 = arith.mulf %get3A_889, %gather3A_879 : vector<16xf32>
        %swap3A_891 = arith.index_cast %scan3A_877 : i32 to index
        %swap3A_892 = arith.constant 16 : index
        %swap3A_893 = tpu.vector_load %arg17[%swap3A_891, %swap3A_892] {strides = array<i32>} : memref<80x80xf32, #tpu.memory_space<vmem>>, vector<16xf32>,
        tpu.vector_store %arg17[%swap3A_891, %swap3A_892], %mul3A_890 {strides = array<i32>} : memref<80x80xf32, #tpu.memory_space<vmem>>, vector<16xf32>,
        %get3A_894 = arith.index_cast %scan3A_877 : i32 to index
        %get3A_895 = arith.constant 32 : index
        %get3A_896 = tpu.vector_load %arg17[%get3A_894, %get3A_895] {strides = array<i32>} : memref<80x80xf32, #tpu.memory_space<vmem>>, vector<16xf32>,
        %mul3A_897 = arith.mulf %get3A_896, %gather3A_879 : vector<16xf32>
        %swap3A_898 = arith.index_cast %scan3A_877 : i32 to index
        %swap3A_899 = arith.constant 32 : index
        %swap3A_900 = tpu.vector_load %arg17[%swap3A_898, %swap3A_899] {strides = array<i32>} : memref<80x80xf32, #tpu.memory_space<vmem>>, vector<16xf32>,
        tpu.vector_store %arg17[%swap3A_898, %swap3A_899], %mul3A_897 {strides = array<i32>} : memref<80x80xf32, #tpu.memory_space<vmem>>, vector<16xf32>,
        %get3A_901 = arith.index_cast %scan3A_877 : i32 to index
        %get3A_902 = arith.constant 48 : index
        %get3A_903 = tpu.vector_load %arg17[%get3A_901, %get3A_902] {strides = array<i32>} : memref<80x80xf32, #tpu.memory_space<vmem>>, vector<16xf32>,
        %mul3A_904 = arith.mulf %get3A_903, %gather3A_879 : vector<16xf32>
        %swap3A_905 = arith.index_cast %scan3A_877 : i32 to index
        %swap3A_906 = arith.constant 48 : index
        %swap3A_907 = tpu.vector_load %arg17[%swap3A_905, %swap3A_906] {strides = array<i32>} : memref<80x80xf32, #tpu.memory_space<vmem>>, vector<16xf32>,
        tpu.vector_store %arg17[%swap3A_905, %swap3A_906], %mul3A_904 {strides = array<i32>} : memref<80x80xf32, #tpu.memory_space<vmem>>, vector<16xf32>,
        %mul3A_908 = arith.mulf %select_n3A, %gather3A_879 : vector<16xf32>
        %swap3A_909 = arith.index_cast %scan3A_877 : i32 to index
        %swap3A_910 = arith.constant 64 : index
        %swap3A_911 = tpu.vector_load %arg17[%swap3A_909, %swap3A_910] {strides = array<i32>} : memref<80x80xf32, #tpu.memory_space<vmem>>, vector<16xf32>,
        tpu.vector_store %arg17[%swap3A_909, %swap3A_910], %mul3A_908 {strides = array<i32>} : memref<80x80xf32, #tpu.memory_space<vmem>>, vector<16xf32>,
        %scan3A_912 = arith.constant 6 : i32
        %scan3A_913 = arith.addi %scan3A_697, %scan3A_912 : i32
        %broadcast_in_dim3A_914 = vector.broadcast %scan3A_913 : i32 to vector<16xi32>
        %gather3A_915 = tpu.vector_load_idx %arg16[%broadcast_in_dim3A_914] : memref<80xf32, #tpu.memory_space<vmem>>[vector<16xi32>], vector<16xf32>,
        %get3A_916 = arith.index_cast %scan3A_913 : i32 to index
        %get3A_917 = arith.constant 0 : index
        %get3A_918 = tpu.vector_load %arg17[%get3A_916, %get3A_917] {strides = array<i32>} : memref<80x80xf32, #tpu.memory_space<vmem>>, vector<16xf32>,
        %mul3A_919 = arith.mulf %get3A_918, %gather3A_915 : vector<16xf32>
        %swap3A_920 = arith.index_cast %scan3A_913 : i32 to index
        %swap3A_921 = arith.constant 0 : index
        %swap3A_922 = tpu.vector_load %arg17[%swap3A_920, %swap3A_921] {strides = array<i32>} : memref<80x80xf32, #tpu.memory_space<vmem>>, vector<16xf32>,
        tpu.vector_store %arg17[%swap3A_920, %swap3A_921], %mul3A_919 {strides = array<i32>} : memref<80x80xf32, #tpu.memory_space<vmem>>, vector<16xf32>,
        %get3A_923 = arith.index_cast %scan3A_913 : i32 to index
        %get3A_924 = arith.constant 16 : index
        %get3A_925 = tpu.vector_load %arg17[%get3A_923, %get3A_924] {strides = array<i32>} : memref<80x80xf32, #tpu.memory_space<vmem>>, vector<16xf32>,
        %mul3A_926 = arith.mulf %get3A_925, %gather3A_915 : vector<16xf32>
        %swap3A_927 = arith.index_cast %scan3A_913 : i32 to index
        %swap3A_928 = arith.constant 16 : index
        %swap3A_929 = tpu.vector_load %arg17[%swap3A_927, %swap3A_928] {strides = array<i32>} : memref<80x80xf32, #tpu.memory_space<vmem>>, vector<16xf32>,
        tpu.vector_store %arg17[%swap3A_927, %swap3A_928], %mul3A_926 {strides = array<i32>} : memref<80x80xf32, #tpu.memory_space<vmem>>, vector<16xf32>,
        %get3A_930 = arith.index_cast %scan3A_913 : i32 to index
        %get3A_931 = arith.constant 32 : index
        %get3A_932 = tpu.vector_load %arg17[%get3A_930, %get3A_931] {strides = array<i32>} : memref<80x80xf32, #tpu.memory_space<vmem>>, vector<16xf32>,
        %mul3A_933 = arith.mulf %get3A_932, %gather3A_915 : vector<16xf32>
        %swap3A_934 = arith.index_cast %scan3A_913 : i32 to index
        %swap3A_935 = arith.constant 32 : index
        %swap3A_936 = tpu.vector_load %arg17[%swap3A_934, %swap3A_935] {strides = array<i32>} : memref<80x80xf32, #tpu.memory_space<vmem>>, vector<16xf32>,
        tpu.vector_store %arg17[%swap3A_934, %swap3A_935], %mul3A_933 {strides = array<i32>} : memref<80x80xf32, #tpu.memory_space<vmem>>, vector<16xf32>,
        %get3A_937 = arith.index_cast %scan3A_913 : i32 to index
        %get3A_938 = arith.constant 48 : index
        %get3A_939 = tpu.vector_load %arg17[%get3A_937, %get3A_938] {strides = array<i32>} : memref<80x80xf32, #tpu.memory_space<vmem>>, vector<16xf32>,
        %mul3A_940 = arith.mulf %get3A_939, %gather3A_915 : vector<16xf32>
        %swap3A_941 = arith.index_cast %scan3A_913 : i32 to index
        %swap3A_942 = arith.constant 48 : index
        %swap3A_943 = tpu.vector_load %arg17[%swap3A_941, %swap3A_942] {strides = array<i32>} : memref<80x80xf32, #tpu.memory_space<vmem>>, vector<16xf32>,
        tpu.vector_store %arg17[%swap3A_941, %swap3A_942], %mul3A_940 {strides = array<i32>} : memref<80x80xf32, #tpu.memory_space<vmem>>, vector<16xf32>,
        %mul3A_944 = arith.mulf %select_n3A, %gather3A_915 : vector<16xf32>
        %swap3A_945 = arith.index_cast %scan3A_913 : i32 to index
        %swap3A_946 = arith.constant 64 : index
        %swap3A_947 = tpu.vector_load %arg17[%swap3A_945, %swap3A_946] {strides = array<i32>} : memref<80x80xf32, #tpu.memory_space<vmem>>, vector<16xf32>,
        tpu.vector_store %arg17[%swap3A_945, %swap3A_946], %mul3A_944 {strides = array<i32>} : memref<80x80xf32, #tpu.memory_space<vmem>>, vector<16xf32>,
        %scan3A_948 = arith.constant 7 : i32
        %scan3A_949 = arith.addi %scan3A_697, %scan3A_948 : i32
        %broadcast_in_dim3A_950 = vector.broadcast %scan3A_949 : i32 to vector<16xi32>
        %gather3A_951 = tpu.vector_load_idx %arg16[%broadcast_in_dim3A_950] : memref<80xf32, #tpu.memory_space<vmem>>[vector<16xi32>], vector<16xf32>,
        %get3A_952 = arith.index_cast %scan3A_949 : i32 to index
        %get3A_953 = arith.constant 0 : index
        %get3A_954 = tpu.vector_load %arg17[%get3A_952, %get3A_953] {strides = array<i32>} : memref<80x80xf32, #tpu.memory_space<vmem>>, vector<16xf32>,
        %mul3A_955 = arith.mulf %get3A_954, %gather3A_951 : vector<16xf32>
        %swap3A_956 = arith.index_cast %scan3A_949 : i32 to index
        %swap3A_957 = arith.constant 0 : index
        %swap3A_958 = tpu.vector_load %arg17[%swap3A_956, %swap3A_957] {strides = array<i32>} : memref<80x80xf32, #tpu.memory_space<vmem>>, vector<16xf32>,
        tpu.vector_store %arg17[%swap3A_956, %swap3A_957], %mul3A_955 {strides = array<i32>} : memref<80x80xf32, #tpu.memory_space<vmem>>, vector<16xf32>,
        %get3A_959 = arith.index_cast %scan3A_949 : i32 to index
        %get3A_960 = arith.constant 16 : index
        %get3A_961 = tpu.vector_load %arg17[%get3A_959, %get3A_960] {strides = array<i32>} : memref<80x80xf32, #tpu.memory_space<vmem>>, vector<16xf32>,
        %mul3A_962 = arith.mulf %get3A_961, %gather3A_951 : vector<16xf32>
        %swap3A_963 = arith.index_cast %scan3A_949 : i32 to index
        %swap3A_964 = arith.constant 16 : index
        %swap3A_965 = tpu.vector_load %arg17[%swap3A_963, %swap3A_964] {strides = array<i32>} : memref<80x80xf32, #tpu.memory_space<vmem>>, vector<16xf32>,
        tpu.vector_store %arg17[%swap3A_963, %swap3A_964], %mul3A_962 {strides = array<i32>} : memref<80x80xf32, #tpu.memory_space<vmem>>, vector<16xf32>,
        %get3A_966 = arith.index_cast %scan3A_949 : i32 to index
        %get3A_967 = arith.constant 32 : index
        %get3A_968 = tpu.vector_load %arg17[%get3A_966, %get3A_967] {strides = array<i32>} : memref<80x80xf32, #tpu.memory_space<vmem>>, vector<16xf32>,
        %mul3A_969 = arith.mulf %get3A_968, %gather3A_951 : vector<16xf32>
        %swap3A_970 = arith.index_cast %scan3A_949 : i32 to index
        %swap3A_971 = arith.constant 32 : index
        %swap3A_972 = tpu.vector_load %arg17[%swap3A_970, %swap3A_971] {strides = array<i32>} : memref<80x80xf32, #tpu.memory_space<vmem>>, vector<16xf32>,
        tpu.vector_store %arg17[%swap3A_970, %swap3A_971], %mul3A_969 {strides = array<i32>} : memref<80x80xf32, #tpu.memory_space<vmem>>, vector<16xf32>,
        %get3A_973 = arith.index_cast %scan3A_949 : i32 to index
        %get3A_974 = arith.constant 48 : index
        %get3A_975 = tpu.vector_load %arg17[%get3A_973, %get3A_974] {strides = array<i32>} : memref<80x80xf32, #tpu.memory_space<vmem>>, vector<16xf32>,
        %mul3A_976 = arith.mulf %get3A_975, %gather3A_951 : vector<16xf32>
        %swap3A_977 = arith.index_cast %scan3A_949 : i32 to index
        %swap3A_978 = arith.constant 48 : index
        %swap3A_979 = tpu.vector_load %arg17[%swap3A_977, %swap3A_978] {strides = array<i32>} : memref<80x80xf32, #tpu.memory_space<vmem>>, vector<16xf32>,
        tpu.vector_store %arg17[%swap3A_977, %swap3A_978], %mul3A_976 {strides = array<i32>} : memref<80x80xf32, #tpu.memory_space<vmem>>, vector<16xf32>,
        %mul3A_980 = arith.mulf %select_n3A, %gather3A_951 : vector<16xf32>
        %swap3A_981 = arith.index_cast %scan3A_949 : i32 to index
        %swap3A_982 = arith.constant 64 : index
        %swap3A_983 = tpu.vector_load %arg17[%swap3A_981, %swap3A_982] {strides = array<i32>} : memref<80x80xf32, #tpu.memory_space<vmem>>, vector<16xf32>,
        tpu.vector_store %arg17[%swap3A_981, %swap3A_982], %mul3A_980 {strides = array<i32>} : memref<80x80xf32, #tpu.memory_space<vmem>>, vector<16xf32>,
      }
      %scan3A_363 = arith.constant 80 : i32
      "tpu.region"() ({
        %run_scoped3A = tpu.sem_alloc : memref<!tpu.dma_semaphore, #tpu.memory_space<semaphore_mem>>
        %dma_start3A_697 = arith.constant 0 : i32
        %dma_start3A_698 = tpu.memref_slice %arg11[%mul3A_29, %dma_start3A_697] : memref<250x80xi32, #tpu.memory_space<vmem>> -> memref<1x80xi32, #tpu.memory_space<vmem>>
        %dma_start3A_699 = tpu.memref_squeeze %dma_start3A_698 : memref<1x80xi32, #tpu.memory_space<vmem>> -> memref<80xi32, #tpu.memory_space<vmem>>
        %dma_start3A_700 = arith.constant 0 : i32
        %dma_start3A_701 = arith.constant 0 : i32
        %dma_start3A_702 = tpu.memref_slice %arg19[%dma_start3A_700, %dma_start3A_701] : memref<10112x80xf32, #tpu.memory_space<vmem_shared>> -> memref<10112x80xf32, #tpu.memory_space<vmem_shared>>
        tpu.enqueue_indirect_dma source(%arg17 : memref<80x80xf32, #tpu.memory_space<vmem>>) target(%dma_start3A_702 : memref<10112x80xf32, #tpu.memory_space<vmem_shared>>) offsets(%dma_start3A_699 : memref<80xi32, #tpu.memory_space<vmem>>) semaphore(%run_scoped3A : memref<!tpu.dma_semaphore, #tpu.memory_space<semaphore_mem>>) {add = true}
        %dma_wait3A_703 = arith.constant 0 : i32
        %dma_wait3A_704 = tpu.memref_slice %arg11[%mul3A_29, %dma_wait3A_703] : memref<250x80xi32, #tpu.memory_space<vmem>> -> memref<1x80xi32, #tpu.memory_space<vmem>>
        %dma_wait3A_705 = tpu.memref_squeeze %dma_wait3A_704 : memref<1x80xi32, #tpu.memory_space<vmem>> -> memref<80xi32, #tpu.memory_space<vmem>>
        %dma_wait3A_706 = arith.constant 0 : i32
        %dma_wait3A_707 = arith.constant 0 : i32
        %dma_wait3A_708 = tpu.memref_slice %arg19[%dma_wait3A_706, %dma_wait3A_707] : memref<10112x80xf32, #tpu.memory_space<vmem_shared>> -> memref<10112x80xf32, #tpu.memory_space<vmem_shared>>
        tpu.wait_indirect_dma semaphore(%run_scoped3A : memref<!tpu.dma_semaphore, #tpu.memory_space<semaphore_mem>>) src(%arg17 : memref<80x80xf32, #tpu.memory_space<vmem>>) dst(%dma_wait3A_708 : memref<10112x80xf32, #tpu.memory_space<vmem_shared>>)
        tpu.yield
      }) : () -> ()
      %add3A_364 = arith.constant 1 : i32
      %add3A_365 = arith.addi %add3A_32, %add3A_364 : i32
      %lt3A = arith.constant 250 : i32
      %lt3A_366 = arith.cmpi slt, %add3A_365, %lt3A : i32
      %convert_element_type3A_367 = arith.extui %lt3A_366 : i1 to i32
      %cond3A = arith.constant 0 : i32
      %cond3A_368 = arith.cmpi ne, %convert_element_type3A_367, %cond3A : i32
      scf.if %cond3A_368 {
        %add3A_697 = arith.constant 1 : i32
        %add3A_698 = arith.addi %add3A_32, %add3A_697 : i32
        %dma_start3A_699 = arith.constant 0 : i32
        %dma_start3A_700 = tpu.memref_slice %arg10[%add3A_698, %dma_start3A_699] : memref<250x80xi32, #tpu.memory_space<vmem>> -> memref<1x80xi32, #tpu.memory_space<vmem>>
        %dma_start3A_701 = tpu.memref_squeeze %dma_start3A_700 : memref<1x80xi32, #tpu.memory_space<vmem>> -> memref<80xi32, #tpu.memory_space<vmem>>
        %dma_start3A_702 = arith.constant 0 : i32
        %dma_start3A_703 = arith.constant 0 : i32
        %dma_start3A_704 = tpu.memref_slice %arg2[%dma_start3A_702, %dma_start3A_703] : memref<10000x80xf32, #tpu.memory_space<hbm>> -> memref<10000x80xf32, #tpu.memory_space<hbm>>
        tpu.enqueue_indirect_dma source(%dma_start3A_704 : memref<10000x80xf32, #tpu.memory_space<hbm>>) target(%arg17 : memref<80x80xf32, #tpu.memory_space<vmem>>) offsets(%dma_start3A_701 : memref<80xi32, #tpu.memory_space<vmem>>) semaphore(%arg20 : memref<!tpu.dma_semaphore, #tpu.memory_space<semaphore_mem>>)
        %add3A_705 = arith.constant 1 : i32
        %add3A_706 = arith.addi %add3A_32, %add3A_705 : i32
        %mul3A_707 = arith.constant 80 : i32
        %mul3A_708 = arith.muli %add3A_706, %mul3A_707 : i32
        %dma_start3A_709 = tpu.memref_slice %arg5[%arg0, %arg1, %mul3A_708] : memref<2x16x20000xf32, #tpu.memory_space<hbm>> -> memref<1x1x80xf32, #tpu.memory_space<hbm>>
        %dma_start3A_710 = tpu.memref_squeeze %dma_start3A_709 : memref<1x1x80xf32, #tpu.memory_space<hbm>> -> memref<80xf32, #tpu.memory_space<hbm>>
        %dma_start3A_711 = tpu.memref_slice %arg5[%arg0, %arg1, %mul3A_708] : memref<2x16x20000xf32, #tpu.memory_space<hbm>> -> memref<1x1x80xf32, #tpu.memory_space<hbm>>
        %dma_start3A_712 = tpu.memref_squeeze %dma_start3A_711 : memref<1x1x80xf32, #tpu.memory_space<hbm>> -> memref<80xf32, #tpu.memory_space<hbm>>
        tpu.enqueue_dma source(%dma_start3A_712 : memref<80xf32, #tpu.memory_space<hbm>>) target(%arg12 : memref<80xf32, #tpu.memory_space<vmem>>) target_semaphore(%arg22 : memref<!tpu.dma_semaphore, #tpu.memory_space<semaphore_mem>>)
      } else {
      }
      %dma_wait3A_369 = arith.constant 0 : i32
      %dma_wait3A_370 = tpu.memref_slice %arg10[%add3A_32, %dma_wait3A_369] : memref<250x80xi32, #tpu.memory_space<vmem>> -> memref<1x80xi32, #tpu.memory_space<vmem>>
      %dma_wait3A_371 = tpu.memref_squeeze %dma_wait3A_370 : memref<1x80xi32, #tpu.memory_space<vmem>> -> memref<80xi32, #tpu.memory_space<vmem>>
      %dma_wait3A_372 = arith.constant 0 : i32
      %dma_wait3A_373 = arith.constant 0 : i32
      %dma_wait3A_374 = tpu.memref_slice %arg2[%dma_wait3A_372, %dma_wait3A_373] : memref<10000x80xf32, #tpu.memory_space<hbm>> -> memref<10000x80xf32, #tpu.memory_space<hbm>>
      tpu.wait_indirect_dma semaphore(%arg21 : memref<!tpu.dma_semaphore, #tpu.memory_space<semaphore_mem>>) src(%dma_wait3A_374 : memref<10000x80xf32, #tpu.memory_space<hbm>>) dst(%arg18 : memref<80x80xf32, #tpu.memory_space<vmem>>)
      %mul3A_375 = arith.constant 80 : i32
      %mul3A_376 = arith.muli %add3A_32, %mul3A_375 : i32
      %dma_wait3A_377 = tpu.memref_slice %arg5[%arg0, %arg1, %mul3A_376] : memref<2x16x20000xf32, #tpu.memory_space<hbm>> -> memref<1x1x80xf32, #tpu.memory_space<hbm>>
      %dma_wait3A_378 = tpu.memref_squeeze %dma_wait3A_377 : memref<1x1x80xf32, #tpu.memory_space<hbm>> -> memref<80xf32, #tpu.memory_space<hbm>>
      %dma_wait3A_379 = tpu.memref_slice %arg5[%arg0, %arg1, %mul3A_376] : memref<2x16x20000xf32, #tpu.memory_space<hbm>> -> memref<1x1x80xf32, #tpu.memory_space<hbm>>
      %dma_wait3A_380 = tpu.memref_squeeze %dma_wait3A_379 : memref<1x1x80xf32, #tpu.memory_space<hbm>> -> memref<80xf32, #tpu.memory_space<hbm>>
      tpu.wait_dma2 semaphore(%arg23 : memref<!tpu.dma_semaphore, #tpu.memory_space<semaphore_mem>>) src(%dma_wait3A_380 : memref<80xf32, #tpu.memory_space<hbm>>) dst(%arg13 : memref<80xf32, #tpu.memory_space<vmem>>)
      %get3A_381 = arith.index_cast %add3A_32 : i32 to index
      %get3A_382 = arith.constant 0 : index
      %get3A_383 = tpu.vector_load %arg10[%get3A_381, %get3A_382] {strides = array<i32>} : memref<250x80xi32, #tpu.memory_space<vmem>>, vector<16xi32>,
      %get3A_384 = arith.index_cast %add3A_32 : i32 to index
      %get3A_385 = arith.constant 0 : index
      %get3A_386 = tpu.vector_load %arg11[%get3A_384, %get3A_385] {strides = array<i32>} : memref<250x80xi32, #tpu.memory_space<vmem>>, vector<16xi32>,
      %get3A_387 = arith.constant 0 : index
      %get3A_388 = tpu.vector_load %arg13[%get3A_387] {strides = array<i32>} : memref<80xf32, #tpu.memory_space<vmem>>, vector<16xf32>,
      %gather3A_389 = tpu.vector_load_idx %arg14[%get3A_383] : memref<10000xf32, #tpu.memory_space<vmem>>[vector<16xi32>], vector<16xf32>,
      %gather3A_390 = tpu.vector_load_idx %arg15[%get3A_386] : memref<10000xf32, #tpu.memory_space<vmem>>[vector<16xi32>], vector<16xf32>,
      %add3A_391 = arith.addf %gather3A_389, %gather3A_390 : vector<16xf32>
      %add3A_392 = arith.addf %add3A_391, %get3A_388 : vector<16xf32>
      %ge3A_393 = arith.constant 0.000000e+00 : f32
      %ge3A_394 = vector.broadcast %ge3A_393 : f32 to vector<16xf32>
      %ge3A_395 = arith.cmpf oge, %add3A_392, %ge3A_394 : vector<16xf32>
      %mul3A_396 = arith.constant 2.000000e-01 : f32
      %mul3A_397 = vector.broadcast %mul3A_396 : f32 to vector<16xf32>
      %mul3A_398 = arith.mulf %mul3A_397, %add3A_392 : vector<16xf32>
      %select_n3A_399 = arith.select %ge3A_395, %add3A_392, %mul3A_398 : vector<16xi1>, vector<16xf32>
      %mul3A_400 = arith.constant 1.44269502 : f32
      %mul3A_401 = vector.broadcast %mul3A_400 : f32 to vector<16xf32>
      %mul3A_402 = arith.mulf %select_n3A_399, %mul3A_401 : vector<16xf32>
      %add3A_403 = arith.constant 0x4B400000 : f32
      %add3A_404 = vector.broadcast %add3A_403 : f32 to vector<16xf32>
      %add3A_405 = arith.addf %mul3A_402, %add3A_404 : vector<16xf32>
      %sub3A_406 = arith.constant 0x4B400000 : f32
      %sub3A_407 = vector.broadcast %sub3A_406 : f32 to vector<16xf32>
      %sub3A_408 = arith.subf %add3A_405, %sub3A_407 : vector<16xf32>
      %sub3A_409 = arith.subf %mul3A_402, %sub3A_408 : vector<16xf32>
      %mul3A_410 = arith.constant 0.00132609205 : f32
      %mul3A_411 = vector.broadcast %mul3A_410 : f32 to vector<16xf32>
      %mul3A_412 = arith.mulf %mul3A_411, %sub3A_409 : vector<16xf32>
      %add3A_413 = arith.constant 0.00967017561 : f32
      %add3A_414 = vector.broadcast %add3A_413 : f32 to vector<16xf32>
      %add3A_415 = arith.addf %mul3A_412, %add3A_414 : vector<16xf32>
      %mul3A_416 = arith.mulf %add3A_415, %sub3A_409 : vector<16xf32>
      %add3A_417 = arith.constant 0.0555071235 : f32
      %add3A_418 = vector.broadcast %add3A_417 : f32 to vector<16xf32>
      %add3A_419 = arith.addf %mul3A_416, %add3A_418 : vector<16xf32>
      %mul3A_420 = arith.mulf %add3A_419, %sub3A_409 : vector<16xf32>
      %add3A_421 = arith.constant 0.240222245 : f32
      %add3A_422 = vector.broadcast %add3A_421 : f32 to vector<16xf32>
      %add3A_423 = arith.addf %mul3A_420, %add3A_422 : vector<16xf32>
      %mul3A_424 = arith.mulf %add3A_423, %sub3A_409 : vector<16xf32>
      %add3A_425 = arith.constant 6.931470e-01 : f32
      %add3A_426 = vector.broadcast %add3A_425 : f32 to vector<16xf32>
      %add3A_427 = arith.addf %mul3A_424, %add3A_426 : vector<16xf32>
      %mul3A_428 = arith.mulf %add3A_427, %sub3A_409 : vector<16xf32>
      %add3A_429 = arith.constant 1.000000e+00 : f32
      %add3A_430 = vector.broadcast %add3A_429 : f32 to vector<16xf32>
      %add3A_431 = arith.addf %mul3A_428, %add3A_430 : vector<16xf32>
      %convert_element_type3A_432 = arith.fptosi %sub3A_408 : vector<16xf32> to vector<16xi32>
      %add3A_433 = arith.constant 127 : i32
      %add3A_434 = vector.broadcast %add3A_433 : i32 to vector<16xi32>
      %add3A_435 = arith.addi %convert_element_type3A_432, %add3A_434 : vector<16xi32>
      %shift_left3A_436 = arith.constant 23 : i32
      %shift_left3A_437 = vector.broadcast %shift_left3A_436 : i32 to vector<16xi32>
      %shift_left3A_438 = arith.shli %add3A_435, %shift_left3A_437 : vector<16xi32>
      %bitcast_convert_type3A_439 = tpu.bitcast %shift_left3A_438 : vector<16xi32> -> vector<16xf32>
      %mul3A_440 = arith.mulf %bitcast_convert_type3A_439, %add3A_431 : vector<16xf32>
      %swap3A_441 = arith.constant 0 : index
      %swap3A_442 = tpu.vector_load %arg16[%swap3A_441] {strides = array<i32>} : memref<80xf32, #tpu.memory_space<vmem>>, vector<16xf32>,
      tpu.vector_store %arg16[%swap3A_441], %mul3A_440 {strides = array<i32>} : memref<80xf32, #tpu.memory_space<vmem>>, vector<16xf32>,
      %get3A_443 = arith.index_cast %add3A_32 : i32 to index
      %get3A_444 = arith.constant 16 : index
      %get3A_445 = tpu.vector_load %arg10[%get3A_443, %get3A_444] {strides = array<i32>} : memref<250x80xi32, #tpu.memory_space<vmem>>, vector<16xi32>,
      %get3A_446 = arith.index_cast %add3A_32 : i32 to index
      %get3A_447 = arith.constant 16 : index
      %get3A_448 = tpu.vector_load %arg11[%get3A_446, %get3A_447] {strides = array<i32>} : memref<250x80xi32, #tpu.memory_space<vmem>>, vector<16xi32>,
      %get3A_449 = arith.constant 16 : index
      %get3A_450 = tpu.vector_load %arg13[%get3A_449] {strides = array<i32>} : memref<80xf32, #tpu.memory_space<vmem>>, vector<16xf32>,
      %gather3A_451 = tpu.vector_load_idx %arg14[%get3A_445] : memref<10000xf32, #tpu.memory_space<vmem>>[vector<16xi32>], vector<16xf32>,
      %gather3A_452 = tpu.vector_load_idx %arg15[%get3A_448] : memref<10000xf32, #tpu.memory_space<vmem>>[vector<16xi32>], vector<16xf32>,
      %add3A_453 = arith.addf %gather3A_451, %gather3A_452 : vector<16xf32>
      %add3A_454 = arith.addf %add3A_453, %get3A_450 : vector<16xf32>
      %ge3A_455 = arith.constant 0.000000e+00 : f32
      %ge3A_456 = vector.broadcast %ge3A_455 : f32 to vector<16xf32>
      %ge3A_457 = arith.cmpf oge, %add3A_454, %ge3A_456 : vector<16xf32>
      %mul3A_458 = arith.constant 2.000000e-01 : f32
      %mul3A_459 = vector.broadcast %mul3A_458 : f32 to vector<16xf32>
      %mul3A_460 = arith.mulf %mul3A_459, %add3A_454 : vector<16xf32>
      %select_n3A_461 = arith.select %ge3A_457, %add3A_454, %mul3A_460 : vector<16xi1>, vector<16xf32>
      %mul3A_462 = arith.constant 1.44269502 : f32
      %mul3A_463 = vector.broadcast %mul3A_462 : f32 to vector<16xf32>
      %mul3A_464 = arith.mulf %select_n3A_461, %mul3A_463 : vector<16xf32>
      %add3A_465 = arith.constant 0x4B400000 : f32
      %add3A_466 = vector.broadcast %add3A_465 : f32 to vector<16xf32>
      %add3A_467 = arith.addf %mul3A_464, %add3A_466 : vector<16xf32>
      %sub3A_468 = arith.constant 0x4B400000 : f32
      %sub3A_469 = vector.broadcast %sub3A_468 : f32 to vector<16xf32>
      %sub3A_470 = arith.subf %add3A_467, %sub3A_469 : vector<16xf32>
      %sub3A_471 = arith.subf %mul3A_464, %sub3A_470 : vector<16xf32>
      %mul3A_472 = arith.constant 0.00132609205 : f32
      %mul3A_473 = vector.broadcast %mul3A_472 : f32 to vector<16xf32>
      %mul3A_474 = arith.mulf %mul3A_473, %sub3A_471 : vector<16xf32>
      %add3A_475 = arith.constant 0.00967017561 : f32
      %add3A_476 = vector.broadcast %add3A_475 : f32 to vector<16xf32>
      %add3A_477 = arith.addf %mul3A_474, %add3A_476 : vector<16xf32>
      %mul3A_478 = arith.mulf %add3A_477, %sub3A_471 : vector<16xf32>
      %add3A_479 = arith.constant 0.0555071235 : f32
      %add3A_480 = vector.broadcast %add3A_479 : f32 to vector<16xf32>
      %add3A_481 = arith.addf %mul3A_478, %add3A_480 : vector<16xf32>
      %mul3A_482 = arith.mulf %add3A_481, %sub3A_471 : vector<16xf32>
      %add3A_483 = arith.constant 0.240222245 : f32
      %add3A_484 = vector.broadcast %add3A_483 : f32 to vector<16xf32>
      %add3A_485 = arith.addf %mul3A_482, %add3A_484 : vector<16xf32>
      %mul3A_486 = arith.mulf %add3A_485, %sub3A_471 : vector<16xf32>
      %add3A_487 = arith.constant 6.931470e-01 : f32
      %add3A_488 = vector.broadcast %add3A_487 : f32 to vector<16xf32>
      %add3A_489 = arith.addf %mul3A_486, %add3A_488 : vector<16xf32>
      %mul3A_490 = arith.mulf %add3A_489, %sub3A_471 : vector<16xf32>
      %add3A_491 = arith.constant 1.000000e+00 : f32
      %add3A_492 = vector.broadcast %add3A_491 : f32 to vector<16xf32>
      %add3A_493 = arith.addf %mul3A_490, %add3A_492 : vector<16xf32>
      %convert_element_type3A_494 = arith.fptosi %sub3A_470 : vector<16xf32> to vector<16xi32>
      %add3A_495 = arith.constant 127 : i32
      %add3A_496 = vector.broadcast %add3A_495 : i32 to vector<16xi32>
      %add3A_497 = arith.addi %convert_element_type3A_494, %add3A_496 : vector<16xi32>
      %shift_left3A_498 = arith.constant 23 : i32
      %shift_left3A_499 = vector.broadcast %shift_left3A_498 : i32 to vector<16xi32>
      %shift_left3A_500 = arith.shli %add3A_497, %shift_left3A_499 : vector<16xi32>
      %bitcast_convert_type3A_501 = tpu.bitcast %shift_left3A_500 : vector<16xi32> -> vector<16xf32>
      %mul3A_502 = arith.mulf %bitcast_convert_type3A_501, %add3A_493 : vector<16xf32>
      %swap3A_503 = arith.constant 16 : index
      %swap3A_504 = tpu.vector_load %arg16[%swap3A_503] {strides = array<i32>} : memref<80xf32, #tpu.memory_space<vmem>>, vector<16xf32>,
      tpu.vector_store %arg16[%swap3A_503], %mul3A_502 {strides = array<i32>} : memref<80xf32, #tpu.memory_space<vmem>>, vector<16xf32>,
      %get3A_505 = arith.index_cast %add3A_32 : i32 to index
      %get3A_506 = arith.constant 32 : index
      %get3A_507 = tpu.vector_load %arg10[%get3A_505, %get3A_506] {strides = array<i32>} : memref<250x80xi32, #tpu.memory_space<vmem>>, vector<16xi32>,
      %get3A_508 = arith.index_cast %add3A_32 : i32 to index
      %get3A_509 = arith.constant 32 : index
      %get3A_510 = tpu.vector_load %arg11[%get3A_508, %get3A_509] {strides = array<i32>} : memref<250x80xi32, #tpu.memory_space<vmem>>, vector<16xi32>,
      %get3A_511 = arith.constant 32 : index
      %get3A_512 = tpu.vector_load %arg13[%get3A_511] {strides = array<i32>} : memref<80xf32, #tpu.memory_space<vmem>>, vector<16xf32>,
      %gather3A_513 = tpu.vector_load_idx %arg14[%get3A_507] : memref<10000xf32, #tpu.memory_space<vmem>>[vector<16xi32>], vector<16xf32>,
      %gather3A_514 = tpu.vector_load_idx %arg15[%get3A_510] : memref<10000xf32, #tpu.memory_space<vmem>>[vector<16xi32>], vector<16xf32>,
      %add3A_515 = arith.addf %gather3A_513, %gather3A_514 : vector<16xf32>
      %add3A_516 = arith.addf %add3A_515, %get3A_512 : vector<16xf32>
      %ge3A_517 = arith.constant 0.000000e+00 : f32
      %ge3A_518 = vector.broadcast %ge3A_517 : f32 to vector<16xf32>
      %ge3A_519 = arith.cmpf oge, %add3A_516, %ge3A_518 : vector<16xf32>
      %mul3A_520 = arith.constant 2.000000e-01 : f32
      %mul3A_521 = vector.broadcast %mul3A_520 : f32 to vector<16xf32>
      %mul3A_522 = arith.mulf %mul3A_521, %add3A_516 : vector<16xf32>
      %select_n3A_523 = arith.select %ge3A_519, %add3A_516, %mul3A_522 : vector<16xi1>, vector<16xf32>
      %mul3A_524 = arith.constant 1.44269502 : f32
      %mul3A_525 = vector.broadcast %mul3A_524 : f32 to vector<16xf32>
      %mul3A_526 = arith.mulf %select_n3A_523, %mul3A_525 : vector<16xf32>
      %add3A_527 = arith.constant 0x4B400000 : f32
      %add3A_528 = vector.broadcast %add3A_527 : f32 to vector<16xf32>
      %add3A_529 = arith.addf %mul3A_526, %add3A_528 : vector<16xf32>
      %sub3A_530 = arith.constant 0x4B400000 : f32
      %sub3A_531 = vector.broadcast %sub3A_530 : f32 to vector<16xf32>
      %sub3A_532 = arith.subf %add3A_529, %sub3A_531 : vector<16xf32>
      %sub3A_533 = arith.subf %mul3A_526, %sub3A_532 : vector<16xf32>
      %mul3A_534 = arith.constant 0.00132609205 : f32
      %mul3A_535 = vector.broadcast %mul3A_534 : f32 to vector<16xf32>
      %mul3A_536 = arith.mulf %mul3A_535, %sub3A_533 : vector<16xf32>
      %add3A_537 = arith.constant 0.00967017561 : f32
      %add3A_538 = vector.broadcast %add3A_537 : f32 to vector<16xf32>
      %add3A_539 = arith.addf %mul3A_536, %add3A_538 : vector<16xf32>
      %mul3A_540 = arith.mulf %add3A_539, %sub3A_533 : vector<16xf32>
      %add3A_541 = arith.constant 0.0555071235 : f32
      %add3A_542 = vector.broadcast %add3A_541 : f32 to vector<16xf32>
      %add3A_543 = arith.addf %mul3A_540, %add3A_542 : vector<16xf32>
      %mul3A_544 = arith.mulf %add3A_543, %sub3A_533 : vector<16xf32>
      %add3A_545 = arith.constant 0.240222245 : f32
      %add3A_546 = vector.broadcast %add3A_545 : f32 to vector<16xf32>
      %add3A_547 = arith.addf %mul3A_544, %add3A_546 : vector<16xf32>
      %mul3A_548 = arith.mulf %add3A_547, %sub3A_533 : vector<16xf32>
      %add3A_549 = arith.constant 6.931470e-01 : f32
      %add3A_550 = vector.broadcast %add3A_549 : f32 to vector<16xf32>
      %add3A_551 = arith.addf %mul3A_548, %add3A_550 : vector<16xf32>
      %mul3A_552 = arith.mulf %add3A_551, %sub3A_533 : vector<16xf32>
      %add3A_553 = arith.constant 1.000000e+00 : f32
      %add3A_554 = vector.broadcast %add3A_553 : f32 to vector<16xf32>
      %add3A_555 = arith.addf %mul3A_552, %add3A_554 : vector<16xf32>
      %convert_element_type3A_556 = arith.fptosi %sub3A_532 : vector<16xf32> to vector<16xi32>
      %add3A_557 = arith.constant 127 : i32
      %add3A_558 = vector.broadcast %add3A_557 : i32 to vector<16xi32>
      %add3A_559 = arith.addi %convert_element_type3A_556, %add3A_558 : vector<16xi32>
      %shift_left3A_560 = arith.constant 23 : i32
      %shift_left3A_561 = vector.broadcast %shift_left3A_560 : i32 to vector<16xi32>
      %shift_left3A_562 = arith.shli %add3A_559, %shift_left3A_561 : vector<16xi32>
      %bitcast_convert_type3A_563 = tpu.bitcast %shift_left3A_562 : vector<16xi32> -> vector<16xf32>
      %mul3A_564 = arith.mulf %bitcast_convert_type3A_563, %add3A_555 : vector<16xf32>
      %swap3A_565 = arith.constant 32 : index
      %swap3A_566 = tpu.vector_load %arg16[%swap3A_565] {strides = array<i32>} : memref<80xf32, #tpu.memory_space<vmem>>, vector<16xf32>,
      tpu.vector_store %arg16[%swap3A_565], %mul3A_564 {strides = array<i32>} : memref<80xf32, #tpu.memory_space<vmem>>, vector<16xf32>,
      %get3A_567 = arith.index_cast %add3A_32 : i32 to index
      %get3A_568 = arith.constant 48 : index
      %get3A_569 = tpu.vector_load %arg10[%get3A_567, %get3A_568] {strides = array<i32>} : memref<250x80xi32, #tpu.memory_space<vmem>>, vector<16xi32>,
      %get3A_570 = arith.index_cast %add3A_32 : i32 to index
      %get3A_571 = arith.constant 48 : index
      %get3A_572 = tpu.vector_load %arg11[%get3A_570, %get3A_571] {strides = array<i32>} : memref<250x80xi32, #tpu.memory_space<vmem>>, vector<16xi32>,
      %get3A_573 = arith.constant 48 : index
      %get3A_574 = tpu.vector_load %arg13[%get3A_573] {strides = array<i32>} : memref<80xf32, #tpu.memory_space<vmem>>, vector<16xf32>,
      %gather3A_575 = tpu.vector_load_idx %arg14[%get3A_569] : memref<10000xf32, #tpu.memory_space<vmem>>[vector<16xi32>], vector<16xf32>,
      %gather3A_576 = tpu.vector_load_idx %arg15[%get3A_572] : memref<10000xf32, #tpu.memory_space<vmem>>[vector<16xi32>], vector<16xf32>,
      %add3A_577 = arith.addf %gather3A_575, %gather3A_576 : vector<16xf32>
      %add3A_578 = arith.addf %add3A_577, %get3A_574 : vector<16xf32>
      %ge3A_579 = arith.constant 0.000000e+00 : f32
      %ge3A_580 = vector.broadcast %ge3A_579 : f32 to vector<16xf32>
      %ge3A_581 = arith.cmpf oge, %add3A_578, %ge3A_580 : vector<16xf32>
      %mul3A_582 = arith.constant 2.000000e-01 : f32
      %mul3A_583 = vector.broadcast %mul3A_582 : f32 to vector<16xf32>
      %mul3A_584 = arith.mulf %mul3A_583, %add3A_578 : vector<16xf32>
      %select_n3A_585 = arith.select %ge3A_581, %add3A_578, %mul3A_584 : vector<16xi1>, vector<16xf32>
      %mul3A_586 = arith.constant 1.44269502 : f32
      %mul3A_587 = vector.broadcast %mul3A_586 : f32 to vector<16xf32>
      %mul3A_588 = arith.mulf %select_n3A_585, %mul3A_587 : vector<16xf32>
      %add3A_589 = arith.constant 0x4B400000 : f32
      %add3A_590 = vector.broadcast %add3A_589 : f32 to vector<16xf32>
      %add3A_591 = arith.addf %mul3A_588, %add3A_590 : vector<16xf32>
      %sub3A_592 = arith.constant 0x4B400000 : f32
      %sub3A_593 = vector.broadcast %sub3A_592 : f32 to vector<16xf32>
      %sub3A_594 = arith.subf %add3A_591, %sub3A_593 : vector<16xf32>
      %sub3A_595 = arith.subf %mul3A_588, %sub3A_594 : vector<16xf32>
      %mul3A_596 = arith.constant 0.00132609205 : f32
      %mul3A_597 = vector.broadcast %mul3A_596 : f32 to vector<16xf32>
      %mul3A_598 = arith.mulf %mul3A_597, %sub3A_595 : vector<16xf32>
      %add3A_599 = arith.constant 0.00967017561 : f32
      %add3A_600 = vector.broadcast %add3A_599 : f32 to vector<16xf32>
      %add3A_601 = arith.addf %mul3A_598, %add3A_600 : vector<16xf32>
      %mul3A_602 = arith.mulf %add3A_601, %sub3A_595 : vector<16xf32>
      %add3A_603 = arith.constant 0.0555071235 : f32
      %add3A_604 = vector.broadcast %add3A_603 : f32 to vector<16xf32>
      %add3A_605 = arith.addf %mul3A_602, %add3A_604 : vector<16xf32>
      %mul3A_606 = arith.mulf %add3A_605, %sub3A_595 : vector<16xf32>
      %add3A_607 = arith.constant 0.240222245 : f32
      %add3A_608 = vector.broadcast %add3A_607 : f32 to vector<16xf32>
      %add3A_609 = arith.addf %mul3A_606, %add3A_608 : vector<16xf32>
      %mul3A_610 = arith.mulf %add3A_609, %sub3A_595 : vector<16xf32>
      %add3A_611 = arith.constant 6.931470e-01 : f32
      %add3A_612 = vector.broadcast %add3A_611 : f32 to vector<16xf32>
      %add3A_613 = arith.addf %mul3A_610, %add3A_612 : vector<16xf32>
      %mul3A_614 = arith.mulf %add3A_613, %sub3A_595 : vector<16xf32>
      %add3A_615 = arith.constant 1.000000e+00 : f32
      %add3A_616 = vector.broadcast %add3A_615 : f32 to vector<16xf32>
      %add3A_617 = arith.addf %mul3A_614, %add3A_616 : vector<16xf32>
      %convert_element_type3A_618 = arith.fptosi %sub3A_594 : vector<16xf32> to vector<16xi32>
      %add3A_619 = arith.constant 127 : i32
      %add3A_620 = vector.broadcast %add3A_619 : i32 to vector<16xi32>
      %add3A_621 = arith.addi %convert_element_type3A_618, %add3A_620 : vector<16xi32>
      %shift_left3A_622 = arith.constant 23 : i32
      %shift_left3A_623 = vector.broadcast %shift_left3A_622 : i32 to vector<16xi32>
      %shift_left3A_624 = arith.shli %add3A_621, %shift_left3A_623 : vector<16xi32>
      %bitcast_convert_type3A_625 = tpu.bitcast %shift_left3A_624 : vector<16xi32> -> vector<16xf32>
      %mul3A_626 = arith.mulf %bitcast_convert_type3A_625, %add3A_617 : vector<16xf32>
      %swap3A_627 = arith.constant 48 : index
      %swap3A_628 = tpu.vector_load %arg16[%swap3A_627] {strides = array<i32>} : memref<80xf32, #tpu.memory_space<vmem>>, vector<16xf32>,
      tpu.vector_store %arg16[%swap3A_627], %mul3A_626 {strides = array<i32>} : memref<80xf32, #tpu.memory_space<vmem>>, vector<16xf32>,
      %get3A_629 = arith.index_cast %add3A_32 : i32 to index
      %get3A_630 = arith.constant 64 : index
      %get3A_631 = tpu.vector_load %arg10[%get3A_629, %get3A_630] {strides = array<i32>} : memref<250x80xi32, #tpu.memory_space<vmem>>, vector<16xi32>,
      %get3A_632 = arith.index_cast %add3A_32 : i32 to index
      %get3A_633 = arith.constant 64 : index
      %get3A_634 = tpu.vector_load %arg11[%get3A_632, %get3A_633] {strides = array<i32>} : memref<250x80xi32, #tpu.memory_space<vmem>>, vector<16xi32>,
      %get3A_635 = arith.constant 64 : index
      %get3A_636 = tpu.vector_load %arg13[%get3A_635] {strides = array<i32>} : memref<80xf32, #tpu.memory_space<vmem>>, vector<16xf32>,
      %gather3A_637 = tpu.vector_load_idx %arg14[%get3A_631] : memref<10000xf32, #tpu.memory_space<vmem>>[vector<16xi32>], vector<16xf32>,
      %gather3A_638 = tpu.vector_load_idx %arg15[%get3A_634] : memref<10000xf32, #tpu.memory_space<vmem>>[vector<16xi32>], vector<16xf32>,
      %add3A_639 = arith.addf %gather3A_637, %gather3A_638 : vector<16xf32>
      %add3A_640 = arith.addf %add3A_639, %get3A_636 : vector<16xf32>
      %ge3A_641 = arith.constant 0.000000e+00 : f32
      %ge3A_642 = vector.broadcast %ge3A_641 : f32 to vector<16xf32>
      %ge3A_643 = arith.cmpf oge, %add3A_640, %ge3A_642 : vector<16xf32>
      %mul3A_644 = arith.constant 2.000000e-01 : f32
      %mul3A_645 = vector.broadcast %mul3A_644 : f32 to vector<16xf32>
      %mul3A_646 = arith.mulf %mul3A_645, %add3A_640 : vector<16xf32>
      %select_n3A_647 = arith.select %ge3A_643, %add3A_640, %mul3A_646 : vector<16xi1>, vector<16xf32>
      %mul3A_648 = arith.constant 1.44269502 : f32
      %mul3A_649 = vector.broadcast %mul3A_648 : f32 to vector<16xf32>
      %mul3A_650 = arith.mulf %select_n3A_647, %mul3A_649 : vector<16xf32>
      %add3A_651 = arith.constant 0x4B400000 : f32
      %add3A_652 = vector.broadcast %add3A_651 : f32 to vector<16xf32>
      %add3A_653 = arith.addf %mul3A_650, %add3A_652 : vector<16xf32>
      %sub3A_654 = arith.constant 0x4B400000 : f32
      %sub3A_655 = vector.broadcast %sub3A_654 : f32 to vector<16xf32>
      %sub3A_656 = arith.subf %add3A_653, %sub3A_655 : vector<16xf32>
      %sub3A_657 = arith.subf %mul3A_650, %sub3A_656 : vector<16xf32>
      %mul3A_658 = arith.constant 0.00132609205 : f32
      %mul3A_659 = vector.broadcast %mul3A_658 : f32 to vector<16xf32>
      %mul3A_660 = arith.mulf %mul3A_659, %sub3A_657 : vector<16xf32>
      %add3A_661 = arith.constant 0.00967017561 : f32
      %add3A_662 = vector.broadcast %add3A_661 : f32 to vector<16xf32>
      %add3A_663 = arith.addf %mul3A_660, %add3A_662 : vector<16xf32>
      %mul3A_664 = arith.mulf %add3A_663, %sub3A_657 : vector<16xf32>
      %add3A_665 = arith.constant 0.0555071235 : f32
      %add3A_666 = vector.broadcast %add3A_665 : f32 to vector<16xf32>
      %add3A_667 = arith.addf %mul3A_664, %add3A_666 : vector<16xf32>
      %mul3A_668 = arith.mulf %add3A_667, %sub3A_657 : vector<16xf32>
      %add3A_669 = arith.constant 0.240222245 : f32
      %add3A_670 = vector.broadcast %add3A_669 : f32 to vector<16xf32>
      %add3A_671 = arith.addf %mul3A_668, %add3A_670 : vector<16xf32>
      %mul3A_672 = arith.mulf %add3A_671, %sub3A_657 : vector<16xf32>
      %add3A_673 = arith.constant 6.931470e-01 : f32
      %add3A_674 = vector.broadcast %add3A_673 : f32 to vector<16xf32>
      %add3A_675 = arith.addf %mul3A_672, %add3A_674 : vector<16xf32>
      %mul3A_676 = arith.mulf %add3A_675, %sub3A_657 : vector<16xf32>
      %add3A_677 = arith.constant 1.000000e+00 : f32
      %add3A_678 = vector.broadcast %add3A_677 : f32 to vector<16xf32>
      %add3A_679 = arith.addf %mul3A_676, %add3A_678 : vector<16xf32>
      %convert_element_type3A_680 = arith.fptosi %sub3A_656 : vector<16xf32> to vector<16xi32>
      %add3A_681 = arith.constant 127 : i32
      %add3A_682 = vector.broadcast %add3A_681 : i32 to vector<16xi32>
      %add3A_683 = arith.addi %convert_element_type3A_680, %add3A_682 : vector<16xi32>
      %shift_left3A_684 = arith.constant 23 : i32
      %shift_left3A_685 = vector.broadcast %shift_left3A_684 : i32 to vector<16xi32>
      %shift_left3A_686 = arith.shli %add3A_683, %shift_left3A_685 : vector<16xi32>
      %bitcast_convert_type3A_687 = tpu.bitcast %shift_left3A_686 : vector<16xi32> -> vector<16xf32>
      %mul3A_688 = arith.mulf %bitcast_convert_type3A_687, %add3A_679 : vector<16xf32>
      %swap3A_689 = arith.constant 64 : index
      %swap3A_690 = tpu.vector_load %arg16[%swap3A_689] {strides = array<i32>} : memref<80xf32, #tpu.memory_space<vmem>>, vector<16xf32>,
      tpu.vector_store %arg16[%swap3A_689], %mul3A_688 {strides = array<i32>} : memref<80xf32, #tpu.memory_space<vmem>>, vector<16xf32>,
      %scan3A_691 = arith.constant 0 : i32
      %scan3A_692 = arith.constant 0 : i32
      %scan3A_693 = arith.constant 80 : i32
      %scan3A_694 = arith.addi %scan3A_692, %scan3A_693 : i32
      %scan3A_695 = arith.constant 8 : i32
      scf.for %scan3A_697 = %scan3A_692 to %scan3A_694 step %scan3A_695  : i32 {
        %broadcast_in_dim3A_698 = vector.broadcast %scan3A_697 : i32 to vector<16xi32>
        %gather3A_699 = tpu.vector_load_idx %arg16[%broadcast_in_dim3A_698] : memref<80xf32, #tpu.memory_space<vmem>>[vector<16xi32>], vector<16xf32>,
        %get3A_700 = arith.index_cast %scan3A_697 : i32 to index
        %get3A_701 = arith.constant 0 : index
        %get3A_702 = tpu.vector_load %arg18[%get3A_700, %get3A_701] {strides = array<i32>} : memref<80x80xf32, #tpu.memory_space<vmem>>, vector<16xf32>,
        %mul3A_703 = arith.mulf %get3A_702, %gather3A_699 : vector<16xf32>
        %swap3A_704 = arith.index_cast %scan3A_697 : i32 to index
        %swap3A_705 = arith.constant 0 : index
        %swap3A_706 = tpu.vector_load %arg18[%swap3A_704, %swap3A_705] {strides = array<i32>} : memref<80x80xf32, #tpu.memory_space<vmem>>, vector<16xf32>,
        tpu.vector_store %arg18[%swap3A_704, %swap3A_705], %mul3A_703 {strides = array<i32>} : memref<80x80xf32, #tpu.memory_space<vmem>>, vector<16xf32>,
        %get3A_707 = arith.index_cast %scan3A_697 : i32 to index
        %get3A_708 = arith.constant 16 : index
        %get3A_709 = tpu.vector_load %arg18[%get3A_707, %get3A_708] {strides = array<i32>} : memref<80x80xf32, #tpu.memory_space<vmem>>, vector<16xf32>,
        %mul3A_710 = arith.mulf %get3A_709, %gather3A_699 : vector<16xf32>
        %swap3A_711 = arith.index_cast %scan3A_697 : i32 to index
        %swap3A_712 = arith.constant 16 : index
        %swap3A_713 = tpu.vector_load %arg18[%swap3A_711, %swap3A_712] {strides = array<i32>} : memref<80x80xf32, #tpu.memory_space<vmem>>, vector<16xf32>,
        tpu.vector_store %arg18[%swap3A_711, %swap3A_712], %mul3A_710 {strides = array<i32>} : memref<80x80xf32, #tpu.memory_space<vmem>>, vector<16xf32>,
        %get3A_714 = arith.index_cast %scan3A_697 : i32 to index
        %get3A_715 = arith.constant 32 : index
        %get3A_716 = tpu.vector_load %arg18[%get3A_714, %get3A_715] {strides = array<i32>} : memref<80x80xf32, #tpu.memory_space<vmem>>, vector<16xf32>,
        %mul3A_717 = arith.mulf %get3A_716, %gather3A_699 : vector<16xf32>
        %swap3A_718 = arith.index_cast %scan3A_697 : i32 to index
        %swap3A_719 = arith.constant 32 : index
        %swap3A_720 = tpu.vector_load %arg18[%swap3A_718, %swap3A_719] {strides = array<i32>} : memref<80x80xf32, #tpu.memory_space<vmem>>, vector<16xf32>,
        tpu.vector_store %arg18[%swap3A_718, %swap3A_719], %mul3A_717 {strides = array<i32>} : memref<80x80xf32, #tpu.memory_space<vmem>>, vector<16xf32>,
        %get3A_721 = arith.index_cast %scan3A_697 : i32 to index
        %get3A_722 = arith.constant 48 : index
        %get3A_723 = tpu.vector_load %arg18[%get3A_721, %get3A_722] {strides = array<i32>} : memref<80x80xf32, #tpu.memory_space<vmem>>, vector<16xf32>,
        %mul3A_724 = arith.mulf %get3A_723, %gather3A_699 : vector<16xf32>
        %swap3A_725 = arith.index_cast %scan3A_697 : i32 to index
        %swap3A_726 = arith.constant 48 : index
        %swap3A_727 = tpu.vector_load %arg18[%swap3A_725, %swap3A_726] {strides = array<i32>} : memref<80x80xf32, #tpu.memory_space<vmem>>, vector<16xf32>,
        tpu.vector_store %arg18[%swap3A_725, %swap3A_726], %mul3A_724 {strides = array<i32>} : memref<80x80xf32, #tpu.memory_space<vmem>>, vector<16xf32>,
        %mul3A_728 = arith.mulf %select_n3A, %gather3A_699 : vector<16xf32>
        %swap3A_729 = arith.index_cast %scan3A_697 : i32 to index
        %swap3A_730 = arith.constant 64 : index
        %swap3A_731 = tpu.vector_load %arg18[%swap3A_729, %swap3A_730] {strides = array<i32>} : memref<80x80xf32, #tpu.memory_space<vmem>>, vector<16xf32>,
        tpu.vector_store %arg18[%swap3A_729, %swap3A_730], %mul3A_728 {strides = array<i32>} : memref<80x80xf32, #tpu.memory_space<vmem>>, vector<16xf32>,
        %scan3A_732 = arith.constant 1 : i32
        %scan3A_733 = arith.addi %scan3A_697, %scan3A_732 : i32
        %broadcast_in_dim3A_734 = vector.broadcast %scan3A_733 : i32 to vector<16xi32>
        %gather3A_735 = tpu.vector_load_idx %arg16[%broadcast_in_dim3A_734] : memref<80xf32, #tpu.memory_space<vmem>>[vector<16xi32>], vector<16xf32>,
        %get3A_736 = arith.index_cast %scan3A_733 : i32 to index
        %get3A_737 = arith.constant 0 : index
        %get3A_738 = tpu.vector_load %arg18[%get3A_736, %get3A_737] {strides = array<i32>} : memref<80x80xf32, #tpu.memory_space<vmem>>, vector<16xf32>,
        %mul3A_739 = arith.mulf %get3A_738, %gather3A_735 : vector<16xf32>
        %swap3A_740 = arith.index_cast %scan3A_733 : i32 to index
        %swap3A_741 = arith.constant 0 : index
        %swap3A_742 = tpu.vector_load %arg18[%swap3A_740, %swap3A_741] {strides = array<i32>} : memref<80x80xf32, #tpu.memory_space<vmem>>, vector<16xf32>,
        tpu.vector_store %arg18[%swap3A_740, %swap3A_741], %mul3A_739 {strides = array<i32>} : memref<80x80xf32, #tpu.memory_space<vmem>>, vector<16xf32>,
        %get3A_743 = arith.index_cast %scan3A_733 : i32 to index
        %get3A_744 = arith.constant 16 : index
        %get3A_745 = tpu.vector_load %arg18[%get3A_743, %get3A_744] {strides = array<i32>} : memref<80x80xf32, #tpu.memory_space<vmem>>, vector<16xf32>,
        %mul3A_746 = arith.mulf %get3A_745, %gather3A_735 : vector<16xf32>
        %swap3A_747 = arith.index_cast %scan3A_733 : i32 to index
        %swap3A_748 = arith.constant 16 : index
        %swap3A_749 = tpu.vector_load %arg18[%swap3A_747, %swap3A_748] {strides = array<i32>} : memref<80x80xf32, #tpu.memory_space<vmem>>, vector<16xf32>,
        tpu.vector_store %arg18[%swap3A_747, %swap3A_748], %mul3A_746 {strides = array<i32>} : memref<80x80xf32, #tpu.memory_space<vmem>>, vector<16xf32>,
        %get3A_750 = arith.index_cast %scan3A_733 : i32 to index
        %get3A_751 = arith.constant 32 : index
        %get3A_752 = tpu.vector_load %arg18[%get3A_750, %get3A_751] {strides = array<i32>} : memref<80x80xf32, #tpu.memory_space<vmem>>, vector<16xf32>,
        %mul3A_753 = arith.mulf %get3A_752, %gather3A_735 : vector<16xf32>
        %swap3A_754 = arith.index_cast %scan3A_733 : i32 to index
        %swap3A_755 = arith.constant 32 : index
        %swap3A_756 = tpu.vector_load %arg18[%swap3A_754, %swap3A_755] {strides = array<i32>} : memref<80x80xf32, #tpu.memory_space<vmem>>, vector<16xf32>,
        tpu.vector_store %arg18[%swap3A_754, %swap3A_755], %mul3A_753 {strides = array<i32>} : memref<80x80xf32, #tpu.memory_space<vmem>>, vector<16xf32>,
        %get3A_757 = arith.index_cast %scan3A_733 : i32 to index
        %get3A_758 = arith.constant 48 : index
        %get3A_759 = tpu.vector_load %arg18[%get3A_757, %get3A_758] {strides = array<i32>} : memref<80x80xf32, #tpu.memory_space<vmem>>, vector<16xf32>,
        %mul3A_760 = arith.mulf %get3A_759, %gather3A_735 : vector<16xf32>
        %swap3A_761 = arith.index_cast %scan3A_733 : i32 to index
        %swap3A_762 = arith.constant 48 : index
        %swap3A_763 = tpu.vector_load %arg18[%swap3A_761, %swap3A_762] {strides = array<i32>} : memref<80x80xf32, #tpu.memory_space<vmem>>, vector<16xf32>,
        tpu.vector_store %arg18[%swap3A_761, %swap3A_762], %mul3A_760 {strides = array<i32>} : memref<80x80xf32, #tpu.memory_space<vmem>>, vector<16xf32>,
        %mul3A_764 = arith.mulf %select_n3A, %gather3A_735 : vector<16xf32>
        %swap3A_765 = arith.index_cast %scan3A_733 : i32 to index
        %swap3A_766 = arith.constant 64 : index
        %swap3A_767 = tpu.vector_load %arg18[%swap3A_765, %swap3A_766] {strides = array<i32>} : memref<80x80xf32, #tpu.memory_space<vmem>>, vector<16xf32>,
        tpu.vector_store %arg18[%swap3A_765, %swap3A_766], %mul3A_764 {strides = array<i32>} : memref<80x80xf32, #tpu.memory_space<vmem>>, vector<16xf32>,
        %scan3A_768 = arith.constant 2 : i32
        %scan3A_769 = arith.addi %scan3A_697, %scan3A_768 : i32
        %broadcast_in_dim3A_770 = vector.broadcast %scan3A_769 : i32 to vector<16xi32>
        %gather3A_771 = tpu.vector_load_idx %arg16[%broadcast_in_dim3A_770] : memref<80xf32, #tpu.memory_space<vmem>>[vector<16xi32>], vector<16xf32>,
        %get3A_772 = arith.index_cast %scan3A_769 : i32 to index
        %get3A_773 = arith.constant 0 : index
        %get3A_774 = tpu.vector_load %arg18[%get3A_772, %get3A_773] {strides = array<i32>} : memref<80x80xf32, #tpu.memory_space<vmem>>, vector<16xf32>,
        %mul3A_775 = arith.mulf %get3A_774, %gather3A_771 : vector<16xf32>
        %swap3A_776 = arith.index_cast %scan3A_769 : i32 to index
        %swap3A_777 = arith.constant 0 : index
        %swap3A_778 = tpu.vector_load %arg18[%swap3A_776, %swap3A_777] {strides = array<i32>} : memref<80x80xf32, #tpu.memory_space<vmem>>, vector<16xf32>,
        tpu.vector_store %arg18[%swap3A_776, %swap3A_777], %mul3A_775 {strides = array<i32>} : memref<80x80xf32, #tpu.memory_space<vmem>>, vector<16xf32>,
        %get3A_779 = arith.index_cast %scan3A_769 : i32 to index
        %get3A_780 = arith.constant 16 : index
        %get3A_781 = tpu.vector_load %arg18[%get3A_779, %get3A_780] {strides = array<i32>} : memref<80x80xf32, #tpu.memory_space<vmem>>, vector<16xf32>,
        %mul3A_782 = arith.mulf %get3A_781, %gather3A_771 : vector<16xf32>
        %swap3A_783 = arith.index_cast %scan3A_769 : i32 to index
        %swap3A_784 = arith.constant 16 : index
        %swap3A_785 = tpu.vector_load %arg18[%swap3A_783, %swap3A_784] {strides = array<i32>} : memref<80x80xf32, #tpu.memory_space<vmem>>, vector<16xf32>,
        tpu.vector_store %arg18[%swap3A_783, %swap3A_784], %mul3A_782 {strides = array<i32>} : memref<80x80xf32, #tpu.memory_space<vmem>>, vector<16xf32>,
        %get3A_786 = arith.index_cast %scan3A_769 : i32 to index
        %get3A_787 = arith.constant 32 : index
        %get3A_788 = tpu.vector_load %arg18[%get3A_786, %get3A_787] {strides = array<i32>} : memref<80x80xf32, #tpu.memory_space<vmem>>, vector<16xf32>,
        %mul3A_789 = arith.mulf %get3A_788, %gather3A_771 : vector<16xf32>
        %swap3A_790 = arith.index_cast %scan3A_769 : i32 to index
        %swap3A_791 = arith.constant 32 : index
        %swap3A_792 = tpu.vector_load %arg18[%swap3A_790, %swap3A_791] {strides = array<i32>} : memref<80x80xf32, #tpu.memory_space<vmem>>, vector<16xf32>,
        tpu.vector_store %arg18[%swap3A_790, %swap3A_791], %mul3A_789 {strides = array<i32>} : memref<80x80xf32, #tpu.memory_space<vmem>>, vector<16xf32>,
        %get3A_793 = arith.index_cast %scan3A_769 : i32 to index
        %get3A_794 = arith.constant 48 : index
        %get3A_795 = tpu.vector_load %arg18[%get3A_793, %get3A_794] {strides = array<i32>} : memref<80x80xf32, #tpu.memory_space<vmem>>, vector<16xf32>,
        %mul3A_796 = arith.mulf %get3A_795, %gather3A_771 : vector<16xf32>
        %swap3A_797 = arith.index_cast %scan3A_769 : i32 to index
        %swap3A_798 = arith.constant 48 : index
        %swap3A_799 = tpu.vector_load %arg18[%swap3A_797, %swap3A_798] {strides = array<i32>} : memref<80x80xf32, #tpu.memory_space<vmem>>, vector<16xf32>,
        tpu.vector_store %arg18[%swap3A_797, %swap3A_798], %mul3A_796 {strides = array<i32>} : memref<80x80xf32, #tpu.memory_space<vmem>>, vector<16xf32>,
        %mul3A_800 = arith.mulf %select_n3A, %gather3A_771 : vector<16xf32>
        %swap3A_801 = arith.index_cast %scan3A_769 : i32 to index
        %swap3A_802 = arith.constant 64 : index
        %swap3A_803 = tpu.vector_load %arg18[%swap3A_801, %swap3A_802] {strides = array<i32>} : memref<80x80xf32, #tpu.memory_space<vmem>>, vector<16xf32>,
        tpu.vector_store %arg18[%swap3A_801, %swap3A_802], %mul3A_800 {strides = array<i32>} : memref<80x80xf32, #tpu.memory_space<vmem>>, vector<16xf32>,
        %scan3A_804 = arith.constant 3 : i32
        %scan3A_805 = arith.addi %scan3A_697, %scan3A_804 : i32
        %broadcast_in_dim3A_806 = vector.broadcast %scan3A_805 : i32 to vector<16xi32>
        %gather3A_807 = tpu.vector_load_idx %arg16[%broadcast_in_dim3A_806] : memref<80xf32, #tpu.memory_space<vmem>>[vector<16xi32>], vector<16xf32>,
        %get3A_808 = arith.index_cast %scan3A_805 : i32 to index
        %get3A_809 = arith.constant 0 : index
        %get3A_810 = tpu.vector_load %arg18[%get3A_808, %get3A_809] {strides = array<i32>} : memref<80x80xf32, #tpu.memory_space<vmem>>, vector<16xf32>,
        %mul3A_811 = arith.mulf %get3A_810, %gather3A_807 : vector<16xf32>
        %swap3A_812 = arith.index_cast %scan3A_805 : i32 to index
        %swap3A_813 = arith.constant 0 : index
        %swap3A_814 = tpu.vector_load %arg18[%swap3A_812, %swap3A_813] {strides = array<i32>} : memref<80x80xf32, #tpu.memory_space<vmem>>, vector<16xf32>,
        tpu.vector_store %arg18[%swap3A_812, %swap3A_813], %mul3A_811 {strides = array<i32>} : memref<80x80xf32, #tpu.memory_space<vmem>>, vector<16xf32>,
        %get3A_815 = arith.index_cast %scan3A_805 : i32 to index
        %get3A_816 = arith.constant 16 : index
        %get3A_817 = tpu.vector_load %arg18[%get3A_815, %get3A_816] {strides = array<i32>} : memref<80x80xf32, #tpu.memory_space<vmem>>, vector<16xf32>,
        %mul3A_818 = arith.mulf %get3A_817, %gather3A_807 : vector<16xf32>
        %swap3A_819 = arith.index_cast %scan3A_805 : i32 to index
        %swap3A_820 = arith.constant 16 : index
        %swap3A_821 = tpu.vector_load %arg18[%swap3A_819, %swap3A_820] {strides = array<i32>} : memref<80x80xf32, #tpu.memory_space<vmem>>, vector<16xf32>,
        tpu.vector_store %arg18[%swap3A_819, %swap3A_820], %mul3A_818 {strides = array<i32>} : memref<80x80xf32, #tpu.memory_space<vmem>>, vector<16xf32>,
        %get3A_822 = arith.index_cast %scan3A_805 : i32 to index
        %get3A_823 = arith.constant 32 : index
        %get3A_824 = tpu.vector_load %arg18[%get3A_822, %get3A_823] {strides = array<i32>} : memref<80x80xf32, #tpu.memory_space<vmem>>, vector<16xf32>,
        %mul3A_825 = arith.mulf %get3A_824, %gather3A_807 : vector<16xf32>
        %swap3A_826 = arith.index_cast %scan3A_805 : i32 to index
        %swap3A_827 = arith.constant 32 : index
        %swap3A_828 = tpu.vector_load %arg18[%swap3A_826, %swap3A_827] {strides = array<i32>} : memref<80x80xf32, #tpu.memory_space<vmem>>, vector<16xf32>,
        tpu.vector_store %arg18[%swap3A_826, %swap3A_827], %mul3A_825 {strides = array<i32>} : memref<80x80xf32, #tpu.memory_space<vmem>>, vector<16xf32>,
        %get3A_829 = arith.index_cast %scan3A_805 : i32 to index
        %get3A_830 = arith.constant 48 : index
        %get3A_831 = tpu.vector_load %arg18[%get3A_829, %get3A_830] {strides = array<i32>} : memref<80x80xf32, #tpu.memory_space<vmem>>, vector<16xf32>,
        %mul3A_832 = arith.mulf %get3A_831, %gather3A_807 : vector<16xf32>
        %swap3A_833 = arith.index_cast %scan3A_805 : i32 to index
        %swap3A_834 = arith.constant 48 : index
        %swap3A_835 = tpu.vector_load %arg18[%swap3A_833, %swap3A_834] {strides = array<i32>} : memref<80x80xf32, #tpu.memory_space<vmem>>, vector<16xf32>,
        tpu.vector_store %arg18[%swap3A_833, %swap3A_834], %mul3A_832 {strides = array<i32>} : memref<80x80xf32, #tpu.memory_space<vmem>>, vector<16xf32>,
        %mul3A_836 = arith.mulf %select_n3A, %gather3A_807 : vector<16xf32>
        %swap3A_837 = arith.index_cast %scan3A_805 : i32 to index
        %swap3A_838 = arith.constant 64 : index
        %swap3A_839 = tpu.vector_load %arg18[%swap3A_837, %swap3A_838] {strides = array<i32>} : memref<80x80xf32, #tpu.memory_space<vmem>>, vector<16xf32>,
        tpu.vector_store %arg18[%swap3A_837, %swap3A_838], %mul3A_836 {strides = array<i32>} : memref<80x80xf32, #tpu.memory_space<vmem>>, vector<16xf32>,
        %scan3A_840 = arith.constant 4 : i32
        %scan3A_841 = arith.addi %scan3A_697, %scan3A_840 : i32
        %broadcast_in_dim3A_842 = vector.broadcast %scan3A_841 : i32 to vector<16xi32>
        %gather3A_843 = tpu.vector_load_idx %arg16[%broadcast_in_dim3A_842] : memref<80xf32, #tpu.memory_space<vmem>>[vector<16xi32>], vector<16xf32>,
        %get3A_844 = arith.index_cast %scan3A_841 : i32 to index
        %get3A_845 = arith.constant 0 : index
        %get3A_846 = tpu.vector_load %arg18[%get3A_844, %get3A_845] {strides = array<i32>} : memref<80x80xf32, #tpu.memory_space<vmem>>, vector<16xf32>,
        %mul3A_847 = arith.mulf %get3A_846, %gather3A_843 : vector<16xf32>
        %swap3A_848 = arith.index_cast %scan3A_841 : i32 to index
        %swap3A_849 = arith.constant 0 : index
        %swap3A_850 = tpu.vector_load %arg18[%swap3A_848, %swap3A_849] {strides = array<i32>} : memref<80x80xf32, #tpu.memory_space<vmem>>, vector<16xf32>,
        tpu.vector_store %arg18[%swap3A_848, %swap3A_849], %mul3A_847 {strides = array<i32>} : memref<80x80xf32, #tpu.memory_space<vmem>>, vector<16xf32>,
        %get3A_851 = arith.index_cast %scan3A_841 : i32 to index
        %get3A_852 = arith.constant 16 : index
        %get3A_853 = tpu.vector_load %arg18[%get3A_851, %get3A_852] {strides = array<i32>} : memref<80x80xf32, #tpu.memory_space<vmem>>, vector<16xf32>,
        %mul3A_854 = arith.mulf %get3A_853, %gather3A_843 : vector<16xf32>
        %swap3A_855 = arith.index_cast %scan3A_841 : i32 to index
        %swap3A_856 = arith.constant 16 : index
        %swap3A_857 = tpu.vector_load %arg18[%swap3A_855, %swap3A_856] {strides = array<i32>} : memref<80x80xf32, #tpu.memory_space<vmem>>, vector<16xf32>,
        tpu.vector_store %arg18[%swap3A_855, %swap3A_856], %mul3A_854 {strides = array<i32>} : memref<80x80xf32, #tpu.memory_space<vmem>>, vector<16xf32>,
        %get3A_858 = arith.index_cast %scan3A_841 : i32 to index
        %get3A_859 = arith.constant 32 : index
        %get3A_860 = tpu.vector_load %arg18[%get3A_858, %get3A_859] {strides = array<i32>} : memref<80x80xf32, #tpu.memory_space<vmem>>, vector<16xf32>,
        %mul3A_861 = arith.mulf %get3A_860, %gather3A_843 : vector<16xf32>
        %swap3A_862 = arith.index_cast %scan3A_841 : i32 to index
        %swap3A_863 = arith.constant 32 : index
        %swap3A_864 = tpu.vector_load %arg18[%swap3A_862, %swap3A_863] {strides = array<i32>} : memref<80x80xf32, #tpu.memory_space<vmem>>, vector<16xf32>,
        tpu.vector_store %arg18[%swap3A_862, %swap3A_863], %mul3A_861 {strides = array<i32>} : memref<80x80xf32, #tpu.memory_space<vmem>>, vector<16xf32>,
        %get3A_865 = arith.index_cast %scan3A_841 : i32 to index
        %get3A_866 = arith.constant 48 : index
        %get3A_867 = tpu.vector_load %arg18[%get3A_865, %get3A_866] {strides = array<i32>} : memref<80x80xf32, #tpu.memory_space<vmem>>, vector<16xf32>,
        %mul3A_868 = arith.mulf %get3A_867, %gather3A_843 : vector<16xf32>
        %swap3A_869 = arith.index_cast %scan3A_841 : i32 to index
        %swap3A_870 = arith.constant 48 : index
        %swap3A_871 = tpu.vector_load %arg18[%swap3A_869, %swap3A_870] {strides = array<i32>} : memref<80x80xf32, #tpu.memory_space<vmem>>, vector<16xf32>,
        tpu.vector_store %arg18[%swap3A_869, %swap3A_870], %mul3A_868 {strides = array<i32>} : memref<80x80xf32, #tpu.memory_space<vmem>>, vector<16xf32>,
        %mul3A_872 = arith.mulf %select_n3A, %gather3A_843 : vector<16xf32>
        %swap3A_873 = arith.index_cast %scan3A_841 : i32 to index
        %swap3A_874 = arith.constant 64 : index
        %swap3A_875 = tpu.vector_load %arg18[%swap3A_873, %swap3A_874] {strides = array<i32>} : memref<80x80xf32, #tpu.memory_space<vmem>>, vector<16xf32>,
        tpu.vector_store %arg18[%swap3A_873, %swap3A_874], %mul3A_872 {strides = array<i32>} : memref<80x80xf32, #tpu.memory_space<vmem>>, vector<16xf32>,
        %scan3A_876 = arith.constant 5 : i32
        %scan3A_877 = arith.addi %scan3A_697, %scan3A_876 : i32
        %broadcast_in_dim3A_878 = vector.broadcast %scan3A_877 : i32 to vector<16xi32>
        %gather3A_879 = tpu.vector_load_idx %arg16[%broadcast_in_dim3A_878] : memref<80xf32, #tpu.memory_space<vmem>>[vector<16xi32>], vector<16xf32>,
        %get3A_880 = arith.index_cast %scan3A_877 : i32 to index
        %get3A_881 = arith.constant 0 : index
        %get3A_882 = tpu.vector_load %arg18[%get3A_880, %get3A_881] {strides = array<i32>} : memref<80x80xf32, #tpu.memory_space<vmem>>, vector<16xf32>,
        %mul3A_883 = arith.mulf %get3A_882, %gather3A_879 : vector<16xf32>
        %swap3A_884 = arith.index_cast %scan3A_877 : i32 to index
        %swap3A_885 = arith.constant 0 : index
        %swap3A_886 = tpu.vector_load %arg18[%swap3A_884, %swap3A_885] {strides = array<i32>} : memref<80x80xf32, #tpu.memory_space<vmem>>, vector<16xf32>,
        tpu.vector_store %arg18[%swap3A_884, %swap3A_885], %mul3A_883 {strides = array<i32>} : memref<80x80xf32, #tpu.memory_space<vmem>>, vector<16xf32>,
        %get3A_887 = arith.index_cast %scan3A_877 : i32 to index
        %get3A_888 = arith.constant 16 : index
        %get3A_889 = tpu.vector_load %arg18[%get3A_887, %get3A_888] {strides = array<i32>} : memref<80x80xf32, #tpu.memory_space<vmem>>, vector<16xf32>,
        %mul3A_890 = arith.mulf %get3A_889, %gather3A_879 : vector<16xf32>
        %swap3A_891 = arith.index_cast %scan3A_877 : i32 to index
        %swap3A_892 = arith.constant 16 : index
        %swap3A_893 = tpu.vector_load %arg18[%swap3A_891, %swap3A_892] {strides = array<i32>} : memref<80x80xf32, #tpu.memory_space<vmem>>, vector<16xf32>,
        tpu.vector_store %arg18[%swap3A_891, %swap3A_892], %mul3A_890 {strides = array<i32>} : memref<80x80xf32, #tpu.memory_space<vmem>>, vector<16xf32>,
        %get3A_894 = arith.index_cast %scan3A_877 : i32 to index
        %get3A_895 = arith.constant 32 : index
        %get3A_896 = tpu.vector_load %arg18[%get3A_894, %get3A_895] {strides = array<i32>} : memref<80x80xf32, #tpu.memory_space<vmem>>, vector<16xf32>,
        %mul3A_897 = arith.mulf %get3A_896, %gather3A_879 : vector<16xf32>
        %swap3A_898 = arith.index_cast %scan3A_877 : i32 to index
        %swap3A_899 = arith.constant 32 : index
        %swap3A_900 = tpu.vector_load %arg18[%swap3A_898, %swap3A_899] {strides = array<i32>} : memref<80x80xf32, #tpu.memory_space<vmem>>, vector<16xf32>,
        tpu.vector_store %arg18[%swap3A_898, %swap3A_899], %mul3A_897 {strides = array<i32>} : memref<80x80xf32, #tpu.memory_space<vmem>>, vector<16xf32>,
        %get3A_901 = arith.index_cast %scan3A_877 : i32 to index
        %get3A_902 = arith.constant 48 : index
        %get3A_903 = tpu.vector_load %arg18[%get3A_901, %get3A_902] {strides = array<i32>} : memref<80x80xf32, #tpu.memory_space<vmem>>, vector<16xf32>,
        %mul3A_904 = arith.mulf %get3A_903, %gather3A_879 : vector<16xf32>
        %swap3A_905 = arith.index_cast %scan3A_877 : i32 to index
        %swap3A_906 = arith.constant 48 : index
        %swap3A_907 = tpu.vector_load %arg18[%swap3A_905, %swap3A_906] {strides = array<i32>} : memref<80x80xf32, #tpu.memory_space<vmem>>, vector<16xf32>,
        tpu.vector_store %arg18[%swap3A_905, %swap3A_906], %mul3A_904 {strides = array<i32>} : memref<80x80xf32, #tpu.memory_space<vmem>>, vector<16xf32>,
        %mul3A_908 = arith.mulf %select_n3A, %gather3A_879 : vector<16xf32>
        %swap3A_909 = arith.index_cast %scan3A_877 : i32 to index
        %swap3A_910 = arith.constant 64 : index
        %swap3A_911 = tpu.vector_load %arg18[%swap3A_909, %swap3A_910] {strides = array<i32>} : memref<80x80xf32, #tpu.memory_space<vmem>>, vector<16xf32>,
        tpu.vector_store %arg18[%swap3A_909, %swap3A_910], %mul3A_908 {strides = array<i32>} : memref<80x80xf32, #tpu.memory_space<vmem>>, vector<16xf32>,
        %scan3A_912 = arith.constant 6 : i32
        %scan3A_913 = arith.addi %scan3A_697, %scan3A_912 : i32
        %broadcast_in_dim3A_914 = vector.broadcast %scan3A_913 : i32 to vector<16xi32>
        %gather3A_915 = tpu.vector_load_idx %arg16[%broadcast_in_dim3A_914] : memref<80xf32, #tpu.memory_space<vmem>>[vector<16xi32>], vector<16xf32>,
        %get3A_916 = arith.index_cast %scan3A_913 : i32 to index
        %get3A_917 = arith.constant 0 : index
        %get3A_918 = tpu.vector_load %arg18[%get3A_916, %get3A_917] {strides = array<i32>} : memref<80x80xf32, #tpu.memory_space<vmem>>, vector<16xf32>,
        %mul3A_919 = arith.mulf %get3A_918, %gather3A_915 : vector<16xf32>
        %swap3A_920 = arith.index_cast %scan3A_913 : i32 to index
        %swap3A_921 = arith.constant 0 : index
        %swap3A_922 = tpu.vector_load %arg18[%swap3A_920, %swap3A_921] {strides = array<i32>} : memref<80x80xf32, #tpu.memory_space<vmem>>, vector<16xf32>,
        tpu.vector_store %arg18[%swap3A_920, %swap3A_921], %mul3A_919 {strides = array<i32>} : memref<80x80xf32, #tpu.memory_space<vmem>>, vector<16xf32>,
        %get3A_923 = arith.index_cast %scan3A_913 : i32 to index
        %get3A_924 = arith.constant 16 : index
        %get3A_925 = tpu.vector_load %arg18[%get3A_923, %get3A_924] {strides = array<i32>} : memref<80x80xf32, #tpu.memory_space<vmem>>, vector<16xf32>,
        %mul3A_926 = arith.mulf %get3A_925, %gather3A_915 : vector<16xf32>
        %swap3A_927 = arith.index_cast %scan3A_913 : i32 to index
        %swap3A_928 = arith.constant 16 : index
        %swap3A_929 = tpu.vector_load %arg18[%swap3A_927, %swap3A_928] {strides = array<i32>} : memref<80x80xf32, #tpu.memory_space<vmem>>, vector<16xf32>,
        tpu.vector_store %arg18[%swap3A_927, %swap3A_928], %mul3A_926 {strides = array<i32>} : memref<80x80xf32, #tpu.memory_space<vmem>>, vector<16xf32>,
        %get3A_930 = arith.index_cast %scan3A_913 : i32 to index
        %get3A_931 = arith.constant 32 : index
        %get3A_932 = tpu.vector_load %arg18[%get3A_930, %get3A_931] {strides = array<i32>} : memref<80x80xf32, #tpu.memory_space<vmem>>, vector<16xf32>,
        %mul3A_933 = arith.mulf %get3A_932, %gather3A_915 : vector<16xf32>
        %swap3A_934 = arith.index_cast %scan3A_913 : i32 to index
        %swap3A_935 = arith.constant 32 : index
        %swap3A_936 = tpu.vector_load %arg18[%swap3A_934, %swap3A_935] {strides = array<i32>} : memref<80x80xf32, #tpu.memory_space<vmem>>, vector<16xf32>,
        tpu.vector_store %arg18[%swap3A_934, %swap3A_935], %mul3A_933 {strides = array<i32>} : memref<80x80xf32, #tpu.memory_space<vmem>>, vector<16xf32>,
        %get3A_937 = arith.index_cast %scan3A_913 : i32 to index
        %get3A_938 = arith.constant 48 : index
        %get3A_939 = tpu.vector_load %arg18[%get3A_937, %get3A_938] {strides = array<i32>} : memref<80x80xf32, #tpu.memory_space<vmem>>, vector<16xf32>,
        %mul3A_940 = arith.mulf %get3A_939, %gather3A_915 : vector<16xf32>
        %swap3A_941 = arith.index_cast %scan3A_913 : i32 to index
        %swap3A_942 = arith.constant 48 : index
        %swap3A_943 = tpu.vector_load %arg18[%swap3A_941, %swap3A_942] {strides = array<i32>} : memref<80x80xf32, #tpu.memory_space<vmem>>, vector<16xf32>,
        tpu.vector_store %arg18[%swap3A_941, %swap3A_942], %mul3A_940 {strides = array<i32>} : memref<80x80xf32, #tpu.memory_space<vmem>>, vector<16xf32>,
        %mul3A_944 = arith.mulf %select_n3A, %gather3A_915 : vector<16xf32>
        %swap3A_945 = arith.index_cast %scan3A_913 : i32 to index
        %swap3A_946 = arith.constant 64 : index
        %swap3A_947 = tpu.vector_load %arg18[%swap3A_945, %swap3A_946] {strides = array<i32>} : memref<80x80xf32, #tpu.memory_space<vmem>>, vector<16xf32>,
        tpu.vector_store %arg18[%swap3A_945, %swap3A_946], %mul3A_944 {strides = array<i32>} : memref<80x80xf32, #tpu.memory_space<vmem>>, vector<16xf32>,
        %scan3A_948 = arith.constant 7 : i32
        %scan3A_949 = arith.addi %scan3A_697, %scan3A_948 : i32
        %broadcast_in_dim3A_950 = vector.broadcast %scan3A_949 : i32 to vector<16xi32>
        %gather3A_951 = tpu.vector_load_idx %arg16[%broadcast_in_dim3A_950] : memref<80xf32, #tpu.memory_space<vmem>>[vector<16xi32>], vector<16xf32>,
        %get3A_952 = arith.index_cast %scan3A_949 : i32 to index
        %get3A_953 = arith.constant 0 : index
        %get3A_954 = tpu.vector_load %arg18[%get3A_952, %get3A_953] {strides = array<i32>} : memref<80x80xf32, #tpu.memory_space<vmem>>, vector<16xf32>,
        %mul3A_955 = arith.mulf %get3A_954, %gather3A_951 : vector<16xf32>
        %swap3A_956 = arith.index_cast %scan3A_949 : i32 to index
        %swap3A_957 = arith.constant 0 : index
        %swap3A_958 = tpu.vector_load %arg18[%swap3A_956, %swap3A_957] {strides = array<i32>} : memref<80x80xf32, #tpu.memory_space<vmem>>, vector<16xf32>,
        tpu.vector_store %arg18[%swap3A_956, %swap3A_957], %mul3A_955 {strides = array<i32>} : memref<80x80xf32, #tpu.memory_space<vmem>>, vector<16xf32>,
        %get3A_959 = arith.index_cast %scan3A_949 : i32 to index
        %get3A_960 = arith.constant 16 : index
        %get3A_961 = tpu.vector_load %arg18[%get3A_959, %get3A_960] {strides = array<i32>} : memref<80x80xf32, #tpu.memory_space<vmem>>, vector<16xf32>,
        %mul3A_962 = arith.mulf %get3A_961, %gather3A_951 : vector<16xf32>
        %swap3A_963 = arith.index_cast %scan3A_949 : i32 to index
        %swap3A_964 = arith.constant 16 : index
        %swap3A_965 = tpu.vector_load %arg18[%swap3A_963, %swap3A_964] {strides = array<i32>} : memref<80x80xf32, #tpu.memory_space<vmem>>, vector<16xf32>,
        tpu.vector_store %arg18[%swap3A_963, %swap3A_964], %mul3A_962 {strides = array<i32>} : memref<80x80xf32, #tpu.memory_space<vmem>>, vector<16xf32>,
        %get3A_966 = arith.index_cast %scan3A_949 : i32 to index
        %get3A_967 = arith.constant 32 : index
        %get3A_968 = tpu.vector_load %arg18[%get3A_966, %get3A_967] {strides = array<i32>} : memref<80x80xf32, #tpu.memory_space<vmem>>, vector<16xf32>,
        %mul3A_969 = arith.mulf %get3A_968, %gather3A_951 : vector<16xf32>
        %swap3A_970 = arith.index_cast %scan3A_949 : i32 to index
        %swap3A_971 = arith.constant 32 : index
        %swap3A_972 = tpu.vector_load %arg18[%swap3A_970, %swap3A_971] {strides = array<i32>} : memref<80x80xf32, #tpu.memory_space<vmem>>, vector<16xf32>,
        tpu.vector_store %arg18[%swap3A_970, %swap3A_971], %mul3A_969 {strides = array<i32>} : memref<80x80xf32, #tpu.memory_space<vmem>>, vector<16xf32>,
        %get3A_973 = arith.index_cast %scan3A_949 : i32 to index
        %get3A_974 = arith.constant 48 : index
        %get3A_975 = tpu.vector_load %arg18[%get3A_973, %get3A_974] {strides = array<i32>} : memref<80x80xf32, #tpu.memory_space<vmem>>, vector<16xf32>,
        %mul3A_976 = arith.mulf %get3A_975, %gather3A_951 : vector<16xf32>
        %swap3A_977 = arith.index_cast %scan3A_949 : i32 to index
        %swap3A_978 = arith.constant 48 : index
        %swap3A_979 = tpu.vector_load %arg18[%swap3A_977, %swap3A_978] {strides = array<i32>} : memref<80x80xf32, #tpu.memory_space<vmem>>, vector<16xf32>,
        tpu.vector_store %arg18[%swap3A_977, %swap3A_978], %mul3A_976 {strides = array<i32>} : memref<80x80xf32, #tpu.memory_space<vmem>>, vector<16xf32>,
        %mul3A_980 = arith.mulf %select_n3A, %gather3A_951 : vector<16xf32>
        %swap3A_981 = arith.index_cast %scan3A_949 : i32 to index
        %swap3A_982 = arith.constant 64 : index
        %swap3A_983 = tpu.vector_load %arg18[%swap3A_981, %swap3A_982] {strides = array<i32>} : memref<80x80xf32, #tpu.memory_space<vmem>>, vector<16xf32>,
        tpu.vector_store %arg18[%swap3A_981, %swap3A_982], %mul3A_980 {strides = array<i32>} : memref<80x80xf32, #tpu.memory_space<vmem>>, vector<16xf32>,
      }
      %scan3A_696 = arith.constant 80 : i32
      "tpu.region"() ({
        %run_scoped3A = tpu.sem_alloc : memref<!tpu.dma_semaphore, #tpu.memory_space<semaphore_mem>>
        %dma_start3A_697 = arith.constant 0 : i32
        %dma_start3A_698 = tpu.memref_slice %arg11[%add3A_32, %dma_start3A_697] : memref<250x80xi32, #tpu.memory_space<vmem>> -> memref<1x80xi32, #tpu.memory_space<vmem>>
        %dma_start3A_699 = tpu.memref_squeeze %dma_start3A_698 : memref<1x80xi32, #tpu.memory_space<vmem>> -> memref<80xi32, #tpu.memory_space<vmem>>
        %dma_start3A_700 = arith.constant 0 : i32
        %dma_start3A_701 = arith.constant 0 : i32
        %dma_start3A_702 = tpu.memref_slice %arg19[%dma_start3A_700, %dma_start3A_701] : memref<10112x80xf32, #tpu.memory_space<vmem_shared>> -> memref<10112x80xf32, #tpu.memory_space<vmem_shared>>
        tpu.enqueue_indirect_dma source(%arg18 : memref<80x80xf32, #tpu.memory_space<vmem>>) target(%dma_start3A_702 : memref<10112x80xf32, #tpu.memory_space<vmem_shared>>) offsets(%dma_start3A_699 : memref<80xi32, #tpu.memory_space<vmem>>) semaphore(%run_scoped3A : memref<!tpu.dma_semaphore, #tpu.memory_space<semaphore_mem>>) {add = true}
        %dma_wait3A_703 = arith.constant 0 : i32
        %dma_wait3A_704 = tpu.memref_slice %arg11[%add3A_32, %dma_wait3A_703] : memref<250x80xi32, #tpu.memory_space<vmem>> -> memref<1x80xi32, #tpu.memory_space<vmem>>
        %dma_wait3A_705 = tpu.memref_squeeze %dma_wait3A_704 : memref<1x80xi32, #tpu.memory_space<vmem>> -> memref<80xi32, #tpu.memory_space<vmem>>
        %dma_wait3A_706 = arith.constant 0 : i32
        %dma_wait3A_707 = arith.constant 0 : i32
        %dma_wait3A_708 = tpu.memref_slice %arg19[%dma_wait3A_706, %dma_wait3A_707] : memref<10112x80xf32, #tpu.memory_space<vmem_shared>> -> memref<10112x80xf32, #tpu.memory_space<vmem_shared>>
        tpu.wait_indirect_dma semaphore(%run_scoped3A : memref<!tpu.dma_semaphore, #tpu.memory_space<semaphore_mem>>) src(%arg18 : memref<80x80xf32, #tpu.memory_space<vmem>>) dst(%dma_wait3A_708 : memref<10112x80xf32, #tpu.memory_space<vmem_shared>>)
        tpu.yield
      }) : () -> ()
    }
    %scan3A_21 = arith.constant 125 : i32
    %barrier3A_22 = arith.constant 0 : index
    tpu.barrier barrier_id(%barrier3A_22)
    %mul3A_23 = arith.constant 632 : i32
    %mul3A_24 = arith.muli %arg1, %mul3A_23 : i32
    %mul3A_25 = arith.constant 632 : i32
    %mul3A_26 = arith.muli %arg1, %mul3A_25 : i32
    "tpu.region"() ({
      %run_scoped3A = tpu.sem_alloc : memref<!tpu.dma_semaphore, #tpu.memory_space<semaphore_mem>>
      %dma_start3A_27 = arith.constant 0 : i32
      %dma_start3A_28 = tpu.memref_slice %arg9[%arg0, %mul3A_26, %dma_start3A_27] : memref<2x10112x80xf32, #tpu.memory_space<hbm>> -> memref<1x632x80xf32, #tpu.memory_space<hbm>>
      %dma_start3A_29 = tpu.memref_squeeze %dma_start3A_28 : memref<1x632x80xf32, #tpu.memory_space<hbm>> -> memref<632x80xf32, #tpu.memory_space<hbm>>
      %dma_start3A_30 = arith.constant 0 : i32
      %dma_start3A_31 = tpu.memref_slice %arg19[%mul3A_24, %dma_start3A_30] : memref<10112x80xf32, #tpu.memory_space<vmem_shared>> -> memref<632x80xf32, #tpu.memory_space<vmem_shared>>
      tpu.enqueue_dma source(%dma_start3A_31 : memref<632x80xf32, #tpu.memory_space<vmem_shared>>) target(%dma_start3A_29 : memref<632x80xf32, #tpu.memory_space<hbm>>) target_semaphore(%run_scoped3A : memref<!tpu.dma_semaphore, #tpu.memory_space<semaphore_mem>>)
      %dma_wait3A = arith.constant 0 : i32
      %dma_wait3A_32 = tpu.memref_slice %arg9[%arg0, %mul3A_26, %dma_wait3A] : memref<2x10112x80xf32, #tpu.memory_space<hbm>> -> memref<1x632x80xf32, #tpu.memory_space<hbm>>
      %dma_wait3A_33 = tpu.memref_squeeze %dma_wait3A_32 : memref<1x632x80xf32, #tpu.memory_space<hbm>> -> memref<632x80xf32, #tpu.memory_space<hbm>>
      %dma_wait3A_34 = arith.constant 0 : i32
      %dma_wait3A_35 = tpu.memref_slice %arg19[%mul3A_24, %dma_wait3A_34] : memref<10112x80xf32, #tpu.memory_space<vmem_shared>> -> memref<632x80xf32, #tpu.memory_space<vmem_shared>>
      tpu.wait_dma2 semaphore(%run_scoped3A : memref<!tpu.dma_semaphore, #tpu.memory_space<semaphore_mem>>) src(%dma_wait3A_35 : memref<632x80xf32, #tpu.memory_space<vmem_shared>>) dst(%dma_wait3A_33 : memref<632x80xf32, #tpu.memory_space<hbm>>)
      tpu.yield
    }) : () -> ()
    return
  }
}

#map = affine_map<(d0, d1) -> (0, 0)>
#map1 = affine_map<(d0, d1) -> (0, 0, 0, 0)>
#map2 = affine_map<(d0, d1) -> (0, 0, 0)>
module attributes {stable_mosaic.version = 14 : i64} {
  func.func @kern(%arg0: i32, %arg1: i32, %arg2: memref<20000x64xf32, #tpu.memory_space<hbm>>, %arg3: memref<2x16x250x80xi32, #tpu.memory_space<hbm>>, %arg4: memref<2x16x250x80xi32, #tpu.memory_space<hbm>>, %arg5: memref<1256x64xf32, #tpu.memory_space<hbm>>, %arg6: memref<2x20096x64xf32, #tpu.memory_space<hbm>>, %arg7: memref<250x80xi32, #tpu.memory_space<vmem>>, %arg8: memref<250x80xi32, #tpu.memory_space<vmem>>, %arg9: memref<80x64xf32, #tpu.memory_space<vmem>>, %arg10: memref<80x64xf32, #tpu.memory_space<vmem>>, %arg11: memref<20096x64xf32, #tpu.memory_space<vmem_shared>>, %arg12: memref<!tpu.dma_semaphore, #tpu.memory_space<semaphore_mem>>, %arg13: memref<!tpu.dma_semaphore, #tpu.memory_space<semaphore_mem>>) attributes {dimension_semantics = [#tpu.dimension_semantics<core_parallel>, #tpu.dimension_semantics<subcore_parallel>], iteration_bounds = array<i64: 2, 16>, scalar_prefetch = 0 : i64, scratch_operands = 7 : i64, tpu.core_type = #tpu.core_type<sc_vector_subcore>, window_params = [{transform_indices = #map}, {transform_indices = #map1}, {transform_indices = #map1}, {transform_indices = #map}, {transform_indices = #map2}]} {
    %mul3A = arith.constant 1256 : i32
    %mul3A_0 = arith.muli %arg1, %mul3A : i32
    "tpu.region"() ({
      %run_scoped3A = tpu.sem_alloc : memref<!tpu.dma_semaphore, #tpu.memory_space<semaphore_mem>>
      %dma_start3A_17 = arith.constant 0 : i32
      %dma_start3A_18 = tpu.memref_slice %arg11[%mul3A_0, %dma_start3A_17] : memref<20096x64xf32, #tpu.memory_space<vmem_shared>> -> memref<1256x64xf32, #tpu.memory_space<vmem_shared>>
      tpu.enqueue_dma source(%arg5 : memref<1256x64xf32, #tpu.memory_space<hbm>>) target(%dma_start3A_18 : memref<1256x64xf32, #tpu.memory_space<vmem_shared>>) target_semaphore(%run_scoped3A : memref<!tpu.dma_semaphore, #tpu.memory_space<semaphore_mem>>)
      %dma_wait3A = arith.constant 0 : i32
      %dma_wait3A_19 = tpu.memref_slice %arg11[%mul3A_0, %dma_wait3A] : memref<20096x64xf32, #tpu.memory_space<vmem_shared>> -> memref<1256x64xf32, #tpu.memory_space<vmem_shared>>
      tpu.wait_dma2 semaphore(%run_scoped3A : memref<!tpu.dma_semaphore, #tpu.memory_space<semaphore_mem>>) src(%arg5 : memref<1256x64xf32, #tpu.memory_space<hbm>>) dst(%dma_wait3A_19 : memref<1256x64xf32, #tpu.memory_space<vmem_shared>>)
      tpu.yield
    }) : () -> ()
    "tpu.region"() ({
      %run_scoped3A = tpu.sem_alloc : memref<!tpu.dma_semaphore, #tpu.memory_space<semaphore_mem>>
      %dma_start3A_17 = arith.constant 0 : i32
      %dma_start3A_18 = arith.constant 0 : i32
      %dma_start3A_19 = tpu.memref_slice %arg3[%arg0, %arg1, %dma_start3A_17, %dma_start3A_18] : memref<2x16x250x80xi32, #tpu.memory_space<hbm>> -> memref<1x1x250x80xi32, #tpu.memory_space<hbm>>
      %dma_start3A_20 = tpu.memref_squeeze %dma_start3A_19 : memref<1x1x250x80xi32, #tpu.memory_space<hbm>> -> memref<250x80xi32, #tpu.memory_space<hbm>>
      %dma_start3A_21 = arith.constant 0 : i32
      %dma_start3A_22 = arith.constant 0 : i32
      %dma_start3A_23 = tpu.memref_slice %arg3[%arg0, %arg1, %dma_start3A_21, %dma_start3A_22] : memref<2x16x250x80xi32, #tpu.memory_space<hbm>> -> memref<1x1x250x80xi32, #tpu.memory_space<hbm>>
      %dma_start3A_24 = tpu.memref_squeeze %dma_start3A_23 : memref<1x1x250x80xi32, #tpu.memory_space<hbm>> -> memref<250x80xi32, #tpu.memory_space<hbm>>
      tpu.enqueue_dma source(%dma_start3A_24 : memref<250x80xi32, #tpu.memory_space<hbm>>) target(%arg7 : memref<250x80xi32, #tpu.memory_space<vmem>>) target_semaphore(%run_scoped3A : memref<!tpu.dma_semaphore, #tpu.memory_space<semaphore_mem>>)
      %dma_wait3A = arith.constant 0 : i32
      %dma_wait3A_25 = arith.constant 0 : i32
      %dma_wait3A_26 = tpu.memref_slice %arg3[%arg0, %arg1, %dma_wait3A, %dma_wait3A_25] : memref<2x16x250x80xi32, #tpu.memory_space<hbm>> -> memref<1x1x250x80xi32, #tpu.memory_space<hbm>>
      %dma_wait3A_27 = tpu.memref_squeeze %dma_wait3A_26 : memref<1x1x250x80xi32, #tpu.memory_space<hbm>> -> memref<250x80xi32, #tpu.memory_space<hbm>>
      %dma_wait3A_28 = arith.constant 0 : i32
      %dma_wait3A_29 = arith.constant 0 : i32
      %dma_wait3A_30 = tpu.memref_slice %arg3[%arg0, %arg1, %dma_wait3A_28, %dma_wait3A_29] : memref<2x16x250x80xi32, #tpu.memory_space<hbm>> -> memref<1x1x250x80xi32, #tpu.memory_space<hbm>>
      %dma_wait3A_31 = tpu.memref_squeeze %dma_wait3A_30 : memref<1x1x250x80xi32, #tpu.memory_space<hbm>> -> memref<250x80xi32, #tpu.memory_space<hbm>>
      tpu.wait_dma2 semaphore(%run_scoped3A : memref<!tpu.dma_semaphore, #tpu.memory_space<semaphore_mem>>) src(%dma_wait3A_31 : memref<250x80xi32, #tpu.memory_space<hbm>>) dst(%arg7 : memref<250x80xi32, #tpu.memory_space<vmem>>)
      tpu.yield
    }) : () -> ()
    "tpu.region"() ({
      %run_scoped3A = tpu.sem_alloc : memref<!tpu.dma_semaphore, #tpu.memory_space<semaphore_mem>>
      %dma_start3A_17 = arith.constant 0 : i32
      %dma_start3A_18 = arith.constant 0 : i32
      %dma_start3A_19 = tpu.memref_slice %arg4[%arg0, %arg1, %dma_start3A_17, %dma_start3A_18] : memref<2x16x250x80xi32, #tpu.memory_space<hbm>> -> memref<1x1x250x80xi32, #tpu.memory_space<hbm>>
      %dma_start3A_20 = tpu.memref_squeeze %dma_start3A_19 : memref<1x1x250x80xi32, #tpu.memory_space<hbm>> -> memref<250x80xi32, #tpu.memory_space<hbm>>
      %dma_start3A_21 = arith.constant 0 : i32
      %dma_start3A_22 = arith.constant 0 : i32
      %dma_start3A_23 = tpu.memref_slice %arg4[%arg0, %arg1, %dma_start3A_21, %dma_start3A_22] : memref<2x16x250x80xi32, #tpu.memory_space<hbm>> -> memref<1x1x250x80xi32, #tpu.memory_space<hbm>>
      %dma_start3A_24 = tpu.memref_squeeze %dma_start3A_23 : memref<1x1x250x80xi32, #tpu.memory_space<hbm>> -> memref<250x80xi32, #tpu.memory_space<hbm>>
      tpu.enqueue_dma source(%dma_start3A_24 : memref<250x80xi32, #tpu.memory_space<hbm>>) target(%arg8 : memref<250x80xi32, #tpu.memory_space<vmem>>) target_semaphore(%run_scoped3A : memref<!tpu.dma_semaphore, #tpu.memory_space<semaphore_mem>>)
      %dma_wait3A = arith.constant 0 : i32
      %dma_wait3A_25 = arith.constant 0 : i32
      %dma_wait3A_26 = tpu.memref_slice %arg4[%arg0, %arg1, %dma_wait3A, %dma_wait3A_25] : memref<2x16x250x80xi32, #tpu.memory_space<hbm>> -> memref<1x1x250x80xi32, #tpu.memory_space<hbm>>
      %dma_wait3A_27 = tpu.memref_squeeze %dma_wait3A_26 : memref<1x1x250x80xi32, #tpu.memory_space<hbm>> -> memref<250x80xi32, #tpu.memory_space<hbm>>
      %dma_wait3A_28 = arith.constant 0 : i32
      %dma_wait3A_29 = arith.constant 0 : i32
      %dma_wait3A_30 = tpu.memref_slice %arg4[%arg0, %arg1, %dma_wait3A_28, %dma_wait3A_29] : memref<2x16x250x80xi32, #tpu.memory_space<hbm>> -> memref<1x1x250x80xi32, #tpu.memory_space<hbm>>
      %dma_wait3A_31 = tpu.memref_squeeze %dma_wait3A_30 : memref<1x1x250x80xi32, #tpu.memory_space<hbm>> -> memref<250x80xi32, #tpu.memory_space<hbm>>
      tpu.wait_dma2 semaphore(%run_scoped3A : memref<!tpu.dma_semaphore, #tpu.memory_space<semaphore_mem>>) src(%dma_wait3A_31 : memref<250x80xi32, #tpu.memory_space<hbm>>) dst(%arg8 : memref<250x80xi32, #tpu.memory_space<vmem>>)
      tpu.yield
    }) : () -> ()
    %barrier3A = arith.constant 0 : index
    tpu.barrier barrier_id(%barrier3A)
    %dma_start3A = arith.constant 0 : i32
    %dma_start3A_1 = arith.constant 0 : i32
    %dma_start3A_2 = tpu.memref_slice %arg7[%dma_start3A, %dma_start3A_1] : memref<250x80xi32, #tpu.memory_space<vmem>> -> memref<1x80xi32, #tpu.memory_space<vmem>>
    %dma_start3A_3 = tpu.memref_squeeze %dma_start3A_2 : memref<1x80xi32, #tpu.memory_space<vmem>> -> memref<80xi32, #tpu.memory_space<vmem>>
    %dma_start3A_4 = arith.constant 0 : i32
    %dma_start3A_5 = arith.constant 0 : i32
    %dma_start3A_6 = tpu.memref_slice %arg2[%dma_start3A_4, %dma_start3A_5] : memref<20000x64xf32, #tpu.memory_space<hbm>> -> memref<20000x64xf32, #tpu.memory_space<hbm>>
    tpu.enqueue_indirect_dma source(%dma_start3A_6 : memref<20000x64xf32, #tpu.memory_space<hbm>>) target(%arg9 : memref<80x64xf32, #tpu.memory_space<vmem>>) offsets(%dma_start3A_3 : memref<80xi32, #tpu.memory_space<vmem>>) semaphore(%arg12 : memref<!tpu.dma_semaphore, #tpu.memory_space<semaphore_mem>>)
    %scan3A = arith.constant 0 : i32
    %scan3A_7 = arith.constant 0 : i32
    %scan3A_8 = arith.constant 125 : i32
    %scan3A_9 = arith.addi %scan3A_7, %scan3A_8 : i32
    %scan3A_10 = arith.constant 1 : i32
    scf.for %scan3A_17 = %scan3A_7 to %scan3A_9 step %scan3A_10  : i32 {
      %mul3A_18 = arith.constant 2 : i32
      %mul3A_19 = arith.muli %mul3A_18, %scan3A_17 : i32
      %mul3A_20 = arith.constant 2 : i32
      %mul3A_21 = arith.muli %mul3A_20, %scan3A_17 : i32
      %add3A = arith.constant 1 : i32
      %add3A_22 = arith.addi %mul3A_21, %add3A : i32
      %dma_start3A_23 = arith.constant 0 : i32
      %dma_start3A_24 = tpu.memref_slice %arg7[%add3A_22, %dma_start3A_23] : memref<250x80xi32, #tpu.memory_space<vmem>> -> memref<1x80xi32, #tpu.memory_space<vmem>>
      %dma_start3A_25 = tpu.memref_squeeze %dma_start3A_24 : memref<1x80xi32, #tpu.memory_space<vmem>> -> memref<80xi32, #tpu.memory_space<vmem>>
      %dma_start3A_26 = arith.constant 0 : i32
      %dma_start3A_27 = arith.constant 0 : i32
      %dma_start3A_28 = tpu.memref_slice %arg2[%dma_start3A_26, %dma_start3A_27] : memref<20000x64xf32, #tpu.memory_space<hbm>> -> memref<20000x64xf32, #tpu.memory_space<hbm>>
      tpu.enqueue_indirect_dma source(%dma_start3A_28 : memref<20000x64xf32, #tpu.memory_space<hbm>>) target(%arg10 : memref<80x64xf32, #tpu.memory_space<vmem>>) offsets(%dma_start3A_25 : memref<80xi32, #tpu.memory_space<vmem>>) semaphore(%arg13 : memref<!tpu.dma_semaphore, #tpu.memory_space<semaphore_mem>>)
      %dma_wait3A = arith.constant 0 : i32
      %dma_wait3A_29 = tpu.memref_slice %arg7[%mul3A_19, %dma_wait3A] : memref<250x80xi32, #tpu.memory_space<vmem>> -> memref<1x80xi32, #tpu.memory_space<vmem>>
      %dma_wait3A_30 = tpu.memref_squeeze %dma_wait3A_29 : memref<1x80xi32, #tpu.memory_space<vmem>> -> memref<80xi32, #tpu.memory_space<vmem>>
      %dma_wait3A_31 = arith.constant 0 : i32
      %dma_wait3A_32 = arith.constant 0 : i32
      %dma_wait3A_33 = tpu.memref_slice %arg2[%dma_wait3A_31, %dma_wait3A_32] : memref<20000x64xf32, #tpu.memory_space<hbm>> -> memref<20000x64xf32, #tpu.memory_space<hbm>>
      tpu.wait_indirect_dma semaphore(%arg12 : memref<!tpu.dma_semaphore, #tpu.memory_space<semaphore_mem>>) src(%dma_wait3A_33 : memref<20000x64xf32, #tpu.memory_space<hbm>>) dst(%arg9 : memref<80x64xf32, #tpu.memory_space<vmem>>)
      "tpu.region"() ({
        %run_scoped3A = tpu.sem_alloc : memref<!tpu.dma_semaphore, #tpu.memory_space<semaphore_mem>>
        %dma_start3A_44 = arith.constant 0 : i32
        %dma_start3A_45 = tpu.memref_slice %arg8[%mul3A_19, %dma_start3A_44] : memref<250x80xi32, #tpu.memory_space<vmem>> -> memref<1x80xi32, #tpu.memory_space<vmem>>
        %dma_start3A_46 = tpu.memref_squeeze %dma_start3A_45 : memref<1x80xi32, #tpu.memory_space<vmem>> -> memref<80xi32, #tpu.memory_space<vmem>>
        %dma_start3A_47 = arith.constant 0 : i32
        %dma_start3A_48 = arith.constant 0 : i32
        %dma_start3A_49 = tpu.memref_slice %arg11[%dma_start3A_47, %dma_start3A_48] : memref<20096x64xf32, #tpu.memory_space<vmem_shared>> -> memref<20096x64xf32, #tpu.memory_space<vmem_shared>>
        tpu.enqueue_indirect_dma source(%arg9 : memref<80x64xf32, #tpu.memory_space<vmem>>) target(%dma_start3A_49 : memref<20096x64xf32, #tpu.memory_space<vmem_shared>>) offsets(%dma_start3A_46 : memref<80xi32, #tpu.memory_space<vmem>>) semaphore(%run_scoped3A : memref<!tpu.dma_semaphore, #tpu.memory_space<semaphore_mem>>) {add = true}
        %dma_wait3A_50 = arith.constant 0 : i32
        %dma_wait3A_51 = tpu.memref_slice %arg8[%mul3A_19, %dma_wait3A_50] : memref<250x80xi32, #tpu.memory_space<vmem>> -> memref<1x80xi32, #tpu.memory_space<vmem>>
        %dma_wait3A_52 = tpu.memref_squeeze %dma_wait3A_51 : memref<1x80xi32, #tpu.memory_space<vmem>> -> memref<80xi32, #tpu.memory_space<vmem>>
        %dma_wait3A_53 = arith.constant 0 : i32
        %dma_wait3A_54 = arith.constant 0 : i32
        %dma_wait3A_55 = tpu.memref_slice %arg11[%dma_wait3A_53, %dma_wait3A_54] : memref<20096x64xf32, #tpu.memory_space<vmem_shared>> -> memref<20096x64xf32, #tpu.memory_space<vmem_shared>>
        tpu.wait_indirect_dma semaphore(%run_scoped3A : memref<!tpu.dma_semaphore, #tpu.memory_space<semaphore_mem>>) src(%arg9 : memref<80x64xf32, #tpu.memory_space<vmem>>) dst(%dma_wait3A_55 : memref<20096x64xf32, #tpu.memory_space<vmem_shared>>)
        tpu.yield
      }) : () -> ()
      %add3A_34 = arith.constant 1 : i32
      %add3A_35 = arith.addi %add3A_22, %add3A_34 : i32
      %lt3A = arith.constant 250 : i32
      %lt3A_36 = arith.cmpi slt, %add3A_35, %lt3A : i32
      %convert_element_type3A = arith.extui %lt3A_36 : i1 to i32
      %cond3A = arith.constant 0 : i32
      %cond3A_37 = arith.cmpi ne, %convert_element_type3A, %cond3A : i32
      scf.if %cond3A_37 {
        %add3A_44 = arith.constant 1 : i32
        %add3A_45 = arith.addi %add3A_22, %add3A_44 : i32
        %dma_start3A_46 = arith.constant 0 : i32
        %dma_start3A_47 = tpu.memref_slice %arg7[%add3A_45, %dma_start3A_46] : memref<250x80xi32, #tpu.memory_space<vmem>> -> memref<1x80xi32, #tpu.memory_space<vmem>>
        %dma_start3A_48 = tpu.memref_squeeze %dma_start3A_47 : memref<1x80xi32, #tpu.memory_space<vmem>> -> memref<80xi32, #tpu.memory_space<vmem>>
        %dma_start3A_49 = arith.constant 0 : i32
        %dma_start3A_50 = arith.constant 0 : i32
        %dma_start3A_51 = tpu.memref_slice %arg2[%dma_start3A_49, %dma_start3A_50] : memref<20000x64xf32, #tpu.memory_space<hbm>> -> memref<20000x64xf32, #tpu.memory_space<hbm>>
        tpu.enqueue_indirect_dma source(%dma_start3A_51 : memref<20000x64xf32, #tpu.memory_space<hbm>>) target(%arg9 : memref<80x64xf32, #tpu.memory_space<vmem>>) offsets(%dma_start3A_48 : memref<80xi32, #tpu.memory_space<vmem>>) semaphore(%arg12 : memref<!tpu.dma_semaphore, #tpu.memory_space<semaphore_mem>>)
      } else {
      }
      %dma_wait3A_38 = arith.constant 0 : i32
      %dma_wait3A_39 = tpu.memref_slice %arg7[%add3A_22, %dma_wait3A_38] : memref<250x80xi32, #tpu.memory_space<vmem>> -> memref<1x80xi32, #tpu.memory_space<vmem>>
      %dma_wait3A_40 = tpu.memref_squeeze %dma_wait3A_39 : memref<1x80xi32, #tpu.memory_space<vmem>> -> memref<80xi32, #tpu.memory_space<vmem>>
      %dma_wait3A_41 = arith.constant 0 : i32
      %dma_wait3A_42 = arith.constant 0 : i32
      %dma_wait3A_43 = tpu.memref_slice %arg2[%dma_wait3A_41, %dma_wait3A_42] : memref<20000x64xf32, #tpu.memory_space<hbm>> -> memref<20000x64xf32, #tpu.memory_space<hbm>>
      tpu.wait_indirect_dma semaphore(%arg13 : memref<!tpu.dma_semaphore, #tpu.memory_space<semaphore_mem>>) src(%dma_wait3A_43 : memref<20000x64xf32, #tpu.memory_space<hbm>>) dst(%arg10 : memref<80x64xf32, #tpu.memory_space<vmem>>)
      "tpu.region"() ({
        %run_scoped3A = tpu.sem_alloc : memref<!tpu.dma_semaphore, #tpu.memory_space<semaphore_mem>>
        %dma_start3A_44 = arith.constant 0 : i32
        %dma_start3A_45 = tpu.memref_slice %arg8[%add3A_22, %dma_start3A_44] : memref<250x80xi32, #tpu.memory_space<vmem>> -> memref<1x80xi32, #tpu.memory_space<vmem>>
        %dma_start3A_46 = tpu.memref_squeeze %dma_start3A_45 : memref<1x80xi32, #tpu.memory_space<vmem>> -> memref<80xi32, #tpu.memory_space<vmem>>
        %dma_start3A_47 = arith.constant 0 : i32
        %dma_start3A_48 = arith.constant 0 : i32
        %dma_start3A_49 = tpu.memref_slice %arg11[%dma_start3A_47, %dma_start3A_48] : memref<20096x64xf32, #tpu.memory_space<vmem_shared>> -> memref<20096x64xf32, #tpu.memory_space<vmem_shared>>
        tpu.enqueue_indirect_dma source(%arg10 : memref<80x64xf32, #tpu.memory_space<vmem>>) target(%dma_start3A_49 : memref<20096x64xf32, #tpu.memory_space<vmem_shared>>) offsets(%dma_start3A_46 : memref<80xi32, #tpu.memory_space<vmem>>) semaphore(%run_scoped3A : memref<!tpu.dma_semaphore, #tpu.memory_space<semaphore_mem>>) {add = true}
        %dma_wait3A_50 = arith.constant 0 : i32
        %dma_wait3A_51 = tpu.memref_slice %arg8[%add3A_22, %dma_wait3A_50] : memref<250x80xi32, #tpu.memory_space<vmem>> -> memref<1x80xi32, #tpu.memory_space<vmem>>
        %dma_wait3A_52 = tpu.memref_squeeze %dma_wait3A_51 : memref<1x80xi32, #tpu.memory_space<vmem>> -> memref<80xi32, #tpu.memory_space<vmem>>
        %dma_wait3A_53 = arith.constant 0 : i32
        %dma_wait3A_54 = arith.constant 0 : i32
        %dma_wait3A_55 = tpu.memref_slice %arg11[%dma_wait3A_53, %dma_wait3A_54] : memref<20096x64xf32, #tpu.memory_space<vmem_shared>> -> memref<20096x64xf32, #tpu.memory_space<vmem_shared>>
        tpu.wait_indirect_dma semaphore(%run_scoped3A : memref<!tpu.dma_semaphore, #tpu.memory_space<semaphore_mem>>) src(%arg10 : memref<80x64xf32, #tpu.memory_space<vmem>>) dst(%dma_wait3A_55 : memref<20096x64xf32, #tpu.memory_space<vmem_shared>>)
        tpu.yield
      }) : () -> ()
    }
    %scan3A_11 = arith.constant 125 : i32
    %barrier3A_12 = arith.constant 0 : index
    tpu.barrier barrier_id(%barrier3A_12)
    %mul3A_13 = arith.constant 1256 : i32
    %mul3A_14 = arith.muli %arg1, %mul3A_13 : i32
    %mul3A_15 = arith.constant 1256 : i32
    %mul3A_16 = arith.muli %arg1, %mul3A_15 : i32
    "tpu.region"() ({
      %run_scoped3A = tpu.sem_alloc : memref<!tpu.dma_semaphore, #tpu.memory_space<semaphore_mem>>
      %dma_start3A_17 = arith.constant 0 : i32
      %dma_start3A_18 = tpu.memref_slice %arg6[%arg0, %mul3A_16, %dma_start3A_17] : memref<2x20096x64xf32, #tpu.memory_space<hbm>> -> memref<1x1256x64xf32, #tpu.memory_space<hbm>>
      %dma_start3A_19 = tpu.memref_squeeze %dma_start3A_18 : memref<1x1256x64xf32, #tpu.memory_space<hbm>> -> memref<1256x64xf32, #tpu.memory_space<hbm>>
      %dma_start3A_20 = arith.constant 0 : i32
      %dma_start3A_21 = tpu.memref_slice %arg11[%mul3A_14, %dma_start3A_20] : memref<20096x64xf32, #tpu.memory_space<vmem_shared>> -> memref<1256x64xf32, #tpu.memory_space<vmem_shared>>
      tpu.enqueue_dma source(%dma_start3A_21 : memref<1256x64xf32, #tpu.memory_space<vmem_shared>>) target(%dma_start3A_19 : memref<1256x64xf32, #tpu.memory_space<hbm>>) target_semaphore(%run_scoped3A : memref<!tpu.dma_semaphore, #tpu.memory_space<semaphore_mem>>)
      %dma_wait3A = arith.constant 0 : i32
      %dma_wait3A_22 = tpu.memref_slice %arg6[%arg0, %mul3A_16, %dma_wait3A] : memref<2x20096x64xf32, #tpu.memory_space<hbm>> -> memref<1x1256x64xf32, #tpu.memory_space<hbm>>
      %dma_wait3A_23 = tpu.memref_squeeze %dma_wait3A_22 : memref<1x1256x64xf32, #tpu.memory_space<hbm>> -> memref<1256x64xf32, #tpu.memory_space<hbm>>
      %dma_wait3A_24 = arith.constant 0 : i32
      %dma_wait3A_25 = tpu.memref_slice %arg11[%mul3A_14, %dma_wait3A_24] : memref<20096x64xf32, #tpu.memory_space<vmem_shared>> -> memref<1256x64xf32, #tpu.memory_space<vmem_shared>>
      tpu.wait_dma2 semaphore(%run_scoped3A : memref<!tpu.dma_semaphore, #tpu.memory_space<semaphore_mem>>) src(%dma_wait3A_25 : memref<1256x64xf32, #tpu.memory_space<vmem_shared>>) dst(%dma_wait3A_23 : memref<1256x64xf32, #tpu.memory_space<hbm>>)
      tpu.yield
    }) : () -> ()
    return
  }
}

module attributes {stable_mosaic.version = 14 : i64} {
  func.func @body(%arg0: i32, %arg1: memref<2000x4xf32, #tpu.memory_space<vmem>>, %arg2: memref<4x64xf32, #tpu.memory_space<vmem>>, %arg3: memref<1x64xf32, #tpu.memory_space<vmem>>, %arg4: memref<2x64x64xf32, #tpu.memory_space<vmem>>, %arg5: memref<2000x64xf32, #tpu.memory_space<vmem>>, %arg6: memref<2x2000x64xf32, #tpu.memory_space<vmem>>) attributes {dimension_semantics = [#tpu.dimension_semantics<arbitrary>], iteration_bounds = array<i64: 5>, scalar_prefetch = 0 : i64, scratch_operands = 0 : i64, tpu.core_type = #tpu.core_type<tc>, window_params = [{transform_indices = @transform_0, window_bounds = array<i64: 2000, 4>}, {pipeline_mode = #tpu.pipeline_mode<synchronous>, transform_indices = @transform_1, window_bounds = array<i64: 4, 64>}, {pipeline_mode = #tpu.pipeline_mode<synchronous>, transform_indices = @transform_2, window_bounds = array<i64: 1, 64>}, {pipeline_mode = #tpu.pipeline_mode<synchronous>, transform_indices = @transform_3, window_bounds = array<i64: 2, 64, 64>}, {transform_indices = @transform_4, window_bounds = array<i64: 2000, 64>}, {transform_indices = @transform_5, window_bounds = array<i64: 2, 2000, 64>}]} {
    %get3A = arith.constant 0 : index
    %get3A_0 = arith.constant 0 : index
    %get3A_1 = vector.load %arg1[%get3A, %get3A_0] : memref<2000x4xf32, #tpu.memory_space<vmem>>, vector<2000x4xf32>
    %get3A_2 = arith.constant 0 : index
    %get3A_3 = arith.constant 0 : index
    %get3A_4 = vector.load %arg2[%get3A_2, %get3A_3] : memref<4x64xf32, #tpu.memory_space<vmem>>, vector<4x64xf32>
    %dot_general3A = arith.constant dense<0.000000e+00> : vector<2000x64xf32>
    %dot_general3A_5 = tpu.matmul %get3A_1, %get3A_4, %dot_general3A {dimension_numbers = #tpu.dot_dimension_numbers<[1], [0], [0], [1], [0, 0, 1, 1], [], []>, transpose_lhs_hint = false} : vector<2000x4xf32>, vector<4x64xf32>, vector<2000x64xf32> -> vector<2000x64xf32>
    %get3A_6 = arith.constant 0 : index
    %get3A_7 = arith.constant 0 : index
    %get3A_8 = vector.load %arg3[%get3A_6, %get3A_7] : memref<1x64xf32, #tpu.memory_space<vmem>>, vector<1x64xf32>
    %add3A = vector.broadcast %get3A_8 : vector<1x64xf32> to vector<2000x64xf32>
    %add3A_9 = arith.addf %dot_general3A_5, %add3A : vector<2000x64xf32>
    %max3A = arith.constant 0.000000e+00 : f32
    %max3A_10 = vector.broadcast %max3A : f32 to vector<2000x64xf32>
    %max3A_11 = arith.maximumf %add3A_9, %max3A_10 : vector<2000x64xf32>
    %swap3A = arith.constant 0 : index
    %swap3A_12 = arith.constant 0 : index
    %swap3A_13 = vector.load %arg5[%swap3A, %swap3A_12] : memref<2000x64xf32, #tpu.memory_space<vmem>>, vector<2000x64xf32>
    tpu.vector_store %arg5[%swap3A, %swap3A_12], %max3A_11 {strides = array<i32>} : memref<2000x64xf32, #tpu.memory_space<vmem>>, vector<2000x64xf32>,
    %get3A_14 = arith.constant 0 : index
    %get3A_15 = arith.constant 0 : index
    %get3A_16 = arith.constant 0 : index
    %get3A_17 = vector.load %arg4[%get3A_14, %get3A_15, %get3A_16] : memref<2x64x64xf32, #tpu.memory_space<vmem>>, vector<1x64x64xf32>
    %get3A_18 = vector.shape_cast %get3A_17 : vector<1x64x64xf32> to vector<64x64xf32>
    %dot_general3A_19 = arith.constant dense<0.000000e+00> : vector<2000x64xf32>
    %dot_general3A_20 = tpu.matmul %max3A_11, %get3A_18, %dot_general3A_19 {dimension_numbers = #tpu.dot_dimension_numbers<[1], [0], [0], [1], [0, 0, 1, 1], [], []>, transpose_lhs_hint = false} : vector<2000x64xf32>, vector<64x64xf32>, vector<2000x64xf32> -> vector<2000x64xf32>
    %swap3A_21 = arith.constant 0 : index
    %swap3A_22 = arith.constant 0 : index
    %swap3A_23 = arith.constant 0 : index
    %swap3A_24 = vector.load %arg6[%swap3A_21, %swap3A_22, %swap3A_23] : memref<2x2000x64xf32, #tpu.memory_space<vmem>>, vector<1x2000x64xf32>
    %swap3A_25 = vector.shape_cast %swap3A_24 : vector<1x2000x64xf32> to vector<2000x64xf32>
    %swap3A_26 = vector.shape_cast %dot_general3A_20 : vector<2000x64xf32> to vector<1x2000x64xf32>
    tpu.vector_store %arg6[%swap3A_21, %swap3A_22, %swap3A_23], %swap3A_26 {strides = array<i32>} : memref<2x2000x64xf32, #tpu.memory_space<vmem>>, vector<1x2000x64xf32>,
    %get3A_27 = arith.constant 1 : index
    %get3A_28 = arith.constant 0 : index
    %get3A_29 = arith.constant 0 : index
    %get3A_30 = vector.load %arg4[%get3A_27, %get3A_28, %get3A_29] : memref<2x64x64xf32, #tpu.memory_space<vmem>>, vector<1x64x64xf32>
    %get3A_31 = vector.shape_cast %get3A_30 : vector<1x64x64xf32> to vector<64x64xf32>
    %dot_general3A_32 = arith.constant dense<0.000000e+00> : vector<2000x64xf32>
    %dot_general3A_33 = tpu.matmul %max3A_11, %get3A_31, %dot_general3A_32 {dimension_numbers = #tpu.dot_dimension_numbers<[1], [0], [0], [1], [0, 0, 1, 1], [], []>, transpose_lhs_hint = false} : vector<2000x64xf32>, vector<64x64xf32>, vector<2000x64xf32> -> vector<2000x64xf32>
    %swap3A_34 = arith.constant 1 : index
    %swap3A_35 = arith.constant 0 : index
    %swap3A_36 = arith.constant 0 : index
    %swap3A_37 = vector.load %arg6[%swap3A_34, %swap3A_35, %swap3A_36] : memref<2x2000x64xf32, #tpu.memory_space<vmem>>, vector<1x2000x64xf32>
    %swap3A_38 = vector.shape_cast %swap3A_37 : vector<1x2000x64xf32> to vector<2000x64xf32>
    %swap3A_39 = vector.shape_cast %dot_general3A_33 : vector<2000x64xf32> to vector<1x2000x64xf32>
    tpu.vector_store %arg6[%swap3A_34, %swap3A_35, %swap3A_36], %swap3A_39 {strides = array<i32>} : memref<2x2000x64xf32, #tpu.memory_space<vmem>>, vector<1x2000x64xf32>,
    return
  }
  func.func @transform_0(%arg0: i32) -> (i32, i32) {
    %c0_i32 = arith.constant 0 : i32
    %c0_i32_0 = arith.constant 0 : i32
    return %arg0, %c0_i32 : i32, i32
  }
  func.func @transform_1(%arg0: i32) -> (i32, i32) {
    %c0_i32 = arith.constant 0 : i32
    %c0_i32_0 = arith.constant 0 : i32
    %c0_i32_1 = arith.constant 0 : i32
    return %c0_i32, %c0_i32_0 : i32, i32
  }
  func.func @transform_2(%arg0: i32) -> (i32, i32) {
    %c0_i32 = arith.constant 0 : i32
    %c0_i32_0 = arith.constant 0 : i32
    %c0_i32_1 = arith.constant 0 : i32
    return %c0_i32, %c0_i32_0 : i32, i32
  }
  func.func @transform_3(%arg0: i32) -> (i32, i32, i32) {
    %c0_i32 = arith.constant 0 : i32
    %c0_i32_0 = arith.constant 0 : i32
    %c0_i32_1 = arith.constant 0 : i32
    %c0_i32_2 = arith.constant 0 : i32
    return %c0_i32, %c0_i32_0, %c0_i32_1 : i32, i32, i32
  }
  func.func @transform_4(%arg0: i32) -> (i32, i32) {
    %c0_i32 = arith.constant 0 : i32
    %c0_i32_0 = arith.constant 0 : i32
    return %arg0, %c0_i32 : i32, i32
  }
  func.func @transform_5(%arg0: i32) -> (i32, i32, i32) {
    %c0_i32 = arith.constant 0 : i32
    %c0_i32_0 = arith.constant 0 : i32
    %c0_i32_1 = arith.constant 0 : i32
    return %c0_i32, %arg0, %c0_i32_0 : i32, i32, i32
  }
}

module attributes {stable_mosaic.version = 14 : i64} {
  func.func @body(%arg0: i32, %arg1: memref<1000x128xi32, #tpu.memory_space<vmem>>, %arg2: memref<1000x128xi32, #tpu.memory_space<vmem>>, %arg3: memref<1000x128xi32, #tpu.memory_space<vmem>>, %arg4: memref<1000x128xi32, #tpu.memory_space<vmem>>, %arg5: memref<1000x128xi32, #tpu.memory_space<vmem>>) attributes {dimension_semantics = [#tpu.dimension_semantics<arbitrary>], iteration_bounds = array<i64: 5>, scalar_prefetch = 0 : i64, scratch_operands = 0 : i64, tpu.core_type = #tpu.core_type<tc>, window_params = [{transform_indices = @transform_0, window_bounds = array<i64: 1000, 128>}, {transform_indices = @transform_1, window_bounds = array<i64: 1000, 128>}, {transform_indices = @transform_2, window_bounds = array<i64: 1000, 128>}, {transform_indices = @transform_3, window_bounds = array<i64: 1000, 128>}, {transform_indices = @transform_4, window_bounds = array<i64: 1000, 128>}]} {
    %get3A = arith.constant 0 : index
    %get3A_0 = arith.constant 0 : index
    %get3A_1 = vector.load %arg3[%get3A, %get3A_0] : memref<1000x128xi32, #tpu.memory_space<vmem>>, vector<1000x128xi32>
    %mul3A = arith.constant 10000 : i32
    %mul3A_2 = vector.broadcast %mul3A : i32 to vector<1000x128xi32>
    %mul3A_3 = arith.muli %get3A_1, %mul3A_2 : vector<1000x128xi32>
    %get3A_4 = arith.constant 0 : index
    %get3A_5 = arith.constant 0 : index
    %get3A_6 = vector.load %arg1[%get3A_4, %get3A_5] : memref<1000x128xi32, #tpu.memory_space<vmem>>, vector<1000x128xi32>
    %add3A = arith.addi %get3A_6, %mul3A_3 : vector<1000x128xi32>
    %swap3A = arith.constant 0 : index
    %swap3A_7 = arith.constant 0 : index
    %swap3A_8 = vector.load %arg4[%swap3A, %swap3A_7] : memref<1000x128xi32, #tpu.memory_space<vmem>>, vector<1000x128xi32>
    tpu.vector_store %arg4[%swap3A, %swap3A_7], %add3A {strides = array<i32>} : memref<1000x128xi32, #tpu.memory_space<vmem>>, vector<1000x128xi32>,
    %get3A_9 = arith.constant 0 : index
    %get3A_10 = arith.constant 0 : index
    %get3A_11 = vector.load %arg2[%get3A_9, %get3A_10] : memref<1000x128xi32, #tpu.memory_space<vmem>>, vector<1000x128xi32>
    %add3A_12 = arith.addi %get3A_11, %mul3A_3 : vector<1000x128xi32>
    %swap3A_13 = arith.constant 0 : index
    %swap3A_14 = arith.constant 0 : index
    %swap3A_15 = vector.load %arg5[%swap3A_13, %swap3A_14] : memref<1000x128xi32, #tpu.memory_space<vmem>>, vector<1000x128xi32>
    tpu.vector_store %arg5[%swap3A_13, %swap3A_14], %add3A_12 {strides = array<i32>} : memref<1000x128xi32, #tpu.memory_space<vmem>>, vector<1000x128xi32>,
    return
  }
  func.func @transform_0(%arg0: i32) -> (i32, i32) {
    %c0_i32 = arith.constant 0 : i32
    %c0_i32_0 = arith.constant 0 : i32
    return %arg0, %c0_i32 : i32, i32
  }
  func.func @transform_1(%arg0: i32) -> (i32, i32) {
    %c0_i32 = arith.constant 0 : i32
    %c0_i32_0 = arith.constant 0 : i32
    return %arg0, %c0_i32 : i32, i32
  }
  func.func @transform_2(%arg0: i32) -> (i32, i32) {
    %c0_i32 = arith.constant 0 : i32
    %c0_i32_0 = arith.constant 0 : i32
    return %arg0, %c0_i32 : i32, i32
  }
  func.func @transform_3(%arg0: i32) -> (i32, i32) {
    %c0_i32 = arith.constant 0 : i32
    %c0_i32_0 = arith.constant 0 : i32
    return %arg0, %c0_i32 : i32, i32
  }
  func.func @transform_4(%arg0: i32) -> (i32, i32) {
    %c0_i32 = arith.constant 0 : i32
    %c0_i32_0 = arith.constant 0 : i32
    return %arg0, %c0_i32 : i32, i32
  }
}

module attributes {stable_mosaic.version = 14 : i64} {
  func.func @body(%arg0: i32, %arg1: memref<8000x2xf32, #tpu.memory_space<vmem>>, %arg2: memref<2x48xf32, #tpu.memory_space<vmem>>, %arg3: memref<1x48xf32, #tpu.memory_space<vmem>>, %arg4: memref<32x64xf32, #tpu.memory_space<vmem>>, %arg5: memref<1x64xf32, #tpu.memory_space<vmem>>, %arg6: memref<8000x48xf32, #tpu.memory_space<vmem>>, %arg7: memref<8000x1xf32, #tpu.memory_space<vmem>>) attributes {dimension_semantics = [#tpu.dimension_semantics<arbitrary>], iteration_bounds = array<i64: 80>, scalar_prefetch = 0 : i64, scratch_operands = 0 : i64, tpu.core_type = #tpu.core_type<tc>, window_params = [{transform_indices = @transform_0, window_bounds = array<i64: 8000, 2>}, {pipeline_mode = #tpu.pipeline_mode<synchronous>, transform_indices = @transform_1, window_bounds = array<i64: 2, 48>}, {pipeline_mode = #tpu.pipeline_mode<synchronous>, transform_indices = @transform_2, window_bounds = array<i64: 1, 48>}, {pipeline_mode = #tpu.pipeline_mode<synchronous>, transform_indices = @transform_3, window_bounds = array<i64: 32, 64>}, {pipeline_mode = #tpu.pipeline_mode<synchronous>, transform_indices = @transform_4, window_bounds = array<i64: 1, 64>}, {transform_indices = @transform_5, window_bounds = array<i64: 8000, 48>}, {transform_indices = @transform_6, window_bounds = array<i64: 8000, 1>}]} {
    %get3A = arith.constant 0 : index
    %get3A_0 = arith.constant 0 : index
    %get3A_1 = vector.load %arg1[%get3A, %get3A_0] : memref<8000x2xf32, #tpu.memory_space<vmem>>, vector<8000x2xf32>
    %get3A_2 = arith.constant 0 : index
    %get3A_3 = arith.constant 0 : index
    %get3A_4 = vector.load %arg2[%get3A_2, %get3A_3] : memref<2x48xf32, #tpu.memory_space<vmem>>, vector<2x48xf32>
    %dot_general3A = arith.constant dense<0.000000e+00> : vector<8000x48xf32>
    %dot_general3A_5 = tpu.matmul %get3A_1, %get3A_4, %dot_general3A {dimension_numbers = #tpu.dot_dimension_numbers<[1], [0], [0], [1], [0, 0, 1, 1], [], []>, transpose_lhs_hint = false} : vector<8000x2xf32>, vector<2x48xf32>, vector<8000x48xf32> -> vector<8000x48xf32>
    %get3A_6 = arith.constant 0 : index
    %get3A_7 = arith.constant 0 : index
    %get3A_8 = vector.load %arg3[%get3A_6, %get3A_7] : memref<1x48xf32, #tpu.memory_space<vmem>>, vector<1x48xf32>
    %add3A = vector.broadcast %get3A_8 : vector<1x48xf32> to vector<8000x48xf32>
    %add3A_9 = arith.addf %dot_general3A_5, %add3A : vector<8000x48xf32>
    %max3A = arith.constant 0.000000e+00 : f32
    %max3A_10 = vector.broadcast %max3A : f32 to vector<8000x48xf32>
    %max3A_11 = arith.maximumf %add3A_9, %max3A_10 : vector<8000x48xf32>
    %convert_element_type3A = arith.truncf %max3A_11 : vector<8000x48xf32> to vector<8000x48xbf16>
    %convert_element_type3A_12 = arith.extf %convert_element_type3A : vector<8000x48xbf16> to vector<8000x48xf32>
    %swap3A = arith.constant 0 : index
    %swap3A_13 = arith.constant 0 : index
    %swap3A_14 = vector.load %arg6[%swap3A, %swap3A_13] : memref<8000x48xf32, #tpu.memory_space<vmem>>, vector<8000x48xf32>
    tpu.vector_store %arg6[%swap3A, %swap3A_13], %convert_element_type3A_12 {strides = array<i32>} : memref<8000x48xf32, #tpu.memory_space<vmem>>, vector<8000x48xf32>,
    %slice3A = vector.extract_strided_slice %max3A_11 {offsets = [0, 0], sizes = [8000, 32], strides = [1, 1]} : vector<8000x48xf32> to vector<8000x32xf32>
    %get3A_15 = arith.constant 0 : index
    %get3A_16 = arith.constant 0 : index
    %get3A_17 = vector.load %arg4[%get3A_15, %get3A_16] : memref<32x64xf32, #tpu.memory_space<vmem>>, vector<32x64xf32>
    %dot_general3A_18 = arith.constant dense<0.000000e+00> : vector<8000x64xf32>
    %dot_general3A_19 = tpu.matmul %slice3A, %get3A_17, %dot_general3A_18 {dimension_numbers = #tpu.dot_dimension_numbers<[1], [0], [0], [1], [0, 0, 1, 1], [], []>, transpose_lhs_hint = false} : vector<8000x32xf32>, vector<32x64xf32>, vector<8000x64xf32> -> vector<8000x64xf32>
    %get3A_20 = arith.constant 0 : index
    %get3A_21 = arith.constant 0 : index
    %get3A_22 = vector.load %arg5[%get3A_20, %get3A_21] : memref<1x64xf32, #tpu.memory_space<vmem>>, vector<1x64xf32>
    %mul3A = vector.broadcast %get3A_22 : vector<1x64xf32> to vector<8000x64xf32>
    %mul3A_23 = arith.mulf %dot_general3A_19, %mul3A : vector<8000x64xf32>
    %reduce_sum3A = arith.constant dense<0.000000e+00> : vector<8000xf32>
    %reduce_sum3A_24 = vector.multi_reduction <add>, %mul3A_23, %reduce_sum3A [1] : vector<8000x64xf32> to vector<8000xf32>
    %broadcast_in_dim3A = vector.shape_cast %reduce_sum3A_24 : vector<8000xf32> to vector<8000x1xf32>
    %swap3A_25 = arith.constant 0 : index
    %swap3A_26 = arith.constant 0 : index
    %swap3A_27 = vector.load %arg7[%swap3A_25, %swap3A_26] : memref<8000x1xf32, #tpu.memory_space<vmem>>, vector<8000x1xf32>
    tpu.vector_store %arg7[%swap3A_25, %swap3A_26], %broadcast_in_dim3A {strides = array<i32>} : memref<8000x1xf32, #tpu.memory_space<vmem>>, vector<8000x1xf32>,
    return
  }
  func.func @transform_0(%arg0: i32) -> (i32, i32) {
    %c0_i32 = arith.constant 0 : i32
    %c0_i32_0 = arith.constant 0 : i32
    return %arg0, %c0_i32 : i32, i32
  }
  func.func @transform_1(%arg0: i32) -> (i32, i32) {
    %c0_i32 = arith.constant 0 : i32
    %c0_i32_0 = arith.constant 0 : i32
    %c0_i32_1 = arith.constant 0 : i32
    return %c0_i32, %c0_i32_0 : i32, i32
  }
  func.func @transform_2(%arg0: i32) -> (i32, i32) {
    %c0_i32 = arith.constant 0 : i32
    %c0_i32_0 = arith.constant 0 : i32
    %c0_i32_1 = arith.constant 0 : i32
    return %c0_i32, %c0_i32_0 : i32, i32
  }
  func.func @transform_3(%arg0: i32) -> (i32, i32) {
    %c0_i32 = arith.constant 0 : i32
    %c0_i32_0 = arith.constant 0 : i32
    %c0_i32_1 = arith.constant 0 : i32
    return %c0_i32, %c0_i32_0 : i32, i32
  }
  func.func @transform_4(%arg0: i32) -> (i32, i32) {
    %c0_i32 = arith.constant 0 : i32
    %c0_i32_0 = arith.constant 0 : i32
    %c0_i32_1 = arith.constant 0 : i32
    return %c0_i32, %c0_i32_0 : i32, i32
  }
  func.func @transform_5(%arg0: i32) -> (i32, i32) {
    %c0_i32 = arith.constant 0 : i32
    %c0_i32_0 = arith.constant 0 : i32
    return %arg0, %c0_i32 : i32, i32
  }
  func.func @transform_6(%arg0: i32) -> (i32, i32) {
    %c0_i32 = arith.constant 0 : i32
    %c0_i32_0 = arith.constant 0 : i32
    return %arg0, %c0_i32 : i32, i32
  }
}

module attributes {stable_mosaic.version = 14 : i64} {
  func.func @body(%arg0: i32, %arg1: memref<2x2000x48xf32, #tpu.memory_space<vmem>>, %arg2: memref<2000x1xf32, #tpu.memory_space<vmem>>, %arg3: memref<2000x32xf32, #tpu.memory_space<vmem>>) attributes {dimension_semantics = [#tpu.dimension_semantics<arbitrary>], iteration_bounds = array<i64: 10>, scalar_prefetch = 0 : i64, scratch_operands = 0 : i64, tpu.core_type = #tpu.core_type<tc>, window_params = [{transform_indices = @transform_0, window_bounds = array<i64: 2, 2000, 48>}, {transform_indices = @transform_1, window_bounds = array<i64: 2000, 1>}, {transform_indices = @transform_2, window_bounds = array<i64: 2000, 32>}]} {
    %get3A = arith.constant 0 : index
    %get3A_0 = arith.constant 0 : index
    %get3A_1 = arith.constant 0 : index
    %get3A_2 = vector.load %arg1[%get3A, %get3A_0, %get3A_1] : memref<2x2000x48xf32, #tpu.memory_space<vmem>>, vector<1x2000x48xf32>
    %get3A_3 = vector.shape_cast %get3A_2 : vector<1x2000x48xf32> to vector<2000x48xf32>
    %get3A_4 = arith.constant 1 : index
    %get3A_5 = arith.constant 0 : index
    %get3A_6 = arith.constant 0 : index
    %get3A_7 = vector.load %arg1[%get3A_4, %get3A_5, %get3A_6] : memref<2x2000x48xf32, #tpu.memory_space<vmem>>, vector<1x2000x48xf32>
    %get3A_8 = vector.shape_cast %get3A_7 : vector<1x2000x48xf32> to vector<2000x48xf32>
    %add3A = arith.addf %get3A_3, %get3A_8 : vector<2000x48xf32>
    %slice3A = vector.extract_strided_slice %add3A {offsets = [0, 32], sizes = [2000, 1], strides = [1, 1]} : vector<2000x48xf32> to vector<2000x1xf32>
    %max3A = arith.constant 1.000000e+00 : f32
    %max3A_9 = vector.broadcast %max3A : f32 to vector<2000x1xf32>
    %max3A_10 = arith.maximumf %slice3A, %max3A_9 : vector<2000x1xf32>
    %div3A = arith.constant 1.000000e+00 : f32
    %div3A_11 = vector.broadcast %div3A : f32 to vector<2000x1xf32>
    %div3A_12 = arith.divf %div3A_11, %max3A_10 : vector<2000x1xf32>
    %swap3A = arith.constant 0 : index
    %swap3A_13 = arith.constant 0 : index
    %swap3A_14 = vector.load %arg2[%swap3A, %swap3A_13] : memref<2000x1xf32, #tpu.memory_space<vmem>>, vector<2000x1xf32>
    tpu.vector_store %arg2[%swap3A, %swap3A_13], %div3A_12 {strides = array<i32>} : memref<2000x1xf32, #tpu.memory_space<vmem>>, vector<2000x1xf32>,
    %slice3A_15 = vector.extract_strided_slice %add3A {offsets = [0, 0], sizes = [2000, 32], strides = [1, 1]} : vector<2000x48xf32> to vector<2000x32xf32>
    %mul3A = vector.broadcast %div3A_12 : vector<2000x1xf32> to vector<2000x32xf32>
    %mul3A_16 = arith.mulf %slice3A_15, %mul3A : vector<2000x32xf32>
    %swap3A_17 = arith.constant 0 : index
    %swap3A_18 = arith.constant 0 : index
    %swap3A_19 = vector.load %arg3[%swap3A_17, %swap3A_18] : memref<2000x32xf32, #tpu.memory_space<vmem>>, vector<2000x32xf32>
    tpu.vector_store %arg3[%swap3A_17, %swap3A_18], %mul3A_16 {strides = array<i32>} : memref<2000x32xf32, #tpu.memory_space<vmem>>, vector<2000x32xf32>,
    return
  }
  func.func @transform_0(%arg0: i32) -> (i32, i32, i32) {
    %c0_i32 = arith.constant 0 : i32
    %c0_i32_0 = arith.constant 0 : i32
    %c0_i32_1 = arith.constant 0 : i32
    return %c0_i32, %arg0, %c0_i32_0 : i32, i32, i32
  }
  func.func @transform_1(%arg0: i32) -> (i32, i32) {
    %c0_i32 = arith.constant 0 : i32
    %c0_i32_0 = arith.constant 0 : i32
    return %arg0, %c0_i32 : i32, i32
  }
  func.func @transform_2(%arg0: i32) -> (i32, i32) {
    %c0_i32 = arith.constant 0 : i32
    %c0_i32_0 = arith.constant 0 : i32
    return %arg0, %c0_i32 : i32, i32
  }
}

module attributes {stable_mosaic.version = 14 : i64} {
  func.func @body(%arg0: i32, %arg1: memref<2000x64xf32, #tpu.memory_space<vmem>>, %arg2: memref<2x2x2000x64xf32, #tpu.memory_space<vmem>>, %arg3: memref<2x2000x32xf32, #tpu.memory_space<vmem>>, %arg4: memref<2x2000x1xf32, #tpu.memory_space<vmem>>, %arg5: memref<2x32x64xf32, #tpu.memory_space<vmem>>, %arg6: memref<64x64xf32, #tpu.memory_space<vmem>>, %arg7: memref<1x64xf32, #tpu.memory_space<vmem>>, %arg8: memref<64x64xf32, #tpu.memory_space<vmem>>, %arg9: memref<1x64xf32, #tpu.memory_space<vmem>>, %arg10: memref<1x64xf32, #tpu.memory_space<vmem>>, %arg11: memref<2000x64xf32, #tpu.memory_space<vmem>>, %arg12: memref<2000x80xf32, #tpu.memory_space<vmem>>, %arg13: memref<2000x1xf32, #tpu.memory_space<vmem>>, %arg14: memref<2000x1xf32, #tpu.memory_space<vmem>>) attributes {dimension_semantics = [#tpu.dimension_semantics<arbitrary>], iteration_bounds = array<i64: 5>, scalar_prefetch = 0 : i64, scratch_operands = 0 : i64, tpu.core_type = #tpu.core_type<tc>, window_params = [{transform_indices = @transform_0, window_bounds = array<i64: 2000, 64>}, {transform_indices = @transform_1, window_bounds = array<i64: 2, 2, 2000, 64>}, {transform_indices = @transform_2, window_bounds = array<i64: 2, 2000, 32>}, {transform_indices = @transform_3, window_bounds = array<i64: 2, 2000, 1>}, {pipeline_mode = #tpu.pipeline_mode<synchronous>, transform_indices = @transform_4, window_bounds = array<i64: 2, 32, 64>}, {pipeline_mode = #tpu.pipeline_mode<synchronous>, transform_indices = @transform_5, window_bounds = array<i64: 64, 64>}, {pipeline_mode = #tpu.pipeline_mode<synchronous>, transform_indices = @transform_6, window_bounds = array<i64: 1, 64>}, {pipeline_mode = #tpu.pipeline_mode<synchronous>, transform_indices = @transform_7, window_bounds = array<i64: 64, 64>}, {pipeline_mode = #tpu.pipeline_mode<synchronous>, transform_indices = @transform_8, window_bounds = array<i64: 1, 64>}, {pipeline_mode = #tpu.pipeline_mode<synchronous>, transform_indices = @transform_9, window_bounds = array<i64: 1, 64>}, {transform_indices = @transform_10, window_bounds = array<i64: 2000, 64>}, {transform_indices = @transform_11, window_bounds = array<i64: 2000, 80>}, {transform_indices = @transform_12, window_bounds = array<i64: 2000, 1>}, {transform_indices = @transform_13, window_bounds = array<i64: 2000, 1>}]} {
    %get3A = arith.constant 0 : index
    %get3A_0 = arith.constant 0 : index
    %get3A_1 = arith.constant 0 : index
    %get3A_2 = arith.constant 0 : index
    %get3A_3 = vector.load %arg2[%get3A, %get3A_0, %get3A_1, %get3A_2] : memref<2x2x2000x64xf32, #tpu.memory_space<vmem>>, vector<1x1x2000x64xf32>
    %get3A_4 = vector.shape_cast %get3A_3 : vector<1x1x2000x64xf32> to vector<2000x64xf32>
    %get3A_5 = arith.constant 1 : index
    %get3A_6 = arith.constant 0 : index
    %get3A_7 = arith.constant 0 : index
    %get3A_8 = arith.constant 0 : index
    %get3A_9 = vector.load %arg2[%get3A_5, %get3A_6, %get3A_7, %get3A_8] : memref<2x2x2000x64xf32, #tpu.memory_space<vmem>>, vector<1x1x2000x64xf32>
    %get3A_10 = vector.shape_cast %get3A_9 : vector<1x1x2000x64xf32> to vector<2000x64xf32>
    %add3A = arith.addf %get3A_4, %get3A_10 : vector<2000x64xf32>
    %get3A_11 = arith.constant 0 : index
    %get3A_12 = arith.constant 0 : index
    %get3A_13 = arith.constant 0 : index
    %get3A_14 = vector.load %arg4[%get3A_11, %get3A_12, %get3A_13] : memref<2x2000x1xf32, #tpu.memory_space<vmem>>, vector<1x2000x1xf32>
    %get3A_15 = vector.shape_cast %get3A_14 : vector<1x2000x1xf32> to vector<2000x1xf32>
    %mul3A = vector.broadcast %get3A_15 : vector<2000x1xf32> to vector<2000x64xf32>
    %mul3A_16 = arith.mulf %add3A, %mul3A : vector<2000x64xf32>
    %get3A_17 = arith.constant 0 : index
    %get3A_18 = arith.constant 1 : index
    %get3A_19 = arith.constant 0 : index
    %get3A_20 = arith.constant 0 : index
    %get3A_21 = vector.load %arg2[%get3A_17, %get3A_18, %get3A_19, %get3A_20] : memref<2x2x2000x64xf32, #tpu.memory_space<vmem>>, vector<1x1x2000x64xf32>
    %get3A_22 = vector.shape_cast %get3A_21 : vector<1x1x2000x64xf32> to vector<2000x64xf32>
    %get3A_23 = arith.constant 1 : index
    %get3A_24 = arith.constant 1 : index
    %get3A_25 = arith.constant 0 : index
    %get3A_26 = arith.constant 0 : index
    %get3A_27 = vector.load %arg2[%get3A_23, %get3A_24, %get3A_25, %get3A_26] : memref<2x2x2000x64xf32, #tpu.memory_space<vmem>>, vector<1x1x2000x64xf32>
    %get3A_28 = vector.shape_cast %get3A_27 : vector<1x1x2000x64xf32> to vector<2000x64xf32>
    %add3A_29 = arith.addf %get3A_22, %get3A_28 : vector<2000x64xf32>
    %get3A_30 = arith.constant 1 : index
    %get3A_31 = arith.constant 0 : index
    %get3A_32 = arith.constant 0 : index
    %get3A_33 = vector.load %arg4[%get3A_30, %get3A_31, %get3A_32] : memref<2x2000x1xf32, #tpu.memory_space<vmem>>, vector<1x2000x1xf32>
    %get3A_34 = vector.shape_cast %get3A_33 : vector<1x2000x1xf32> to vector<2000x1xf32>
    %mul3A_35 = vector.broadcast %get3A_34 : vector<2000x1xf32> to vector<2000x64xf32>
    %mul3A_36 = arith.mulf %add3A_29, %mul3A_35 : vector<2000x64xf32>
    %add3A_37 = arith.addf %mul3A_16, %mul3A_36 : vector<2000x64xf32>
    %get3A_38 = arith.constant 0 : index
    %get3A_39 = arith.constant 0 : index
    %get3A_40 = arith.constant 0 : index
    %get3A_41 = vector.load %arg3[%get3A_38, %get3A_39, %get3A_40] : memref<2x2000x32xf32, #tpu.memory_space<vmem>>, vector<1x2000x32xf32>
    %get3A_42 = vector.shape_cast %get3A_41 : vector<1x2000x32xf32> to vector<2000x32xf32>
    %get3A_43 = arith.constant 0 : index
    %get3A_44 = arith.constant 0 : index
    %get3A_45 = arith.constant 0 : index
    %get3A_46 = vector.load %arg5[%get3A_43, %get3A_44, %get3A_45] : memref<2x32x64xf32, #tpu.memory_space<vmem>>, vector<1x32x64xf32>
    %get3A_47 = vector.shape_cast %get3A_46 : vector<1x32x64xf32> to vector<32x64xf32>
    %dot_general3A = arith.constant dense<0.000000e+00> : vector<2000x64xf32>
    %dot_general3A_48 = tpu.matmul %get3A_42, %get3A_47, %dot_general3A {dimension_numbers = #tpu.dot_dimension_numbers<[1], [0], [0], [1], [0, 0, 1, 1], [], []>, precision = #tpu.contract_precision<fp32>, transpose_lhs_hint = false} : vector<2000x32xf32>, vector<32x64xf32>, vector<2000x64xf32> -> vector<2000x64xf32>
    %add3A_49 = arith.addf %add3A_37, %dot_general3A_48 : vector<2000x64xf32>
    %get3A_50 = arith.constant 1 : index
    %get3A_51 = arith.constant 0 : index
    %get3A_52 = arith.constant 0 : index
    %get3A_53 = vector.load %arg3[%get3A_50, %get3A_51, %get3A_52] : memref<2x2000x32xf32, #tpu.memory_space<vmem>>, vector<1x2000x32xf32>
    %get3A_54 = vector.shape_cast %get3A_53 : vector<1x2000x32xf32> to vector<2000x32xf32>
    %get3A_55 = arith.constant 1 : index
    %get3A_56 = arith.constant 0 : index
    %get3A_57 = arith.constant 0 : index
    %get3A_58 = vector.load %arg5[%get3A_55, %get3A_56, %get3A_57] : memref<2x32x64xf32, #tpu.memory_space<vmem>>, vector<1x32x64xf32>
    %get3A_59 = vector.shape_cast %get3A_58 : vector<1x32x64xf32> to vector<32x64xf32>
    %dot_general3A_60 = arith.constant dense<0.000000e+00> : vector<2000x64xf32>
    %dot_general3A_61 = tpu.matmul %get3A_54, %get3A_59, %dot_general3A_60 {dimension_numbers = #tpu.dot_dimension_numbers<[1], [0], [0], [1], [0, 0, 1, 1], [], []>, precision = #tpu.contract_precision<fp32>, transpose_lhs_hint = false} : vector<2000x32xf32>, vector<32x64xf32>, vector<2000x64xf32> -> vector<2000x64xf32>
    %add3A_62 = arith.addf %add3A_49, %dot_general3A_61 : vector<2000x64xf32>
    %get3A_63 = arith.constant 0 : index
    %get3A_64 = arith.constant 0 : index
    %get3A_65 = vector.load %arg1[%get3A_63, %get3A_64] : memref<2000x64xf32, #tpu.memory_space<vmem>>, vector<2000x64xf32>
    %get3A_66 = arith.constant 0 : index
    %get3A_67 = arith.constant 0 : index
    %get3A_68 = vector.load %arg6[%get3A_66, %get3A_67] : memref<64x64xf32, #tpu.memory_space<vmem>>, vector<64x64xf32>
    %dot_general3A_69 = arith.constant dense<0.000000e+00> : vector<2000x64xf32>
    %dot_general3A_70 = tpu.matmul %get3A_65, %get3A_68, %dot_general3A_69 {dimension_numbers = #tpu.dot_dimension_numbers<[1], [0], [0], [1], [0, 0, 1, 1], [], []>, transpose_lhs_hint = false} : vector<2000x64xf32>, vector<64x64xf32>, vector<2000x64xf32> -> vector<2000x64xf32>
    %add3A_71 = arith.addf %dot_general3A_70, %add3A_62 : vector<2000x64xf32>
    %get3A_72 = arith.constant 0 : index
    %get3A_73 = arith.constant 0 : index
    %get3A_74 = vector.load %arg7[%get3A_72, %get3A_73] : memref<1x64xf32, #tpu.memory_space<vmem>>, vector<1x64xf32>
    %add3A_75 = vector.broadcast %get3A_74 : vector<1x64xf32> to vector<2000x64xf32>
    %add3A_76 = arith.addf %add3A_71, %add3A_75 : vector<2000x64xf32>
    %max3A = arith.constant 0.000000e+00 : f32
    %max3A_77 = vector.broadcast %max3A : f32 to vector<2000x64xf32>
    %max3A_78 = arith.maximumf %add3A_76, %max3A_77 : vector<2000x64xf32>
    %swap3A = arith.constant 0 : index
    %swap3A_79 = arith.constant 0 : index
    %swap3A_80 = vector.load %arg11[%swap3A, %swap3A_79] : memref<2000x64xf32, #tpu.memory_space<vmem>>, vector<2000x64xf32>
    tpu.vector_store %arg11[%swap3A, %swap3A_79], %max3A_78 {strides = array<i32>} : memref<2000x64xf32, #tpu.memory_space<vmem>>, vector<2000x64xf32>,
    %get3A_81 = arith.constant 0 : index
    %get3A_82 = arith.constant 0 : index
    %get3A_83 = vector.load %arg8[%get3A_81, %get3A_82] : memref<64x64xf32, #tpu.memory_space<vmem>>, vector<64x64xf32>
    %dot_general3A_84 = arith.constant dense<0.000000e+00> : vector<2000x64xf32>
    %dot_general3A_85 = tpu.matmul %max3A_78, %get3A_83, %dot_general3A_84 {dimension_numbers = #tpu.dot_dimension_numbers<[1], [0], [0], [1], [0, 0, 1, 1], [], []>, transpose_lhs_hint = false} : vector<2000x64xf32>, vector<64x64xf32>, vector<2000x64xf32> -> vector<2000x64xf32>
    %swap3A_86 = arith.constant 0 : index
    %swap3A_87 = arith.constant 0 : index
    %swap3A_88 = vector.load %arg12[%swap3A_86, %swap3A_87] : memref<2000x80xf32, #tpu.memory_space<vmem>>, vector<2000x64xf32>
    tpu.vector_store %arg12[%swap3A_86, %swap3A_87], %dot_general3A_85 {strides = array<i32>} : memref<2000x80xf32, #tpu.memory_space<vmem>>, vector<2000x64xf32>,
    %broadcast_in_dim3A = arith.constant 0.000000e+00 : f32
    %broadcast_in_dim3A_89 = vector.broadcast %broadcast_in_dim3A : f32 to vector<2000x16xf32>
    %swap3A_90 = arith.constant 0 : index
    %swap3A_91 = arith.constant 64 : index
    %swap3A_92 = vector.load %arg12[%swap3A_90, %swap3A_91] : memref<2000x80xf32, #tpu.memory_space<vmem>>, vector<2000x16xf32>
    tpu.vector_store %arg12[%swap3A_90, %swap3A_91], %broadcast_in_dim3A_89 {strides = array<i32>} : memref<2000x80xf32, #tpu.memory_space<vmem>>, vector<2000x16xf32>,
    %get3A_93 = arith.constant 0 : index
    %get3A_94 = arith.constant 0 : index
    %get3A_95 = vector.load %arg9[%get3A_93, %get3A_94] : memref<1x64xf32, #tpu.memory_space<vmem>>, vector<1x64xf32>
    %mul3A_96 = vector.broadcast %get3A_95 : vector<1x64xf32> to vector<2000x64xf32>
    %mul3A_97 = arith.mulf %dot_general3A_85, %mul3A_96 : vector<2000x64xf32>
    %reduce_sum3A = arith.constant dense<0.000000e+00> : vector<2000xf32>
    %reduce_sum3A_98 = vector.multi_reduction <add>, %mul3A_97, %reduce_sum3A [1] : vector<2000x64xf32> to vector<2000xf32>
    %broadcast_in_dim3A_99 = vector.shape_cast %reduce_sum3A_98 : vector<2000xf32> to vector<2000x1xf32>
    %swap3A_100 = arith.constant 0 : index
    %swap3A_101 = arith.constant 0 : index
    %swap3A_102 = vector.load %arg13[%swap3A_100, %swap3A_101] : memref<2000x1xf32, #tpu.memory_space<vmem>>, vector<2000x1xf32>
    tpu.vector_store %arg13[%swap3A_100, %swap3A_101], %broadcast_in_dim3A_99 {strides = array<i32>} : memref<2000x1xf32, #tpu.memory_space<vmem>>, vector<2000x1xf32>,
    %get3A_103 = arith.constant 0 : index
    %get3A_104 = arith.constant 0 : index
    %get3A_105 = vector.load %arg10[%get3A_103, %get3A_104] : memref<1x64xf32, #tpu.memory_space<vmem>>, vector<1x64xf32>
    %mul3A_106 = vector.broadcast %get3A_105 : vector<1x64xf32> to vector<2000x64xf32>
    %mul3A_107 = arith.mulf %dot_general3A_85, %mul3A_106 : vector<2000x64xf32>
    %reduce_sum3A_108 = arith.constant dense<0.000000e+00> : vector<2000xf32>
    %reduce_sum3A_109 = vector.multi_reduction <add>, %mul3A_107, %reduce_sum3A_108 [1] : vector<2000x64xf32> to vector<2000xf32>
    %broadcast_in_dim3A_110 = vector.shape_cast %reduce_sum3A_109 : vector<2000xf32> to vector<2000x1xf32>
    %swap3A_111 = arith.constant 0 : index
    %swap3A_112 = arith.constant 0 : index
    %swap3A_113 = vector.load %arg14[%swap3A_111, %swap3A_112] : memref<2000x1xf32, #tpu.memory_space<vmem>>, vector<2000x1xf32>
    tpu.vector_store %arg14[%swap3A_111, %swap3A_112], %broadcast_in_dim3A_110 {strides = array<i32>} : memref<2000x1xf32, #tpu.memory_space<vmem>>, vector<2000x1xf32>,
    return
  }
  func.func @transform_0(%arg0: i32) -> (i32, i32) {
    %c0_i32 = arith.constant 0 : i32
    %c0_i32_0 = arith.constant 0 : i32
    return %arg0, %c0_i32 : i32, i32
  }
  func.func @transform_1(%arg0: i32) -> (i32, i32, i32, i32) {
    %c0_i32 = arith.constant 0 : i32
    %c0_i32_0 = arith.constant 0 : i32
    %c0_i32_1 = arith.constant 0 : i32
    %c0_i32_2 = arith.constant 0 : i32
    return %c0_i32, %c0_i32_0, %arg0, %c0_i32_1 : i32, i32, i32, i32
  }
  func.func @transform_2(%arg0: i32) -> (i32, i32, i32) {
    %c0_i32 = arith.constant 0 : i32
    %c0_i32_0 = arith.constant 0 : i32
    %c0_i32_1 = arith.constant 0 : i32
    return %c0_i32, %arg0, %c0_i32_0 : i32, i32, i32
  }
  func.func @transform_3(%arg0: i32) -> (i32, i32, i32) {
    %c0_i32 = arith.constant 0 : i32
    %c0_i32_0 = arith.constant 0 : i32
    %c0_i32_1 = arith.constant 0 : i32
    return %c0_i32, %arg0, %c0_i32_0 : i32, i32, i32
  }
  func.func @transform_4(%arg0: i32) -> (i32, i32, i32) {
    %c0_i32 = arith.constant 0 : i32
    %c0_i32_0 = arith.constant 0 : i32
    %c0_i32_1 = arith.constant 0 : i32
    %c0_i32_2 = arith.constant 0 : i32
    return %c0_i32, %c0_i32_0, %c0_i32_1 : i32, i32, i32
  }
  func.func @transform_5(%arg0: i32) -> (i32, i32) {
    %c0_i32 = arith.constant 0 : i32
    %c0_i32_0 = arith.constant 0 : i32
    %c0_i32_1 = arith.constant 0 : i32
    return %c0_i32, %c0_i32_0 : i32, i32
  }
  func.func @transform_6(%arg0: i32) -> (i32, i32) {
    %c0_i32 = arith.constant 0 : i32
    %c0_i32_0 = arith.constant 0 : i32
    %c0_i32_1 = arith.constant 0 : i32
    return %c0_i32, %c0_i32_0 : i32, i32
  }
  func.func @transform_7(%arg0: i32) -> (i32, i32) {
    %c0_i32 = arith.constant 0 : i32
    %c0_i32_0 = arith.constant 0 : i32
    %c0_i32_1 = arith.constant 0 : i32
    return %c0_i32, %c0_i32_0 : i32, i32
  }
  func.func @transform_8(%arg0: i32) -> (i32, i32) {
    %c0_i32 = arith.constant 0 : i32
    %c0_i32_0 = arith.constant 0 : i32
    %c0_i32_1 = arith.constant 0 : i32
    return %c0_i32, %c0_i32_0 : i32, i32
  }
  func.func @transform_9(%arg0: i32) -> (i32, i32) {
    %c0_i32 = arith.constant 0 : i32
    %c0_i32_0 = arith.constant 0 : i32
    %c0_i32_1 = arith.constant 0 : i32
    return %c0_i32, %c0_i32_0 : i32, i32
  }
  func.func @transform_10(%arg0: i32) -> (i32, i32) {
    %c0_i32 = arith.constant 0 : i32
    %c0_i32_0 = arith.constant 0 : i32
    return %arg0, %c0_i32 : i32, i32
  }
  func.func @transform_11(%arg0: i32) -> (i32, i32) {
    %c0_i32 = arith.constant 0 : i32
    %c0_i32_0 = arith.constant 0 : i32
    return %arg0, %c0_i32 : i32, i32
  }
  func.func @transform_12(%arg0: i32) -> (i32, i32) {
    %c0_i32 = arith.constant 0 : i32
    %c0_i32_0 = arith.constant 0 : i32
    return %arg0, %c0_i32 : i32, i32
  }
  func.func @transform_13(%arg0: i32) -> (i32, i32) {
    %c0_i32 = arith.constant 0 : i32
    %c0_i32_0 = arith.constant 0 : i32
    return %arg0, %c0_i32 : i32, i32
  }
}

module attributes {stable_mosaic.version = 14 : i64} {
  func.func @body(%arg0: i32, %arg1: memref<2x2000x80xf32, #tpu.memory_space<vmem>>, %arg2: memref<2000x64xf32, #tpu.memory_space<vmem>>, %arg3: memref<2x64x64xf32, #tpu.memory_space<vmem>>, %arg4: memref<1x64xf32, #tpu.memory_space<vmem>>, %arg5: memref<2000x64xf32, #tpu.memory_space<vmem>>, %arg6: memref<2x2000x64xf32, #tpu.memory_space<vmem>>) attributes {dimension_semantics = [#tpu.dimension_semantics<arbitrary>], iteration_bounds = array<i64: 5>, scalar_prefetch = 0 : i64, scratch_operands = 0 : i64, tpu.core_type = #tpu.core_type<tc>, window_params = [{transform_indices = @transform_0, window_bounds = array<i64: 2, 2000, 80>}, {transform_indices = @transform_1, window_bounds = array<i64: 2000, 64>}, {pipeline_mode = #tpu.pipeline_mode<synchronous>, transform_indices = @transform_2, window_bounds = array<i64: 2, 64, 64>}, {pipeline_mode = #tpu.pipeline_mode<synchronous>, transform_indices = @transform_3, window_bounds = array<i64: 1, 64>}, {transform_indices = @transform_4, window_bounds = array<i64: 2000, 64>}, {transform_indices = @transform_5, window_bounds = array<i64: 2, 2000, 64>}]} {
    %get3A = arith.constant 0 : index
    %get3A_0 = arith.constant 0 : index
    %get3A_1 = arith.constant 0 : index
    %get3A_2 = vector.load %arg1[%get3A, %get3A_0, %get3A_1] : memref<2x2000x80xf32, #tpu.memory_space<vmem>>, vector<1x2000x80xf32>
    %get3A_3 = vector.shape_cast %get3A_2 : vector<1x2000x80xf32> to vector<2000x80xf32>
    %get3A_4 = arith.constant 1 : index
    %get3A_5 = arith.constant 0 : index
    %get3A_6 = arith.constant 0 : index
    %get3A_7 = vector.load %arg1[%get3A_4, %get3A_5, %get3A_6] : memref<2x2000x80xf32, #tpu.memory_space<vmem>>, vector<1x2000x80xf32>
    %get3A_8 = vector.shape_cast %get3A_7 : vector<1x2000x80xf32> to vector<2000x80xf32>
    %add3A = arith.addf %get3A_3, %get3A_8 : vector<2000x80xf32>
    %slice3A = vector.extract_strided_slice %add3A {offsets = [0, 0], sizes = [2000, 64], strides = [1, 1]} : vector<2000x80xf32> to vector<2000x64xf32>
    %slice3A_9 = vector.extract_strided_slice %add3A {offsets = [0, 64], sizes = [2000, 1], strides = [1, 1]} : vector<2000x80xf32> to vector<2000x1xf32>
    %add3A_10 = arith.constant 1.000000e-16 : f32
    %add3A_11 = vector.broadcast %add3A_10 : f32 to vector<2000x1xf32>
    %add3A_12 = arith.addf %slice3A_9, %add3A_11 : vector<2000x1xf32>
    %div3A = vector.broadcast %add3A_12 : vector<2000x1xf32> to vector<2000x64xf32>
    %div3A_13 = arith.divf %slice3A, %div3A : vector<2000x64xf32>
    %get3A_14 = arith.constant 0 : index
    %get3A_15 = arith.constant 0 : index
    %get3A_16 = vector.load %arg4[%get3A_14, %get3A_15] : memref<1x64xf32, #tpu.memory_space<vmem>>, vector<1x64xf32>
    %add3A_17 = vector.broadcast %get3A_16 : vector<1x64xf32> to vector<2000x64xf32>
    %add3A_18 = arith.addf %div3A_13, %add3A_17 : vector<2000x64xf32>
    %max3A = arith.constant 0.000000e+00 : f32
    %max3A_19 = vector.broadcast %max3A : f32 to vector<2000x64xf32>
    %max3A_20 = arith.maximumf %add3A_18, %max3A_19 : vector<2000x64xf32>
    %swap3A = arith.constant 0 : index
    %swap3A_21 = arith.constant 0 : index
    %swap3A_22 = vector.load %arg5[%swap3A, %swap3A_21] : memref<2000x64xf32, #tpu.memory_space<vmem>>, vector<2000x64xf32>
    tpu.vector_store %arg5[%swap3A, %swap3A_21], %max3A_20 {strides = array<i32>} : memref<2000x64xf32, #tpu.memory_space<vmem>>, vector<2000x64xf32>,
    %get3A_23 = arith.constant 0 : index
    %get3A_24 = arith.constant 0 : index
    %get3A_25 = arith.constant 0 : index
    %get3A_26 = vector.load %arg3[%get3A_23, %get3A_24, %get3A_25] : memref<2x64x64xf32, #tpu.memory_space<vmem>>, vector<1x64x64xf32>
    %get3A_27 = vector.shape_cast %get3A_26 : vector<1x64x64xf32> to vector<64x64xf32>
    %dot_general3A = arith.constant dense<0.000000e+00> : vector<2000x64xf32>
    %dot_general3A_28 = tpu.matmul %max3A_20, %get3A_27, %dot_general3A {dimension_numbers = #tpu.dot_dimension_numbers<[1], [0], [0], [1], [0, 0, 1, 1], [], []>, transpose_lhs_hint = false} : vector<2000x64xf32>, vector<64x64xf32>, vector<2000x64xf32> -> vector<2000x64xf32>
    %swap3A_29 = arith.constant 0 : index
    %swap3A_30 = arith.constant 0 : index
    %swap3A_31 = arith.constant 0 : index
    %swap3A_32 = vector.load %arg6[%swap3A_29, %swap3A_30, %swap3A_31] : memref<2x2000x64xf32, #tpu.memory_space<vmem>>, vector<1x2000x64xf32>
    %swap3A_33 = vector.shape_cast %swap3A_32 : vector<1x2000x64xf32> to vector<2000x64xf32>
    %swap3A_34 = vector.shape_cast %dot_general3A_28 : vector<2000x64xf32> to vector<1x2000x64xf32>
    tpu.vector_store %arg6[%swap3A_29, %swap3A_30, %swap3A_31], %swap3A_34 {strides = array<i32>} : memref<2x2000x64xf32, #tpu.memory_space<vmem>>, vector<1x2000x64xf32>,
    %get3A_35 = arith.constant 1 : index
    %get3A_36 = arith.constant 0 : index
    %get3A_37 = arith.constant 0 : index
    %get3A_38 = vector.load %arg3[%get3A_35, %get3A_36, %get3A_37] : memref<2x64x64xf32, #tpu.memory_space<vmem>>, vector<1x64x64xf32>
    %get3A_39 = vector.shape_cast %get3A_38 : vector<1x64x64xf32> to vector<64x64xf32>
    %dot_general3A_40 = arith.constant dense<0.000000e+00> : vector<2000x64xf32>
    %dot_general3A_41 = tpu.matmul %max3A_20, %get3A_39, %dot_general3A_40 {dimension_numbers = #tpu.dot_dimension_numbers<[1], [0], [0], [1], [0, 0, 1, 1], [], []>, transpose_lhs_hint = false} : vector<2000x64xf32>, vector<64x64xf32>, vector<2000x64xf32> -> vector<2000x64xf32>
    %swap3A_42 = arith.constant 1 : index
    %swap3A_43 = arith.constant 0 : index
    %swap3A_44 = arith.constant 0 : index
    %swap3A_45 = vector.load %arg6[%swap3A_42, %swap3A_43, %swap3A_44] : memref<2x2000x64xf32, #tpu.memory_space<vmem>>, vector<1x2000x64xf32>
    %swap3A_46 = vector.shape_cast %swap3A_45 : vector<1x2000x64xf32> to vector<2000x64xf32>
    %swap3A_47 = vector.shape_cast %dot_general3A_41 : vector<2000x64xf32> to vector<1x2000x64xf32>
    tpu.vector_store %arg6[%swap3A_42, %swap3A_43, %swap3A_44], %swap3A_47 {strides = array<i32>} : memref<2x2000x64xf32, #tpu.memory_space<vmem>>, vector<1x2000x64xf32>,
    return
  }
  func.func @transform_0(%arg0: i32) -> (i32, i32, i32) {
    %c0_i32 = arith.constant 0 : i32
    %c0_i32_0 = arith.constant 0 : i32
    %c0_i32_1 = arith.constant 0 : i32
    return %c0_i32, %arg0, %c0_i32_0 : i32, i32, i32
  }
  func.func @transform_1(%arg0: i32) -> (i32, i32) {
    %c0_i32 = arith.constant 0 : i32
    %c0_i32_0 = arith.constant 0 : i32
    return %arg0, %c0_i32 : i32, i32
  }
  func.func @transform_2(%arg0: i32) -> (i32, i32, i32) {
    %c0_i32 = arith.constant 0 : i32
    %c0_i32_0 = arith.constant 0 : i32
    %c0_i32_1 = arith.constant 0 : i32
    %c0_i32_2 = arith.constant 0 : i32
    return %c0_i32, %c0_i32_0, %c0_i32_1 : i32, i32, i32
  }
  func.func @transform_3(%arg0: i32) -> (i32, i32) {
    %c0_i32 = arith.constant 0 : i32
    %c0_i32_0 = arith.constant 0 : i32
    %c0_i32_1 = arith.constant 0 : i32
    return %c0_i32, %c0_i32_0 : i32, i32
  }
  func.func @transform_4(%arg0: i32) -> (i32, i32) {
    %c0_i32 = arith.constant 0 : i32
    %c0_i32_0 = arith.constant 0 : i32
    return %arg0, %c0_i32 : i32, i32
  }
  func.func @transform_5(%arg0: i32) -> (i32, i32, i32) {
    %c0_i32 = arith.constant 0 : i32
    %c0_i32_0 = arith.constant 0 : i32
    %c0_i32_1 = arith.constant 0 : i32
    return %c0_i32, %arg0, %c0_i32_0 : i32, i32, i32
  }
}

module attributes {stable_mosaic.version = 14 : i64} {
  func.func @body(%arg0: i32, %arg1: memref<2000x64xf32, #tpu.memory_space<vmem>>, %arg2: memref<2x2x2000x64xf32, #tpu.memory_space<vmem>>, %arg3: memref<2x2000x32xf32, #tpu.memory_space<vmem>>, %arg4: memref<2x2000x1xf32, #tpu.memory_space<vmem>>, %arg5: memref<2x32x64xf32, #tpu.memory_space<vmem>>, %arg6: memref<64x64xf32, #tpu.memory_space<vmem>>, %arg7: memref<1x64xf32, #tpu.memory_space<vmem>>, %arg8: memref<64x1xf32, #tpu.memory_space<vmem>>, %arg9: memref<1x1xf32, #tpu.memory_space<vmem>>, %arg10: memref<2000x1xf32, #tpu.memory_space<vmem>>) attributes {dimension_semantics = [#tpu.dimension_semantics<arbitrary>], iteration_bounds = array<i64: 5>, scalar_prefetch = 0 : i64, scratch_operands = 0 : i64, tpu.core_type = #tpu.core_type<tc>, window_params = [{transform_indices = @transform_0, window_bounds = array<i64: 2000, 64>}, {transform_indices = @transform_1, window_bounds = array<i64: 2, 2, 2000, 64>}, {transform_indices = @transform_2, window_bounds = array<i64: 2, 2000, 32>}, {transform_indices = @transform_3, window_bounds = array<i64: 2, 2000, 1>}, {pipeline_mode = #tpu.pipeline_mode<synchronous>, transform_indices = @transform_4, window_bounds = array<i64: 2, 32, 64>}, {pipeline_mode = #tpu.pipeline_mode<synchronous>, transform_indices = @transform_5, window_bounds = array<i64: 64, 64>}, {pipeline_mode = #tpu.pipeline_mode<synchronous>, transform_indices = @transform_6, window_bounds = array<i64: 1, 64>}, {pipeline_mode = #tpu.pipeline_mode<synchronous>, transform_indices = @transform_7, window_bounds = array<i64: 64, 1>}, {pipeline_mode = #tpu.pipeline_mode<synchronous>, transform_indices = @transform_8, window_bounds = array<i64: 1, 1>}, {transform_indices = @transform_9, window_bounds = array<i64: 2000, 1>}]} {
    %get3A = arith.constant 0 : index
    %get3A_0 = arith.constant 0 : index
    %get3A_1 = arith.constant 0 : index
    %get3A_2 = arith.constant 0 : index
    %get3A_3 = vector.load %arg2[%get3A, %get3A_0, %get3A_1, %get3A_2] : memref<2x2x2000x64xf32, #tpu.memory_space<vmem>>, vector<1x1x2000x64xf32>
    %get3A_4 = vector.shape_cast %get3A_3 : vector<1x1x2000x64xf32> to vector<2000x64xf32>
    %get3A_5 = arith.constant 1 : index
    %get3A_6 = arith.constant 0 : index
    %get3A_7 = arith.constant 0 : index
    %get3A_8 = arith.constant 0 : index
    %get3A_9 = vector.load %arg2[%get3A_5, %get3A_6, %get3A_7, %get3A_8] : memref<2x2x2000x64xf32, #tpu.memory_space<vmem>>, vector<1x1x2000x64xf32>
    %get3A_10 = vector.shape_cast %get3A_9 : vector<1x1x2000x64xf32> to vector<2000x64xf32>
    %add3A = arith.addf %get3A_4, %get3A_10 : vector<2000x64xf32>
    %get3A_11 = arith.constant 0 : index
    %get3A_12 = arith.constant 0 : index
    %get3A_13 = arith.constant 0 : index
    %get3A_14 = vector.load %arg4[%get3A_11, %get3A_12, %get3A_13] : memref<2x2000x1xf32, #tpu.memory_space<vmem>>, vector<1x2000x1xf32>
    %get3A_15 = vector.shape_cast %get3A_14 : vector<1x2000x1xf32> to vector<2000x1xf32>
    %mul3A = vector.broadcast %get3A_15 : vector<2000x1xf32> to vector<2000x64xf32>
    %mul3A_16 = arith.mulf %add3A, %mul3A : vector<2000x64xf32>
    %get3A_17 = arith.constant 0 : index
    %get3A_18 = arith.constant 1 : index
    %get3A_19 = arith.constant 0 : index
    %get3A_20 = arith.constant 0 : index
    %get3A_21 = vector.load %arg2[%get3A_17, %get3A_18, %get3A_19, %get3A_20] : memref<2x2x2000x64xf32, #tpu.memory_space<vmem>>, vector<1x1x2000x64xf32>
    %get3A_22 = vector.shape_cast %get3A_21 : vector<1x1x2000x64xf32> to vector<2000x64xf32>
    %get3A_23 = arith.constant 1 : index
    %get3A_24 = arith.constant 1 : index
    %get3A_25 = arith.constant 0 : index
    %get3A_26 = arith.constant 0 : index
    %get3A_27 = vector.load %arg2[%get3A_23, %get3A_24, %get3A_25, %get3A_26] : memref<2x2x2000x64xf32, #tpu.memory_space<vmem>>, vector<1x1x2000x64xf32>
    %get3A_28 = vector.shape_cast %get3A_27 : vector<1x1x2000x64xf32> to vector<2000x64xf32>
    %add3A_29 = arith.addf %get3A_22, %get3A_28 : vector<2000x64xf32>
    %get3A_30 = arith.constant 1 : index
    %get3A_31 = arith.constant 0 : index
    %get3A_32 = arith.constant 0 : index
    %get3A_33 = vector.load %arg4[%get3A_30, %get3A_31, %get3A_32] : memref<2x2000x1xf32, #tpu.memory_space<vmem>>, vector<1x2000x1xf32>
    %get3A_34 = vector.shape_cast %get3A_33 : vector<1x2000x1xf32> to vector<2000x1xf32>
    %mul3A_35 = vector.broadcast %get3A_34 : vector<2000x1xf32> to vector<2000x64xf32>
    %mul3A_36 = arith.mulf %add3A_29, %mul3A_35 : vector<2000x64xf32>
    %add3A_37 = arith.addf %mul3A_16, %mul3A_36 : vector<2000x64xf32>
    %get3A_38 = arith.constant 0 : index
    %get3A_39 = arith.constant 0 : index
    %get3A_40 = arith.constant 0 : index
    %get3A_41 = vector.load %arg3[%get3A_38, %get3A_39, %get3A_40] : memref<2x2000x32xf32, #tpu.memory_space<vmem>>, vector<1x2000x32xf32>
    %get3A_42 = vector.shape_cast %get3A_41 : vector<1x2000x32xf32> to vector<2000x32xf32>
    %get3A_43 = arith.constant 0 : index
    %get3A_44 = arith.constant 0 : index
    %get3A_45 = arith.constant 0 : index
    %get3A_46 = vector.load %arg5[%get3A_43, %get3A_44, %get3A_45] : memref<2x32x64xf32, #tpu.memory_space<vmem>>, vector<1x32x64xf32>
    %get3A_47 = vector.shape_cast %get3A_46 : vector<1x32x64xf32> to vector<32x64xf32>
    %dot_general3A = arith.constant dense<0.000000e+00> : vector<2000x64xf32>
    %dot_general3A_48 = tpu.matmul %get3A_42, %get3A_47, %dot_general3A {dimension_numbers = #tpu.dot_dimension_numbers<[1], [0], [0], [1], [0, 0, 1, 1], [], []>, precision = #tpu.contract_precision<fp32>, transpose_lhs_hint = false} : vector<2000x32xf32>, vector<32x64xf32>, vector<2000x64xf32> -> vector<2000x64xf32>
    %add3A_49 = arith.addf %add3A_37, %dot_general3A_48 : vector<2000x64xf32>
    %get3A_50 = arith.constant 1 : index
    %get3A_51 = arith.constant 0 : index
    %get3A_52 = arith.constant 0 : index
    %get3A_53 = vector.load %arg3[%get3A_50, %get3A_51, %get3A_52] : memref<2x2000x32xf32, #tpu.memory_space<vmem>>, vector<1x2000x32xf32>
    %get3A_54 = vector.shape_cast %get3A_53 : vector<1x2000x32xf32> to vector<2000x32xf32>
    %get3A_55 = arith.constant 1 : index
    %get3A_56 = arith.constant 0 : index
    %get3A_57 = arith.constant 0 : index
    %get3A_58 = vector.load %arg5[%get3A_55, %get3A_56, %get3A_57] : memref<2x32x64xf32, #tpu.memory_space<vmem>>, vector<1x32x64xf32>
    %get3A_59 = vector.shape_cast %get3A_58 : vector<1x32x64xf32> to vector<32x64xf32>
    %dot_general3A_60 = arith.constant dense<0.000000e+00> : vector<2000x64xf32>
    %dot_general3A_61 = tpu.matmul %get3A_54, %get3A_59, %dot_general3A_60 {dimension_numbers = #tpu.dot_dimension_numbers<[1], [0], [0], [1], [0, 0, 1, 1], [], []>, precision = #tpu.contract_precision<fp32>, transpose_lhs_hint = false} : vector<2000x32xf32>, vector<32x64xf32>, vector<2000x64xf32> -> vector<2000x64xf32>
    %add3A_62 = arith.addf %add3A_49, %dot_general3A_61 : vector<2000x64xf32>
    %get3A_63 = arith.constant 0 : index
    %get3A_64 = arith.constant 0 : index
    %get3A_65 = vector.load %arg1[%get3A_63, %get3A_64] : memref<2000x64xf32, #tpu.memory_space<vmem>>, vector<2000x64xf32>
    %get3A_66 = arith.constant 0 : index
    %get3A_67 = arith.constant 0 : index
    %get3A_68 = vector.load %arg6[%get3A_66, %get3A_67] : memref<64x64xf32, #tpu.memory_space<vmem>>, vector<64x64xf32>
    %dot_general3A_69 = arith.constant dense<0.000000e+00> : vector<2000x64xf32>
    %dot_general3A_70 = tpu.matmul %get3A_65, %get3A_68, %dot_general3A_69 {dimension_numbers = #tpu.dot_dimension_numbers<[1], [0], [0], [1], [0, 0, 1, 1], [], []>, transpose_lhs_hint = false} : vector<2000x64xf32>, vector<64x64xf32>, vector<2000x64xf32> -> vector<2000x64xf32>
    %add3A_71 = arith.addf %dot_general3A_70, %add3A_62 : vector<2000x64xf32>
    %get3A_72 = arith.constant 0 : index
    %get3A_73 = arith.constant 0 : index
    %get3A_74 = vector.load %arg7[%get3A_72, %get3A_73] : memref<1x64xf32, #tpu.memory_space<vmem>>, vector<1x64xf32>
    %add3A_75 = vector.broadcast %get3A_74 : vector<1x64xf32> to vector<2000x64xf32>
    %add3A_76 = arith.addf %add3A_71, %add3A_75 : vector<2000x64xf32>
    %max3A = arith.constant 0.000000e+00 : f32
    %max3A_77 = vector.broadcast %max3A : f32 to vector<2000x64xf32>
    %max3A_78 = arith.maximumf %add3A_76, %max3A_77 : vector<2000x64xf32>
    %get3A_79 = arith.constant 0 : index
    %get3A_80 = arith.constant 0 : index
    %get3A_81 = vector.load %arg8[%get3A_79, %get3A_80] : memref<64x1xf32, #tpu.memory_space<vmem>>, vector<64x1xf32>
    %dot_general3A_82 = arith.constant dense<0.000000e+00> : vector<2000x1xf32>
    %dot_general3A_83 = tpu.matmul %max3A_78, %get3A_81, %dot_general3A_82 {dimension_numbers = #tpu.dot_dimension_numbers<[1], [0], [0], [1], [0, 0, 1, 1], [], []>, transpose_lhs_hint = false} : vector<2000x64xf32>, vector<64x1xf32>, vector<2000x1xf32> -> vector<2000x1xf32>
    %get3A_84 = arith.constant 0 : index
    %get3A_85 = arith.constant 0 : index
    %get3A_86 = vector.load %arg9[%get3A_84, %get3A_85] : memref<1x1xf32, #tpu.memory_space<vmem>>, vector<1x1xf32>
    %add3A_87 = vector.broadcast %get3A_86 : vector<1x1xf32> to vector<2000x1xf32>
    %add3A_88 = arith.addf %dot_general3A_83, %add3A_87 : vector<2000x1xf32>
    %tanh3A = math.tanh %add3A_88 : vector<2000x1xf32>
    %mul3A_89 = arith.constant 5.000000e+00 : f32
    %mul3A_90 = vector.broadcast %mul3A_89 : f32 to vector<2000x1xf32>
    %mul3A_91 = arith.mulf %mul3A_90, %tanh3A : vector<2000x1xf32>
    %swap3A = arith.constant 0 : index
    %swap3A_92 = arith.constant 0 : index
    %swap3A_93 = vector.load %arg10[%swap3A, %swap3A_92] : memref<2000x1xf32, #tpu.memory_space<vmem>>, vector<2000x1xf32>
    tpu.vector_store %arg10[%swap3A, %swap3A_92], %mul3A_91 {strides = array<i32>} : memref<2000x1xf32, #tpu.memory_space<vmem>>, vector<2000x1xf32>,
    return
  }
  func.func @transform_0(%arg0: i32) -> (i32, i32) {
    %c0_i32 = arith.constant 0 : i32
    %c0_i32_0 = arith.constant 0 : i32
    return %arg0, %c0_i32 : i32, i32
  }
  func.func @transform_1(%arg0: i32) -> (i32, i32, i32, i32) {
    %c0_i32 = arith.constant 0 : i32
    %c0_i32_0 = arith.constant 0 : i32
    %c0_i32_1 = arith.constant 0 : i32
    %c0_i32_2 = arith.constant 0 : i32
    return %c0_i32, %c0_i32_0, %arg0, %c0_i32_1 : i32, i32, i32, i32
  }
  func.func @transform_2(%arg0: i32) -> (i32, i32, i32) {
    %c0_i32 = arith.constant 0 : i32
    %c0_i32_0 = arith.constant 0 : i32
    %c0_i32_1 = arith.constant 0 : i32
    return %c0_i32, %arg0, %c0_i32_0 : i32, i32, i32
  }
  func.func @transform_3(%arg0: i32) -> (i32, i32, i32) {
    %c0_i32 = arith.constant 0 : i32
    %c0_i32_0 = arith.constant 0 : i32
    %c0_i32_1 = arith.constant 0 : i32
    return %c0_i32, %arg0, %c0_i32_0 : i32, i32, i32
  }
  func.func @transform_4(%arg0: i32) -> (i32, i32, i32) {
    %c0_i32 = arith.constant 0 : i32
    %c0_i32_0 = arith.constant 0 : i32
    %c0_i32_1 = arith.constant 0 : i32
    %c0_i32_2 = arith.constant 0 : i32
    return %c0_i32, %c0_i32_0, %c0_i32_1 : i32, i32, i32
  }
  func.func @transform_5(%arg0: i32) -> (i32, i32) {
    %c0_i32 = arith.constant 0 : i32
    %c0_i32_0 = arith.constant 0 : i32
    %c0_i32_1 = arith.constant 0 : i32
    return %c0_i32, %c0_i32_0 : i32, i32
  }
  func.func @transform_6(%arg0: i32) -> (i32, i32) {
    %c0_i32 = arith.constant 0 : i32
    %c0_i32_0 = arith.constant 0 : i32
    %c0_i32_1 = arith.constant 0 : i32
    return %c0_i32, %c0_i32_0 : i32, i32
  }
  func.func @transform_7(%arg0: i32) -> (i32, i32) {
    %c0_i32 = arith.constant 0 : i32
    %c0_i32_0 = arith.constant 0 : i32
    %c0_i32_1 = arith.constant 0 : i32
    return %c0_i32, %c0_i32_0 : i32, i32
  }
  func.func @transform_8(%arg0: i32) -> (i32, i32) {
    %c0_i32 = arith.constant 0 : i32
    %c0_i32_0 = arith.constant 0 : i32
    %c0_i32_1 = arith.constant 0 : i32
    return %c0_i32, %c0_i32_0 : i32, i32
  }
  func.func @transform_9(%arg0: i32) -> (i32, i32) {
    %c0_i32 = arith.constant 0 : i32
    %c0_i32_0 = arith.constant 0 : i32
    return %arg0, %c0_i32 : i32, i32
  }
}

</mosaic_0001>

<sc_bundles>
// kernel: kernel.13.cloned.1.call-start
scs
__scs_entry_jumppad:
0x0: {  	(pc) =	sbr.rel $0x88, $3  }
0x1: {  	(tag) =	ssettag $0x0;
	lr =	simm.s32 $0x1  }
0x2: {  	[smem:$0x3F8B] =	sst lr;
	_ =	strace $0xD0000000  }
0x3: {  	_ = 	snop  }
0x4: {  	_ = 	snop  }
0x5: {  	_ = 	snop  }
0x6: {  	_ = 	snop  }
0x7: {  	_ = 	snop  }
__scs_overlays_trampoline_lowered:
0x8: {  	[smem:$0x3F9A] =	sst s0  }
0x9: {  	[smem:$0x3F9B] =	sst s1  }
0xa: {  	[smem:$0x3F9C] =	sst s2  }
0xb: {  	[smem:$0x3F9D] =	sst s3  }
0xc: {  	[smem:$0x3F9E] =	sst s4  }
0xd: {  	[smem:$0x3F9F] =	sst s5  }
0xe: {  	[smem:$0x3FA0] =	sst s6  }
0xf: {  	[smem:$0x3FA1] =	sst s7  }
0x10: {  	[smem:$0x3FA2] =	sst s8  }
0x11: {  	[smem:$0x3FA3] =	sst s9;
	s0 =	simm.s32 @!p0 $0x0  }
0x12: {  	s1 =	sld [smem:$0x3F89];
	s0 =	simm.s32 @p0 $0x1  }
0x13: {  	[smem:$0x3FA4] =	sst s0;
	s0 =	simm.s32 @!p1 $0x0  }
0x14: {  	s2 =	sld [smem:$0x3F88];
	s0 =	simm.s32 @p1 $0x1  }
0x15: {  	[smem:$0x3FA5] =	sst s0;
	s0 =	simm.s32 @!p2 $0x0  }
0x16: {  	s3 =	sld [smem:$0x3FDB];
	s0 =	simm.s32 @p2 $0x1  }
0x17: {  	s4 =	simm.s32 $0x1BF5;
	[smem:$0x3FA7] =	sst s0  }
0x18: {  	s0 =	sld [smem:$0x3F8A];
	_ =	swait.ge [sflag:s4], $0x0  }
0x19: {  	s7 =	sld [smem:$0x3F8B]  }
0x1a: {  	s8 =	sadd.s32 $0xFFFFE003, lr  }
0x1b: {  	s9 =	sadd.s32 $0xFFFFFEF7, lr;
	s5 =	simm.s32 $0xFFFFFFFF;
	p2 =	slt.u32 s8, $0xFFFFF086  }
0x1c: {  	p1 =	slt.u32 s9, $0xF7A;
	s5 =	simm.s32 @!p2 $0x0  }
0x1d: {  	s5 =	simm.s32 @p1 $0x1;
	p0 =	seq.s32 s7, s2  }
0x1e: {  	s7 =	smul.u32 @!p0 $0xF7A, s2;
	p2 =	seq.s32 @!p0 s5, $0x0  }
0x1f: {  	s9 =	smul.u32 $0xF7A, s1;
	s8 =	simm.s32 @!p0 $0x1BF5;
	p2 =	por !p2, p0  }
0x20: {  	[sflag:s8] =	ssyncset.s32 @!p0 $0xFFFFF086;
	s6 =	sadd.s32 @!p0 s3, s7;
	s7 =	simm.s32 @!p0 $0x108  }
0x21: {  	s3 =	sadd.s32 s3, s9;
	s6 =	sadd.s32 @!p0 $0x88, s6;
	s7 =	simm.s32 @p2 $0x1082  }
0x22: {  	[simem:s7], [sflag:s8] =	dma.local @!p0 [hbm:s6], $0xF7A  }
0x23: {  	s9 =	sor.u32 $0xD0000000, s2;
	s6 =	simm.s32 $0x108;
	_ =	swait.ge @!p0 [sflag:s8], $0x0  }
0x24: {  	s3 =	sadd.s32 $0x88, s3;
	s6 =	simm.s32 @!p1 $0x1082;
	[sflag:s4] =	ssyncset.s32 $0xFFFFF086  }
0x25: {  	[simem:s6], [sflag:s4] =	dma.local [hbm:s3], $0xF7A  }
0x26: {  	[smem:$0x3F8B] =	sst s1;
	(tag) =	ssettag s2;
	_ =	strace s9  }
0x27: {  	s1 =	sld [smem:$0x3F9B]  }
0x28: {  	s2 =	sld [smem:$0x3F9C]  }
0x29: {  	s4 =	sld [smem:$0x3F9E]  }
0x2a: {  	p0 =	seq.s32 s5, $0x0;
	s5 =	sld [smem:$0x3F9F]  }
0x2b: {  	s6 =	sld [smem:$0x3FA0]  }
0x2c: {  	s7 =	sld [smem:$0x3FA1]  }
0x2d: {  	s3 =	simm.s32 $0x108;
	s8 =	sld [smem:$0x3FA2]  }
0x2e: {  	s3 =	simm.s32 @!p0 $0x1082;
	s9 =	sld [smem:$0x3FA3]  }
0x2f: {  	lr =	sadd.s32 s0, s3;
	s0 =	sld [smem:$0x3F9A]  }
0x30: {  	s3 =	sld [smem:$0x3F9D]  }
0x31: {  	[smem:$0x3FA6] =	sst s10  }
0x32: {  	s10 =	sld [smem:$0x3FA4];
	_ =	sdelay $0x3  }
0x33: {  	p0 =	seq.s32 s10, $0x1;
	s10 =	sld [smem:$0x3FA6];
	_ =	sdelay $0x3  }
0x34: {  	[smem:$0x3FA6] =	sst s10  }
0x35: {  	s10 =	sld [smem:$0x3FA5];
	_ =	sdelay $0x3  }
0x36: {  	p1 =	seq.s32 s10, $0x1;
	s10 =	sld [smem:$0x3FA6];
	_ =	sdelay $0x3  }
0x37: {  	[smem:$0x3FA6] =	sst s10  }
0x38: {  	s10 =	sld [smem:$0x3FA7]  }
0x39: {  	_ = 	snop;
	(pc) =	sbr.ind lr, $3  }
0x3a: {  	_ = 	snop  }
0x3b: {  	_ = 	snop  }
0x3c: {  	p2 =	seq.s32 s10, $0x1;
	s10 =	sld [smem:$0x3FA6]  }
0x3d: {  	_ =	shalt  }
0x3e: {  	_ =	shalt  }
0x3f: {  	_ =	shalt  }
0x40: {  	_ =	shalt  }
0x41: {  	_ =	shalt  }
0x42: {  	_ =	shalt  }
0x43: {  	_ =	shalt  }
0x44: {  	_ =	shalt  }
0x45: {  	_ =	shalt  }
0x46: {  	_ =	shalt  }
0x47: {  	_ =	shalt  }
0x48: {  	_ =	shalt  }
0x49: {  	_ =	shalt  }
0x4a: {  	_ =	shalt  }
0x4b: {  	_ =	shalt  }
0x4c: {  	_ =	shalt  }
0x4d: {  	_ =	shalt  }
0x4e: {  	_ =	shalt  }
0x4f: {  	_ =	shalt  }
0x50: {  	_ =	shalt  }
0x51: {  	_ =	shalt  }
0x52: {  	_ =	shalt  }
0x53: {  	_ =	shalt  }
0x54: {  	_ =	shalt  }
0x55: {  	_ =	shalt  }
0x56: {  	_ =	shalt  }
0x57: {  	_ =	shalt  }
0x58: {  	_ =	shalt  }
0x59: {  	_ =	shalt  }
0x5a: {  	_ =	shalt  }
0x5b: {  	_ =	shalt  }
0x5c: {  	_ =	shalt  }
0x5d: {  	_ =	shalt  }
0x5e: {  	_ =	shalt  }
0x5f: {  	_ =	shalt  }
0x60: {  	_ =	shalt  }
0x61: {  	_ =	shalt  }
0x62: {  	_ =	shalt  }
0x63: {  	_ =	shalt  }
0x64: {  	_ =	shalt  }
0x65: {  	_ =	shalt  }
0x66: {  	_ =	shalt  }
0x67: {  	_ =	shalt  }
0x68: {  	_ =	shalt  }
0x69: {  	_ =	shalt  }
0x6a: {  	_ =	shalt  }
0x6b: {  	_ =	shalt  }
0x6c: {  	_ =	shalt  }
0x6d: {  	_ =	shalt  }
0x6e: {  	_ =	shalt  }
0x6f: {  	_ =	shalt  }
0x70: {  	_ =	shalt  }
0x71: {  	_ =	shalt  }
0x72: {  	_ =	shalt  }
0x73: {  	_ =	shalt  }
0x74: {  	_ =	shalt  }
0x75: {  	_ =	shalt  }
0x76: {  	_ =	shalt  }
0x77: {  	_ =	shalt  }
0x78: {  	_ =	shalt  }
0x79: {  	_ =	shalt  }
0x7a: {  	_ =	shalt  }
0x7b: {  	_ =	shalt  }
0x7c: {  	_ =	shalt  }
0x7d: {  	_ =	shalt  }
0x7e: {  	_ =	shalt  }
0x7f: {  	_ =	shalt  }
0x80: {  	_ =	shalt  }
0x81: {  	_ =	shalt  }
0x82: {  	_ =	shalt  }
0x83: {  	_ =	shalt  }
0x84: {  	_ =	shalt  }
0x85: {  	_ =	shalt  }
0x86: {  	_ =	shalt  }
0x87: {  	_ =	shalt  }
.Lfunc_end0:
.L_simem_size_0:
called_computation_lowered:
.L_overlay_start_0:
0x88: {  	s2 =	sld [smem:$0x3FD9]  }
0x89: {  	s3 =	sld [smem:$0x3FFE];
	_ =	sdelay $0x1  }
0x8a: {  	s1 =	srdreg.scid  }
0x8b: {  	s0 =	sand.u32 $0x1, s1  }
0x8c: {  	s17 =	sshll.u32 s0, $0xA;
	s2 =	sadd.s32 s3, s2  }
0x8d: {  	s2 =	sadd.s32 s2, s17  }
0x8e: {  	[smem:$0x3FB2] =	sst s2  }
0x8f: {  	_ = 	snop  }
0x90: {  	(tm) =	ssettm $0x1  }
0x91: {  	s18 =	sld [smem:$0x3FFB];
	_ =	sdelay $0x3  }
0x92: {  	_ =	strace s18  }
0x93: {  	s2 =	sld [smem:$0x3FFC];
	_ =	sdelay $0x3  }
0x94: {  	_ =	strace s2  }
0x95: {  	s2 =	sld [smem:$0x3FFD];
	_ =	sdelay $0x3  }
0x96: {  	_ =	strace s2  }
0x97: {  	_ =	strace $0x8FFFFFFF  }
0x98: {  	s19 =	sld [smem:$0x3FDB];
	_ =	sdelay $0x1  }
0x99: {  	s20 =	simm.s32 $_scs_section_size  }
0x9a: {  	s4 =	simm.s32 $_size__tile_overlayer_lowered;
	s5 =	simm.s32 $_tile_overlayer_lowered  }
0x9b: {  	s6 =	simm.s32 $0x1BFF;
	s21 =	sshll.u32 s5, $0x1;
	s3 =	sadd.s32 s20, s19  }
0x9c: {  	s22 =	simm.s32 $0x0;
	s4 =	sshll.u32 s4, $0x1;
	s5 =	sadd.s32 s21, s3  }
0x9d: {  	[timem:s22], [sflag:s6] =	dma.local [hbm:s5], s4  }
0x9e: {  	_ =	swait.ge [sflag:s6], s4  }
0x9f: {  	s4 =	ssub.s32 $0x0, s4;
	[sflag:s6] =	ssyncset.done $0x0  }
0xa0: {  	[sflag:s6] =	ssyncadd.s32 s4;
	_ =	sdelay $0x1  }
0xa1: {  	s23 =	simm.s32 $0x1B8B  }
0xa2: {  	_ =	swait.ge [sflag:s23], $0x1  }
0xa3: {  	[sflag:s23] =	ssyncset.done $0x0  }
0xa4: {  	[sflag:s23] =	ssyncadd.s32 $0xFFFFFFFF  }
0xa5: {  	s4 =	sld [smem:$0x0]  }
0xa6: {  	s5 =	sand.u32 $0xFFFFFFFE, s1  }
0xa7: {  	p0 =	sne.s32 s1, s5  }
0xa8: {  	s5 =	sshll.u32 @p0 s5, $0xE  }
0xa9: {  	s5 =	sadd.s32 @p0 $0x11B8D, s5;
	s6 =	sshll.u32 @p0 s4, $0x11  }
0xaa: {  	s5 =	sor.u32 @p0 s6, s5  }
0xab: {  	[sflag:s5] =	ssyncadd.remote.s32 @p0 $0x1;
	_ =	sdelay $0x1  }
0xac: {  	s5 =	simm.s32 @p0 $0x1B8D  }
0xad: {  	_ =	swait.eq @p0 [sflag:s5], $0x1  }
0xae: {  	[sflag:s5] =	ssyncadd.s32 @p0 $0xFFFFFFFF  }
0xaf: {  	s6 =	sshll.u32 @!p0 s1, $0xE  }
0xb0: {  	s6 =	sor.u32 @!p0 $0x4000, s6;
	s5 =	simm.s32 @!p0 $0x1B8D  }
0xb1: {  	s4 =	sshll.u32 @!p0 s4, $0x11;
	s6 =	sadd.s32 @!p0 $0x11B8D, s6;
	_ =	swait.eq @!p0 [sflag:s5], $0x1  }
0xb2: {  	s4 =	sor.u32 @!p0 s4, s6;
	[sflag:s5] =	ssyncadd.s32 @!p0 $0xFFFFFFFF  }
0xb3: {  	s25 =	simm.s32 $0x1B8E;
	s24 =	sld [smem:$0x3FFE];
	[sflag:s4] =	ssyncadd.remote.s32 @!p0 $0x1  }
0xb4: {  	s26 =	simm.s32 $execute0_lowered;
	[smem:$0x3FD2] =	sst s25  }
0xb5: {  	s5 =	sshll.u32 s26, $0x1;
	_ =	strace $0x80000049;
	[dreg:$0x1] =	wrdreg $0xFFFFFFFF  }
0xb6: {  	s28 =	simm.s32 $_size_execute0_lowered;
	s3 =	sadd.s32 s3, s5;
	[dreg:$0x0] =	wrdreg $0x0  }
0xb7: {  	s5 =	sshll.u32 s28, $0x1;
	[dreg:$0x2] =	wrdreg s3  }
0xb8: {  	[dreg:$0x3] =	wrdreg s5  }
0xb9: {  	[dreg:$0x4] =	wrdreg $0xC0  }
0xba: {  	_ =	task [dreg:s22], $0x5FFFF  }
0xbb: {  	[dreg:$0x1] =	wrdreg $0xFFFFFFFF  }
0xbc: {  	[dreg:$0x0] =	wrdreg $0x60  }
0xbd: {  	[dreg:$0x2] =	wrdreg s24  }
0xbe: {  	[dreg:$0x3] =	wrdreg $0x6C200  }
0xbf: {  	[dreg:$0x4] =	wrdreg $0x9  }
0xc0: {  	_ =	task.clear_ibuf [dreg:s22], $0x5FFFF;
	_ =	strace $0x90000049  }
0xc1: {  	s29 =	simm.s32 $0x9;
	_ =	strace $0x8000004B  }
0xc2: {  	_ =	swait.ge [sflag:s29], $0x1  }
0xc3: {  	[sflag:s29] =	ssyncadd.s32 $0xFFFFFFFF  }
0xc4: {  	_ =	strace $0x9000004B  }
0xc5: {  	_ =	sfence  }
0xc6: {  	s30 =	sld [smem:$0x0];
	_ =	sdelay $0x2  }
0xc7: {  	s31 =	sshll.u32 s1, $0xD;
	s1 =	sshrl.u32 s1, $0x2  }
0xc8: {  	s4 =	sand.u32 $0x4000, s31;
	s1 =	sadd.s32 s1, s30  }
0xc9: {  	s0 =	sor.u32 s4, s0;
	s1 =	sshll.u32 s1, $0x11  }
0xca: {  	s0 =	sor.u32 s1, s0  }
0xcb: {  	s0 =	sadd.s32 $0x8F2B, s0  }
0xcc: {  	[sflag:s0] =	ssyncadd.remote.s32 $0x1  }
0xcd: {  	_ =	sfence.sel $0xFFFF  }
0xce: {  	[dreg:$0x0] =	wrdreg $0xFFFFFFFF;
	(pc) =	sbr.abs _section_cstart, $3  }
0xcf: {  	[dreg:$0x1] =	wrdreg $0xFFFFFFFF  }
0xd0: {  	_ =	task.clear_ibuf [dreg:s22], $0x2FFFF;
	_ =	strace $0x9FFFFFFF  }
0xd1: {  	(tm) =	ssettm $0x7FFFFFFF  }
tec
execute0_lowered:
.L_overlay_start_1:
0x0: {  	(tag) =	ssettag $0x1  }
0x1: {  	s5 =	rddreg [dreg:$0x0]  }
0x2: {  	s2 =	rddreg [dreg:$0x1]  }
0x3: {  	s0 =	srdreg.scid;
	s1 =	rddreg [dreg:$0x2];
	s3 =	simm.s32 $0x0  }
0x4: {  	s16 =	simm.s32 $0x1;
	s17 =	simm.s32 $0x50;
	s6 =	sand.u32 $0x1, s0  }
0x5: {  	s18 =	simm.s32 $0x2;
	s0 =	stileid.u32;
	s4 =	smul.u32 $0x4E200, s6  }
0x6: {  	s19 =	simm.s32 $0x4D80;
	s20 =	simm.s32 $0x4DD0;
	s7 =	smul.u32 $0x4E20, s0  }
0x7: {  	s21 =	simm.s32 $0x0;
	[smem:$0x7FF] =	sst s3;
	s26 =	smul.u32 $0xEB80, s0  }
0x8: {  	s9 =	sadd.s32 $0xF3A00, s5;
	s8 =	smul.u32 $0xEB800, s6;
	_ =	strace $0x8000004A  }
0x9: {  	s11 =	sshll.u32 s6, $0x4;
	s12 =	ssub.s32 $0x2, s6;
	s13 =	smul.u32 $0x1D4C00, s6  }
0xa: {  	s29 =	sshll.u32 s0, $0x6;
	s15 =	smul.u32 $0x1D4C0, s0;
	s11 =	sor.u32 s0, s11  }
0xb: {  	s28 =	sshrl.u32 s12, $0x1;
	s4 =	sadd.s32 s7, s4;
	s8 =	sadd.s32 s26, s8  }
0xc: {  	s11 =	smul.u32 $0x1D4C0, s11;
	s12 =	ssub.s32 s12, s28;
	s14 =	sadd.s32 s26, s2  }
0xd: {  	s30 =	sadd.s32 s13, s9;
	s13 =	simm.s32 $0x3;
	s4 =	sshrl.u32 s4, $0x3  }
0xe: {  	s8 =	sshrl.u32 s8, $0x3;
	s31 =	sadd.s32 s15, s30;
	s15 =	simm.s32 $0x5D20  }
0xf: {  	s10 =	sadd.s32 s4, s5;
	s4 =	sadd.s32 $0x49D200, s5;
	s8 =	sadd.s32 s8, s5  }
0x10: {  	s5 =	sor.u32 $0x1C03, s29;
	s7 =	sadd.s32 s9, s11;
	s9 =	smax.u32 s12, $0x1  }
0x11: {  	s11 =	sadd.s32 $0x3C0, s31;
	s12 =	sshrl.u32 s14, $0x3;
	s14 =	simm.s32 $0x4E20  }
0x12: {  	s6 =	sadd.s32 $0x7B600, s10;
	s8 =	sadd.s32 $0x49F000, s8;
	s10 =	sadd.s32 $0x1D2E0, s7  }
.LBB2_1:
0x13: {  	[spmem:s12], [sflag:s5] =	dma.local [hbm:s4], $0x1D70  }
0x14: {  	_ =	swait.ge [sflag:s13], $0x1D70  }
0x15: {  	[sflag:s13] =	ssyncset.done $0x0  }
0x16: {  	[sflag:s13] =	ssyncadd.s32 $0xFFFFE290  }
0x17: {  	[tilespmem:s3], [sflag:$0x3] =	stream.linear.gather [hbm4b:s6+s3], $0x4E20, $0x38;
	[tilespmem:$0x157A0] =	vst v63  }
0x18: {  	_ =	swait.ge [sflag:s13], $0x4E20  }
0x19: {  	[sflag:s13] =	ssyncset.done $0x0  }
0x1a: {  	[sflag:s13] =	ssyncadd.s32 $0xFFFFB1E0  }
0x1b: {  	[bflag:$0x0] =	sbarrier.arrive $0xFFFF  }
0x1c: {  	[tilespmem:s14], [sflag:$0x1] =	stream.linear.gather [hbm4b:s7+s3], $0xF00, $0x38;
	[tilespmem:$0x157A0] =	vst v63  }
0x1d: {  	s22 =	sadd.s32 $0xFFFFFE20, s11  }
0x1e: {  	[tilespmem:s15], [sflag:$0x2] =	stream.linear.gather [hbm4b:s22+s3], $0xF00, $0x38;
	[tilespmem:$0x157A0] =	vst v63  }
0x1f: {  	_ =	swait.ge [sflag:s16], $0xF00  }
0x20: {  	[sflag:s16] =	ssyncset.done $0x0  }
0x21: {  	s30 =	simm.s32 $0x0;
	[sflag:s16] =	ssyncadd.s32 $0xFFFFF100  }
0x22: {  	[spmem:s2] =	stream.indirect.scatter.add.f32 [tilespmem:s14], [sflag:$0x3], $0x30, s30, s17, $0xb8;
	[tilespmem:$0x157A0] =	vst v63  }
0x23: {  	_ =	swait.ge [sflag:s13], $0xF00  }
0x24: {  	[sflag:s13] =	ssyncset.done $0x0  }
0x25: {  	[sflag:s13] =	ssyncadd.s32 $0xFFFFF100  }
0x26: {  	[tilespmem:s14], [sflag:$0x1] =	stream.linear.gather [hbm4b:s11+s3], $0xF00, $0x38;
	[tilespmem:$0x157A0] =	vst v63  }
0x27: {  	_ =	swait.ge [sflag:s18], $0xF00  }
0x28: {  	[sflag:s18] =	ssyncset.done $0x0  }
0x29: {  	s31 =	simm.s32 $0x50;
	[sflag:s18] =	ssyncadd.s32 $0xFFFFF100  }
0x2a: {  	[spmem:s2] =	stream.indirect.scatter.add.f32 [tilespmem:s15], [sflag:$0x3], $0x30, s31, s17, $0xb8;
	[tilespmem:$0x157A0] =	vst v63  }
0x2b: {  	s23 =	simm.s32 $0x280;
	_ =	swait.ge [sflag:s13], $0xF00  }
0x2c: {  	s24 =	simm.s32 $0x500;
	s22 =	sadd.s32 $0x3C0, s11;
	[sflag:s13] =	ssyncset.done $0x0  }
.LBB2_2:
0x2d: {  	p0 =	sne.s32 s24, $0x13380;
	s25 =	sadd.s32 $0xFFFFFE20, s22;
	[sflag:s13] =	ssyncadd.s32 $0xFFFFF100  }
0x2e: {  	[tilespmem:s15], [sflag:$0x2] =	stream.linear.gather [hbm4b:s25+s3], $0xF00, $0x38;
	[tilespmem:$0x157A0] =	vst v63  }
0x2f: {  	s25 =	smov.u32 s24;
	s24 =	sadd.s32 $0x280, s24;
	_ =	swait.ge [sflag:s16], $0xF00  }
0x30: {  	[sflag:s16] =	ssyncset.done $0x0  }
0x31: {  	s26 =	sshra.s32 s23, $0x2;
	s23 =	smov.u32 s25;
	[sflag:s16] =	ssyncadd.s32 $0xFFFFF100  }
0x32: {  	[spmem:s2] =	stream.indirect.scatter.add.f32 [tilespmem:s14], [sflag:$0x3], $0x30, s26, s17, $0xb8;
	[tilespmem:$0x157A0] =	vst v63  }
0x33: {  	_ =	swait.ge [sflag:s13], $0xF00  }
0x34: {  	[sflag:s13] =	ssyncset.done $0x0  }
0x35: {  	[sflag:s13] =	ssyncadd.s32 $0xFFFFF100  }
0x36: {  	[tilespmem:s14], [sflag:$0x1] =	stream.linear.gather [hbm4b:s22+s3], $0xF00, $0x38;
	[tilespmem:$0x157A0] =	vst v63  }
0x37: {  	_ =	swait.ge [sflag:s18], $0xF00  }
.Ltmp0:
0x38: {  	[sflag:s18] =	ssyncset.done $0x0;
	(pc) =	sbr.rel @p0 .LBB2_2-.Ltmp0, $4  }
0x39: {  	s25 =	sadd.s32 $0x50, s26;
	[sflag:s18] =	ssyncadd.s32 $0xFFFFF100  }
0x3a: {  	[spmem:s2] =	stream.indirect.scatter.add.f32 [tilespmem:s15], [sflag:$0x3], $0x30, s25, s17, $0xb8;
	[tilespmem:$0x157A0] =	vst v63  }
0x3b: {  	_ =	swait.ge [sflag:s13], $0xF00  }
0x3c: {  	s22 =	sadd.s32 $0x3C0, s22;
	[sflag:s13] =	ssyncset.done $0x0  }
0x3d: {  	s24 =	sadd.s32 $0xFFFFFE20, s22;
	[sflag:s13] =	ssyncadd.s32 $0xFFFFF100  }
0x3e: {  	[tilespmem:s15], [sflag:$0x2] =	stream.linear.gather [hbm4b:s24+s3], $0xF00, $0x38;
	[tilespmem:$0x157A0] =	vst v63  }
0x3f: {  	_ =	swait.ge [sflag:s16], $0xF00  }
0x40: {  	[sflag:s16] =	ssyncset.done $0x0  }
0x41: {  	s23 =	sshra.s32 s23, $0x2;
	[sflag:s16] =	ssyncadd.s32 $0xFFFFF100  }
0x42: {  	[spmem:s2] =	stream.indirect.scatter.add.f32 [tilespmem:s14], [sflag:$0x3], $0x30, s23, s17, $0xb8;
	[tilespmem:$0x157A0] =	vst v63  }
0x43: {  	_ =	swait.ge [sflag:s13], $0xF00  }
0x44: {  	[sflag:s13] =	ssyncset.done $0x0  }
0x45: {  	[sflag:s13] =	ssyncadd.s32 $0xFFFFF100  }
0x46: {  	[tilespmem:s14], [sflag:$0x1] =	stream.linear.gather [hbm4b:s22+s3], $0xF00, $0x38;
	[tilespmem:$0x157A0] =	vst v63  }
0x47: {  	_ =	swait.ge [sflag:s18], $0xF00  }
0x48: {  	[sflag:s18] =	ssyncset.done $0x0  }
0x49: {  	s31 =	sadd.s32 $0x50, s23;
	[sflag:s18] =	ssyncadd.s32 $0xFFFFF100  }
0x4a: {  	[spmem:s2] =	stream.indirect.scatter.add.f32 [tilespmem:s15], [sflag:$0x3], $0x30, s31, s17, $0xb8;
	[tilespmem:$0x157A0] =	vst v63  }
0x4b: {  	_ =	swait.ge [sflag:s13], $0xF00  }
0x4c: {  	[sflag:s13] =	ssyncset.done $0x0  }
0x4d: {  	[sflag:s13] =	ssyncadd.s32 $0xFFFFF100  }
0x4e: {  	[tilespmem:s15], [sflag:$0x2] =	stream.linear.gather [hbm4b:s10+s3], $0xF00, $0x38;
	[tilespmem:$0x157A0] =	vst v63  }
0x4f: {  	_ =	swait.ge [sflag:s16], $0xF00  }
0x50: {  	[sflag:s16] =	ssyncset.done $0x0  }
0x51: {  	[sflag:s16] =	ssyncadd.s32 $0xFFFFF100  }
0x52: {  	[spmem:s2] =	stream.indirect.scatter.add.f32 [tilespmem:s14], [sflag:$0x3], $0x30, s19, s17, $0xb8;
	[tilespmem:$0x157A0] =	vst v63  }
0x53: {  	_ =	swait.ge [sflag:s13], $0xF00  }
0x54: {  	[sflag:s13] =	ssyncset.done $0x0  }
0x55: {  	[sflag:s13] =	ssyncadd.s32 $0xFFFFF100  }
0x56: {  	_ =	swait.ge [sflag:s18], $0xF00  }
0x57: {  	[sflag:s18] =	ssyncset.done $0x0  }
0x58: {  	[sflag:s18] =	ssyncadd.s32 $0xFFFFF100  }
0x59: {  	[spmem:s2] =	stream.indirect.scatter.add.f32 [tilespmem:s15], [sflag:$0x3], $0x30, s20, s17, $0xb8;
	[tilespmem:$0x157A0] =	vst v63  }
0x5a: {  	_ =	swait.ge [sflag:s13], $0xF00  }
0x5b: {  	s21 =	sadd.s32 $0x1, s21;
	[sflag:s13] =	ssyncset.done $0x0  }
0x5c: {  	p0 =	sne.s32 s21, s9;
	[sflag:s13] =	ssyncadd.s32 $0xFFFFF100  }
.Ltmp1:
0x5d: {  	[bflag:$0x0] =	sbarrier.arrive $0xFFFF;
	(pc) =	sbr.rel @p0 .LBB2_1-.Ltmp1, $4  }
0x5e: {  	[hbm:s8], [sflag:s5] =	dma.local [spmem:s12], $0x1D70  }
0x5f: {  	_ =	swait.ge [sflag:s13], $0x1D70  }
0x60: {  	[sflag:s13] =	ssyncset.done $0x0  }
0x61: {  	[sflag:s13] =	ssyncadd.s32 $0xFFFFE290  }
0x62: {  	_ =	sfence.sel $0x180000  }
0x63: {  	[bflag:$0x0] =	sbarrier.arrive $0xFFFF  }
0x64: {  	p0 =	sne.s32 s0, $0x0;
	_ =	strace $0x9000004A  }
0x65: {  	s0 =	sadd.s32 @!p0 $0x100000, s1;
	[bflag:$0x2] =	sbarrier.arrive $0xFFFF  }
0x66: {  	[sflag:s0] =	ssyncadd.tile.s32 @!p0 $0x1;
	_ =	shalt  }
.Lfunc_end2:
_tile_overlayer_lowered:
.L_overlay_start_2:
0x67: {  	(tag) =	ssettag $0x2  }
0x68: {  	s0 =	rddreg [dreg:$0x0];
	s2 =	stileid.u32  }
0x69: {  	s1 =	rddreg [dreg:$0x1];
	p0 =	sne.s32 s2, $0x0  }
0x6a: {  	s3 =	rddreg [dreg:$0x2];
	[bflag:$0x3] =	sbarrier.arrive $0xFFFF;
	s2 =	simm.s32 @!p0 $0x1C03  }
0x6b: {  	[timem:s3], [sflag:s2] =	dma.local @!p0 [hbm:s0], s1  }
0x6c: {  	s0 =	simm.s32 @!p0 $0x3  }
0x6d: {  	_ =	swait.ge @!p0 [sflag:s0], s1  }
0x6e: {  	s1 =	ssub.s32 @!p0 $0x0, s1;
	[sflag:s0] =	ssyncset.done @!p0 $0x0  }
0x6f: {  	[sflag:s0] =	ssyncadd.s32 @!p0 s1  }
0x70: {  	[bflag:$0x3] =	sbarrier.arrive $0xFFFF  }
0x71: {  	_ =	shalt  }

// kernel: kernel.16.cloned.1.call-start
scs
__scs_entry_jumppad:
0x0: {  	(pc) =	sbr.rel $0x88, $3  }
0x1: {  	(tag) =	ssettag $0x0;
	lr =	simm.s32 $0x1  }
0x2: {  	[smem:$0x3F8B] =	sst lr;
	_ =	strace $0xD0000000  }
0x3: {  	_ = 	snop  }
0x4: {  	_ = 	snop  }
0x5: {  	_ = 	snop  }
0x6: {  	_ = 	snop  }
0x7: {  	_ = 	snop  }
__scs_overlays_trampoline_lowered:
0x8: {  	[smem:$0x3F9A] =	sst s0  }
0x9: {  	[smem:$0x3F9B] =	sst s1  }
0xa: {  	[smem:$0x3F9C] =	sst s2  }
0xb: {  	[smem:$0x3F9D] =	sst s3  }
0xc: {  	[smem:$0x3F9E] =	sst s4  }
0xd: {  	[smem:$0x3F9F] =	sst s5  }
0xe: {  	[smem:$0x3FA0] =	sst s6  }
0xf: {  	[smem:$0x3FA1] =	sst s7  }
0x10: {  	[smem:$0x3FA2] =	sst s8  }
0x11: {  	[smem:$0x3FA3] =	sst s9;
	s0 =	simm.s32 @!p0 $0x0  }
0x12: {  	s1 =	sld [smem:$0x3F89];
	s0 =	simm.s32 @p0 $0x1  }
0x13: {  	[smem:$0x3FA4] =	sst s0;
	s0 =	simm.s32 @!p1 $0x0  }
0x14: {  	s2 =	sld [smem:$0x3F88];
	s0 =	simm.s32 @p1 $0x1  }
0x15: {  	[smem:$0x3FA5] =	sst s0;
	s0 =	simm.s32 @!p2 $0x0  }
0x16: {  	s3 =	sld [smem:$0x3FDB];
	s0 =	simm.s32 @p2 $0x1  }
0x17: {  	s4 =	simm.s32 $0x1BF5;
	[smem:$0x3FA7] =	sst s0  }
0x18: {  	s0 =	sld [smem:$0x3F8A];
	_ =	swait.ge [sflag:s4], $0x0  }
0x19: {  	s7 =	sld [smem:$0x3F8B]  }
0x1a: {  	s8 =	sadd.s32 $0xFFFFE003, lr  }
0x1b: {  	s9 =	sadd.s32 $0xFFFFFEF7, lr;
	s5 =	simm.s32 $0xFFFFFFFF;
	p2 =	slt.u32 s8, $0xFFFFF086  }
0x1c: {  	p1 =	slt.u32 s9, $0xF7A;
	s5 =	simm.s32 @!p2 $0x0  }
0x1d: {  	s5 =	simm.s32 @p1 $0x1;
	p0 =	seq.s32 s7, s2  }
0x1e: {  	s7 =	smul.u32 @!p0 $0xF7A, s2;
	p2 =	seq.s32 @!p0 s5, $0x0  }
0x1f: {  	s9 =	smul.u32 $0xF7A, s1;
	s8 =	simm.s32 @!p0 $0x1BF5;
	p2 =	por !p2, p0  }
0x20: {  	[sflag:s8] =	ssyncset.s32 @!p0 $0xFFFFF086;
	s6 =	sadd.s32 @!p0 s3, s7;
	s7 =	simm.s32 @!p0 $0x108  }
0x21: {  	s3 =	sadd.s32 s3, s9;
	s6 =	sadd.s32 @!p0 $0x88, s6;
	s7 =	simm.s32 @p2 $0x1082  }
0x22: {  	[simem:s7], [sflag:s8] =	dma.local @!p0 [hbm:s6], $0xF7A  }
0x23: {  	s9 =	sor.u32 $0xD0000000, s2;
	s6 =	simm.s32 $0x108;
	_ =	swait.ge @!p0 [sflag:s8], $0x0  }
0x24: {  	s3 =	sadd.s32 $0x88, s3;
	s6 =	simm.s32 @!p1 $0x1082;
	[sflag:s4] =	ssyncset.s32 $0xFFFFF086  }
0x25: {  	[simem:s6], [sflag:s4] =	dma.local [hbm:s3], $0xF7A  }
0x26: {  	[smem:$0x3F8B] =	sst s1;
	(tag) =	ssettag s2;
	_ =	strace s9  }
0x27: {  	s1 =	sld [smem:$0x3F9B]  }
0x28: {  	s2 =	sld [smem:$0x3F9C]  }
0x29: {  	s4 =	sld [smem:$0x3F9E]  }
0x2a: {  	p0 =	seq.s32 s5, $0x0;
	s5 =	sld [smem:$0x3F9F]  }
0x2b: {  	s6 =	sld [smem:$0x3FA0]  }
0x2c: {  	s7 =	sld [smem:$0x3FA1]  }
0x2d: {  	s3 =	simm.s32 $0x108;
	s8 =	sld [smem:$0x3FA2]  }
0x2e: {  	s3 =	simm.s32 @!p0 $0x1082;
	s9 =	sld [smem:$0x3FA3]  }
0x2f: {  	lr =	sadd.s32 s0, s3;
	s0 =	sld [smem:$0x3F9A]  }
0x30: {  	s3 =	sld [smem:$0x3F9D]  }
0x31: {  	[smem:$0x3FA6] =	sst s10  }
0x32: {  	s10 =	sld [smem:$0x3FA4];
	_ =	sdelay $0x3  }
0x33: {  	p0 =	seq.s32 s10, $0x1;
	s10 =	sld [smem:$0x3FA6];
	_ =	sdelay $0x3  }
0x34: {  	[smem:$0x3FA6] =	sst s10  }
0x35: {  	s10 =	sld [smem:$0x3FA5];
	_ =	sdelay $0x3  }
0x36: {  	p1 =	seq.s32 s10, $0x1;
	s10 =	sld [smem:$0x3FA6];
	_ =	sdelay $0x3  }
0x37: {  	[smem:$0x3FA6] =	sst s10  }
0x38: {  	s10 =	sld [smem:$0x3FA7]  }
0x39: {  	_ = 	snop;
	(pc) =	sbr.ind lr, $3  }
0x3a: {  	_ = 	snop  }
0x3b: {  	_ = 	snop  }
0x3c: {  	p2 =	seq.s32 s10, $0x1;
	s10 =	sld [smem:$0x3FA6]  }
0x3d: {  	_ =	shalt  }
0x3e: {  	_ =	shalt  }
0x3f: {  	_ =	shalt  }
0x40: {  	_ =	shalt  }
0x41: {  	_ =	shalt  }
0x42: {  	_ =	shalt  }
0x43: {  	_ =	shalt  }
0x44: {  	_ =	shalt  }
0x45: {  	_ =	shalt  }
0x46: {  	_ =	shalt  }
0x47: {  	_ =	shalt  }
0x48: {  	_ =	shalt  }
0x49: {  	_ =	shalt  }
0x4a: {  	_ =	shalt  }
0x4b: {  	_ =	shalt  }
0x4c: {  	_ =	shalt  }
0x4d: {  	_ =	shalt  }
0x4e: {  	_ =	shalt  }
0x4f: {  	_ =	shalt  }
0x50: {  	_ =	shalt  }
0x51: {  	_ =	shalt  }
0x52: {  	_ =	shalt  }
0x53: {  	_ =	shalt  }
0x54: {  	_ =	shalt  }
0x55: {  	_ =	shalt  }
0x56: {  	_ =	shalt  }
0x57: {  	_ =	shalt  }
0x58: {  	_ =	shalt  }
0x59: {  	_ =	shalt  }
0x5a: {  	_ =	shalt  }
0x5b: {  	_ =	shalt  }
0x5c: {  	_ =	shalt  }
0x5d: {  	_ =	shalt  }
0x5e: {  	_ =	shalt  }
0x5f: {  	_ =	shalt  }
0x60: {  	_ =	shalt  }
0x61: {  	_ =	shalt  }
0x62: {  	_ =	shalt  }
0x63: {  	_ =	shalt  }
0x64: {  	_ =	shalt  }
0x65: {  	_ =	shalt  }
0x66: {  	_ =	shalt  }
0x67: {  	_ =	shalt  }
0x68: {  	_ =	shalt  }
0x69: {  	_ =	shalt  }
0x6a: {  	_ =	shalt  }
0x6b: {  	_ =	shalt  }
0x6c: {  	_ =	shalt  }
0x6d: {  	_ =	shalt  }
0x6e: {  	_ =	shalt  }
0x6f: {  	_ =	shalt  }
0x70: {  	_ =	shalt  }
0x71: {  	_ =	shalt  }
0x72: {  	_ =	shalt  }
0x73: {  	_ =	shalt  }
0x74: {  	_ =	shalt  }
0x75: {  	_ =	shalt  }
0x76: {  	_ =	shalt  }
0x77: {  	_ =	shalt  }
0x78: {  	_ =	shalt  }
0x79: {  	_ =	shalt  }
0x7a: {  	_ =	shalt  }
0x7b: {  	_ =	shalt  }
0x7c: {  	_ =	shalt  }
0x7d: {  	_ =	shalt  }
0x7e: {  	_ =	shalt  }
0x7f: {  	_ =	shalt  }
0x80: {  	_ =	shalt  }
0x81: {  	_ =	shalt  }
0x82: {  	_ =	shalt  }
0x83: {  	_ =	shalt  }
0x84: {  	_ =	shalt  }
0x85: {  	_ =	shalt  }
0x86: {  	_ =	shalt  }
0x87: {  	_ =	shalt  }
.Lfunc_end0:
.L_simem_size_0:
called_computation.1_lowered:
.L_overlay_start_0:
0x88: {  	s2 =	sld [smem:$0x3FD9]  }
0x89: {  	s3 =	sld [smem:$0x3FFE];
	_ =	sdelay $0x1  }
0x8a: {  	s1 =	srdreg.scid  }
0x8b: {  	s0 =	sand.u32 $0x1, s1  }
0x8c: {  	s16 =	sshll.u32 s0, $0xA;
	s2 =	sadd.s32 s3, s2  }
0x8d: {  	s2 =	sadd.s32 s2, s16  }
0x8e: {  	[smem:$0x3FB2] =	sst s2  }
0x8f: {  	_ = 	snop  }
0x90: {  	(tm) =	ssettm $0x1  }
0x91: {  	s17 =	sld [smem:$0x3FFB];
	_ =	sdelay $0x3  }
0x92: {  	_ =	strace s17  }
0x93: {  	s2 =	sld [smem:$0x3FFC];
	_ =	sdelay $0x3  }
0x94: {  	_ =	strace s2  }
0x95: {  	s2 =	sld [smem:$0x3FFD];
	_ =	sdelay $0x3  }
0x96: {  	_ =	strace s2  }
0x97: {  	_ =	strace $0x8FFFFFFF  }
0x98: {  	s18 =	sld [smem:$0x3FDB];
	_ =	sdelay $0x1  }
0x99: {  	s19 =	simm.s32 $_scs_section_size  }
0x9a: {  	s4 =	simm.s32 $_size__tile_overlayer_lowered;
	s5 =	simm.s32 $_tile_overlayer_lowered  }
0x9b: {  	s22 =	simm.s32 $0x1BFF;
	s21 =	sshll.u32 s5, $0x1;
	s2 =	sadd.s32 s19, s18  }
0x9c: {  	s6 =	simm.s32 $0x0;
	s20 =	sshll.u32 s4, $0x1;
	s4 =	sadd.s32 s21, s2  }
0x9d: {  	[timem:s6], [sflag:s22] =	dma.local [hbm:s4], s20  }
0x9e: {  	_ =	swait.ge [sflag:s22], s20  }
0x9f: {  	s3 =	ssub.s32 $0x0, s20;
	[sflag:s22] =	ssyncset.done $0x0  }
0xa0: {  	[sflag:s22] =	ssyncadd.s32 s3;
	_ =	sdelay $0x1  }
0xa1: {  	s23 =	simm.s32 $0x1B8B  }
0xa2: {  	_ =	swait.ge [sflag:s23], $0x1  }
0xa3: {  	[sflag:s23] =	ssyncset.done $0x0  }
0xa4: {  	s25 =	simm.s32 $0x1B8E;
	s24 =	sld [smem:$0x3FFE];
	[sflag:s23] =	ssyncadd.s32 $0xFFFFFFFF  }
0xa5: {  	s26 =	simm.s32 $execute0_lowered;
	[smem:$0x3FD2] =	sst s25  }
0xa6: {  	s4 =	sshll.u32 s26, $0x1;
	_ =	strace $0x80000046;
	[dreg:$0x1] =	wrdreg $0xFFFFFFFF  }
0xa7: {  	s28 =	simm.s32 $_size_execute0_lowered;
	s2 =	sadd.s32 s2, s4;
	[dreg:$0x0] =	wrdreg $0x0  }
0xa8: {  	s4 =	sshll.u32 s28, $0x1;
	[dreg:$0x2] =	wrdreg s2  }
0xa9: {  	[dreg:$0x3] =	wrdreg s4  }
0xaa: {  	[dreg:$0x4] =	wrdreg $0xC0  }
0xab: {  	_ =	task [dreg:s6], $0x5FFFF  }
0xac: {  	[dreg:$0x1] =	wrdreg $0xFFFFFFFF  }
0xad: {  	[dreg:$0x0] =	wrdreg $0x60  }
0xae: {  	[dreg:$0x2] =	wrdreg s24  }
0xaf: {  	[dreg:$0x3] =	wrdreg $0xC4400  }
0xb0: {  	[dreg:$0x4] =	wrdreg $0xA  }
0xb1: {  	_ =	task.clear_ibuf [dreg:s6], $0x5FFFF;
	_ =	strace $0x90000046  }
0xb2: {  	s29 =	simm.s32 $0xA;
	_ =	strace $0x80000048  }
0xb3: {  	_ =	swait.ge [sflag:s29], $0x1  }
0xb4: {  	[sflag:s29] =	ssyncadd.s32 $0xFFFFFFFF  }
0xb5: {  	_ =	strace $0x90000048  }
0xb6: {  	_ =	sfence  }
0xb7: {  	s30 =	sld [smem:$0x0];
	_ =	sdelay $0x2  }
0xb8: {  	s31 =	sshll.u32 s1, $0xD;
	s1 =	sshrl.u32 s1, $0x2  }
0xb9: {  	s3 =	sand.u32 $0x4000, s31;
	s1 =	sadd.s32 s1, s30  }
0xba: {  	s0 =	sor.u32 s3, s0;
	s1 =	sshll.u32 s1, $0x11  }
0xbb: {  	s0 =	sor.u32 s1, s0  }
0xbc: {  	s0 =	sadd.s32 $0x8F2B, s0  }
0xbd: {  	[sflag:s0] =	ssyncadd.remote.s32 $0x1  }
0xbe: {  	_ =	sfence.sel $0xFFFF  }
0xbf: {  	[dreg:$0x0] =	wrdreg $0xFFFFFFFF;
	(pc) =	sbr.abs _section_cstart, $3  }
0xc0: {  	[dreg:$0x1] =	wrdreg $0xFFFFFFFF  }
0xc1: {  	_ =	task.clear_ibuf [dreg:s6], $0x2FFFF;
	_ =	strace $0x9FFFFFFF  }
0xc2: {  	(tm) =	ssettm $0x7FFFFFFF  }
0xc3: {  	_ =	shalt  }
tec
execute0_lowered:
.L_overlay_start_1:
0x0: {  	(tag) =	ssettag $0x1  }
0x1: {  	s6 =	rddreg [dreg:$0x0]  }
0x2: {  	s2 =	rddreg [dreg:$0x1]  }
0x3: {  	s0 =	srdreg.scid;
	s1 =	rddreg [dreg:$0x2]  }
0x4: {  	s3 =	simm.s32 $0x0;
	s14 =	simm.s32 $0x50;
	s15 =	simm.s32 $0x9C40  }
0x5: {  	s16 =	simm.s32 $0xB040;
	s17 =	simm.s32 $0x1;
	s5 =	sand.u32 $0x1, s0  }
0x6: {  	s18 =	simm.s32 $0x2;
	s0 =	stileid.u32;
	s4 =	smul.u32 $0x4E200, s5  }
0x7: {  	s19 =	simm.s32 $0x4DD0;
	s20 =	simm.s32 $0x9BA0;
	s7 =	smul.u32 $0x4E20, s0  }
0x8: {  	s21 =	simm.s32 $0x9BF0;
	[smem:$0x7FF] =	sst s3;
	s8 =	smul.u32 $0x13A00, s0  }
0x9: {  	s22 =	simm.s32 $0x0;
	s9 =	smul.u32 $0x13A000, s5;
	_ =	strace $0x80000047  }
0xa: {  	s30 =	ssub.s32 $0x2, s5;
	s5 =	sadd.s32 $0xA2A00, s6;
	s31 =	sshll.u32 s0, $0x6  }
0xb: {  	s11 =	sshrl.u32 s30, $0x1;
	s7 =	sadd.s32 s7, s4;
	s4 =	sadd.s32 $0x2D000, s6  }
0xc: {  	s29 =	sadd.s32 s8, s9;
	s11 =	ssub.s32 s30, s11;
	s7 =	sshrl.u32 s7, $0x3  }
0xd: {  	s13 =	sadd.s32 s8, s2;
	s10 =	sadd.s32 s7, s6;
	s7 =	sshrl.u32 s29, $0x3  }
0xe: {  	s12 =	sadd.s32 s7, s6;
	s6 =	sor.u32 $0x1C03, s31;
	s7 =	sadd.s32 $0x8F000, s10  }
0xf: {  	s8 =	sadd.s32 $0x7B600, s10;
	s10 =	smax.u32 s11, $0x1;
	s11 =	sshrl.u32 s13, $0x3  }
0x10: {  	s13 =	simm.s32 $0x4E20;
	s9 =	sadd.s32 $0xA5200, s12;
	s12 =	simm.s32 $0x3  }
.LBB2_1:
0x11: {  	[spmem:s11], [sflag:s6] =	dma.local [hbm:s5], $0x2740  }
0x12: {  	_ =	swait.ge [sflag:s12], $0x2740  }
0x13: {  	[sflag:s12] =	ssyncset.done $0x0  }
0x14: {  	[sflag:s12] =	ssyncadd.s32 $0xFFFFD8C0  }
0x15: {  	[tilespmem:s3], [sflag:$0x3] =	stream.linear.gather [hbm4b:s7+s3], $0x4E20, $0x38;
	[tilespmem:$0x1FE40] =	vst v63  }
0x16: {  	_ =	swait.ge [sflag:s12], $0x4E20  }
0x17: {  	[sflag:s12] =	ssyncset.done $0x0  }
0x18: {  	[sflag:s12] =	ssyncadd.s32 $0xFFFFB1E0  }
0x19: {  	[tilespmem:s13], [sflag:$0x3] =	stream.linear.gather [hbm4b:s8+s3], $0x4E20, $0x38;
	[tilespmem:$0x1FE40] =	vst v63  }
0x1a: {  	_ =	swait.ge [sflag:s12], $0x4E20  }
0x1b: {  	[sflag:s12] =	ssyncset.done $0x0  }
0x1c: {  	[sflag:s12] =	ssyncadd.s32 $0xFFFFB1E0  }
0x1d: {  	[bflag:$0x0] =	sbarrier.arrive $0xFFFF  }
0x1e: {  	[tilespmem:s15], [sflag:$0x1] =	stream.indirect.gather [hbm4b:s4+s14], $0x40, s3, s14, $0xb8;
	[tilespmem:$0x1FE40] =	vst v63  }
0x1f: {  	s23 =	simm.s32 $0x50  }
0x20: {  	[tilespmem:s16], [sflag:$0x2] =	stream.indirect.gather [hbm4b:s4+s14], $0x40, s23, s14, $0xb8;
	[tilespmem:$0x1FE40] =	vst v63  }
0x21: {  	_ =	swait.ge [sflag:s17], $0x1400  }
0x22: {  	[sflag:s17] =	ssyncset.done $0x0  }
0x23: {  	s29 =	simm.s32 $0x4E20;
	[sflag:s17] =	ssyncadd.s32 $0xFFFFEC00  }
0x24: {  	[spmem:s2] =	stream.indirect.scatter.add.f32 [tilespmem:s15], [sflag:$0x3], $0x40, s29, s14, $0xb8;
	[tilespmem:$0x1FE40] =	vst v63  }
0x25: {  	_ =	swait.ge [sflag:s12], $0x1400  }
0x26: {  	[sflag:s12] =	ssyncset.done $0x0  }
0x27: {  	s30 =	simm.s32 $0xA0;
	[sflag:s12] =	ssyncadd.s32 $0xFFFFEC00  }
0x28: {  	[tilespmem:s15], [sflag:$0x1] =	stream.indirect.gather [hbm4b:s4+s14], $0x40, s30, s14, $0xb8;
	[tilespmem:$0x1FE40] =	vst v63  }
0x29: {  	_ =	swait.ge [sflag:s18], $0x1400  }
0x2a: {  	[sflag:s18] =	ssyncset.done $0x0  }
0x2b: {  	s31 =	simm.s32 $0x4E70;
	[sflag:s18] =	ssyncadd.s32 $0xFFFFEC00  }
0x2c: {  	[spmem:s2] =	stream.indirect.scatter.add.f32 [tilespmem:s16], [sflag:$0x3], $0x40, s31, s14, $0xb8;
	[tilespmem:$0x1FE40] =	vst v63  }
0x2d: {  	_ =	swait.ge [sflag:s12], $0x1400  }
0x2e: {  	s24 =	simm.s32 $0x500;
	s23 =	simm.s32 $0xA0;
	[sflag:s12] =	ssyncset.done $0x0  }
.LBB2_2:
0x2f: {  	s25 =	sadd.s32 $0x50, s23  }
0x30: {  	[sflag:s12] =	ssyncadd.s32 $0xFFFFEC00;
	s26 =	smov.u32 s24;
	s28 =	sadd.s32 $0x280, s24  }
0x31: {  	[tilespmem:s16], [sflag:$0x2] =	stream.indirect.gather [hbm4b:s4+s14], $0x40, s25, s14, $0xb8;
	[tilespmem:$0x1FE40] =	vst v63  }
0x32: {  	p0 =	sne.s32 s24, $0x13380;
	_ =	swait.ge [sflag:s17], $0x1400  }
0x33: {  	[sflag:s17] =	ssyncset.done $0x0  }
0x34: {  	s24 =	sadd.s32 $0x4E20, s23;
	[sflag:s17] =	ssyncadd.s32 $0xFFFFEC00  }
0x35: {  	[spmem:s2] =	stream.indirect.scatter.add.f32 [tilespmem:s15], [sflag:$0x3], $0x40, s24, s14, $0xb8;
	[tilespmem:$0x1FE40] =	vst v63  }
0x36: {  	_ =	swait.ge [sflag:s12], $0x1400  }
0x37: {  	[sflag:s12] =	ssyncset.done $0x0  }
0x38: {  	s24 =	sadd.s32 $0xA0, s23;
	[sflag:s12] =	ssyncadd.s32 $0xFFFFEC00  }
0x39: {  	[tilespmem:s15], [sflag:$0x1] =	stream.indirect.gather [hbm4b:s4+s14], $0x40, s24, s14, $0xb8;
	[tilespmem:$0x1FE40] =	vst v63  }
0x3a: {  	_ =	swait.ge [sflag:s18], $0x1400  }
.Ltmp0:
0x3b: {  	[sflag:s18] =	ssyncset.done $0x0;
	(pc) =	sbr.rel @p0 .LBB2_2-.Ltmp0, $4  }
0x3c: {  	s23 =	sadd.s32 $0x4E70, s23;
	[sflag:s18] =	ssyncadd.s32 $0xFFFFEC00  }
0x3d: {  	[spmem:s2] =	stream.indirect.scatter.add.f32 [tilespmem:s16], [sflag:$0x3], $0x40, s23, s14, $0xb8;
	[tilespmem:$0x1FE40] =	vst v63  }
0x3e: {  	_ =	swait.ge [sflag:s12], $0x1400  }
0x3f: {  	s24 =	smov.u32 s28;
	s23 =	sshra.s32 s26, $0x2;
	[sflag:s12] =	ssyncset.done $0x0  }
0x40: {  	s24 =	sadd.s32 $0x50, s23;
	[sflag:s12] =	ssyncadd.s32 $0xFFFFEC00  }
0x41: {  	[tilespmem:s16], [sflag:$0x2] =	stream.indirect.gather [hbm4b:s4+s14], $0x40, s24, s14, $0xb8;
	[tilespmem:$0x1FE40] =	vst v63  }
0x42: {  	_ =	swait.ge [sflag:s17], $0x1400  }
0x43: {  	[sflag:s17] =	ssyncset.done $0x0  }
0x44: {  	s29 =	sadd.s32 $0x4E20, s23;
	[sflag:s17] =	ssyncadd.s32 $0xFFFFEC00  }
0x45: {  	[spmem:s2] =	stream.indirect.scatter.add.f32 [tilespmem:s15], [sflag:$0x3], $0x40, s29, s14, $0xb8;
	[tilespmem:$0x1FE40] =	vst v63  }
0x46: {  	_ =	swait.ge [sflag:s12], $0x1400  }
0x47: {  	[sflag:s12] =	ssyncset.done $0x0  }
0x48: {  	s30 =	sadd.s32 $0xA0, s23;
	[sflag:s12] =	ssyncadd.s32 $0xFFFFEC00  }
0x49: {  	[tilespmem:s15], [sflag:$0x1] =	stream.indirect.gather [hbm4b:s4+s14], $0x40, s30, s14, $0xb8;
	[tilespmem:$0x1FE40] =	vst v63  }
0x4a: {  	_ =	swait.ge [sflag:s18], $0x1400  }
0x4b: {  	[sflag:s18] =	ssyncset.done $0x0  }
0x4c: {  	s31 =	sadd.s32 $0x4E70, s23;
	[sflag:s18] =	ssyncadd.s32 $0xFFFFEC00  }
0x4d: {  	[spmem:s2] =	stream.indirect.scatter.add.f32 [tilespmem:s16], [sflag:$0x3], $0x40, s31, s14, $0xb8;
	[tilespmem:$0x1FE40] =	vst v63  }
0x4e: {  	_ =	swait.ge [sflag:s12], $0x1400  }
0x4f: {  	[sflag:s12] =	ssyncset.done $0x0  }
0x50: {  	[sflag:s12] =	ssyncadd.s32 $0xFFFFEC00  }
0x51: {  	[tilespmem:s16], [sflag:$0x2] =	stream.indirect.gather [hbm4b:s4+s14], $0x40, s19, s14, $0xb8;
	[tilespmem:$0x1FE40] =	vst v63  }
0x52: {  	_ =	swait.ge [sflag:s17], $0x1400  }
0x53: {  	[sflag:s17] =	ssyncset.done $0x0  }
0x54: {  	[sflag:s17] =	ssyncadd.s32 $0xFFFFEC00  }
0x55: {  	[spmem:s2] =	stream.indirect.scatter.add.f32 [tilespmem:s15], [sflag:$0x3], $0x40, s20, s14, $0xb8;
	[tilespmem:$0x1FE40] =	vst v63  }
0x56: {  	_ =	swait.ge [sflag:s12], $0x1400  }
0x57: {  	[sflag:s12] =	ssyncset.done $0x0  }
0x58: {  	[sflag:s12] =	ssyncadd.s32 $0xFFFFEC00  }
0x59: {  	_ =	swait.ge [sflag:s18], $0x1400  }
0x5a: {  	[sflag:s18] =	ssyncset.done $0x0  }
0x5b: {  	[sflag:s18] =	ssyncadd.s32 $0xFFFFEC00  }
0x5c: {  	[spmem:s2] =	stream.indirect.scatter.add.f32 [tilespmem:s16], [sflag:$0x3], $0x40, s21, s14, $0xb8;
	[tilespmem:$0x1FE40] =	vst v63  }
0x5d: {  	_ =	swait.ge [sflag:s12], $0x1400  }
0x5e: {  	s22 =	sadd.s32 $0x1, s22;
	[sflag:s12] =	ssyncset.done $0x0  }
0x5f: {  	p0 =	sne.s32 s22, s10;
	[sflag:s12] =	ssyncadd.s32 $0xFFFFEC00  }
.Ltmp1:
0x60: {  	[bflag:$0x0] =	sbarrier.arrive $0xFFFF;
	(pc) =	sbr.rel @p0 .LBB2_1-.Ltmp1, $4  }
0x61: {  	[hbm:s9], [sflag:s6] =	dma.local [spmem:s11], $0x2740  }
0x62: {  	_ =	swait.ge [sflag:s12], $0x2740  }
0x63: {  	[sflag:s12] =	ssyncset.done $0x0  }
0x64: {  	[sflag:s12] =	ssyncadd.s32 $0xFFFFD8C0  }
0x65: {  	_ =	sfence.sel $0x180000  }
0x66: {  	[bflag:$0x0] =	sbarrier.arrive $0xFFFF  }
0x67: {  	p0 =	sne.s32 s0, $0x0;
	_ =	strace $0x90000047  }
0x68: {  	s0 =	sadd.s32 @!p0 $0x100000, s1;
	[bflag:$0x2] =	sbarrier.arrive $0xFFFF  }
0x69: {  	[sflag:s0] =	ssyncadd.tile.s32 @!p0 $0x1;
	_ =	shalt  }
.Lfunc_end2:
_tile_overlayer_lowered:
.L_overlay_start_2:
0x6a: {  	(tag) =	ssettag $0x2  }
0x6b: {  	s0 =	rddreg [dreg:$0x0];
	s2 =	stileid.u32  }
0x6c: {  	s1 =	rddreg [dreg:$0x1];
	p0 =	sne.s32 s2, $0x0  }
0x6d: {  	s3 =	rddreg [dreg:$0x2];
	[bflag:$0x3] =	sbarrier.arrive $0xFFFF;
	s2 =	simm.s32 @!p0 $0x1C03  }
0x6e: {  	[timem:s3], [sflag:s2] =	dma.local @!p0 [hbm:s0], s1  }
0x6f: {  	s0 =	simm.s32 @!p0 $0x3  }
0x70: {  	_ =	swait.ge @!p0 [sflag:s0], s1  }
0x71: {  	s1 =	ssub.s32 @!p0 $0x0, s1;
	[sflag:s0] =	ssyncset.done @!p0 $0x0  }
0x72: {  	[sflag:s0] =	ssyncadd.s32 @!p0 s1  }
0x73: {  	[bflag:$0x3] =	sbarrier.arrive $0xFFFF  }
0x74: {  	_ =	shalt  }

// kernel: kernel.19.cloned.1.call-start
scs
__scs_entry_jumppad:
0x0: {  	(pc) =	sbr.rel $0x88, $3  }
0x1: {  	(tag) =	ssettag $0x0;
	lr =	simm.s32 $0x1  }
0x2: {  	[smem:$0x3F8B] =	sst lr;
	_ =	strace $0xD0000000  }
0x3: {  	_ = 	snop  }
0x4: {  	_ = 	snop  }
0x5: {  	_ = 	snop  }
0x6: {  	_ = 	snop  }
0x7: {  	_ = 	snop  }
__scs_overlays_trampoline_lowered:
0x8: {  	[smem:$0x3F9A] =	sst s0  }
0x9: {  	[smem:$0x3F9B] =	sst s1  }
0xa: {  	[smem:$0x3F9C] =	sst s2  }
0xb: {  	[smem:$0x3F9D] =	sst s3  }
0xc: {  	[smem:$0x3F9E] =	sst s4  }
0xd: {  	[smem:$0x3F9F] =	sst s5  }
0xe: {  	[smem:$0x3FA0] =	sst s6  }
0xf: {  	[smem:$0x3FA1] =	sst s7  }
0x10: {  	[smem:$0x3FA2] =	sst s8  }
0x11: {  	[smem:$0x3FA3] =	sst s9;
	s0 =	simm.s32 @!p0 $0x0  }
0x12: {  	s1 =	sld [smem:$0x3F89];
	s0 =	simm.s32 @p0 $0x1  }
0x13: {  	[smem:$0x3FA4] =	sst s0;
	s0 =	simm.s32 @!p1 $0x0  }
0x14: {  	s2 =	sld [smem:$0x3F88];
	s0 =	simm.s32 @p1 $0x1  }
0x15: {  	[smem:$0x3FA5] =	sst s0;
	s0 =	simm.s32 @!p2 $0x0  }
0x16: {  	s3 =	sld [smem:$0x3FDB];
	s0 =	simm.s32 @p2 $0x1  }
0x17: {  	s4 =	simm.s32 $0x1BF5;
	[smem:$0x3FA7] =	sst s0  }
0x18: {  	s0 =	sld [smem:$0x3F8A];
	_ =	swait.ge [sflag:s4], $0x0  }
0x19: {  	s7 =	sld [smem:$0x3F8B]  }
0x1a: {  	s8 =	sadd.s32 $0xFFFFE003, lr  }
0x1b: {  	s9 =	sadd.s32 $0xFFFFFEF7, lr;
	s5 =	simm.s32 $0xFFFFFFFF;
	p2 =	slt.u32 s8, $0xFFFFF086  }
0x1c: {  	p1 =	slt.u32 s9, $0xF7A;
	s5 =	simm.s32 @!p2 $0x0  }
0x1d: {  	s5 =	simm.s32 @p1 $0x1;
	p0 =	seq.s32 s7, s2  }
0x1e: {  	s7 =	smul.u32 @!p0 $0xF7A, s2;
	p2 =	seq.s32 @!p0 s5, $0x0  }
0x1f: {  	s9 =	smul.u32 $0xF7A, s1;
	s8 =	simm.s32 @!p0 $0x1BF5;
	p2 =	por !p2, p0  }
0x20: {  	[sflag:s8] =	ssyncset.s32 @!p0 $0xFFFFF086;
	s6 =	sadd.s32 @!p0 s3, s7;
	s7 =	simm.s32 @!p0 $0x108  }
0x21: {  	s3 =	sadd.s32 s3, s9;
	s6 =	sadd.s32 @!p0 $0x88, s6;
	s7 =	simm.s32 @p2 $0x1082  }
0x22: {  	[simem:s7], [sflag:s8] =	dma.local @!p0 [hbm:s6], $0xF7A  }
0x23: {  	s9 =	sor.u32 $0xD0000000, s2;
	s6 =	simm.s32 $0x108;
	_ =	swait.ge @!p0 [sflag:s8], $0x0  }
0x24: {  	s3 =	sadd.s32 $0x88, s3;
	s6 =	simm.s32 @!p1 $0x1082;
	[sflag:s4] =	ssyncset.s32 $0xFFFFF086  }
0x25: {  	[simem:s6], [sflag:s4] =	dma.local [hbm:s3], $0xF7A  }
0x26: {  	[smem:$0x3F8B] =	sst s1;
	(tag) =	ssettag s2;
	_ =	strace s9  }
0x27: {  	s1 =	sld [smem:$0x3F9B]  }
0x28: {  	s2 =	sld [smem:$0x3F9C]  }
0x29: {  	s4 =	sld [smem:$0x3F9E]  }
0x2a: {  	p0 =	seq.s32 s5, $0x0;
	s5 =	sld [smem:$0x3F9F]  }
0x2b: {  	s6 =	sld [smem:$0x3FA0]  }
0x2c: {  	s7 =	sld [smem:$0x3FA1]  }
0x2d: {  	s3 =	simm.s32 $0x108;
	s8 =	sld [smem:$0x3FA2]  }
0x2e: {  	s3 =	simm.s32 @!p0 $0x1082;
	s9 =	sld [smem:$0x3FA3]  }
0x2f: {  	lr =	sadd.s32 s0, s3;
	s0 =	sld [smem:$0x3F9A]  }
0x30: {  	s3 =	sld [smem:$0x3F9D]  }
0x31: {  	[smem:$0x3FA6] =	sst s10  }
0x32: {  	s10 =	sld [smem:$0x3FA4];
	_ =	sdelay $0x3  }
0x33: {  	p0 =	seq.s32 s10, $0x1;
	s10 =	sld [smem:$0x3FA6];
	_ =	sdelay $0x3  }
0x34: {  	[smem:$0x3FA6] =	sst s10  }
0x35: {  	s10 =	sld [smem:$0x3FA5];
	_ =	sdelay $0x3  }
0x36: {  	p1 =	seq.s32 s10, $0x1;
	s10 =	sld [smem:$0x3FA6];
	_ =	sdelay $0x3  }
0x37: {  	[smem:$0x3FA6] =	sst s10  }
0x38: {  	s10 =	sld [smem:$0x3FA7]  }
0x39: {  	_ = 	snop;
	(pc) =	sbr.ind lr, $3  }
0x3a: {  	_ = 	snop  }
0x3b: {  	_ = 	snop  }
0x3c: {  	p2 =	seq.s32 s10, $0x1;
	s10 =	sld [smem:$0x3FA6]  }
0x3d: {  	_ =	shalt  }
0x3e: {  	_ =	shalt  }
0x3f: {  	_ =	shalt  }
0x40: {  	_ =	shalt  }
0x41: {  	_ =	shalt  }
0x42: {  	_ =	shalt  }
0x43: {  	_ =	shalt  }
0x44: {  	_ =	shalt  }
0x45: {  	_ =	shalt  }
0x46: {  	_ =	shalt  }
0x47: {  	_ =	shalt  }
0x48: {  	_ =	shalt  }
0x49: {  	_ =	shalt  }
0x4a: {  	_ =	shalt  }
0x4b: {  	_ =	shalt  }
0x4c: {  	_ =	shalt  }
0x4d: {  	_ =	shalt  }
0x4e: {  	_ =	shalt  }
0x4f: {  	_ =	shalt  }
0x50: {  	_ =	shalt  }
0x51: {  	_ =	shalt  }
0x52: {  	_ =	shalt  }
0x53: {  	_ =	shalt  }
0x54: {  	_ =	shalt  }
0x55: {  	_ =	shalt  }
0x56: {  	_ =	shalt  }
0x57: {  	_ =	shalt  }
0x58: {  	_ =	shalt  }
0x59: {  	_ =	shalt  }
0x5a: {  	_ =	shalt  }
0x5b: {  	_ =	shalt  }
0x5c: {  	_ =	shalt  }
0x5d: {  	_ =	shalt  }
0x5e: {  	_ =	shalt  }
0x5f: {  	_ =	shalt  }
0x60: {  	_ =	shalt  }
0x61: {  	_ =	shalt  }
0x62: {  	_ =	shalt  }
0x63: {  	_ =	shalt  }
0x64: {  	_ =	shalt  }
0x65: {  	_ =	shalt  }
0x66: {  	_ =	shalt  }
0x67: {  	_ =	shalt  }
0x68: {  	_ =	shalt  }
0x69: {  	_ =	shalt  }
0x6a: {  	_ =	shalt  }
0x6b: {  	_ =	shalt  }
0x6c: {  	_ =	shalt  }
0x6d: {  	_ =	shalt  }
0x6e: {  	_ =	shalt  }
0x6f: {  	_ =	shalt  }
0x70: {  	_ =	shalt  }
0x71: {  	_ =	shalt  }
0x72: {  	_ =	shalt  }
0x73: {  	_ =	shalt  }
0x74: {  	_ =	shalt  }
0x75: {  	_ =	shalt  }
0x76: {  	_ =	shalt  }
0x77: {  	_ =	shalt  }
0x78: {  	_ =	shalt  }
0x79: {  	_ =	shalt  }
0x7a: {  	_ =	shalt  }
0x7b: {  	_ =	shalt  }
0x7c: {  	_ =	shalt  }
0x7d: {  	_ =	shalt  }
0x7e: {  	_ =	shalt  }
0x7f: {  	_ =	shalt  }
0x80: {  	_ =	shalt  }
0x81: {  	_ =	shalt  }
0x82: {  	_ =	shalt  }
0x83: {  	_ =	shalt  }
0x84: {  	_ =	shalt  }
0x85: {  	_ =	shalt  }
0x86: {  	_ =	shalt  }
0x87: {  	_ =	shalt  }
.Lfunc_end0:
.L_simem_size_0:
called_computation.2_lowered:
.L_overlay_start_0:
0x88: {  	s2 =	sld [smem:$0x3FD9]  }
0x89: {  	s3 =	sld [smem:$0x3FFE];
	_ =	sdelay $0x1  }
0x8a: {  	s1 =	srdreg.scid  }
0x8b: {  	s0 =	sand.u32 $0x1, s1  }
0x8c: {  	s16 =	sshll.u32 s0, $0xA;
	s2 =	sadd.s32 s3, s2  }
0x8d: {  	s2 =	sadd.s32 s2, s16  }
0x8e: {  	[smem:$0x3FB2] =	sst s2  }
0x8f: {  	_ = 	snop  }
0x90: {  	(tm) =	ssettm $0x1  }
0x91: {  	s17 =	sld [smem:$0x3FFB];
	_ =	sdelay $0x3  }
0x92: {  	_ =	strace s17  }
0x93: {  	s2 =	sld [smem:$0x3FFC];
	_ =	sdelay $0x3  }
0x94: {  	_ =	strace s2  }
0x95: {  	s2 =	sld [smem:$0x3FFD];
	_ =	sdelay $0x3  }
0x96: {  	_ =	strace s2  }
0x97: {  	_ =	strace $0x8FFFFFFF  }
0x98: {  	s18 =	sld [smem:$0x3FDB];
	_ =	sdelay $0x1  }
0x99: {  	s19 =	simm.s32 $_scs_section_size  }
0x9a: {  	s4 =	simm.s32 $_size__tile_overlayer_lowered;
	s5 =	simm.s32 $_tile_overlayer_lowered  }
0x9b: {  	s22 =	simm.s32 $0x1BFF;
	s21 =	sshll.u32 s5, $0x1;
	s2 =	sadd.s32 s19, s18  }
0x9c: {  	s6 =	simm.s32 $0x0;
	s20 =	sshll.u32 s4, $0x1;
	s4 =	sadd.s32 s21, s2  }
0x9d: {  	[timem:s6], [sflag:s22] =	dma.local [hbm:s4], s20  }
0x9e: {  	_ =	swait.ge [sflag:s22], s20  }
0x9f: {  	s3 =	ssub.s32 $0x0, s20;
	[sflag:s22] =	ssyncset.done $0x0  }
0xa0: {  	[sflag:s22] =	ssyncadd.s32 s3;
	_ =	sdelay $0x1  }
0xa1: {  	s23 =	simm.s32 $0x1B8B  }
0xa2: {  	_ =	swait.ge [sflag:s23], $0x1  }
0xa3: {  	[sflag:s23] =	ssyncset.done $0x0  }
0xa4: {  	s25 =	simm.s32 $0x1B8E;
	s24 =	sld [smem:$0x3FFE];
	[sflag:s23] =	ssyncadd.s32 $0xFFFFFFFF  }
0xa5: {  	s26 =	simm.s32 $execute0_lowered;
	[smem:$0x3FD2] =	sst s25  }
0xa6: {  	s4 =	sshll.u32 s26, $0x1;
	_ =	strace $0x8000004C;
	[dreg:$0x1] =	wrdreg $0xFFFFFFFF  }
0xa7: {  	s28 =	simm.s32 $_size_execute0_lowered;
	s2 =	sadd.s32 s2, s4;
	[dreg:$0x0] =	wrdreg $0x0  }
0xa8: {  	s4 =	sshll.u32 s28, $0x1;
	[dreg:$0x2] =	wrdreg s2  }
0xa9: {  	[dreg:$0x3] =	wrdreg s4  }
0xaa: {  	[dreg:$0x4] =	wrdreg $0xC0  }
0xab: {  	_ =	task [dreg:s6], $0x5FFFF  }
0xac: {  	[dreg:$0x1] =	wrdreg $0xFFFFFFFF  }
0xad: {  	[dreg:$0x0] =	wrdreg $0x60  }
0xae: {  	[dreg:$0x2] =	wrdreg s24  }
0xaf: {  	[dreg:$0x3] =	wrdreg $0x11D500  }
0xb0: {  	[dreg:$0x4] =	wrdreg $0x9  }
0xb1: {  	_ =	task.clear_ibuf [dreg:s6], $0x5FFFF;
	_ =	strace $0x9000004C  }
0xb2: {  	s29 =	simm.s32 $0x9;
	_ =	strace $0x8000004E  }
0xb3: {  	_ =	swait.ge [sflag:s29], $0x1  }
0xb4: {  	[sflag:s29] =	ssyncadd.s32 $0xFFFFFFFF  }
0xb5: {  	_ =	strace $0x9000004E  }
0xb6: {  	_ =	sfence  }
0xb7: {  	s30 =	sld [smem:$0x0];
	_ =	sdelay $0x2  }
0xb8: {  	s31 =	sshll.u32 s1, $0xD;
	s1 =	sshrl.u32 s1, $0x2  }
0xb9: {  	s3 =	sand.u32 $0x4000, s31;
	s1 =	sadd.s32 s1, s30  }
0xba: {  	s0 =	sor.u32 s3, s0;
	s1 =	sshll.u32 s1, $0x11  }
0xbb: {  	s0 =	sor.u32 s1, s0  }
0xbc: {  	s0 =	sadd.s32 $0x8F2B, s0  }
0xbd: {  	[sflag:s0] =	ssyncadd.remote.s32 $0x1  }
0xbe: {  	_ =	sfence.sel $0xFFFF  }
0xbf: {  	[dreg:$0x0] =	wrdreg $0xFFFFFFFF;
	(pc) =	sbr.abs _section_cstart, $3  }
0xc0: {  	[dreg:$0x1] =	wrdreg $0xFFFFFFFF  }
0xc1: {  	_ =	task.clear_ibuf [dreg:s6], $0x2FFFF;
	_ =	strace $0x9FFFFFFF  }
0xc2: {  	(tm) =	ssettm $0x7FFFFFFF  }
0xc3: {  	_ =	shalt  }
tec
execute0_lowered:
.L_overlay_start_1:
0x0: {  	(tag) =	ssettag $0x1  }
0x1: {  	s0 =	srdreg.scid;
	s1 =	rddreg [dreg:$0x0]  }
0x2: {  	s10 =	stileid.u32;
	s2 =	rddreg [dreg:$0x1]  }
0x3: {  	s3 =	simm.s32 $0x0;
	s17 =	simm.s32 $0x5;
	s19 =	simm.s32 $0x9CE0  }
0x4: {  	s20 =	simm.s32 $0xC3F0;
	s21 =	simm.s32 $0x50;
	s28 =	simm.s32 $0x3  }
0x5: {  	s29 =	simm.s32 $0xEB00;
	s30 =	simm.s32 $0x2;
	s31 =	simm.s32 $0x4  }
0x6: {  	s0 =	sand.u32 $0x1, s0;
	s5 =	smul.u32 $0x4E20, s10;
	[smem:$0x7FF] =	sst s3  }
0x7: {  	s7 =	smul.u32 $0xC580, s10;
	s6 =	sadd.s32 $0x4D9E00, s1;
	s12 =	sadd.s32 $0x1E600, s1  }
0x8: {  	s22 =	sadd.s32 $0x1EC00, s1;
	_ =	strace $0x8000004D;
	[dreg:$0x3] =	wrdreg s12  }
0x9: {  	s23 =	sadd.s32 $0x1F200, s1;
	s4 =	smul.u32 $0x4E200, s0;
	[dreg:$0x4] =	wrdreg s22  }
0xa: {  	s10 =	sshll.u32 s10, $0x6;
	s9 =	smul.u32 $0xC5800, s0;
	[dreg:$0x5] =	wrdreg s23  }
0xb: {  	s0 =	ssub.s32 $0x2, s0;
	s10 =	sor.u32 $0x1C05, s10;
	s22 =	simm.s32 $0xEB50  }
0xc: {  	s24 =	sshrl.u32 s0, $0x1;
	s4 =	sadd.s32 s5, s4;
	s5 =	sadd.s32 $0x5E00, s1  }
0xd: {  	s9 =	sadd.s32 s7, s9;
	s0 =	ssub.s32 s0, s24;
	s8 =	sshrl.u32 s4, $0x3  }
0xe: {  	s7 =	sadd.s32 s7, s2;
	s11 =	sadd.s32 s8, s1;
	s8 =	sadd.s32 s6, s8  }
0xf: {  	s9 =	sshrl.u32 s9, $0x3;
	s25 =	sadd.s32 $0x67C00, s11;
	[dreg:$0x8] =	wrdreg s8  }
0x10: {  	s1 =	sadd.s32 s9, s1;
	s26 =	sadd.s32 $0x54200, s11;
	[dreg:$0x6] =	wrdreg s25  }
0x11: {  	s24 =	simm.s32 $0x10450;
	s1 =	sadd.s32 $0x20C00, s1;
	[dreg:$0x7] =	wrdreg s26  }
0x12: {  	v0 =	vimm.s32 $0x0;
	vm0 =	vcmask $0x300;
	v1 =	vimm.f32 $0.0e+00;
	s15 =	smax.u32 s0, $0x1;
	s16 =	sshrl.u32 s7, $0x3;
	[dreg:$0x9] =	wrdreg s1  }
0x13: {  	v0 =	vsel vm0, $0x3, v0;
	v1 =	vsel vm0, $0x3F800000, v1;
	s25 =	simm.s32 $0x9C90;
	s26 =	simm.s32 $0x1;
	s1 =	simm.s32 $0x0  }
.LBB2_1:
0x14: {  	s0 =	rddreg [dreg:$0x5]  }
0x15: {  	[spmem:s16], [sflag:s10] =	dma.local [hbm:s0], $0x18B0  }
0x16: {  	_ =	swait.ge [sflag:s17], $0x18B0  }
0x17: {  	[sflag:s17] =	ssyncset.done $0x0  }
0x18: {  	s11 =	rddreg [dreg:$0x6];
	[sflag:s17] =	ssyncadd.s32 $0xFFFFE750  }
0x19: {  	[tilespmem:s3], [sflag:$0x5] =	stream.linear.gather [hbm4b:s11+s3], $0x4E20, $0x38;
	[tilespmem:$0x1E2D0] =	vst v63  }
0x1a: {  	_ =	swait.ge [sflag:s17], $0x4E20  }
0x1b: {  	[sflag:s17] =	ssyncset.done $0x0  }
0x1c: {  	s7 =	simm.s32 $0x4E20;
	s12 =	rddreg [dreg:$0x7];
	[sflag:s17] =	ssyncadd.s32 $0xFFFFB1E0  }
0x1d: {  	[tilespmem:s7], [sflag:$0x5] =	stream.linear.gather [hbm4b:s12+s3], $0x4E20, $0x38;
	[tilespmem:$0x1E2D0] =	vst v63  }
0x1e: {  	_ =	swait.ge [sflag:s17], $0x4E20  }
0x1f: {  	[sflag:s17] =	ssyncset.done $0x0  }
0x20: {  	s13 =	rddreg [dreg:$0x3];
	[sflag:s17] =	ssyncadd.s32 $0xFFFFB1E0  }
0x21: {  	[tilespmem:s19], [sflag:$0x5] =	stream.linear.gather [hbm4b:s13+s3], $0x2710, $0x38;
	[tilespmem:$0x1E2D0] =	vst v63  }
0x22: {  	_ =	swait.ge [sflag:s17], $0x2710  }
0x23: {  	[sflag:s17] =	ssyncset.done $0x0  }
0x24: {  	s14 =	rddreg [dreg:$0x4];
	[sflag:s17] =	ssyncadd.s32 $0xFFFFD8F0  }
0x25: {  	[tilespmem:s20], [sflag:$0x5] =	stream.linear.gather [hbm4b:s14+s3], $0x2710, $0x38;
	[tilespmem:$0x1E2D0] =	vst v63  }
0x26: {  	_ =	swait.ge [sflag:s17], $0x2710  }
0x27: {  	[sflag:s17] =	ssyncset.done $0x0  }
0x28: {  	[sflag:s17] =	ssyncadd.s32 $0xFFFFD8F0  }
0x29: {  	[bflag:$0x0] =	sbarrier.arrive $0xFFFF  }
0x2a: {  	[tilespmem:s22], [sflag:$0x1] =	stream.indirect.gather [hbm4b:s5+s21], $0x50, s3, s21, $0xb8;
	[tilespmem:$0x1E2D0] =	vst v63  }
0x2b: {  	s23 =	simm.s32 $0x9C40;
	s0 =	simm.s32 $0x0;
	s18 =	rddreg [dreg:$0x8]  }
0x2c: {  	[tilespmem:s23], [sflag:$0x3] =	stream.linear.gather [hbm4b:s18+s3], $0x50, $0x38;
	[tilespmem:$0x1E2D0] =	vst v63  }
.LBB2_2:
0x2d: {  	s23 =	smul.u32 $0xA0, s0;
	_ =	sdelay $0x1  }
0x2e: {  	s18 =	sadd.s32 $0x50, s23  }
0x2f: {  	[tilespmem:s24], [sflag:$0x2] =	stream.indirect.gather [hbm4b:s5+s21], $0x50, s18, s21, $0xb8;
	[tilespmem:$0x1E2D0] =	vst v63  }
0x30: {  	s7 =	sadd.s32 s4, s18  }
0x31: {  	s7 =	sshrl.u32 s7, $0x3  }
0x32: {  	s8 =	sadd.s32 s6, s7;
	s7 =	simm.s32 $0x0  }
0x33: {  	[tilespmem:s25], [sflag:$0x4] =	stream.linear.gather [hbm4b:s8+s7], $0x50, $0x38;
	[tilespmem:$0x1E2D0] =	vst v63  }
0x34: {  	_ =	swait.ge [sflag:s26], $0x1900  }
0x35: {  	[sflag:s26] =	ssyncset.done $0x0  }
0x36: {  	[sflag:s26] =	ssyncadd.s32 $0xFFFFE700  }
0x37: {  	_ =	swait.ge [sflag:s28], $0x50  }
0x38: {  	[sflag:s28] =	ssyncset.done $0x0  }
0x39: {  	[sflag:s28] =	ssyncadd.s32 $0xFFFFFFB0  }
0x3a: {  	v2 =	vld [tilespmem:s23+$0x0]  }
0x3b: {  	v3 =	vld [tilespmem:s23+$0x4E20];
	_ =	sdelay $0x6  }
0x3c: {  	v2 =	vld.idx.msk [tilespmem:v2+s19+$0x0], $0xffff  }
0x3d: {  	v3 =	vld.idx.msk [tilespmem:v3+s20+$0x0], $0xffff;
	_ =	sdelay $0x1  }
0x3e: {  	v4 =	vld [tilespmem:$0x9C40];
	_ =	sdelay $0x2  }
0x3f: {  	v2 =	vadd.f32 v3, v2;
	_ =	sdelay $0x1  }
0x40: {  	v2 =	vadd.f32 v2, v4;
	_ =	sdelay $0x1  }
0x41: {  	v3 =	vmul.f32 $2.000000030e-01, v2  }
0x42: {  	vm0 =	vge.f32 v2, $0.0e+00  }
0x43: {  	v2 =	vsel vm0, v2, v3  }
0x44: {  	v2 =	vmul.f32 $1.442695020e+00, v2;
	_ =	sdelay $0x1  }
0x45: {  	v3 =	vadd.f32 $1.258291200e+07, v2;
	_ =	sdelay $0x1  }
0x46: {  	v3 =	vadd.f32 $-1.258291200e+07, v3;
	_ =	sdelay $0x1  }
0x47: {  	v2 =	vsub.f32 v2, v3;
	_ =	sdelay $0x1  }
0x48: {  	v4 =	vmul.f32 $1.326092050e-03, v2;
	_ =	sdelay $0x1  }
0x49: {  	v4 =	vadd.f32 $9.670175610e-03, v4;
	_ =	sdelay $0x1  }
0x4a: {  	v4 =	vmul.f32 v4, v2;
	_ =	sdelay $0x1  }
0x4b: {  	v4 =	vadd.f32 $5.550712350e-02, v4;
	_ =	sdelay $0x1  }
0x4c: {  	v4 =	vmul.f32 v4, v2;
	_ =	sdelay $0x1  }
0x4d: {  	v4 =	vadd.f32 $2.402222450e-01, v4;
	_ =	sdelay $0x1  }
0x4e: {  	v4 =	vmul.f32 v4, v2;
	_ =	sdelay $0x1  }
0x4f: {  	v4 =	vadd.f32 $6.931470030e-01, v4  }
0x50: {  	v3 =	vtrunc.f32 v3  }
0x51: {  	v3 =	vcvt.f32.s32 v3;
	v2 =	vmul.f32 v4, v2;
	_ =	sdelay $0x1  }
0x52: {  	v3 =	vshll.u32 v3, $0x17;
	v2 =	vadd.f32 $1.000000000e+00, v2  }
0x53: {  	v3 =	vadd.s32 $0x3F800000, v3  }
0x54: {  	v2 =	vmul.f32 v3, v2;
	_ =	sdelay $0x1  }
0x55: {  	[tilespmem:$0xEB00] =	vst v2  }
0x56: {  	v2 =	vld [tilespmem:s23+$0x10]  }
0x57: {  	v3 =	vld [tilespmem:s23+$0x4E30];
	_ =	sdelay $0x6  }
0x58: {  	v2 =	vld.idx.msk [tilespmem:v2+s19+$0x0], $0xffff  }
0x59: {  	v3 =	vld.idx.msk [tilespmem:v3+s20+$0x0], $0xffff;
	_ =	sdelay $0x1  }
0x5a: {  	v4 =	vld [tilespmem:$0x9C50];
	_ =	sdelay $0x2  }
0x5b: {  	v2 =	vadd.f32 v3, v2;
	_ =	sdelay $0x1  }
0x5c: {  	v2 =	vadd.f32 v2, v4;
	_ =	sdelay $0x1  }
0x5d: {  	v3 =	vmul.f32 $2.000000030e-01, v2  }
0x5e: {  	vm12 =	vge.f32 v2, $0.0e+00  }
0x5f: {  	v2 =	vsel vm12, v2, v3  }
0x60: {  	v2 =	vmul.f32 $1.442695020e+00, v2;
	_ =	sdelay $0x1  }
0x61: {  	v3 =	vadd.f32 $1.258291200e+07, v2;
	_ =	sdelay $0x1  }
0x62: {  	v3 =	vadd.f32 $-1.258291200e+07, v3;
	_ =	sdelay $0x1  }
0x63: {  	v2 =	vsub.f32 v2, v3;
	_ =	sdelay $0x1  }
0x64: {  	v4 =	vmul.f32 $1.326092050e-03, v2;
	_ =	sdelay $0x1  }
0x65: {  	v4 =	vadd.f32 $9.670175610e-03, v4;
	_ =	sdelay $0x1  }
0x66: {  	v4 =	vmul.f32 v4, v2;
	_ =	sdelay $0x1  }
0x67: {  	v4 =	vadd.f32 $5.550712350e-02, v4;
	_ =	sdelay $0x1  }
0x68: {  	v4 =	vmul.f32 v4, v2;
	_ =	sdelay $0x1  }
0x69: {  	v4 =	vadd.f32 $2.402222450e-01, v4;
	_ =	sdelay $0x1  }
0x6a: {  	v4 =	vmul.f32 v4, v2;
	_ =	sdelay $0x1  }
0x6b: {  	v4 =	vadd.f32 $6.931470030e-01, v4  }
0x6c: {  	v3 =	vtrunc.f32 v3  }
0x6d: {  	v3 =	vcvt.f32.s32 v3;
	v2 =	vmul.f32 v4, v2;
	_ =	sdelay $0x1  }
0x6e: {  	v3 =	vshll.u32 v3, $0x17;
	v2 =	vadd.f32 $1.000000000e+00, v2  }
0x6f: {  	v3 =	vadd.s32 $0x3F800000, v3  }
0x70: {  	v2 =	vmul.f32 v3, v2;
	_ =	sdelay $0x1  }
0x71: {  	[tilespmem:$0xEB10] =	vst v2  }
0x72: {  	v2 =	vld [tilespmem:s23+$0x20]  }
0x73: {  	v3 =	vld [tilespmem:s23+$0x4E40];
	_ =	sdelay $0x6  }
0x74: {  	v2 =	vld.idx.msk [tilespmem:v2+s19+$0x0], $0xffff  }
0x75: {  	v3 =	vld.idx.msk [tilespmem:v3+s20+$0x0], $0xffff;
	_ =	sdelay $0x1  }
0x76: {  	v4 =	vld [tilespmem:$0x9C60];
	_ =	sdelay $0x2  }
0x77: {  	v2 =	vadd.f32 v3, v2;
	_ =	sdelay $0x1  }
0x78: {  	v2 =	vadd.f32 v2, v4;
	_ =	sdelay $0x1  }
0x79: {  	v3 =	vmul.f32 $2.000000030e-01, v2  }
0x7a: {  	vm13 =	vge.f32 v2, $0.0e+00  }
0x7b: {  	v2 =	vsel vm13, v2, v3  }
0x7c: {  	v2 =	vmul.f32 $1.442695020e+00, v2;
	_ =	sdelay $0x1  }
0x7d: {  	v3 =	vadd.f32 $1.258291200e+07, v2;
	_ =	sdelay $0x1  }
0x7e: {  	v3 =	vadd.f32 $-1.258291200e+07, v3;
	_ =	sdelay $0x1  }
0x7f: {  	v2 =	vsub.f32 v2, v3;
	_ =	sdelay $0x1  }
0x80: {  	v4 =	vmul.f32 $1.326092050e-03, v2;
	_ =	sdelay $0x1  }
0x81: {  	v4 =	vadd.f32 $9.670175610e-03, v4;
	_ =	sdelay $0x1  }
0x82: {  	v4 =	vmul.f32 v4, v2;
	_ =	sdelay $0x1  }
0x83: {  	v4 =	vadd.f32 $5.550712350e-02, v4;
	_ =	sdelay $0x1  }
0x84: {  	v4 =	vmul.f32 v4, v2;
	_ =	sdelay $0x1  }
0x85: {  	v4 =	vadd.f32 $2.402222450e-01, v4;
	_ =	sdelay $0x1  }
0x86: {  	v4 =	vmul.f32 v4, v2;
	_ =	sdelay $0x1  }
0x87: {  	v4 =	vadd.f32 $6.931470030e-01, v4  }
0x88: {  	v3 =	vtrunc.f32 v3  }
0x89: {  	v3 =	vcvt.f32.s32 v3;
	v2 =	vmul.f32 v4, v2;
	_ =	sdelay $0x1  }
0x8a: {  	v3 =	vshll.u32 v3, $0x17;
	v2 =	vadd.f32 $1.000000000e+00, v2  }
0x8b: {  	v3 =	vadd.s32 $0x3F800000, v3  }
0x8c: {  	v2 =	vmul.f32 v3, v2;
	_ =	sdelay $0x1  }
0x8d: {  	[tilespmem:$0xEB20] =	vst v2  }
0x8e: {  	v2 =	vld [tilespmem:s23+$0x30]  }
0x8f: {  	v3 =	vld [tilespmem:s23+$0x4E50];
	_ =	sdelay $0x6  }
0x90: {  	v2 =	vld.idx.msk [tilespmem:v2+s19+$0x0], $0xffff  }
0x91: {  	v3 =	vld.idx.msk [tilespmem:v3+s20+$0x0], $0xffff;
	_ =	sdelay $0x1  }
0x92: {  	v4 =	vld [tilespmem:$0x9C70];
	_ =	sdelay $0x2  }
0x93: {  	v2 =	vadd.f32 v3, v2;
	_ =	sdelay $0x1  }
0x94: {  	v2 =	vadd.f32 v2, v4;
	_ =	sdelay $0x1  }
0x95: {  	v3 =	vmul.f32 $2.000000030e-01, v2  }
0x96: {  	vm14 =	vge.f32 v2, $0.0e+00  }
0x97: {  	v2 =	vsel vm14, v2, v3  }
0x98: {  	v2 =	vmul.f32 $1.442695020e+00, v2;
	_ =	sdelay $0x1  }
0x99: {  	v3 =	vadd.f32 $1.258291200e+07, v2;
	_ =	sdelay $0x1  }
0x9a: {  	v3 =	vadd.f32 $-1.258291200e+07, v3;
	_ =	sdelay $0x1  }
0x9b: {  	v2 =	vsub.f32 v2, v3;
	_ =	sdelay $0x1  }
0x9c: {  	v4 =	vmul.f32 $1.326092050e-03, v2;
	_ =	sdelay $0x1  }
0x9d: {  	v4 =	vadd.f32 $9.670175610e-03, v4;
	_ =	sdelay $0x1  }
0x9e: {  	v4 =	vmul.f32 v4, v2;
	_ =	sdelay $0x1  }
0x9f: {  	v4 =	vadd.f32 $5.550712350e-02, v4;
	_ =	sdelay $0x1  }
0xa0: {  	v4 =	vmul.f32 v4, v2;
	_ =	sdelay $0x1  }
0xa1: {  	v4 =	vadd.f32 $2.402222450e-01, v4;
	_ =	sdelay $0x1  }
0xa2: {  	v4 =	vmul.f32 v4, v2;
	_ =	sdelay $0x1  }
0xa3: {  	v4 =	vadd.f32 $6.931470030e-01, v4  }
0xa4: {  	v3 =	vtrunc.f32 v3  }
0xa5: {  	v3 =	vcvt.f32.s32 v3;
	v2 =	vmul.f32 v4, v2;
	_ =	sdelay $0x1  }
0xa6: {  	v3 =	vshll.u32 v3, $0x17;
	v2 =	vadd.f32 $1.000000000e+00, v2  }
0xa7: {  	v3 =	vadd.s32 $0x3F800000, v3  }
0xa8: {  	v2 =	vmul.f32 v3, v2;
	_ =	sdelay $0x1  }
0xa9: {  	[tilespmem:$0xEB30] =	vst v2  }
0xaa: {  	v2 =	vld [tilespmem:s23+$0x40]  }
0xab: {  	v3 =	vld [tilespmem:s23+$0x4E60];
	_ =	sdelay $0x6  }
0xac: {  	v2 =	vld.idx.msk [tilespmem:v2+s19+$0x0], $0xffff  }
0xad: {  	v3 =	vld.idx.msk [tilespmem:v3+s20+$0x0], $0xffff;
	_ =	sdelay $0x1  }
0xae: {  	v4 =	vld [tilespmem:$0x9C80];
	_ =	sdelay $0x2  }
0xaf: {  	v2 =	vadd.f32 v3, v2;
	_ =	sdelay $0x1  }
0xb0: {  	v2 =	vadd.f32 v2, v4;
	_ =	sdelay $0x1  }
0xb1: {  	v3 =	vmul.f32 $2.000000030e-01, v2  }
0xb2: {  	vm15 =	vge.f32 v2, $0.0e+00  }
0xb3: {  	v2 =	vsel vm15, v2, v3  }
0xb4: {  	v2 =	vmul.f32 $1.442695020e+00, v2;
	_ =	sdelay $0x1  }
0xb5: {  	v3 =	vadd.f32 $1.258291200e+07, v2;
	_ =	sdelay $0x1  }
0xb6: {  	v3 =	vadd.f32 $-1.258291200e+07, v3;
	_ =	sdelay $0x1  }
0xb7: {  	v2 =	vsub.f32 v2, v3;
	_ =	sdelay $0x1  }
0xb8: {  	v4 =	vmul.f32 $1.326092050e-03, v2;
	_ =	sdelay $0x1  }
0xb9: {  	v4 =	vadd.f32 $9.670175610e-03, v4;
	_ =	sdelay $0x1  }
0xba: {  	v4 =	vmul.f32 v4, v2;
	_ =	sdelay $0x1  }
0xbb: {  	v4 =	vadd.f32 $5.550712350e-02, v4;
	_ =	sdelay $0x1  }
0xbc: {  	v4 =	vmul.f32 v4, v2;
	_ =	sdelay $0x1  }
0xbd: {  	v4 =	vadd.f32 $2.402222450e-01, v4;
	_ =	sdelay $0x1  }
0xbe: {  	v4 =	vmul.f32 v4, v2;
	_ =	sdelay $0x1  }
0xbf: {  	v5 =	vmov s7;
	v4 =	vadd.f32 $6.931470030e-01, v4  }
0xc0: {  	v5 =	vshrl.u32 v5, $0x3;
	v3 =	vtrunc.f32 v3  }
0xc1: {  	v3 =	vcvt.f32.s32 v3;
	v2 =	vmul.f32 v4, v2;
	v4 =	vshll.u32 v5, v0  }
0xc2: {  	v4 =	vbroadcast v4, $0x0  }
0xc3: {  	v3 =	vshll.u32 v3, $0x17;
	v2 =	vadd.f32 $1.000000000e+00, v2  }
0xc4: {  	v3 =	vadd.s32 $0x3F800000, v3  }
0xc5: {  	v2 =	vmul.f32 v3, v2;
	_ =	sdelay $0x1  }
0xc6: {  	[tilespmem:$0xEB40] =	vst v2  }
0xc7: {  	s8 =	simm.s32 $0xEC90;
	v2 =	vld.idx.msk [tilespmem:v4+s29+$0x0], $0xffff  }
0xc8: {  	v3 =	vld [tilespmem:s8+$0xFFFFFEC0]  }
0xc9: {  	s9 =	simm.s32 $0x1  }
0xca: {  	v5 =	vmov s9;
	v4 =	vld [tilespmem:s8+$0xFFFFFEF0]  }
0xcb: {  	v5 =	vshrl.u32 v5, $0x3;
	v6 =	vld [tilespmem:s8+$0xFFFFFED0]  }
0xcc: {  	v5 =	vshll.u32 v5, v0;
	v7 =	vld [tilespmem:s8+$0xFFFFFEE0]  }
0xcd: {  	v5 =	vadd.s32 $0x1, v5;
	v3 =	vmul.f32 v3, v2  }
0xce: {  	v5 =	vbroadcast v5, $0x0;
	v8 =	vmul.f32 v1, v2  }
0xcf: {  	[tilespmem:s8+$0xFFFFFEC0] =	vst v3;
	v3 =	vmul.f32 v4, v2  }
0xd0: {  	v4 =	vmul.f32 v6, v2;
	[tilespmem:s8+$0xFFFFFF00] =	vst v8  }
0xd1: {  	v2 =	vmul.f32 v7, v2;
	[tilespmem:s8+$0xFFFFFEF0] =	vst v3  }
0xd2: {  	[tilespmem:s8+$0xFFFFFED0] =	vst v4  }
0xd3: {  	[tilespmem:s8+$0xFFFFFEE0] =	vst v2;
	v2 =	vld [tilespmem:s8+$0xFFFFFF20]  }
0xd4: {  	v3 =	vld.idx.msk [tilespmem:v5+s29+$0x0], $0xffff  }
0xd5: {  	s11 =	simm.s32 $0x2;
	v4 =	vld [tilespmem:s8+$0xFFFFFF10]  }
0xd6: {  	v6 =	vmov s11;
	v5 =	vld [tilespmem:s8+$0xFFFFFF40]  }
0xd7: {  	v6 =	vshrl.u32 v6, $0x3  }
0xd8: {  	v7 =	vld [tilespmem:s8+$0xFFFFFF30];
	v6 =	vshll.u32 v6, v0  }
0xd9: {  	v6 =	vadd.s32 $0x2, v6;
	v2 =	vmul.f32 v2, v3  }
0xda: {  	v6 =	vbroadcast v6, $0x0;
	v4 =	vmul.f32 v4, v3  }
0xdb: {  	[tilespmem:s8+$0xFFFFFF20] =	vst v2;
	v2 =	vmul.f32 v5, v3  }
0xdc: {  	v5 =	vmul.f32 v1, v3;
	[tilespmem:s8+$0xFFFFFF10] =	vst v4  }
0xdd: {  	v3 =	vmul.f32 v7, v3;
	[tilespmem:s8+$0xFFFFFF40] =	vst v2  }
0xde: {  	[tilespmem:s8+$0xFFFFFF50] =	vst v5  }
0xdf: {  	[tilespmem:s8+$0xFFFFFF30] =	vst v3;
	v3 =	vld [tilespmem:s8+$0xFFFFFF60]  }
0xe0: {  	v2 =	vld.idx.msk [tilespmem:v6+s29+$0x0], $0xffff  }
0xe1: {  	s12 =	simm.s32 $0x3;
	v4 =	vld [tilespmem:s8+$0xFFFFFF70]  }
0xe2: {  	v5 =	vld [tilespmem:s8+$0xFFFFFF90];
	v6 =	vmov s12  }
0xe3: {  	v6 =	vshrl.u32 v6, $0x3  }
0xe4: {  	v7 =	vld [tilespmem:s8+$0xFFFFFF80];
	v6 =	vshll.u32 v6, v0  }
0xe5: {  	v6 =	vadd.s32 $0x3, v6;
	v3 =	vmul.f32 v3, v2  }
0xe6: {  	v6 =	vbroadcast v6, $0x0;
	v4 =	vmul.f32 v4, v2  }
0xe7: {  	[tilespmem:s8+$0xFFFFFF60] =	vst v3;
	v3 =	vmul.f32 v5, v2  }
0xe8: {  	v5 =	vmul.f32 v1, v2;
	[tilespmem:s8+$0xFFFFFF70] =	vst v4  }
0xe9: {  	v2 =	vmul.f32 v7, v2;
	[tilespmem:s8+$0xFFFFFF90] =	vst v3  }
0xea: {  	[tilespmem:s8+$0xFFFFFFA0] =	vst v5  }
0xeb: {  	[tilespmem:s8+$0xFFFFFF80] =	vst v2;
	v3 =	vld [tilespmem:s8+$0xFFFFFFB0]  }
0xec: {  	v2 =	vld.idx.msk [tilespmem:v6+s29+$0x0], $0xffff  }
0xed: {  	s13 =	simm.s32 $0x4  }
0xee: {  	v4 =	vld [tilespmem:s8+$0xFFFFFFC0];
	v5 =	vmov s13  }
0xef: {  	v6 =	vld [tilespmem:s8+$0xFFFFFFE0];
	v5 =	vshrl.u32 v5, $0x3  }
0xf0: {  	v7 =	vld [tilespmem:s8+$0xFFFFFFD0];
	v5 =	vshll.u32 v5, v0  }
0xf1: {  	v5 =	vadd.s32 $0x4, v5;
	v3 =	vmul.f32 v3, v2  }
0xf2: {  	v5 =	vbroadcast v5, $0x0;
	v62 =	vmul.f32 v1, v2  }
0xf3: {  	[tilespmem:s8+$0xFFFFFFB0] =	vst v3;
	v3 =	vmul.f32 v4, v2  }
0xf4: {  	v4 =	vmul.f32 v6, v2;
	[tilespmem:s8+$0xFFFFFFF0] =	vst v62  }
0xf5: {  	v2 =	vmul.f32 v7, v2;
	[tilespmem:s8+$0xFFFFFFC0] =	vst v3  }
0xf6: {  	[tilespmem:s8+$0xFFFFFFE0] =	vst v4  }
0xf7: {  	[tilespmem:s8+$0xFFFFFFD0] =	vst v2;
	v2 =	vld [tilespmem:s8+$0x0]  }
0xf8: {  	v4 =	vld.idx.msk [tilespmem:v5+s29+$0x0], $0xffff  }
0xf9: {  	s14 =	simm.s32 $0x5  }
0xfa: {  	v3 =	vmov s14;
	v5 =	vld [tilespmem:s8+$0x10]  }
0xfb: {  	v6 =	vld [tilespmem:s8+$0x20];
	v3 =	vshrl.u32 v3, $0x3  }
0xfc: {  	v7 =	vld [tilespmem:s8+$0x30];
	v3 =	vshll.u32 v3, v0  }
0xfd: {  	v63 =	vmul.f32 v2, v4;
	v2 =	vadd.s32 $0x5, v3  }
0xfe: {  	v9 =	vmul.f32 v1, v4;
	v10 =	vbroadcast v2, $0x0  }
0xff: {  	v5 =	vmul.f32 v5, v4;
	[tilespmem:s8+$0x0] =	vst v63  }
0x100: {  	v6 =	vmul.f32 v6, v4;
	[tilespmem:s8+$0x40] =	vst v9  }
0x101: {  	v4 =	vmul.f32 v7, v4;
	[tilespmem:s8+$0x10] =	vst v5  }
0x102: {  	v3 =	vld [tilespmem:s8+$0x50];
	[tilespmem:s8+$0x20] =	vst v6  }
0x103: {  	v2 =	vld [tilespmem:s8+$0x60];
	[tilespmem:s8+$0x30] =	vst v4  }
0x104: {  	s9 =	sadd.s32 $0x4E20, s23;
	s11 =	simm.s32 $0x8;
	s12 =	simm.s32 $0xEC90;
	v4 =	vld.idx.msk [tilespmem:v10+s29+$0x0], $0xffff  }
.LBB2_3:
0x105: {  	p0 =	slt.u32 s11, $0x48;
	v5 =	vld [tilespmem:s8+$0x80];
	s13 =	sadd.s32 $0x6, s7;
	s12 =	sadd.s32 $0x280, s12  }
0x106: {  	v6 =	vld [tilespmem:s8+$0x70];
	v7 =	vmov s13;
	s13 =	smov.u32 s11;
	s11 =	sadd.s32 $0x8, s11  }
0x107: {  	v7 =	vshrl.u32 v7, $0x3  }
0x108: {  	v7 =	vshll.u32 v7, v0  }
0x109: {  	v8 =	vmul.f32 v1, v4;
	v7 =	vadd.s32 $0x6, v7  }
0x10a: {  	v3 =	vmul.f32 v3, v4;
	v7 =	vbroadcast v7, $0x0  }
0x10b: {  	v5 =	vmul.f32 v5, v4;
	v6 =	vmul.f32 v6, v4;
	[tilespmem:s8+$0x90] =	vst v8  }
0x10c: {  	v2 =	vmul.f32 v2, v4;
	[tilespmem:s8+$0x50] =	vst v3  }
0x10d: {  	v3 =	vld [tilespmem:s12+$0x50];
	[tilespmem:s8+$0x80] =	vst v5  }
0x10e: {  	[tilespmem:s8+$0x60] =	vst v2;
	v4 =	vld [tilespmem:s8+$0xA0]  }
0x10f: {  	v2 =	vld [tilespmem:s12+$0x60];
	[tilespmem:s8+$0x70] =	vst v6  }
0x110: {  	v5 =	vld.idx.msk [tilespmem:v7+s29+$0x0], $0xffff  }
0x111: {  	v6 =	vld [tilespmem:s8+$0xC0]  }
0x112: {  	s14 =	sadd.s32 $0x7, s7;
	s7 =	smov.u32 s13;
	v7 =	vld [tilespmem:s8+$0xD0]  }
0x113: {  	v9 =	vmov s14;
	v8 =	vld [tilespmem:s8+$0xB0]  }
0x114: {  	v9 =	vshrl.u32 v9, $0x3  }
0x115: {  	v9 =	vshll.u32 v9, v0  }
0x116: {  	v9 =	vadd.s32 $0x7, v9;
	v4 =	vmul.f32 v4, v5;
	v10 =	vmul.f32 v1, v5  }
0x117: {  	v9 =	vbroadcast v9, $0x0;
	v6 =	vmul.f32 v6, v5  }
0x118: {  	[tilespmem:s8+$0xA0] =	vst v4;
	v4 =	vmul.f32 v8, v5;
	v5 =	vmul.f32 v7, v5  }
0x119: {  	[tilespmem:s8+$0xE0] =	vst v10  }
0x11a: {  	[tilespmem:s8+$0xB0] =	vst v4  }
0x11b: {  	[tilespmem:s8+$0xC0] =	vst v6  }
0x11c: {  	[tilespmem:s8+$0xD0] =	vst v5;
	v4 =	vld [tilespmem:s8+$0xF0]  }
0x11d: {  	v5 =	vld.idx.msk [tilespmem:v9+s29+$0x0], $0xffff  }
0x11e: {  	v6 =	vld [tilespmem:s8+$0x100]  }
0x11f: {  	v7 =	vld [tilespmem:s8+$0x110]  }
0x120: {  	v8 =	vld [tilespmem:s8+$0x120]  }
0x121: {  	v9 =	vmov s7  }
0x122: {  	v9 =	vshrl.u32 v9, $0x3  }
0x123: {  	v9 =	vshll.u32 v9, v0;
	v4 =	vmul.f32 v4, v5;
	v6 =	vmul.f32 v6, v5  }
0x124: {  	v9 =	vbroadcast v9, $0x0;
	v7 =	vmul.f32 v7, v5  }
0x125: {  	[tilespmem:s8+$0xF0] =	vst v4;
	v4 =	vmul.f32 v8, v5;
	v5 =	vmul.f32 v1, v5  }
0x126: {  	[tilespmem:s8+$0x110] =	vst v7  }
0x127: {  	[tilespmem:s8+$0x130] =	vst v5  }
0x128: {  	[tilespmem:s8+$0x100] =	vst v6  }
0x129: {  	v5 =	vld [tilespmem:s12+$0xFFFFFEF0];
	[tilespmem:s8+$0x120] =	vst v4;
	s8 =	smov.u32 s12  }
0x12a: {  	v4 =	vld.idx.msk [tilespmem:v9+s29+$0x0], $0xffff  }
0x12b: {  	v6 =	vld [tilespmem:s12+$0xFFFFFEC0]  }
0x12c: {  	s13 =	sadd.s32 $0x1, s7;
	v7 =	vld [tilespmem:s12+$0xFFFFFEE0]  }
0x12d: {  	v9 =	vmov s13;
	v8 =	vld [tilespmem:s12+$0xFFFFFED0]  }
0x12e: {  	v9 =	vshrl.u32 v9, $0x3  }
0x12f: {  	v9 =	vshll.u32 v9, v0  }
0x130: {  	v9 =	vadd.s32 $0x1, v9;
	v10 =	vmul.f32 v1, v4;
	v6 =	vmul.f32 v6, v4  }
0x131: {  	v9 =	vbroadcast v9, $0x0;
	v7 =	vmul.f32 v7, v4  }
0x132: {  	[tilespmem:s12+$0xFFFFFEC0] =	vst v6;
	v6 =	vmul.f32 v8, v4;
	v4 =	vmul.f32 v5, v4  }
0x133: {  	[tilespmem:s12+$0xFFFFFF00] =	vst v10  }
0x134: {  	[tilespmem:s12+$0xFFFFFEF0] =	vst v4  }
0x135: {  	[tilespmem:s12+$0xFFFFFED0] =	vst v6;
	v4 =	vld [tilespmem:s12+$0xFFFFFF40]  }
0x136: {  	[tilespmem:s12+$0xFFFFFEE0] =	vst v7;
	v5 =	vld [tilespmem:s12+$0xFFFFFF20]  }
0x137: {  	v6 =	vld.idx.msk [tilespmem:v9+s29+$0x0], $0xffff  }
0x138: {  	v7 =	vld [tilespmem:s12+$0xFFFFFF10]  }
0x139: {  	s13 =	sadd.s32 $0x2, s7;
	v8 =	vld [tilespmem:s12+$0xFFFFFF30]  }
0x13a: {  	v9 =	vmov s13  }
0x13b: {  	v9 =	vshrl.u32 v9, $0x3  }
0x13c: {  	v9 =	vshll.u32 v9, v0  }
0x13d: {  	v9 =	vadd.s32 $0x2, v9;
	v5 =	vmul.f32 v5, v6;
	v7 =	vmul.f32 v7, v6  }
0x13e: {  	v9 =	vbroadcast v9, $0x0;
	v8 =	vmul.f32 v8, v6  }
0x13f: {  	v4 =	vmul.f32 v4, v6;
	[tilespmem:s12+$0xFFFFFF20] =	vst v5;
	v5 =	vmul.f32 v1, v6  }
0x140: {  	[tilespmem:s12+$0xFFFFFF10] =	vst v7  }
0x141: {  	[tilespmem:s12+$0xFFFFFF40] =	vst v4  }
0x142: {  	[tilespmem:s12+$0xFFFFFF50] =	vst v5;
	v4 =	vld [tilespmem:s12+$0xFFFFFF90]  }
0x143: {  	[tilespmem:s12+$0xFFFFFF30] =	vst v8;
	v5 =	vld [tilespmem:s12+$0xFFFFFF70]  }
0x144: {  	v6 =	vld.idx.msk [tilespmem:v9+s29+$0x0], $0xffff  }
0x145: {  	v7 =	vld [tilespmem:s12+$0xFFFFFF60]  }
0x146: {  	s13 =	sadd.s32 $0x3, s7;
	v8 =	vld [tilespmem:s12+$0xFFFFFF80]  }
0x147: {  	v9 =	vmov s13  }
0x148: {  	v9 =	vshrl.u32 v9, $0x3  }
0x149: {  	v9 =	vshll.u32 v9, v0  }
0x14a: {  	v9 =	vadd.s32 $0x3, v9;
	v5 =	vmul.f32 v5, v6;
	v7 =	vmul.f32 v7, v6  }
0x14b: {  	v9 =	vbroadcast v9, $0x0;
	v8 =	vmul.f32 v8, v6  }
0x14c: {  	v4 =	vmul.f32 v4, v6;
	v6 =	vmul.f32 v1, v6;
	[tilespmem:s12+$0xFFFFFF60] =	vst v7  }
0x14d: {  	[tilespmem:s12+$0xFFFFFF70] =	vst v5  }
0x14e: {  	[tilespmem:s12+$0xFFFFFF90] =	vst v4  }
0x14f: {  	[tilespmem:s12+$0xFFFFFFA0] =	vst v6  }
0x150: {  	[tilespmem:s12+$0xFFFFFF80] =	vst v8;
	v4 =	vld [tilespmem:s12+$0xFFFFFFE0]  }
0x151: {  	v5 =	vld.idx.msk [tilespmem:v9+s29+$0x0], $0xffff  }
0x152: {  	v6 =	vld [tilespmem:s12+$0xFFFFFFB0]  }
0x153: {  	s13 =	sadd.s32 $0x4, s7;
	v7 =	vld [tilespmem:s12+$0xFFFFFFD0]  }
0x154: {  	v9 =	vmov s13;
	v8 =	vld [tilespmem:s12+$0xFFFFFFC0]  }
0x155: {  	v9 =	vshrl.u32 v9, $0x3  }
0x156: {  	v9 =	vshll.u32 v9, v0  }
0x157: {  	v9 =	vadd.s32 $0x4, v9;
	v10 =	vmul.f32 v1, v5;
	v6 =	vmul.f32 v6, v5  }
0x158: {  	v9 =	vbroadcast v9, $0x0;
	v7 =	vmul.f32 v7, v5  }
0x159: {  	v4 =	vmul.f32 v4, v5;
	[tilespmem:s12+$0xFFFFFFB0] =	vst v6;
	v6 =	vmul.f32 v8, v5  }
0x15a: {  	[tilespmem:s12+$0xFFFFFFF0] =	vst v10  }
0x15b: {  	[tilespmem:s12+$0xFFFFFFC0] =	vst v6  }
0x15c: {  	[tilespmem:s12+$0xFFFFFFE0] =	vst v4  }
0x15d: {  	[tilespmem:s12+$0xFFFFFFD0] =	vst v7;
	v4 =	vld [tilespmem:s12+$0x30]  }
0x15e: {  	v5 =	vld.idx.msk [tilespmem:v9+s29+$0x0], $0xffff  }
0x15f: {  	v6 =	vld [tilespmem:s12+$0x0]  }
0x160: {  	s13 =	sadd.s32 $0x5, s7;
	v7 =	vld [tilespmem:s12+$0x20]  }
0x161: {  	v9 =	vmov s13;
	v8 =	vld [tilespmem:s12+$0x10]  }
0x162: {  	v9 =	vshrl.u32 v9, $0x3  }
0x163: {  	v9 =	vshll.u32 v9, v0  }
0x164: {  	v9 =	vadd.s32 $0x5, v9;
	v10 =	vmul.f32 v1, v5;
	v6 =	vmul.f32 v6, v5  }
0x165: {  	v9 =	vbroadcast v9, $0x0;
	v7 =	vmul.f32 v7, v5  }
0x166: {  	v4 =	vmul.f32 v4, v5;
	[tilespmem:s12+$0x0] =	vst v6;
	v6 =	vmul.f32 v8, v5  }
.Ltmp0:
0x167: {  	[tilespmem:s12+$0x40] =	vst v10;
	(pc) =	sbr.rel @p0 .LBB2_3-.Ltmp0, $4  }
0x168: {  	[tilespmem:s12+$0x10] =	vst v6  }
0x169: {  	[tilespmem:s12+$0x20] =	vst v7  }
0x16a: {  	[tilespmem:s12+$0x30] =	vst v4  }
0x16b: {  	v4 =	vld.idx.msk [tilespmem:v9+s29+$0x0], $0xffff  }
0x16c: {  	s11 =	sadd.s32 $0x6, s7  }
0x16d: {  	v6 =	vmov s11  }
0x16e: {  	v5 =	vld [tilespmem:s8+$0x80];
	v6 =	vshrl.u32 v6, $0x3  }
0x16f: {  	v7 =	vld [tilespmem:s8+$0x70];
	v6 =	vshll.u32 v6, v0  }
0x170: {  	v8 =	vmul.f32 v1, v4;
	v6 =	vadd.s32 $0x6, v6  }
0x171: {  	v3 =	vmul.f32 v3, v4;
	v6 =	vbroadcast v6, $0x0  }
0x172: {  	v2 =	vmul.f32 v2, v4;
	[tilespmem:s8+$0x90] =	vst v8  }
0x173: {  	v5 =	vmul.f32 v5, v4;
	[tilespmem:s8+$0x50] =	vst v3  }
0x174: {  	v3 =	vmul.f32 v7, v4;
	[tilespmem:s8+$0x60] =	vst v2  }
0x175: {  	[tilespmem:s8+$0x80] =	vst v5  }
0x176: {  	v2 =	vld [tilespmem:s8+$0xA0];
	[tilespmem:s8+$0x70] =	vst v3  }
0x177: {  	v3 =	vld.idx.msk [tilespmem:v6+s29+$0x0], $0xffff  }
0x178: {  	s14 =	sadd.s32 $0x7, s7  }
0x179: {  	v4 =	vld [tilespmem:s8+$0xB0];
	v6 =	vmov s14  }
0x17a: {  	v5 =	vld [tilespmem:s8+$0xC0];
	v6 =	vshrl.u32 v6, $0x3  }
0x17b: {  	v7 =	vld [tilespmem:s8+$0xD0];
	v6 =	vshll.u32 v6, v0  }
0x17c: {  	v6 =	vadd.s32 $0x7, v6;
	v2 =	vmul.f32 v2, v3  }
0x17d: {  	v6 =	vbroadcast v6, $0x0;
	v60 =	vmul.f32 v1, v3  }
0x17e: {  	[tilespmem:s8+$0xA0] =	vst v2;
	v2 =	vmul.f32 v4, v3  }
0x17f: {  	v4 =	vmul.f32 v5, v3;
	[tilespmem:s8+$0xE0] =	vst v60  }
0x180: {  	v3 =	vmul.f32 v7, v3;
	[tilespmem:s8+$0xB0] =	vst v2  }
0x181: {  	[tilespmem:s8+$0xC0] =	vst v4  }
0x182: {  	[tilespmem:s8+$0xD0] =	vst v3;
	v2 =	vld [tilespmem:s8+$0xF0]  }
0x183: {  	v3 =	vld.idx.msk [tilespmem:v6+s29+$0x0], $0xffff  }
0x184: {  	v4 =	vld [tilespmem:s8+$0x110]  }
0x185: {  	v5 =	vld [tilespmem:s8+$0x100];
	_ =	sdelay $0x1  }
0x186: {  	v6 =	vld [tilespmem:s8+$0x120]  }
0x187: {  	v2 =	vmul.f32 v2, v3  }
0x188: {  	v4 =	vmul.f32 v4, v3  }
0x189: {  	v5 =	vmul.f32 v5, v3;
	[tilespmem:s8+$0xF0] =	vst v2  }
0x18a: {  	v2 =	vmul.f32 v1, v3;
	[tilespmem:s8+$0x110] =	vst v4  }
0x18b: {  	v3 =	vmul.f32 v6, v3;
	[tilespmem:s8+$0x100] =	vst v5  }
0x18c: {  	[tilespmem:s8+$0x130] =	vst v2  }
0x18d: {  	[tilespmem:s8+$0x120] =	vst v3  }
0x18e: {  	[spmem:s2] =	stream.indirect.scatter.add.f32 [tilespmem:s22], [sflag:$0x5], $0x50, s9, s21, $0xb8;
	[tilespmem:$0x1E2D0] =	vst v63  }
0x18f: {  	p0 =	seq.s32 s0, $0x7C;
	_ =	swait.ge [sflag:s17], $0x1900  }
0x190: {  	s7 =	sadd.s32 @!p0 $0xA0, s23;
	[sflag:s17] =	ssyncset.done $0x0  }
0x191: {  	s8 =	simm.s32 @!p0 $0x50;
	s9 =	simm.s32 @!p0 $0xEB50;
	[sflag:s17] =	ssyncadd.s32 $0xFFFFE700  }
0x192: {  	[tilespmem:s9], [sflag:$0x1] =	stream.indirect.gather @!p0 [hbm4b:s5+s8], $0x50, s7, s8, $0xb8;
	[tilespmem:$0x1E2D0] =	vst v63  }
0x193: {  	s7 =	sadd.s32 @!p0 s4, s7  }
0x194: {  	s7 =	sshrl.u32 @!p0 s7, $0x3  }
0x195: {  	s8 =	simm.s32 @!p0 $0x0;
	s9 =	simm.s32 @!p0 $0x9C40;
	s7 =	sadd.s32 @!p0 s6, s7  }
0x196: {  	[tilespmem:s9], [sflag:$0x3] =	stream.linear.gather @!p0 [hbm4b:s7+s8], $0x50, $0x38;
	[tilespmem:$0x1E2D0] =	vst v63  }
0x197: {  	_ =	swait.ge [sflag:s30], $0x1900  }
0x198: {  	[sflag:s30] =	ssyncset.done $0x0  }
0x199: {  	[sflag:s30] =	ssyncadd.s32 $0xFFFFE700  }
0x19a: {  	_ =	swait.ge [sflag:s31], $0x50  }
0x19b: {  	[sflag:s31] =	ssyncset.done $0x0  }
0x19c: {  	[sflag:s31] =	ssyncadd.s32 $0xFFFFFFB0  }
0x19d: {  	v2 =	vld [tilespmem:s23+$0x50]  }
0x19e: {  	v3 =	vld [tilespmem:s18+$0x4E20];
	_ =	sdelay $0x6  }
0x19f: {  	v2 =	vld.idx.msk [tilespmem:v2+s19+$0x0], $0xffff  }
0x1a0: {  	v3 =	vld.idx.msk [tilespmem:v3+s20+$0x0], $0xffff;
	_ =	sdelay $0x1  }
0x1a1: {  	v4 =	vld [tilespmem:$0x9C90];
	_ =	sdelay $0x2  }
0x1a2: {  	v2 =	vadd.f32 v3, v2;
	_ =	sdelay $0x1  }
0x1a3: {  	v2 =	vadd.f32 v2, v4;
	_ =	sdelay $0x1  }
0x1a4: {  	v3 =	vmul.f32 $2.000000030e-01, v2  }
0x1a5: {  	vm0 =	vge.f32 v2, $0.0e+00  }
0x1a6: {  	v2 =	vsel vm0, v2, v3  }
0x1a7: {  	v2 =	vmul.f32 $1.442695020e+00, v2;
	_ =	sdelay $0x1  }
0x1a8: {  	v3 =	vadd.f32 $1.258291200e+07, v2;
	_ =	sdelay $0x1  }
0x1a9: {  	v3 =	vadd.f32 $-1.258291200e+07, v3;
	_ =	sdelay $0x1  }
0x1aa: {  	v2 =	vsub.f32 v2, v3;
	_ =	sdelay $0x1  }
0x1ab: {  	v4 =	vmul.f32 $1.326092050e-03, v2;
	_ =	sdelay $0x1  }
0x1ac: {  	v4 =	vadd.f32 $9.670175610e-03, v4;
	_ =	sdelay $0x1  }
0x1ad: {  	v4 =	vmul.f32 v4, v2;
	_ =	sdelay $0x1  }
0x1ae: {  	v4 =	vadd.f32 $5.550712350e-02, v4;
	_ =	sdelay $0x1  }
0x1af: {  	v4 =	vmul.f32 v4, v2;
	_ =	sdelay $0x1  }
0x1b0: {  	v4 =	vadd.f32 $2.402222450e-01, v4;
	_ =	sdelay $0x1  }
0x1b1: {  	v4 =	vmul.f32 v4, v2;
	_ =	sdelay $0x1  }
0x1b2: {  	v4 =	vadd.f32 $6.931470030e-01, v4  }
0x1b3: {  	v3 =	vtrunc.f32 v3  }
0x1b4: {  	v3 =	vcvt.f32.s32 v3;
	v2 =	vmul.f32 v4, v2;
	_ =	sdelay $0x1  }
0x1b5: {  	v3 =	vshll.u32 v3, $0x17;
	v2 =	vadd.f32 $1.000000000e+00, v2  }
0x1b6: {  	v3 =	vadd.s32 $0x3F800000, v3  }
0x1b7: {  	v2 =	vmul.f32 v3, v2;
	_ =	sdelay $0x1  }
0x1b8: {  	[tilespmem:$0xEB00] =	vst v2  }
0x1b9: {  	v2 =	vld [tilespmem:s23+$0x60]  }
0x1ba: {  	v3 =	vld [tilespmem:s23+$0x4E80];
	_ =	sdelay $0x6  }
0x1bb: {  	v2 =	vld.idx.msk [tilespmem:v2+s19+$0x0], $0xffff  }
0x1bc: {  	v3 =	vld.idx.msk [tilespmem:v3+s20+$0x0], $0xffff;
	_ =	sdelay $0x1  }
0x1bd: {  	v4 =	vld [tilespmem:$0x9CA0];
	_ =	sdelay $0x2  }
0x1be: {  	v2 =	vadd.f32 v3, v2;
	_ =	sdelay $0x1  }
0x1bf: {  	v2 =	vadd.f32 v2, v4;
	_ =	sdelay $0x1  }
0x1c0: {  	v3 =	vmul.f32 $2.000000030e-01, v2  }
0x1c1: {  	vm12 =	vge.f32 v2, $0.0e+00  }
0x1c2: {  	v2 =	vsel vm12, v2, v3  }
0x1c3: {  	v2 =	vmul.f32 $1.442695020e+00, v2;
	_ =	sdelay $0x1  }
0x1c4: {  	v3 =	vadd.f32 $1.258291200e+07, v2;
	_ =	sdelay $0x1  }
0x1c5: {  	v3 =	vadd.f32 $-1.258291200e+07, v3;
	_ =	sdelay $0x1  }
0x1c6: {  	v2 =	vsub.f32 v2, v3;
	_ =	sdelay $0x1  }
0x1c7: {  	v4 =	vmul.f32 $1.326092050e-03, v2;
	_ =	sdelay $0x1  }
0x1c8: {  	v4 =	vadd.f32 $9.670175610e-03, v4;
	_ =	sdelay $0x1  }
0x1c9: {  	v4 =	vmul.f32 v4, v2;
	_ =	sdelay $0x1  }
0x1ca: {  	v4 =	vadd.f32 $5.550712350e-02, v4;
	_ =	sdelay $0x1  }
0x1cb: {  	v4 =	vmul.f32 v4, v2;
	_ =	sdelay $0x1  }
0x1cc: {  	v4 =	vadd.f32 $2.402222450e-01, v4;
	_ =	sdelay $0x1  }
0x1cd: {  	v4 =	vmul.f32 v4, v2;
	_ =	sdelay $0x1  }
0x1ce: {  	v4 =	vadd.f32 $6.931470030e-01, v4  }
0x1cf: {  	v3 =	vtrunc.f32 v3  }
0x1d0: {  	v3 =	vcvt.f32.s32 v3;
	v2 =	vmul.f32 v4, v2;
	_ =	sdelay $0x1  }
0x1d1: {  	v3 =	vshll.u32 v3, $0x17;
	v2 =	vadd.f32 $1.000000000e+00, v2  }
0x1d2: {  	v3 =	vadd.s32 $0x3F800000, v3  }
0x1d3: {  	v2 =	vmul.f32 v3, v2;
	_ =	sdelay $0x1  }
0x1d4: {  	[tilespmem:$0xEB10] =	vst v2  }
0x1d5: {  	v2 =	vld [tilespmem:s23+$0x70]  }
0x1d6: {  	v3 =	vld [tilespmem:s23+$0x4E90];
	_ =	sdelay $0x6  }
0x1d7: {  	v2 =	vld.idx.msk [tilespmem:v2+s19+$0x0], $0xffff  }
0x1d8: {  	v3 =	vld.idx.msk [tilespmem:v3+s20+$0x0], $0xffff;
	_ =	sdelay $0x1  }
0x1d9: {  	v4 =	vld [tilespmem:$0x9CB0];
	_ =	sdelay $0x2  }
0x1da: {  	v2 =	vadd.f32 v3, v2;
	_ =	sdelay $0x1  }
0x1db: {  	v2 =	vadd.f32 v2, v4;
	_ =	sdelay $0x1  }
0x1dc: {  	v3 =	vmul.f32 $2.000000030e-01, v2  }
0x1dd: {  	vm13 =	vge.f32 v2, $0.0e+00  }
0x1de: {  	v2 =	vsel vm13, v2, v3  }
0x1df: {  	v2 =	vmul.f32 $1.442695020e+00, v2;
	_ =	sdelay $0x1  }
0x1e0: {  	v3 =	vadd.f32 $1.258291200e+07, v2;
	_ =	sdelay $0x1  }
0x1e1: {  	v3 =	vadd.f32 $-1.258291200e+07, v3;
	_ =	sdelay $0x1  }
0x1e2: {  	v2 =	vsub.f32 v2, v3;
	_ =	sdelay $0x1  }
0x1e3: {  	v4 =	vmul.f32 $1.326092050e-03, v2;
	_ =	sdelay $0x1  }
0x1e4: {  	v4 =	vadd.f32 $9.670175610e-03, v4;
	_ =	sdelay $0x1  }
0x1e5: {  	v4 =	vmul.f32 v4, v2;
	_ =	sdelay $0x1  }
0x1e6: {  	v4 =	vadd.f32 $5.550712350e-02, v4;
	_ =	sdelay $0x1  }
0x1e7: {  	v4 =	vmul.f32 v4, v2;
	_ =	sdelay $0x1  }
0x1e8: {  	v4 =	vadd.f32 $2.402222450e-01, v4;
	_ =	sdelay $0x1  }
0x1e9: {  	v4 =	vmul.f32 v4, v2;
	_ =	sdelay $0x1  }
0x1ea: {  	v4 =	vadd.f32 $6.931470030e-01, v4  }
0x1eb: {  	v3 =	vtrunc.f32 v3  }
0x1ec: {  	v3 =	vcvt.f32.s32 v3;
	v2 =	vmul.f32 v4, v2;
	_ =	sdelay $0x1  }
0x1ed: {  	v3 =	vshll.u32 v3, $0x17;
	v2 =	vadd.f32 $1.000000000e+00, v2  }
0x1ee: {  	v3 =	vadd.s32 $0x3F800000, v3  }
0x1ef: {  	v2 =	vmul.f32 v3, v2;
	_ =	sdelay $0x1  }
0x1f0: {  	[tilespmem:$0xEB20] =	vst v2  }
0x1f1: {  	v2 =	vld [tilespmem:s23+$0x80]  }
0x1f2: {  	v3 =	vld [tilespmem:s23+$0x4EA0];
	_ =	sdelay $0x6  }
0x1f3: {  	v2 =	vld.idx.msk [tilespmem:v2+s19+$0x0], $0xffff  }
0x1f4: {  	v3 =	vld.idx.msk [tilespmem:v3+s20+$0x0], $0xffff;
	_ =	sdelay $0x1  }
0x1f5: {  	v4 =	vld [tilespmem:$0x9CC0];
	_ =	sdelay $0x2  }
0x1f6: {  	v2 =	vadd.f32 v3, v2;
	_ =	sdelay $0x1  }
0x1f7: {  	v2 =	vadd.f32 v2, v4;
	_ =	sdelay $0x1  }
0x1f8: {  	v3 =	vmul.f32 $2.000000030e-01, v2  }
0x1f9: {  	vm14 =	vge.f32 v2, $0.0e+00  }
0x1fa: {  	v2 =	vsel vm14, v2, v3  }
0x1fb: {  	v2 =	vmul.f32 $1.442695020e+00, v2;
	_ =	sdelay $0x1  }
0x1fc: {  	v3 =	vadd.f32 $1.258291200e+07, v2;
	_ =	sdelay $0x1  }
0x1fd: {  	v3 =	vadd.f32 $-1.258291200e+07, v3;
	_ =	sdelay $0x1  }
0x1fe: {  	v2 =	vsub.f32 v2, v3;
	_ =	sdelay $0x1  }
0x1ff: {  	v4 =	vmul.f32 $1.326092050e-03, v2;
	_ =	sdelay $0x1  }
0x200: {  	v4 =	vadd.f32 $9.670175610e-03, v4;
	_ =	sdelay $0x1  }
0x201: {  	v4 =	vmul.f32 v4, v2;
	_ =	sdelay $0x1  }
0x202: {  	v4 =	vadd.f32 $5.550712350e-02, v4;
	_ =	sdelay $0x1  }
0x203: {  	v4 =	vmul.f32 v4, v2;
	_ =	sdelay $0x1  }
0x204: {  	v4 =	vadd.f32 $2.402222450e-01, v4;
	_ =	sdelay $0x1  }
0x205: {  	v4 =	vmul.f32 v4, v2;
	_ =	sdelay $0x1  }
0x206: {  	v4 =	vadd.f32 $6.931470030e-01, v4  }
0x207: {  	v3 =	vtrunc.f32 v3  }
0x208: {  	v3 =	vcvt.f32.s32 v3;
	v2 =	vmul.f32 v4, v2;
	_ =	sdelay $0x1  }
0x209: {  	v3 =	vshll.u32 v3, $0x17;
	v2 =	vadd.f32 $1.000000000e+00, v2  }
0x20a: {  	v3 =	vadd.s32 $0x3F800000, v3  }
0x20b: {  	v2 =	vmul.f32 v3, v2;
	_ =	sdelay $0x1  }
0x20c: {  	[tilespmem:$0xEB30] =	vst v2  }
0x20d: {  	v2 =	vld [tilespmem:s23+$0x90]  }
0x20e: {  	v3 =	vld [tilespmem:s23+$0x4EB0];
	_ =	sdelay $0x6  }
0x20f: {  	v2 =	vld.idx.msk [tilespmem:v2+s19+$0x0], $0xffff  }
0x210: {  	v3 =	vld.idx.msk [tilespmem:v3+s20+$0x0], $0xffff;
	_ =	sdelay $0x1  }
0x211: {  	v4 =	vld [tilespmem:$0x9CD0];
	_ =	sdelay $0x2  }
0x212: {  	v2 =	vadd.f32 v3, v2;
	_ =	sdelay $0x1  }
0x213: {  	v2 =	vadd.f32 v2, v4;
	_ =	sdelay $0x1  }
0x214: {  	v3 =	vmul.f32 $2.000000030e-01, v2  }
0x215: {  	vm15 =	vge.f32 v2, $0.0e+00  }
0x216: {  	v2 =	vsel vm15, v2, v3  }
0x217: {  	v2 =	vmul.f32 $1.442695020e+00, v2;
	_ =	sdelay $0x1  }
0x218: {  	v3 =	vadd.f32 $1.258291200e+07, v2;
	_ =	sdelay $0x1  }
0x219: {  	v3 =	vadd.f32 $-1.258291200e+07, v3;
	_ =	sdelay $0x1  }
0x21a: {  	v2 =	vsub.f32 v2, v3;
	_ =	sdelay $0x1  }
0x21b: {  	v4 =	vmul.f32 $1.326092050e-03, v2;
	_ =	sdelay $0x1  }
0x21c: {  	v4 =	vadd.f32 $9.670175610e-03, v4;
	_ =	sdelay $0x1  }
0x21d: {  	v4 =	vmul.f32 v4, v2;
	_ =	sdelay $0x1  }
0x21e: {  	v4 =	vadd.f32 $5.550712350e-02, v4;
	_ =	sdelay $0x1  }
0x21f: {  	v4 =	vmul.f32 v4, v2;
	_ =	sdelay $0x1  }
0x220: {  	v4 =	vadd.f32 $2.402222450e-01, v4;
	_ =	sdelay $0x1  }
0x221: {  	v4 =	vmul.f32 v4, v2  }
0x222: {  	s8 =	simm.s32 $0x0  }
0x223: {  	v5 =	vmov s8;
	v4 =	vadd.f32 $6.931470030e-01, v4  }
0x224: {  	v5 =	vshrl.u32 v5, $0x3;
	v3 =	vtrunc.f32 v3  }
0x225: {  	v3 =	vcvt.f32.s32 v3;
	v2 =	vmul.f32 v4, v2;
	v4 =	vshll.u32 v5, v0  }
0x226: {  	v4 =	vbroadcast v4, $0x0  }
0x227: {  	v3 =	vshll.u32 v3, $0x17;
	v2 =	vadd.f32 $1.000000000e+00, v2  }
0x228: {  	v3 =	vadd.s32 $0x3F800000, v3  }
0x229: {  	v2 =	vmul.f32 v3, v2;
	_ =	sdelay $0x1  }
0x22a: {  	[tilespmem:$0xEB40] =	vst v2  }
0x22b: {  	s7 =	simm.s32 $0x10590;
	v2 =	vld.idx.msk [tilespmem:v4+s29+$0x0], $0xffff  }
0x22c: {  	v3 =	vld [tilespmem:s7+$0xFFFFFEC0]  }
0x22d: {  	s11 =	simm.s32 $0x1  }
0x22e: {  	v5 =	vmov s11;
	v4 =	vld [tilespmem:s7+$0xFFFFFEF0]  }
0x22f: {  	v5 =	vshrl.u32 v5, $0x3;
	v6 =	vld [tilespmem:s7+$0xFFFFFED0]  }
0x230: {  	v5 =	vshll.u32 v5, v0;
	v7 =	vld [tilespmem:s7+$0xFFFFFEE0]  }
0x231: {  	v5 =	vadd.s32 $0x1, v5;
	v3 =	vmul.f32 v3, v2  }
0x232: {  	v5 =	vbroadcast v5, $0x0;
	v61 =	vmul.f32 v1, v2  }
0x233: {  	[tilespmem:s7+$0xFFFFFEC0] =	vst v3;
	v3 =	vmul.f32 v4, v2  }
0x234: {  	v4 =	vmul.f32 v6, v2;
	[tilespmem:s7+$0xFFFFFF00] =	vst v61  }
0x235: {  	v2 =	vmul.f32 v7, v2;
	[tilespmem:s7+$0xFFFFFEF0] =	vst v3  }
0x236: {  	[tilespmem:s7+$0xFFFFFED0] =	vst v4  }
0x237: {  	[tilespmem:s7+$0xFFFFFEE0] =	vst v2;
	v2 =	vld [tilespmem:s7+$0xFFFFFF20]  }
0x238: {  	v3 =	vld.idx.msk [tilespmem:v5+s29+$0x0], $0xffff  }
0x239: {  	s12 =	simm.s32 $0x2;
	v4 =	vld [tilespmem:s7+$0xFFFFFF10]  }
0x23a: {  	v6 =	vmov s12;
	v5 =	vld [tilespmem:s7+$0xFFFFFF40]  }
0x23b: {  	v6 =	vshrl.u32 v6, $0x3  }
0x23c: {  	v7 =	vld [tilespmem:s7+$0xFFFFFF30];
	v6 =	vshll.u32 v6, v0  }
0x23d: {  	v6 =	vadd.s32 $0x2, v6;
	v2 =	vmul.f32 v2, v3  }
0x23e: {  	v6 =	vbroadcast v6, $0x0;
	v4 =	vmul.f32 v4, v3  }
0x23f: {  	[tilespmem:s7+$0xFFFFFF20] =	vst v2;
	v2 =	vmul.f32 v5, v3  }
0x240: {  	v5 =	vmul.f32 v1, v3;
	[tilespmem:s7+$0xFFFFFF10] =	vst v4  }
0x241: {  	v3 =	vmul.f32 v7, v3;
	[tilespmem:s7+$0xFFFFFF40] =	vst v2  }
0x242: {  	[tilespmem:s7+$0xFFFFFF50] =	vst v5  }
0x243: {  	[tilespmem:s7+$0xFFFFFF30] =	vst v3;
	v3 =	vld [tilespmem:s7+$0xFFFFFF60]  }
0x244: {  	v2 =	vld.idx.msk [tilespmem:v6+s29+$0x0], $0xffff  }
0x245: {  	s13 =	simm.s32 $0x3;
	v4 =	vld [tilespmem:s7+$0xFFFFFF70]  }
0x246: {  	v5 =	vld [tilespmem:s7+$0xFFFFFF90];
	v6 =	vmov s13  }
0x247: {  	v6 =	vshrl.u32 v6, $0x3  }
0x248: {  	v7 =	vld [tilespmem:s7+$0xFFFFFF80];
	v6 =	vshll.u32 v6, v0  }
0x249: {  	v6 =	vadd.s32 $0x3, v6;
	v3 =	vmul.f32 v3, v2  }
0x24a: {  	v6 =	vbroadcast v6, $0x0;
	v4 =	vmul.f32 v4, v2  }
0x24b: {  	[tilespmem:s7+$0xFFFFFF60] =	vst v3;
	v3 =	vmul.f32 v5, v2  }
0x24c: {  	v5 =	vmul.f32 v1, v2;
	[tilespmem:s7+$0xFFFFFF70] =	vst v4  }
0x24d: {  	v2 =	vmul.f32 v7, v2;
	[tilespmem:s7+$0xFFFFFF90] =	vst v3  }
0x24e: {  	[tilespmem:s7+$0xFFFFFFA0] =	vst v5  }
0x24f: {  	[tilespmem:s7+$0xFFFFFF80] =	vst v2;
	v3 =	vld [tilespmem:s7+$0xFFFFFFB0]  }
0x250: {  	v2 =	vld.idx.msk [tilespmem:v6+s29+$0x0], $0xffff  }
0x251: {  	s14 =	simm.s32 $0x4  }
0x252: {  	v4 =	vld [tilespmem:s7+$0xFFFFFFC0];
	v5 =	vmov s14  }
0x253: {  	v6 =	vld [tilespmem:s7+$0xFFFFFFE0];
	v5 =	vshrl.u32 v5, $0x3  }
0x254: {  	v7 =	vld [tilespmem:s7+$0xFFFFFFD0];
	v5 =	vshll.u32 v5, v0  }
0x255: {  	v5 =	vadd.s32 $0x4, v5;
	v3 =	vmul.f32 v3, v2  }
0x256: {  	v5 =	vbroadcast v5, $0x0;
	v62 =	vmul.f32 v1, v2  }
0x257: {  	[tilespmem:s7+$0xFFFFFFB0] =	vst v3;
	v3 =	vmul.f32 v4, v2  }
0x258: {  	v4 =	vmul.f32 v6, v2;
	[tilespmem:s7+$0xFFFFFFF0] =	vst v62  }
0x259: {  	v2 =	vmul.f32 v7, v2;
	[tilespmem:s7+$0xFFFFFFC0] =	vst v3  }
0x25a: {  	[tilespmem:s7+$0xFFFFFFE0] =	vst v4  }
0x25b: {  	[tilespmem:s7+$0xFFFFFFD0] =	vst v2;
	v2 =	vld [tilespmem:s7+$0x0]  }
0x25c: {  	v4 =	vld.idx.msk [tilespmem:v5+s29+$0x0], $0xffff  }
0x25d: {  	s23 =	simm.s32 $0x5  }
0x25e: {  	v3 =	vmov s23;
	v5 =	vld [tilespmem:s7+$0x10]  }
0x25f: {  	v6 =	vld [tilespmem:s7+$0x20];
	v3 =	vshrl.u32 v3, $0x3  }
0x260: {  	v7 =	vld [tilespmem:s7+$0x30];
	v3 =	vshll.u32 v3, v0  }
0x261: {  	v63 =	vmul.f32 v2, v4;
	v2 =	vadd.s32 $0x5, v3  }
0x262: {  	v9 =	vmul.f32 v1, v4;
	v10 =	vbroadcast v2, $0x0  }
0x263: {  	v5 =	vmul.f32 v5, v4;
	[tilespmem:s7+$0x0] =	vst v63  }
0x264: {  	v6 =	vmul.f32 v6, v4;
	[tilespmem:s7+$0x40] =	vst v9  }
0x265: {  	v4 =	vmul.f32 v7, v4;
	[tilespmem:s7+$0x10] =	vst v5  }
0x266: {  	v3 =	vld [tilespmem:s7+$0x50];
	[tilespmem:s7+$0x20] =	vst v6  }
0x267: {  	v2 =	vld [tilespmem:s7+$0x60];
	[tilespmem:s7+$0x30] =	vst v4  }
0x268: {  	s9 =	sadd.s32 $0x4E20, s18;
	s11 =	simm.s32 $0x8;
	s12 =	simm.s32 $0x10590;
	v4 =	vld.idx.msk [tilespmem:v10+s29+$0x0], $0xffff  }
.LBB2_5:
0x269: {  	p0 =	slt.u32 s11, $0x48;
	v5 =	vld [tilespmem:s7+$0x80];
	s13 =	sadd.s32 $0x6, s8;
	s12 =	sadd.s32 $0x280, s12  }
0x26a: {  	v6 =	vld [tilespmem:s7+$0x70];
	v7 =	vmov s13;
	s13 =	smov.u32 s11;
	s11 =	sadd.s32 $0x8, s11  }
0x26b: {  	v7 =	vshrl.u32 v7, $0x3  }
0x26c: {  	v7 =	vshll.u32 v7, v0  }
0x26d: {  	v8 =	vmul.f32 v1, v4;
	v7 =	vadd.s32 $0x6, v7  }
0x26e: {  	v3 =	vmul.f32 v3, v4;
	v7 =	vbroadcast v7, $0x0  }
0x26f: {  	v5 =	vmul.f32 v5, v4;
	v6 =	vmul.f32 v6, v4;
	[tilespmem:s7+$0x90] =	vst v8  }
0x270: {  	v2 =	vmul.f32 v2, v4;
	[tilespmem:s7+$0x50] =	vst v3  }
0x271: {  	v3 =	vld [tilespmem:s12+$0x50];
	[tilespmem:s7+$0x80] =	vst v5  }
0x272: {  	[tilespmem:s7+$0x60] =	vst v2;
	v4 =	vld [tilespmem:s7+$0xA0]  }
0x273: {  	v2 =	vld [tilespmem:s12+$0x60];
	[tilespmem:s7+$0x70] =	vst v6  }
0x274: {  	v5 =	vld.idx.msk [tilespmem:v7+s29+$0x0], $0xffff  }
0x275: {  	v6 =	vld [tilespmem:s7+$0xC0]  }
0x276: {  	s14 =	sadd.s32 $0x7, s8;
	s8 =	smov.u32 s13;
	v7 =	vld [tilespmem:s7+$0xD0]  }
0x277: {  	v9 =	vmov s14;
	v8 =	vld [tilespmem:s7+$0xB0]  }
0x278: {  	v9 =	vshrl.u32 v9, $0x3  }
0x279: {  	v9 =	vshll.u32 v9, v0  }
0x27a: {  	v9 =	vadd.s32 $0x7, v9;
	v4 =	vmul.f32 v4, v5;
	v10 =	vmul.f32 v1, v5  }
0x27b: {  	v9 =	vbroadcast v9, $0x0;
	v6 =	vmul.f32 v6, v5  }
0x27c: {  	[tilespmem:s7+$0xA0] =	vst v4;
	v4 =	vmul.f32 v8, v5;
	v5 =	vmul.f32 v7, v5  }
0x27d: {  	[tilespmem:s7+$0xE0] =	vst v10  }
0x27e: {  	[tilespmem:s7+$0xB0] =	vst v4  }
0x27f: {  	[tilespmem:s7+$0xC0] =	vst v6  }
0x280: {  	[tilespmem:s7+$0xD0] =	vst v5;
	v4 =	vld [tilespmem:s7+$0xF0]  }
0x281: {  	v5 =	vld.idx.msk [tilespmem:v9+s29+$0x0], $0xffff  }
0x282: {  	v6 =	vld [tilespmem:s7+$0x100]  }
0x283: {  	v7 =	vld [tilespmem:s7+$0x110]  }
0x284: {  	v8 =	vld [tilespmem:s7+$0x120]  }
0x285: {  	v9 =	vmov s8  }
0x286: {  	v9 =	vshrl.u32 v9, $0x3  }
0x287: {  	v9 =	vshll.u32 v9, v0;
	v4 =	vmul.f32 v4, v5;
	v6 =	vmul.f32 v6, v5  }
0x288: {  	v9 =	vbroadcast v9, $0x0;
	v7 =	vmul.f32 v7, v5  }
0x289: {  	[tilespmem:s7+$0xF0] =	vst v4;
	v4 =	vmul.f32 v8, v5;
	v5 =	vmul.f32 v1, v5  }
0x28a: {  	[tilespmem:s7+$0x110] =	vst v7  }
0x28b: {  	[tilespmem:s7+$0x130] =	vst v5  }
0x28c: {  	[tilespmem:s7+$0x100] =	vst v6  }
0x28d: {  	v5 =	vld [tilespmem:s12+$0xFFFFFEF0];
	[tilespmem:s7+$0x120] =	vst v4;
	s7 =	smov.u32 s12  }
0x28e: {  	v4 =	vld.idx.msk [tilespmem:v9+s29+$0x0], $0xffff  }
0x28f: {  	v6 =	vld [tilespmem:s12+$0xFFFFFEC0]  }
0x290: {  	s13 =	sadd.s32 $0x1, s8;
	v7 =	vld [tilespmem:s12+$0xFFFFFEE0]  }
0x291: {  	v9 =	vmov s13;
	v8 =	vld [tilespmem:s12+$0xFFFFFED0]  }
0x292: {  	v9 =	vshrl.u32 v9, $0x3  }
0x293: {  	v9 =	vshll.u32 v9, v0  }
0x294: {  	v9 =	vadd.s32 $0x1, v9;
	v10 =	vmul.f32 v1, v4;
	v6 =	vmul.f32 v6, v4  }
0x295: {  	v9 =	vbroadcast v9, $0x0;
	v7 =	vmul.f32 v7, v4  }
0x296: {  	[tilespmem:s12+$0xFFFFFEC0] =	vst v6;
	v6 =	vmul.f32 v8, v4;
	v4 =	vmul.f32 v5, v4  }
0x297: {  	[tilespmem:s12+$0xFFFFFF00] =	vst v10  }
0x298: {  	[tilespmem:s12+$0xFFFFFEF0] =	vst v4  }
0x299: {  	[tilespmem:s12+$0xFFFFFED0] =	vst v6;
	v4 =	vld [tilespmem:s12+$0xFFFFFF40]  }
0x29a: {  	[tilespmem:s12+$0xFFFFFEE0] =	vst v7;
	v5 =	vld [tilespmem:s12+$0xFFFFFF20]  }
0x29b: {  	v6 =	vld.idx.msk [tilespmem:v9+s29+$0x0], $0xffff  }
0x29c: {  	v7 =	vld [tilespmem:s12+$0xFFFFFF10]  }
0x29d: {  	s13 =	sadd.s32 $0x2, s8;
	v8 =	vld [tilespmem:s12+$0xFFFFFF30]  }
0x29e: {  	v9 =	vmov s13  }
0x29f: {  	v9 =	vshrl.u32 v9, $0x3  }
0x2a0: {  	v9 =	vshll.u32 v9, v0  }
0x2a1: {  	v9 =	vadd.s32 $0x2, v9;
	v5 =	vmul.f32 v5, v6;
	v7 =	vmul.f32 v7, v6  }
0x2a2: {  	v9 =	vbroadcast v9, $0x0;
	v8 =	vmul.f32 v8, v6  }
0x2a3: {  	v4 =	vmul.f32 v4, v6;
	[tilespmem:s12+$0xFFFFFF20] =	vst v5;
	v5 =	vmul.f32 v1, v6  }
0x2a4: {  	[tilespmem:s12+$0xFFFFFF10] =	vst v7  }
0x2a5: {  	[tilespmem:s12+$0xFFFFFF40] =	vst v4  }
0x2a6: {  	[tilespmem:s12+$0xFFFFFF50] =	vst v5;
	v4 =	vld [tilespmem:s12+$0xFFFFFF90]  }
0x2a7: {  	[tilespmem:s12+$0xFFFFFF30] =	vst v8;
	v5 =	vld [tilespmem:s12+$0xFFFFFF70]  }
0x2a8: {  	v6 =	vld.idx.msk [tilespmem:v9+s29+$0x0], $0xffff  }
0x2a9: {  	v7 =	vld [tilespmem:s12+$0xFFFFFF60]  }
0x2aa: {  	s13 =	sadd.s32 $0x3, s8;
	v8 =	vld [tilespmem:s12+$0xFFFFFF80]  }
0x2ab: {  	v9 =	vmov s13  }
0x2ac: {  	v9 =	vshrl.u32 v9, $0x3  }
0x2ad: {  	v9 =	vshll.u32 v9, v0  }
0x2ae: {  	v9 =	vadd.s32 $0x3, v9;
	v5 =	vmul.f32 v5, v6;
	v7 =	vmul.f32 v7, v6  }
0x2af: {  	v9 =	vbroadcast v9, $0x0;
	v8 =	vmul.f32 v8, v6  }
0x2b0: {  	v4 =	vmul.f32 v4, v6;
	v6 =	vmul.f32 v1, v6;
	[tilespmem:s12+$0xFFFFFF60] =	vst v7  }
0x2b1: {  	[tilespmem:s12+$0xFFFFFF70] =	vst v5  }
0x2b2: {  	[tilespmem:s12+$0xFFFFFF90] =	vst v4  }
0x2b3: {  	[tilespmem:s12+$0xFFFFFFA0] =	vst v6  }
0x2b4: {  	[tilespmem:s12+$0xFFFFFF80] =	vst v8;
	v4 =	vld [tilespmem:s12+$0xFFFFFFE0]  }
0x2b5: {  	v5 =	vld.idx.msk [tilespmem:v9+s29+$0x0], $0xffff  }
0x2b6: {  	v6 =	vld [tilespmem:s12+$0xFFFFFFB0]  }
0x2b7: {  	s13 =	sadd.s32 $0x4, s8;
	v7 =	vld [tilespmem:s12+$0xFFFFFFD0]  }
0x2b8: {  	v9 =	vmov s13;
	v8 =	vld [tilespmem:s12+$0xFFFFFFC0]  }
0x2b9: {  	v9 =	vshrl.u32 v9, $0x3  }
0x2ba: {  	v9 =	vshll.u32 v9, v0  }
0x2bb: {  	v9 =	vadd.s32 $0x4, v9;
	v10 =	vmul.f32 v1, v5;
	v6 =	vmul.f32 v6, v5  }
0x2bc: {  	v9 =	vbroadcast v9, $0x0;
	v7 =	vmul.f32 v7, v5  }
0x2bd: {  	v4 =	vmul.f32 v4, v5;
	[tilespmem:s12+$0xFFFFFFB0] =	vst v6;
	v6 =	vmul.f32 v8, v5  }
0x2be: {  	[tilespmem:s12+$0xFFFFFFF0] =	vst v10  }
0x2bf: {  	[tilespmem:s12+$0xFFFFFFC0] =	vst v6  }
0x2c0: {  	[tilespmem:s12+$0xFFFFFFE0] =	vst v4  }
0x2c1: {  	[tilespmem:s12+$0xFFFFFFD0] =	vst v7;
	v4 =	vld [tilespmem:s12+$0x30]  }
0x2c2: {  	v5 =	vld.idx.msk [tilespmem:v9+s29+$0x0], $0xffff  }
0x2c3: {  	v6 =	vld [tilespmem:s12+$0x0]  }
0x2c4: {  	s13 =	sadd.s32 $0x5, s8;
	v7 =	vld [tilespmem:s12+$0x20]  }
0x2c5: {  	v9 =	vmov s13;
	v8 =	vld [tilespmem:s12+$0x10]  }
0x2c6: {  	v9 =	vshrl.u32 v9, $0x3  }
0x2c7: {  	v9 =	vshll.u32 v9, v0  }
0x2c8: {  	v9 =	vadd.s32 $0x5, v9;
	v10 =	vmul.f32 v1, v5;
	v6 =	vmul.f32 v6, v5  }
0x2c9: {  	v9 =	vbroadcast v9, $0x0;
	v7 =	vmul.f32 v7, v5  }
0x2ca: {  	v4 =	vmul.f32 v4, v5;
	[tilespmem:s12+$0x0] =	vst v6;
	v6 =	vmul.f32 v8, v5  }
.Ltmp1:
0x2cb: {  	[tilespmem:s12+$0x40] =	vst v10;
	(pc) =	sbr.rel @p0 .LBB2_5-.Ltmp1, $4  }
0x2cc: {  	[tilespmem:s12+$0x10] =	vst v6  }
0x2cd: {  	[tilespmem:s12+$0x20] =	vst v7  }
0x2ce: {  	[tilespmem:s12+$0x30] =	vst v4  }
0x2cf: {  	v4 =	vld.idx.msk [tilespmem:v9+s29+$0x0], $0xffff  }
0x2d0: {  	s11 =	sadd.s32 $0x6, s8  }
0x2d1: {  	v6 =	vmov s11  }
0x2d2: {  	v5 =	vld [tilespmem:s7+$0x80];
	v6 =	vshrl.u32 v6, $0x3  }
0x2d3: {  	v7 =	vld [tilespmem:s7+$0x70];
	v6 =	vshll.u32 v6, v0  }
0x2d4: {  	v8 =	vmul.f32 v1, v4;
	v6 =	vadd.s32 $0x6, v6  }
0x2d5: {  	v3 =	vmul.f32 v3, v4;
	v6 =	vbroadcast v6, $0x0  }
0x2d6: {  	v2 =	vmul.f32 v2, v4;
	[tilespmem:s7+$0x90] =	vst v8  }
0x2d7: {  	v5 =	vmul.f32 v5, v4;
	[tilespmem:s7+$0x50] =	vst v3  }
0x2d8: {  	v3 =	vmul.f32 v7, v4;
	[tilespmem:s7+$0x60] =	vst v2  }
0x2d9: {  	[tilespmem:s7+$0x80] =	vst v5  }
0x2da: {  	v2 =	vld [tilespmem:s7+$0xA0];
	[tilespmem:s7+$0x70] =	vst v3  }
0x2db: {  	v3 =	vld.idx.msk [tilespmem:v6+s29+$0x0], $0xffff  }
0x2dc: {  	s23 =	sadd.s32 $0x7, s8  }
0x2dd: {  	v56 =	vld [tilespmem:s7+$0xC0];
	v57 =	vmov s23  }
0x2de: {  	v55 =	vld [tilespmem:s7+$0xB0];
	v6 =	vshrl.u32 v57, $0x3  }
0x2df: {  	v58 =	vld [tilespmem:s7+$0xD0];
	v6 =	vshll.u32 v6, v0  }
0x2e0: {  	v6 =	vadd.s32 $0x7, v6;
	v2 =	vmul.f32 v2, v3  }
0x2e1: {  	v6 =	vbroadcast v6, $0x0;
	v59 =	vmul.f32 v1, v3  }
0x2e2: {  	v60 =	vmul.f32 v56, v3;
	[tilespmem:s7+$0xA0] =	vst v2  }
0x2e3: {  	v2 =	vmul.f32 v55, v3;
	[tilespmem:s7+$0xE0] =	vst v59  }
0x2e4: {  	v3 =	vmul.f32 v58, v3;
	[tilespmem:s7+$0xC0] =	vst v60  }
0x2e5: {  	[tilespmem:s7+$0xB0] =	vst v2  }
0x2e6: {  	[tilespmem:s7+$0xD0] =	vst v3;
	v2 =	vld [tilespmem:s7+$0xF0]  }
0x2e7: {  	v3 =	vld.idx.msk [tilespmem:v6+s29+$0x0], $0xffff  }
0x2e8: {  	v61 =	vld [tilespmem:s7+$0x110]  }
0x2e9: {  	v62 =	vld [tilespmem:s7+$0x100];
	_ =	sdelay $0x1  }
0x2ea: {  	v63 =	vld [tilespmem:s7+$0x120]  }
0x2eb: {  	v2 =	vmul.f32 v2, v3  }
0x2ec: {  	v4 =	vmul.f32 v61, v3  }
0x2ed: {  	v5 =	vmul.f32 v62, v3;
	[tilespmem:s7+$0xF0] =	vst v2  }
0x2ee: {  	v2 =	vmul.f32 v1, v3;
	[tilespmem:s7+$0x110] =	vst v4  }
0x2ef: {  	s0 =	sadd.s32 $0x1, s0;
	v3 =	vmul.f32 v63, v3;
	[tilespmem:s7+$0x100] =	vst v5  }
0x2f0: {  	p0 =	sne.s32 s0, $0x7D;
	[tilespmem:s7+$0x130] =	vst v2  }
.Ltmp2:
0x2f1: {  	[tilespmem:s7+$0x120] =	vst v3;
	(pc) =	sbr.rel @p0 .LBB2_2-.Ltmp2, $4  }
0x2f2: {  	[spmem:s2] =	stream.indirect.scatter.add.f32 [tilespmem:s24], [sflag:$0x5], $0x50, s9, s21, $0xb8;
	[tilespmem:$0x1E2D0] =	vst v63  }
0x2f3: {  	_ =	swait.ge [sflag:s17], $0x1900  }
0x2f4: {  	[sflag:s17] =	ssyncset.done $0x0  }
0x2f5: {  	[sflag:s17] =	ssyncadd.s32 $0xFFFFE700  }
0x2f6: {  	s1 =	sadd.s32 $0x1, s1  }
0x2f7: {  	[bflag:$0x0] =	sbarrier.arrive $0xFFFF;
	p0 =	sne.s32 s1, s15  }
.Ltmp3:
0x2f8: {  	s0 =	rddreg [dreg:$0x9];
	(pc) =	sbr.rel @p0 .LBB2_1-.Ltmp3, $4  }
0x2f9: {  	[hbm:s0], [sflag:s10] =	dma.local [spmem:s16], $0x18B0  }
0x2fa: {  	_ =	swait.ge [sflag:s17], $0x18B0  }
0x2fb: {  	[sflag:s17] =	ssyncset.done $0x0  }
0x2fc: {  	[sflag:s17] =	ssyncadd.s32 $0xFFFFE750  }
0x2fd: {  	_ =	sfence.sel $0x180000  }
0x2fe: {  	[bflag:$0x0] =	sbarrier.arrive $0xFFFF  }
0x2ff: {  	_ =	strace $0x9000004D  }
0x300: {  	s0 =	stileid.u32;
	[bflag:$0x2] =	sbarrier.arrive $0xFFFF  }
0x301: {  	p0 =	sne.s32 s0, $0x0;
	s0 =	rddreg [dreg:$0x2]  }
0x302: {  	s0 =	sadd.s32 @!p0 $0x100000, s0  }
0x303: {  	[sflag:s0] =	ssyncadd.tile.s32 @!p0 $0x1;
	_ =	shalt  }
.Lfunc_end2:
_tile_overlayer_lowered:
.L_overlay_start_2:
0x304: {  	(tag) =	ssettag $0x2  }
0x305: {  	s0 =	rddreg [dreg:$0x0];
	s2 =	stileid.u32  }
0x306: {  	s1 =	rddreg [dreg:$0x1];
	p0 =	sne.s32 s2, $0x0  }
0x307: {  	s3 =	rddreg [dreg:$0x2];
	[bflag:$0x3] =	sbarrier.arrive $0xFFFF;
	s2 =	simm.s32 @!p0 $0x1C05  }
0x308: {  	[timem:s3], [sflag:s2] =	dma.local @!p0 [hbm:s0], s1  }
0x309: {  	s0 =	simm.s32 @!p0 $0x5  }
0x30a: {  	_ =	swait.ge @!p0 [sflag:s0], s1  }
0x30b: {  	s1 =	ssub.s32 @!p0 $0x0, s1;
	[sflag:s0] =	ssyncset.done @!p0 $0x0  }
0x30c: {  	[sflag:s0] =	ssyncadd.s32 @!p0 s1  }
0x30d: {  	[bflag:$0x3] =	sbarrier.arrive $0xFFFF  }
0x30e: {  	_ =	shalt  }

// kernel: kernel.22.cloned.1.call-start
scs
__scs_entry_jumppad:
0x0: {  	(pc) =	sbr.rel $0x88, $3  }
0x1: {  	(tag) =	ssettag $0x0;
	lr =	simm.s32 $0x1  }
0x2: {  	[smem:$0x3F8B] =	sst lr;
	_ =	strace $0xD0000000  }
0x3: {  	_ = 	snop  }
0x4: {  	_ = 	snop  }
0x5: {  	_ = 	snop  }
0x6: {  	_ = 	snop  }
0x7: {  	_ = 	snop  }
__scs_overlays_trampoline_lowered:
0x8: {  	[smem:$0x3F9A] =	sst s0  }
0x9: {  	[smem:$0x3F9B] =	sst s1  }
0xa: {  	[smem:$0x3F9C] =	sst s2  }
0xb: {  	[smem:$0x3F9D] =	sst s3  }
0xc: {  	[smem:$0x3F9E] =	sst s4  }
0xd: {  	[smem:$0x3F9F] =	sst s5  }
0xe: {  	[smem:$0x3FA0] =	sst s6  }
0xf: {  	[smem:$0x3FA1] =	sst s7  }
0x10: {  	[smem:$0x3FA2] =	sst s8  }
0x11: {  	[smem:$0x3FA3] =	sst s9;
	s0 =	simm.s32 @!p0 $0x0  }
0x12: {  	s1 =	sld [smem:$0x3F89];
	s0 =	simm.s32 @p0 $0x1  }
0x13: {  	[smem:$0x3FA4] =	sst s0;
	s0 =	simm.s32 @!p1 $0x0  }
0x14: {  	s2 =	sld [smem:$0x3F88];
	s0 =	simm.s32 @p1 $0x1  }
0x15: {  	[smem:$0x3FA5] =	sst s0;
	s0 =	simm.s32 @!p2 $0x0  }
0x16: {  	s3 =	sld [smem:$0x3FDB];
	s0 =	simm.s32 @p2 $0x1  }
0x17: {  	s4 =	simm.s32 $0x1BF5;
	[smem:$0x3FA7] =	sst s0  }
0x18: {  	s0 =	sld [smem:$0x3F8A];
	_ =	swait.ge [sflag:s4], $0x0  }
0x19: {  	s7 =	sld [smem:$0x3F8B]  }
0x1a: {  	s8 =	sadd.s32 $0xFFFFE003, lr  }
0x1b: {  	s9 =	sadd.s32 $0xFFFFFEF7, lr;
	s5 =	simm.s32 $0xFFFFFFFF;
	p2 =	slt.u32 s8, $0xFFFFF086  }
0x1c: {  	p1 =	slt.u32 s9, $0xF7A;
	s5 =	simm.s32 @!p2 $0x0  }
0x1d: {  	s5 =	simm.s32 @p1 $0x1;
	p0 =	seq.s32 s7, s2  }
0x1e: {  	s7 =	smul.u32 @!p0 $0xF7A, s2;
	p2 =	seq.s32 @!p0 s5, $0x0  }
0x1f: {  	s9 =	smul.u32 $0xF7A, s1;
	s8 =	simm.s32 @!p0 $0x1BF5;
	p2 =	por !p2, p0  }
0x20: {  	[sflag:s8] =	ssyncset.s32 @!p0 $0xFFFFF086;
	s6 =	sadd.s32 @!p0 s3, s7;
	s7 =	simm.s32 @!p0 $0x108  }
0x21: {  	s3 =	sadd.s32 s3, s9;
	s6 =	sadd.s32 @!p0 $0x88, s6;
	s7 =	simm.s32 @p2 $0x1082  }
0x22: {  	[simem:s7], [sflag:s8] =	dma.local @!p0 [hbm:s6], $0xF7A  }
0x23: {  	s9 =	sor.u32 $0xD0000000, s2;
	s6 =	simm.s32 $0x108;
	_ =	swait.ge @!p0 [sflag:s8], $0x0  }
0x24: {  	s3 =	sadd.s32 $0x88, s3;
	s6 =	simm.s32 @!p1 $0x1082;
	[sflag:s4] =	ssyncset.s32 $0xFFFFF086  }
0x25: {  	[simem:s6], [sflag:s4] =	dma.local [hbm:s3], $0xF7A  }
0x26: {  	[smem:$0x3F8B] =	sst s1;
	(tag) =	ssettag s2;
	_ =	strace s9  }
0x27: {  	s1 =	sld [smem:$0x3F9B]  }
0x28: {  	s2 =	sld [smem:$0x3F9C]  }
0x29: {  	s4 =	sld [smem:$0x3F9E]  }
0x2a: {  	p0 =	seq.s32 s5, $0x0;
	s5 =	sld [smem:$0x3F9F]  }
0x2b: {  	s6 =	sld [smem:$0x3FA0]  }
0x2c: {  	s7 =	sld [smem:$0x3FA1]  }
0x2d: {  	s3 =	simm.s32 $0x108;
	s8 =	sld [smem:$0x3FA2]  }
0x2e: {  	s3 =	simm.s32 @!p0 $0x1082;
	s9 =	sld [smem:$0x3FA3]  }
0x2f: {  	lr =	sadd.s32 s0, s3;
	s0 =	sld [smem:$0x3F9A]  }
0x30: {  	s3 =	sld [smem:$0x3F9D]  }
0x31: {  	[smem:$0x3FA6] =	sst s10  }
0x32: {  	s10 =	sld [smem:$0x3FA4];
	_ =	sdelay $0x3  }
0x33: {  	p0 =	seq.s32 s10, $0x1;
	s10 =	sld [smem:$0x3FA6];
	_ =	sdelay $0x3  }
0x34: {  	[smem:$0x3FA6] =	sst s10  }
0x35: {  	s10 =	sld [smem:$0x3FA5];
	_ =	sdelay $0x3  }
0x36: {  	p1 =	seq.s32 s10, $0x1;
	s10 =	sld [smem:$0x3FA6];
	_ =	sdelay $0x3  }
0x37: {  	[smem:$0x3FA6] =	sst s10  }
0x38: {  	s10 =	sld [smem:$0x3FA7]  }
0x39: {  	_ = 	snop;
	(pc) =	sbr.ind lr, $3  }
0x3a: {  	_ = 	snop  }
0x3b: {  	_ = 	snop  }
0x3c: {  	p2 =	seq.s32 s10, $0x1;
	s10 =	sld [smem:$0x3FA6]  }
0x3d: {  	_ =	shalt  }
0x3e: {  	_ =	shalt  }
0x3f: {  	_ =	shalt  }
0x40: {  	_ =	shalt  }
0x41: {  	_ =	shalt  }
0x42: {  	_ =	shalt  }
0x43: {  	_ =	shalt  }
0x44: {  	_ =	shalt  }
0x45: {  	_ =	shalt  }
0x46: {  	_ =	shalt  }
0x47: {  	_ =	shalt  }
0x48: {  	_ =	shalt  }
0x49: {  	_ =	shalt  }
0x4a: {  	_ =	shalt  }
0x4b: {  	_ =	shalt  }
0x4c: {  	_ =	shalt  }
0x4d: {  	_ =	shalt  }
0x4e: {  	_ =	shalt  }
0x4f: {  	_ =	shalt  }
0x50: {  	_ =	shalt  }
0x51: {  	_ =	shalt  }
0x52: {  	_ =	shalt  }
0x53: {  	_ =	shalt  }
0x54: {  	_ =	shalt  }
0x55: {  	_ =	shalt  }
0x56: {  	_ =	shalt  }
0x57: {  	_ =	shalt  }
0x58: {  	_ =	shalt  }
0x59: {  	_ =	shalt  }
0x5a: {  	_ =	shalt  }
0x5b: {  	_ =	shalt  }
0x5c: {  	_ =	shalt  }
0x5d: {  	_ =	shalt  }
0x5e: {  	_ =	shalt  }
0x5f: {  	_ =	shalt  }
0x60: {  	_ =	shalt  }
0x61: {  	_ =	shalt  }
0x62: {  	_ =	shalt  }
0x63: {  	_ =	shalt  }
0x64: {  	_ =	shalt  }
0x65: {  	_ =	shalt  }
0x66: {  	_ =	shalt  }
0x67: {  	_ =	shalt  }
0x68: {  	_ =	shalt  }
0x69: {  	_ =	shalt  }
0x6a: {  	_ =	shalt  }
0x6b: {  	_ =	shalt  }
0x6c: {  	_ =	shalt  }
0x6d: {  	_ =	shalt  }
0x6e: {  	_ =	shalt  }
0x6f: {  	_ =	shalt  }
0x70: {  	_ =	shalt  }
0x71: {  	_ =	shalt  }
0x72: {  	_ =	shalt  }
0x73: {  	_ =	shalt  }
0x74: {  	_ =	shalt  }
0x75: {  	_ =	shalt  }
0x76: {  	_ =	shalt  }
0x77: {  	_ =	shalt  }
0x78: {  	_ =	shalt  }
0x79: {  	_ =	shalt  }
0x7a: {  	_ =	shalt  }
0x7b: {  	_ =	shalt  }
0x7c: {  	_ =	shalt  }
0x7d: {  	_ =	shalt  }
0x7e: {  	_ =	shalt  }
0x7f: {  	_ =	shalt  }
0x80: {  	_ =	shalt  }
0x81: {  	_ =	shalt  }
0x82: {  	_ =	shalt  }
0x83: {  	_ =	shalt  }
0x84: {  	_ =	shalt  }
0x85: {  	_ =	shalt  }
0x86: {  	_ =	shalt  }
0x87: {  	_ =	shalt  }
.Lfunc_end0:
.L_simem_size_0:
called_computation.3_lowered:
.L_overlay_start_0:
0x88: {  	s2 =	sld [smem:$0x3FD9]  }
0x89: {  	s3 =	sld [smem:$0x3FFE];
	_ =	sdelay $0x1  }
0x8a: {  	s1 =	srdreg.scid  }
0x8b: {  	s0 =	sand.u32 $0x1, s1  }
0x8c: {  	s16 =	sshll.u32 s0, $0xA;
	s2 =	sadd.s32 s3, s2  }
0x8d: {  	s2 =	sadd.s32 s2, s16  }
0x8e: {  	[smem:$0x3FB2] =	sst s2  }
0x8f: {  	_ = 	snop  }
0x90: {  	(tm) =	ssettm $0x1  }
0x91: {  	s17 =	sld [smem:$0x3FFB];
	_ =	sdelay $0x3  }
0x92: {  	_ =	strace s17  }
0x93: {  	s2 =	sld [smem:$0x3FFC];
	_ =	sdelay $0x3  }
0x94: {  	_ =	strace s2  }
0x95: {  	s2 =	sld [smem:$0x3FFD];
	_ =	sdelay $0x3  }
0x96: {  	_ =	strace s2  }
0x97: {  	_ =	strace $0x8FFFFFFF  }
0x98: {  	s18 =	sld [smem:$0x3FDB];
	_ =	sdelay $0x1  }
0x99: {  	s19 =	simm.s32 $_scs_section_size  }
0x9a: {  	s4 =	simm.s32 $_size__tile_overlayer_lowered;
	s5 =	simm.s32 $_tile_overlayer_lowered  }
0x9b: {  	s22 =	simm.s32 $0x1BFF;
	s21 =	sshll.u32 s5, $0x1;
	s2 =	sadd.s32 s19, s18  }
0x9c: {  	s6 =	simm.s32 $0x0;
	s20 =	sshll.u32 s4, $0x1;
	s4 =	sadd.s32 s21, s2  }
0x9d: {  	[timem:s6], [sflag:s22] =	dma.local [hbm:s4], s20  }
0x9e: {  	_ =	swait.ge [sflag:s22], s20  }
0x9f: {  	s3 =	ssub.s32 $0x0, s20;
	[sflag:s22] =	ssyncset.done $0x0  }
0xa0: {  	[sflag:s22] =	ssyncadd.s32 s3;
	_ =	sdelay $0x1  }
0xa1: {  	s23 =	simm.s32 $0x1B8B  }
0xa2: {  	_ =	swait.ge [sflag:s23], $0x1  }
0xa3: {  	[sflag:s23] =	ssyncset.done $0x0  }
0xa4: {  	s25 =	simm.s32 $0x1B8E;
	s24 =	sld [smem:$0x3FFE];
	[sflag:s23] =	ssyncadd.s32 $0xFFFFFFFF  }
0xa5: {  	s26 =	simm.s32 $execute0_lowered;
	[smem:$0x3FD2] =	sst s25  }
0xa6: {  	s4 =	sshll.u32 s26, $0x1;
	_ =	strace $0x8000004F;
	[dreg:$0x1] =	wrdreg $0xFFFFFFFF  }
0xa7: {  	s28 =	simm.s32 $_size_execute0_lowered;
	s2 =	sadd.s32 s2, s4;
	[dreg:$0x0] =	wrdreg $0x0  }
0xa8: {  	s4 =	sshll.u32 s28, $0x1;
	[dreg:$0x2] =	wrdreg s2  }
0xa9: {  	[dreg:$0x3] =	wrdreg s4  }
0xaa: {  	[dreg:$0x4] =	wrdreg $0xC0  }
0xab: {  	_ =	task [dreg:s6], $0x5FFFF  }
0xac: {  	[dreg:$0x1] =	wrdreg $0xFFFFFFFF  }
0xad: {  	[dreg:$0x0] =	wrdreg $0x60  }
0xae: {  	[dreg:$0x2] =	wrdreg s24  }
0xaf: {  	[dreg:$0x3] =	wrdreg $0xC4400  }
0xb0: {  	[dreg:$0x4] =	wrdreg $0x9  }
0xb1: {  	_ =	task.clear_ibuf [dreg:s6], $0x5FFFF;
	_ =	strace $0x9000004F  }
0xb2: {  	s29 =	simm.s32 $0x9;
	_ =	strace $0x80000051  }
0xb3: {  	_ =	swait.ge [sflag:s29], $0x1  }
0xb4: {  	[sflag:s29] =	ssyncadd.s32 $0xFFFFFFFF  }
0xb5: {  	_ =	strace $0x90000051  }
0xb6: {  	_ =	sfence  }
0xb7: {  	s30 =	sld [smem:$0x0];
	_ =	sdelay $0x2  }
0xb8: {  	s31 =	sshll.u32 s1, $0xD;
	s1 =	sshrl.u32 s1, $0x2  }
0xb9: {  	s3 =	sand.u32 $0x4000, s31;
	s1 =	sadd.s32 s1, s30  }
0xba: {  	s0 =	sor.u32 s3, s0;
	s1 =	sshll.u32 s1, $0x11  }
0xbb: {  	s0 =	sor.u32 s1, s0  }
0xbc: {  	s0 =	sadd.s32 $0x8F2B, s0  }
0xbd: {  	[sflag:s0] =	ssyncadd.remote.s32 $0x1  }
0xbe: {  	_ =	sfence.sel $0xFFFF  }
0xbf: {  	[dreg:$0x0] =	wrdreg $0xFFFFFFFF;
	(pc) =	sbr.abs _section_cstart, $3  }
0xc0: {  	[dreg:$0x1] =	wrdreg $0xFFFFFFFF  }
0xc1: {  	_ =	task.clear_ibuf [dreg:s6], $0x2FFFF;
	_ =	strace $0x9FFFFFFF  }
0xc2: {  	(tm) =	ssettm $0x7FFFFFFF  }
0xc3: {  	_ =	shalt  }
tec
execute0_lowered:
.L_overlay_start_1:
0x0: {  	(tag) =	ssettag $0x1  }
0x1: {  	s6 =	rddreg [dreg:$0x0]  }
0x2: {  	s2 =	rddreg [dreg:$0x1]  }
0x3: {  	s0 =	srdreg.scid;
	s1 =	rddreg [dreg:$0x2]  }
0x4: {  	s3 =	simm.s32 $0x0;
	s14 =	simm.s32 $0x50;
	s15 =	simm.s32 $0x9C40  }
0x5: {  	s16 =	simm.s32 $0xB040;
	s17 =	simm.s32 $0x1;
	s5 =	sand.u32 $0x1, s0  }
0x6: {  	s18 =	simm.s32 $0x2;
	s0 =	stileid.u32;
	s4 =	smul.u32 $0x4E200, s5  }
0x7: {  	s19 =	simm.s32 $0x4DD0;
	s20 =	simm.s32 $0x9BA0;
	s7 =	smul.u32 $0x4E20, s0  }
0x8: {  	s21 =	simm.s32 $0x9BF0;
	[smem:$0x7FF] =	sst s3;
	s8 =	smul.u32 $0x13A00, s0  }
0x9: {  	s22 =	simm.s32 $0x0;
	s9 =	smul.u32 $0x13A000, s5;
	_ =	strace $0x80000050  }
0xa: {  	s30 =	ssub.s32 $0x2, s5;
	s5 =	sadd.s32 $0xA2A00, s6;
	s31 =	sshll.u32 s0, $0x6  }
0xb: {  	s11 =	sshrl.u32 s30, $0x1;
	s7 =	sadd.s32 s7, s4;
	s4 =	sadd.s32 $0x5E00, s6  }
0xc: {  	s29 =	sadd.s32 s8, s9;
	s11 =	ssub.s32 s30, s11;
	s7 =	sshrl.u32 s7, $0x3  }
0xd: {  	s13 =	sadd.s32 s8, s2;
	s10 =	sadd.s32 s7, s6;
	s7 =	sshrl.u32 s29, $0x3  }
0xe: {  	s12 =	sadd.s32 s7, s6;
	s6 =	sor.u32 $0x1C03, s31;
	s7 =	sadd.s32 $0x8F000, s10  }
0xf: {  	s8 =	sadd.s32 $0x7B600, s10;
	s10 =	smax.u32 s11, $0x1;
	s11 =	sshrl.u32 s13, $0x3  }
0x10: {  	s13 =	simm.s32 $0x4E20;
	s9 =	sadd.s32 $0x141600, s12;
	s12 =	simm.s32 $0x3  }
.LBB2_1:
0x11: {  	[spmem:s11], [sflag:s6] =	dma.local [hbm:s5], $0x2740  }
0x12: {  	_ =	swait.ge [sflag:s12], $0x2740  }
0x13: {  	[sflag:s12] =	ssyncset.done $0x0  }
0x14: {  	[sflag:s12] =	ssyncadd.s32 $0xFFFFD8C0  }
0x15: {  	[tilespmem:s3], [sflag:$0x3] =	stream.linear.gather [hbm4b:s7+s3], $0x4E20, $0x38;
	[tilespmem:$0x1FE40] =	vst v63  }
0x16: {  	_ =	swait.ge [sflag:s12], $0x4E20  }
0x17: {  	[sflag:s12] =	ssyncset.done $0x0  }
0x18: {  	[sflag:s12] =	ssyncadd.s32 $0xFFFFB1E0  }
0x19: {  	[tilespmem:s13], [sflag:$0x3] =	stream.linear.gather [hbm4b:s8+s3], $0x4E20, $0x38;
	[tilespmem:$0x1FE40] =	vst v63  }
0x1a: {  	_ =	swait.ge [sflag:s12], $0x4E20  }
0x1b: {  	[sflag:s12] =	ssyncset.done $0x0  }
0x1c: {  	[sflag:s12] =	ssyncadd.s32 $0xFFFFB1E0  }
0x1d: {  	[bflag:$0x0] =	sbarrier.arrive $0xFFFF  }
0x1e: {  	[tilespmem:s15], [sflag:$0x1] =	stream.indirect.gather [hbm4b:s4+s14], $0x40, s3, s14, $0xb8;
	[tilespmem:$0x1FE40] =	vst v63  }
0x1f: {  	s23 =	simm.s32 $0x50  }
0x20: {  	[tilespmem:s16], [sflag:$0x2] =	stream.indirect.gather [hbm4b:s4+s14], $0x40, s23, s14, $0xb8;
	[tilespmem:$0x1FE40] =	vst v63  }
0x21: {  	_ =	swait.ge [sflag:s17], $0x1400  }
0x22: {  	[sflag:s17] =	ssyncset.done $0x0  }
0x23: {  	s29 =	simm.s32 $0x4E20;
	[sflag:s17] =	ssyncadd.s32 $0xFFFFEC00  }
0x24: {  	[spmem:s2] =	stream.indirect.scatter.add.f32 [tilespmem:s15], [sflag:$0x3], $0x40, s29, s14, $0xb8;
	[tilespmem:$0x1FE40] =	vst v63  }
0x25: {  	_ =	swait.ge [sflag:s12], $0x1400  }
0x26: {  	[sflag:s12] =	ssyncset.done $0x0  }
0x27: {  	s30 =	simm.s32 $0xA0;
	[sflag:s12] =	ssyncadd.s32 $0xFFFFEC00  }
0x28: {  	[tilespmem:s15], [sflag:$0x1] =	stream.indirect.gather [hbm4b:s4+s14], $0x40, s30, s14, $0xb8;
	[tilespmem:$0x1FE40] =	vst v63  }
0x29: {  	_ =	swait.ge [sflag:s18], $0x1400  }
0x2a: {  	[sflag:s18] =	ssyncset.done $0x0  }
0x2b: {  	s31 =	simm.s32 $0x4E70;
	[sflag:s18] =	ssyncadd.s32 $0xFFFFEC00  }
0x2c: {  	[spmem:s2] =	stream.indirect.scatter.add.f32 [tilespmem:s16], [sflag:$0x3], $0x40, s31, s14, $0xb8;
	[tilespmem:$0x1FE40] =	vst v63  }
0x2d: {  	_ =	swait.ge [sflag:s12], $0x1400  }
0x2e: {  	s24 =	simm.s32 $0x500;
	s23 =	simm.s32 $0xA0;
	[sflag:s12] =	ssyncset.done $0x0  }
.LBB2_2:
0x2f: {  	s25 =	sadd.s32 $0x50, s23  }
0x30: {  	[sflag:s12] =	ssyncadd.s32 $0xFFFFEC00;
	s26 =	smov.u32 s24;
	s28 =	sadd.s32 $0x280, s24  }
0x31: {  	[tilespmem:s16], [sflag:$0x2] =	stream.indirect.gather [hbm4b:s4+s14], $0x40, s25, s14, $0xb8;
	[tilespmem:$0x1FE40] =	vst v63  }
0x32: {  	p0 =	sne.s32 s24, $0x13380;
	_ =	swait.ge [sflag:s17], $0x1400  }
0x33: {  	[sflag:s17] =	ssyncset.done $0x0  }
0x34: {  	s24 =	sadd.s32 $0x4E20, s23;
	[sflag:s17] =	ssyncadd.s32 $0xFFFFEC00  }
0x35: {  	[spmem:s2] =	stream.indirect.scatter.add.f32 [tilespmem:s15], [sflag:$0x3], $0x40, s24, s14, $0xb8;
	[tilespmem:$0x1FE40] =	vst v63  }
0x36: {  	_ =	swait.ge [sflag:s12], $0x1400  }
0x37: {  	[sflag:s12] =	ssyncset.done $0x0  }
0x38: {  	s24 =	sadd.s32 $0xA0, s23;
	[sflag:s12] =	ssyncadd.s32 $0xFFFFEC00  }
0x39: {  	[tilespmem:s15], [sflag:$0x1] =	stream.indirect.gather [hbm4b:s4+s14], $0x40, s24, s14, $0xb8;
	[tilespmem:$0x1FE40] =	vst v63  }
0x3a: {  	_ =	swait.ge [sflag:s18], $0x1400  }
.Ltmp0:
0x3b: {  	[sflag:s18] =	ssyncset.done $0x0;
	(pc) =	sbr.rel @p0 .LBB2_2-.Ltmp0, $4  }
0x3c: {  	s23 =	sadd.s32 $0x4E70, s23;
	[sflag:s18] =	ssyncadd.s32 $0xFFFFEC00  }
0x3d: {  	[spmem:s2] =	stream.indirect.scatter.add.f32 [tilespmem:s16], [sflag:$0x3], $0x40, s23, s14, $0xb8;
	[tilespmem:$0x1FE40] =	vst v63  }
0x3e: {  	_ =	swait.ge [sflag:s12], $0x1400  }
0x3f: {  	s24 =	smov.u32 s28;
	s23 =	sshra.s32 s26, $0x2;
	[sflag:s12] =	ssyncset.done $0x0  }
0x40: {  	s24 =	sadd.s32 $0x50, s23;
	[sflag:s12] =	ssyncadd.s32 $0xFFFFEC00  }
0x41: {  	[tilespmem:s16], [sflag:$0x2] =	stream.indirect.gather [hbm4b:s4+s14], $0x40, s24, s14, $0xb8;
	[tilespmem:$0x1FE40] =	vst v63  }
0x42: {  	_ =	swait.ge [sflag:s17], $0x1400  }
0x43: {  	[sflag:s17] =	ssyncset.done $0x0  }
0x44: {  	s29 =	sadd.s32 $0x4E20, s23;
	[sflag:s17] =	ssyncadd.s32 $0xFFFFEC00  }
0x45: {  	[spmem:s2] =	stream.indirect.scatter.add.f32 [tilespmem:s15], [sflag:$0x3], $0x40, s29, s14, $0xb8;
	[tilespmem:$0x1FE40] =	vst v63  }
0x46: {  	_ =	swait.ge [sflag:s12], $0x1400  }
0x47: {  	[sflag:s12] =	ssyncset.done $0x0  }
0x48: {  	s30 =	sadd.s32 $0xA0, s23;
	[sflag:s12] =	ssyncadd.s32 $0xFFFFEC00  }
0x49: {  	[tilespmem:s15], [sflag:$0x1] =	stream.indirect.gather [hbm4b:s4+s14], $0x40, s30, s14, $0xb8;
	[tilespmem:$0x1FE40] =	vst v63  }
0x4a: {  	_ =	swait.ge [sflag:s18], $0x1400  }
0x4b: {  	[sflag:s18] =	ssyncset.done $0x0  }
0x4c: {  	s31 =	sadd.s32 $0x4E70, s23;
	[sflag:s18] =	ssyncadd.s32 $0xFFFFEC00  }
0x4d: {  	[spmem:s2] =	stream.indirect.scatter.add.f32 [tilespmem:s16], [sflag:$0x3], $0x40, s31, s14, $0xb8;
	[tilespmem:$0x1FE40] =	vst v63  }
0x4e: {  	_ =	swait.ge [sflag:s12], $0x1400  }
0x4f: {  	[sflag:s12] =	ssyncset.done $0x0  }
0x50: {  	[sflag:s12] =	ssyncadd.s32 $0xFFFFEC00  }
0x51: {  	[tilespmem:s16], [sflag:$0x2] =	stream.indirect.gather [hbm4b:s4+s14], $0x40, s19, s14, $0xb8;
	[tilespmem:$0x1FE40] =	vst v63  }
0x52: {  	_ =	swait.ge [sflag:s17], $0x1400  }
0x53: {  	[sflag:s17] =	ssyncset.done $0x0  }
0x54: {  	[sflag:s17] =	ssyncadd.s32 $0xFFFFEC00  }
0x55: {  	[spmem:s2] =	stream.indirect.scatter.add.f32 [tilespmem:s15], [sflag:$0x3], $0x40, s20, s14, $0xb8;
	[tilespmem:$0x1FE40] =	vst v63  }
0x56: {  	_ =	swait.ge [sflag:s12], $0x1400  }
0x57: {  	[sflag:s12] =	ssyncset.done $0x0  }
0x58: {  	[sflag:s12] =	ssyncadd.s32 $0xFFFFEC00  }
0x59: {  	_ =	swait.ge [sflag:s18], $0x1400  }
0x5a: {  	[sflag:s18] =	ssyncset.done $0x0  }
0x5b: {  	[sflag:s18] =	ssyncadd.s32 $0xFFFFEC00  }
0x5c: {  	[spmem:s2] =	stream.indirect.scatter.add.f32 [tilespmem:s16], [sflag:$0x3], $0x40, s21, s14, $0xb8;
	[tilespmem:$0x1FE40] =	vst v63  }
0x5d: {  	_ =	swait.ge [sflag:s12], $0x1400  }
0x5e: {  	s22 =	sadd.s32 $0x1, s22;
	[sflag:s12] =	ssyncset.done $0x0  }
0x5f: {  	p0 =	sne.s32 s22, s10;
	[sflag:s12] =	ssyncadd.s32 $0xFFFFEC00  }
.Ltmp1:
0x60: {  	[bflag:$0x0] =	sbarrier.arrive $0xFFFF;
	(pc) =	sbr.rel @p0 .LBB2_1-.Ltmp1, $4  }
0x61: {  	[hbm:s9], [sflag:s6] =	dma.local [spmem:s11], $0x2740  }
0x62: {  	_ =	swait.ge [sflag:s12], $0x2740  }
0x63: {  	[sflag:s12] =	ssyncset.done $0x0  }
0x64: {  	[sflag:s12] =	ssyncadd.s32 $0xFFFFD8C0  }
0x65: {  	_ =	sfence.sel $0x180000  }
0x66: {  	[bflag:$0x0] =	sbarrier.arrive $0xFFFF  }
0x67: {  	p0 =	sne.s32 s0, $0x0;
	_ =	strace $0x90000050  }
0x68: {  	s0 =	sadd.s32 @!p0 $0x100000, s1;
	[bflag:$0x2] =	sbarrier.arrive $0xFFFF  }
0x69: {  	[sflag:s0] =	ssyncadd.tile.s32 @!p0 $0x1;
	_ =	shalt  }
.Lfunc_end2:
_tile_overlayer_lowered:
.L_overlay_start_2:
0x6a: {  	(tag) =	ssettag $0x2  }
0x6b: {  	s0 =	rddreg [dreg:$0x0];
	s2 =	stileid.u32  }
0x6c: {  	s1 =	rddreg [dreg:$0x1];
	p0 =	sne.s32 s2, $0x0  }
0x6d: {  	s3 =	rddreg [dreg:$0x2];
	[bflag:$0x3] =	sbarrier.arrive $0xFFFF;
	s2 =	simm.s32 @!p0 $0x1C03  }
0x6e: {  	[timem:s3], [sflag:s2] =	dma.local @!p0 [hbm:s0], s1  }
0x6f: {  	s0 =	simm.s32 @!p0 $0x3  }
0x70: {  	_ =	swait.ge @!p0 [sflag:s0], s1  }
0x71: {  	s1 =	ssub.s32 @!p0 $0x0, s1;
	[sflag:s0] =	ssyncset.done @!p0 $0x0  }
0x72: {  	[sflag:s0] =	ssyncadd.s32 @!p0 s1  }
0x73: {  	[bflag:$0x3] =	sbarrier.arrive $0xFFFF  }
0x74: {  	_ =	shalt  }

</sc_bundles>
